<compile_context>
chip_gen: v7x
topology: tpu7x:2x2x1
jax: 0.10.2.dev20260603
libtpu: 0.0.44.dev20260713+nightly
codegen_flags: <defaults>
</compile_context>

<pallas_src>
import jax
import jax.numpy as jnp
from jax import lax
from jax.experimental import pallas as pl
from jax.experimental.pallas import tpu as pltpu
from jax.experimental.pallas import tpu_sc as plsc

_B = 16384
_D = 64
_V = 100000
_NC = 2
_NS = 16
_NW = _NC * _NS
_FPW = _D // _NW
_SUB = 4096
_NSUB = _B // _SUB
_LANES = 16


def _film_body(ht_hbm, idx_hbm, gt_hbm, bt_hbm, outt_hbm,
               idx_v, tab_v, h_v, idx_sh, sem_tab, sem_h, sem_out, sem_idx):
    sid = lax.axis_index("s")
    wid = sid * _NC + lax.axis_index("c")
    c0 = wid * _FPW

    def start_tab(tab_hbm, c):
        pltpu.async_copy(tab_hbm.at[c], tab_v, sem_tab)

    def start_idx(s):
        pltpu.async_copy(idx_sh.at[pl.ds(s * _SUB, _SUB)],
                         idx_v.at[s % 2], sem_idx.at[s % 2])

    def wait_idx(s):
        pltpu.make_async_copy(idx_sh.at[pl.ds(s * _SUB, _SUB)],
                              idx_v.at[s % 2], sem_idx.at[s % 2]).wait()

    start_tab(gt_hbm, c0)
    pltpu.async_copy(ht_hbm.at[c0], h_v, sem_h)

    @pl.when(sid == 0)
    def _():
        pltpu.sync_copy(idx_hbm, idx_sh)

    plsc.subcore_barrier()
    start_idx(0)

    for f in range(_FPW):
        c = c0 + f
        for tab_hbm, is_mul in ((gt_hbm, True), (bt_hbm, False)):
            pltpu.make_async_copy(tab_hbm.at[c], tab_v, sem_tab).wait()
            if is_mul:
                pltpu.make_async_copy(ht_hbm.at[c], h_v, sem_h).wait()
            for s in range(_NSUB):
                wait_idx(s)
                last_scan = (f == _FPW - 1) and (not is_mul) and s == _NSUB - 1
                if not last_scan:
                    start_idx((s + 1) % _NSUB)
                slot = s % 2
                base = s * _SUB

                @plsc.parallel_loop(0, _SUB // _LANES, 1, unroll=8)
                def _(k):
                    iv = idx_v[slot, pl.ds(k * _LANES, _LANES)]
                    tv = plsc.load_gather(tab_v, [iv])
                    sl = pl.ds(base + k * _LANES, _LANES)
                    if is_mul:
                        h_v[sl] = h_v[sl] * tv
                    else:
                        h_v[sl] = h_v[sl] + tv

            if is_mul:
                start_tab(bt_hbm, c)
            else:
                pltpu.async_copy(h_v, outt_hbm.at[c], sem_out)
                if f + 1 < _FPW:
                    start_tab(gt_hbm, c + 1)
                    pltpu.make_async_copy(h_v, outt_hbm.at[c], sem_out).wait()
                    pltpu.async_copy(ht_hbm.at[c + 1], h_v, sem_h)

    pltpu.make_async_copy(h_v, outt_hbm.at[c0 + _FPW - 1], sem_out).wait()


@jax.jit
def _film(ht, idx, gt, bt):
    fn = pl.kernel(
        _film_body,
        mesh=plsc.VectorSubcoreMesh(core_axis_name="c", subcore_axis_name="s"),
        out_type=jax.ShapeDtypeStruct((_D, _B), jnp.float32),
        scratch_types=[
            pltpu.VMEM((2, _SUB), jnp.int32),
            pltpu.VMEM((_V,), jnp.float32),
            pltpu.VMEM((_B,), jnp.float32),
            pltpu.VMEM_SHARED((_B,), jnp.int32),
            pltpu.SemaphoreType.DMA,
            pltpu.SemaphoreType.DMA,
            pltpu.SemaphoreType.DMA,
            pltpu.SemaphoreType.DMA((2,)),
        ],
        compiler_params=pltpu.CompilerParams(
            needs_layout_passes=False,
            disable_bounds_checks=True,
        ),
    )
    return fn(ht, idx, gt, bt)


def kernel(h, idx, gamma, beta):
    outt = _film(h.T, idx.astype(jnp.int32), gamma.T, beta.T)
    return outt.T

# --- scband reference (transcript-rebuilt; emitter-appended) ---
"""Pipeline reference for scband-fi-lmconditioner-45105746542651 (READ-ONLY COPY).

The authoritative reference and input builder live on the scoring server;
editing this copy changes nothing except your own understanding.
"""

import jax, jax.numpy as jnp
import numpy as np

NUM_INDICES = 100000
FEATURE_DIM = 64
BATCH = 16384

def setup_inputs(seed: int = 0) -> dict:
    key = jax.random.key(seed)
    k1, k2 = jax.random.split(key)
    h = jax.random.normal(k1, (BATCH, FEATURE_DIM), dtype=jnp.float32)
    idx = jax.random.randint(k2, (BATCH,), 0, NUM_INDICES, dtype=jnp.int64 if jax.config.jax_enable_x64 else jnp.int32)
    # learned parameters: gamma initialized to ones, beta to zeros (per module init)
    gamma = jnp.ones((NUM_INDICES, FEATURE_DIM), dtype=jnp.float32)
    beta = jnp.zeros((NUM_INDICES, FEATURE_DIM), dtype=jnp.float32)
    return {"h": h, "idx": idx, "gamma": gamma, "beta": beta}

def reference(h, idx, gamma, beta):
    # FiLM: h' = gamma(idx) * h + beta(idx)
    g = jnp.take(gamma, idx, axis=0)  # (B, D)
    b = jnp.take(beta, idx, axis=0)   # (B, D)
    if h.ndim == 3:
        g = g[:, None, :]
        b = b[:, None, :]
    return g * h + b

if __name__ == "__main__":
    import jax
    _d = setup_inputs()
    print(jax.jit(kernel)(*tuple(_d.values())))

</pallas_src>

<mosaic_0001>
#map = affine_map<(d0, d1) -> (0, 0)>
#map1 = affine_map<(d0, d1) -> (0)>
module attributes {stable_mosaic.version = 14 : i64} {
  func.func @_film_body(%arg0: i32, %arg1: i32, %arg2: memref<64x16384xf32, #tpu.memory_space<hbm>>, %arg3: memref<16384xi32, #tpu.memory_space<hbm>>, %arg4: memref<64x100000xf32, #tpu.memory_space<hbm>>, %arg5: memref<64x100000xf32, #tpu.memory_space<hbm>>, %arg6: memref<64x16384xf32, #tpu.memory_space<hbm>>, %arg7: memref<2x4096xi32, #tpu.memory_space<vmem>>, %arg8: memref<100000xf32, #tpu.memory_space<vmem>>, %arg9: memref<16384xf32, #tpu.memory_space<vmem>>, %arg10: memref<16384xi32, #tpu.memory_space<vmem_shared>>, %arg11: memref<!tpu.dma_semaphore, #tpu.memory_space<semaphore_mem>>, %arg12: memref<!tpu.dma_semaphore, #tpu.memory_space<semaphore_mem>>, %arg13: memref<!tpu.dma_semaphore, #tpu.memory_space<semaphore_mem>>, %arg14: memref<2x!tpu.dma_semaphore, #tpu.memory_space<semaphore_mem>>) attributes {dimension_semantics = [#tpu.dimension_semantics<core_parallel>, #tpu.dimension_semantics<subcore_parallel>], iteration_bounds = array<i64: 2, 16>, scalar_prefetch = 0 : i64, scratch_operands = 8 : i64, tpu.core_type = #tpu.core_type<sc_vector_subcore>, window_params = [{transform_indices = #map}, {transform_indices = #map1}, {transform_indices = #map}, {transform_indices = #map}, {transform_indices = #map}]} {
    %mul3A = arith.constant 2 : i32
    %mul3A_0 = arith.muli %arg1, %mul3A : i32
    %add3A = arith.addi %mul3A_0, %arg0 : i32
    %mul3A_1 = arith.constant 2 : i32
    %mul3A_2 = arith.muli %add3A, %mul3A_1 : i32
    %dma_start3A = arith.constant 0 : i32
    %dma_start3A_3 = tpu.memref_slice %arg4[%mul3A_2, %dma_start3A] : memref<64x100000xf32, #tpu.memory_space<hbm>> -> memref<1x100000xf32, #tpu.memory_space<hbm>>
    %dma_start3A_4 = tpu.memref_squeeze %dma_start3A_3 : memref<1x100000xf32, #tpu.memory_space<hbm>> -> memref<100000xf32, #tpu.memory_space<hbm>>
    %dma_start3A_5 = arith.constant 0 : i32
    %dma_start3A_6 = tpu.memref_slice %arg4[%mul3A_2, %dma_start3A_5] : memref<64x100000xf32, #tpu.memory_space<hbm>> -> memref<1x100000xf32, #tpu.memory_space<hbm>>
    %dma_start3A_7 = tpu.memref_squeeze %dma_start3A_6 : memref<1x100000xf32, #tpu.memory_space<hbm>> -> memref<100000xf32, #tpu.memory_space<hbm>>
    tpu.enqueue_dma source(%dma_start3A_7 : memref<100000xf32, #tpu.memory_space<hbm>>) target(%arg8 : memref<100000xf32, #tpu.memory_space<vmem>>) target_semaphore(%arg11 : memref<!tpu.dma_semaphore, #tpu.memory_space<semaphore_mem>>)
    %dma_start3A_8 = arith.constant 0 : i32
    %dma_start3A_9 = tpu.memref_slice %arg2[%mul3A_2, %dma_start3A_8] : memref<64x16384xf32, #tpu.memory_space<hbm>> -> memref<1x16384xf32, #tpu.memory_space<hbm>>
    %dma_start3A_10 = tpu.memref_squeeze %dma_start3A_9 : memref<1x16384xf32, #tpu.memory_space<hbm>> -> memref<16384xf32, #tpu.memory_space<hbm>>
    %dma_start3A_11 = arith.constant 0 : i32
    %dma_start3A_12 = tpu.memref_slice %arg2[%mul3A_2, %dma_start3A_11] : memref<64x16384xf32, #tpu.memory_space<hbm>> -> memref<1x16384xf32, #tpu.memory_space<hbm>>
    %dma_start3A_13 = tpu.memref_squeeze %dma_start3A_12 : memref<1x16384xf32, #tpu.memory_space<hbm>> -> memref<16384xf32, #tpu.memory_space<hbm>>
    tpu.enqueue_dma source(%dma_start3A_13 : memref<16384xf32, #tpu.memory_space<hbm>>) target(%arg9 : memref<16384xf32, #tpu.memory_space<vmem>>) target_semaphore(%arg12 : memref<!tpu.dma_semaphore, #tpu.memory_space<semaphore_mem>>)
    %eq3A = arith.constant 0 : i32
    %eq3A_14 = arith.cmpi eq, %arg1, %eq3A : i32
    %convert_element_type3A = arith.extui %eq3A_14 : i1 to i32
    %cond3A = arith.constant 0 : i32
    %cond3A_15 = arith.cmpi ne, %convert_element_type3A, %cond3A : i32
    scf.if %cond3A_15 {
      "tpu.region"() ({
        %run_scoped3A = tpu.sem_alloc : memref<!tpu.dma_semaphore, #tpu.memory_space<semaphore_mem>>
        tpu.enqueue_dma source(%arg3 : memref<16384xi32, #tpu.memory_space<hbm>>) target(%arg10 : memref<16384xi32, #tpu.memory_space<vmem_shared>>) target_semaphore(%run_scoped3A : memref<!tpu.dma_semaphore, #tpu.memory_space<semaphore_mem>>)
        tpu.wait_dma2 semaphore(%run_scoped3A : memref<!tpu.dma_semaphore, #tpu.memory_space<semaphore_mem>>) src(%arg3 : memref<16384xi32, #tpu.memory_space<hbm>>) dst(%arg10 : memref<16384xi32, #tpu.memory_space<vmem_shared>>)
        tpu.yield
      }) : () -> ()
    } else {
    }
    %barrier3A = arith.constant 0 : index
    tpu.barrier barrier_id(%barrier3A)
    %dma_start3A_16 = arith.constant 0 : i32
    %dma_start3A_17 = arith.constant 0 : i32
    %dma_start3A_18 = arith.constant 0 : i32
    %dma_start3A_19 = tpu.memref_slice %arg7[%dma_start3A_16, %dma_start3A_18] : memref<2x4096xi32, #tpu.memory_space<vmem>> -> memref<1x4096xi32, #tpu.memory_space<vmem>>
    %dma_start3A_20 = tpu.memref_squeeze %dma_start3A_19 : memref<1x4096xi32, #tpu.memory_space<vmem>> -> memref<4096xi32, #tpu.memory_space<vmem>>
    %dma_start3A_21 = arith.constant 0 : i32
    %dma_start3A_22 = tpu.memref_slice %arg10[%dma_start3A_21] : memref<16384xi32, #tpu.memory_space<vmem_shared>> -> memref<4096xi32, #tpu.memory_space<vmem_shared>>
    %dma_start3A_23 = tpu.memref_slice %arg14[%dma_start3A_17] : memref<2x!tpu.dma_semaphore, #tpu.memory_space<semaphore_mem>> -> memref<1x!tpu.dma_semaphore, #tpu.memory_space<semaphore_mem>>
    %dma_start3A_24 = tpu.memref_squeeze %dma_start3A_23 : memref<1x!tpu.dma_semaphore, #tpu.memory_space<semaphore_mem>> -> memref<!tpu.dma_semaphore, #tpu.memory_space<semaphore_mem>>
    %dma_start3A_25 = arith.constant 0 : i32
    %dma_start3A_26 = tpu.memref_slice %arg7[%dma_start3A_16, %dma_start3A_25] : memref<2x4096xi32, #tpu.memory_space<vmem>> -> memref<1x4096xi32, #tpu.memory_space<vmem>>
    %dma_start3A_27 = tpu.memref_squeeze %dma_start3A_26 : memref<1x4096xi32, #tpu.memory_space<vmem>> -> memref<4096xi32, #tpu.memory_space<vmem>>
    %dma_start3A_28 = arith.constant 0 : i32
    %dma_start3A_29 = tpu.memref_slice %arg10[%dma_start3A_28] : memref<16384xi32, #tpu.memory_space<vmem_shared>> -> memref<4096xi32, #tpu.memory_space<vmem_shared>>
    tpu.enqueue_dma source(%dma_start3A_29 : memref<4096xi32, #tpu.memory_space<vmem_shared>>) target(%dma_start3A_27 : memref<4096xi32, #tpu.memory_space<vmem>>) target_semaphore(%dma_start3A_24 : memref<!tpu.dma_semaphore, #tpu.memory_space<semaphore_mem>>)
    %add3A_30 = arith.constant 0 : i32
    %add3A_31 = arith.addi %mul3A_2, %add3A_30 : i32
    %dma_wait3A = arith.constant 0 : i32
    %dma_wait3A_32 = tpu.memref_slice %arg4[%add3A_31, %dma_wait3A] : memref<64x100000xf32, #tpu.memory_space<hbm>> -> memref<1x100000xf32, #tpu.memory_space<hbm>>
    %dma_wait3A_33 = tpu.memref_squeeze %dma_wait3A_32 : memref<1x100000xf32, #tpu.memory_space<hbm>> -> memref<100000xf32, #tpu.memory_space<hbm>>
    %dma_wait3A_34 = arith.constant 0 : i32
    %dma_wait3A_35 = tpu.memref_slice %arg4[%add3A_31, %dma_wait3A_34] : memref<64x100000xf32, #tpu.memory_space<hbm>> -> memref<1x100000xf32, #tpu.memory_space<hbm>>
    %dma_wait3A_36 = tpu.memref_squeeze %dma_wait3A_35 : memref<1x100000xf32, #tpu.memory_space<hbm>> -> memref<100000xf32, #tpu.memory_space<hbm>>
    tpu.wait_dma2 semaphore(%arg11 : memref<!tpu.dma_semaphore, #tpu.memory_space<semaphore_mem>>) src(%dma_wait3A_36 : memref<100000xf32, #tpu.memory_space<hbm>>) dst(%arg8 : memref<100000xf32, #tpu.memory_space<vmem>>)
    %dma_wait3A_37 = arith.constant 0 : i32
    %dma_wait3A_38 = tpu.memref_slice %arg2[%add3A_31, %dma_wait3A_37] : memref<64x16384xf32, #tpu.memory_space<hbm>> -> memref<1x16384xf32, #tpu.memory_space<hbm>>
    %dma_wait3A_39 = tpu.memref_squeeze %dma_wait3A_38 : memref<1x16384xf32, #tpu.memory_space<hbm>> -> memref<16384xf32, #tpu.memory_space<hbm>>
    %dma_wait3A_40 = arith.constant 0 : i32
    %dma_wait3A_41 = tpu.memref_slice %arg2[%add3A_31, %dma_wait3A_40] : memref<64x16384xf32, #tpu.memory_space<hbm>> -> memref<1x16384xf32, #tpu.memory_space<hbm>>
    %dma_wait3A_42 = tpu.memref_squeeze %dma_wait3A_41 : memref<1x16384xf32, #tpu.memory_space<hbm>> -> memref<16384xf32, #tpu.memory_space<hbm>>
    tpu.wait_dma2 semaphore(%arg12 : memref<!tpu.dma_semaphore, #tpu.memory_space<semaphore_mem>>) src(%dma_wait3A_42 : memref<16384xf32, #tpu.memory_space<hbm>>) dst(%arg9 : memref<16384xf32, #tpu.memory_space<vmem>>)
    %dma_wait3A_43 = arith.constant 0 : i32
    %dma_wait3A_44 = arith.constant 0 : i32
    %dma_wait3A_45 = arith.constant 0 : i32
    %dma_wait3A_46 = tpu.memref_slice %arg7[%dma_wait3A_43, %dma_wait3A_45] : memref<2x4096xi32, #tpu.memory_space<vmem>> -> memref<1x4096xi32, #tpu.memory_space<vmem>>
    %dma_wait3A_47 = tpu.memref_squeeze %dma_wait3A_46 : memref<1x4096xi32, #tpu.memory_space<vmem>> -> memref<4096xi32, #tpu.memory_space<vmem>>
    %dma_wait3A_48 = arith.constant 0 : i32
    %dma_wait3A_49 = tpu.memref_slice %arg10[%dma_wait3A_48] : memref<16384xi32, #tpu.memory_space<vmem_shared>> -> memref<4096xi32, #tpu.memory_space<vmem_shared>>
    %dma_wait3A_50 = tpu.memref_slice %arg14[%dma_wait3A_44] : memref<2x!tpu.dma_semaphore, #tpu.memory_space<semaphore_mem>> -> memref<1x!tpu.dma_semaphore, #tpu.memory_space<semaphore_mem>>
    %dma_wait3A_51 = tpu.memref_squeeze %dma_wait3A_50 : memref<1x!tpu.dma_semaphore, #tpu.memory_space<semaphore_mem>> -> memref<!tpu.dma_semaphore, #tpu.memory_space<semaphore_mem>>
    %dma_wait3A_52 = arith.constant 0 : i32
    %dma_wait3A_53 = tpu.memref_slice %arg7[%dma_wait3A_43, %dma_wait3A_52] : memref<2x4096xi32, #tpu.memory_space<vmem>> -> memref<1x4096xi32, #tpu.memory_space<vmem>>
    %dma_wait3A_54 = tpu.memref_squeeze %dma_wait3A_53 : memref<1x4096xi32, #tpu.memory_space<vmem>> -> memref<4096xi32, #tpu.memory_space<vmem>>
    %dma_wait3A_55 = arith.constant 0 : i32
    %dma_wait3A_56 = tpu.memref_slice %arg10[%dma_wait3A_55] : memref<16384xi32, #tpu.memory_space<vmem_shared>> -> memref<4096xi32, #tpu.memory_space<vmem_shared>>
    tpu.wait_dma2 semaphore(%dma_wait3A_51 : memref<!tpu.dma_semaphore, #tpu.memory_space<semaphore_mem>>) src(%dma_wait3A_56 : memref<4096xi32, #tpu.memory_space<vmem_shared>>) dst(%dma_wait3A_54 : memref<4096xi32, #tpu.memory_space<vmem>>)
    %dma_start3A_57 = arith.constant 1 : i32
    %dma_start3A_58 = arith.constant 1 : i32
    %dma_start3A_59 = arith.constant 0 : i32
    %dma_start3A_60 = tpu.memref_slice %arg7[%dma_start3A_57, %dma_start3A_59] : memref<2x4096xi32, #tpu.memory_space<vmem>> -> memref<1x4096xi32, #tpu.memory_space<vmem>>
    %dma_start3A_61 = tpu.memref_squeeze %dma_start3A_60 : memref<1x4096xi32, #tpu.memory_space<vmem>> -> memref<4096xi32, #tpu.memory_space<vmem>>
    %dma_start3A_62 = arith.constant 4096 : i32
    %dma_start3A_63 = tpu.memref_slice %arg10[%dma_start3A_62] : memref<16384xi32, #tpu.memory_space<vmem_shared>> -> memref<4096xi32, #tpu.memory_space<vmem_shared>>
    %dma_start3A_64 = tpu.memref_slice %arg14[%dma_start3A_58] : memref<2x!tpu.dma_semaphore, #tpu.memory_space<semaphore_mem>> -> memref<1x!tpu.dma_semaphore, #tpu.memory_space<semaphore_mem>>
    %dma_start3A_65 = tpu.memref_squeeze %dma_start3A_64 : memref<1x!tpu.dma_semaphore, #tpu.memory_space<semaphore_mem>> -> memref<!tpu.dma_semaphore, #tpu.memory_space<semaphore_mem>>
    %dma_start3A_66 = arith.constant 0 : i32
    %dma_start3A_67 = tpu.memref_slice %arg7[%dma_start3A_57, %dma_start3A_66] : memref<2x4096xi32, #tpu.memory_space<vmem>> -> memref<1x4096xi32, #tpu.memory_space<vmem>>
    %dma_start3A_68 = tpu.memref_squeeze %dma_start3A_67 : memref<1x4096xi32, #tpu.memory_space<vmem>> -> memref<4096xi32, #tpu.memory_space<vmem>>
    %dma_start3A_69 = arith.constant 4096 : i32
    %dma_start3A_70 = tpu.memref_slice %arg10[%dma_start3A_69] : memref<16384xi32, #tpu.memory_space<vmem_shared>> -> memref<4096xi32, #tpu.memory_space<vmem_shared>>
    tpu.enqueue_dma source(%dma_start3A_70 : memref<4096xi32, #tpu.memory_space<vmem_shared>>) target(%dma_start3A_68 : memref<4096xi32, #tpu.memory_space<vmem>>) target_semaphore(%dma_start3A_65 : memref<!tpu.dma_semaphore, #tpu.memory_space<semaphore_mem>>)
    %parallel_loop3A = arith.constant 0 : i32
    %parallel_loop3A_71 = arith.constant 256 : i32
    %parallel_loop3A_72 = arith.constant 1 : i32
    scf.for %parallel_loop3A_605 = %parallel_loop3A to %parallel_loop3A_71 step %parallel_loop3A_72  : i32 {
      %parallel_loop3A_606 = arith.constant 16 : i32
      %parallel_loop3A_607 = arith.muli %parallel_loop3A_605, %parallel_loop3A_606 : i32
      %parallel_loop3A_608 = arith.constant 0 : i32
      %parallel_loop3A_609 = arith.index_cast %parallel_loop3A_608 : i32 to index
      %parallel_loop3A_610 = arith.index_cast %parallel_loop3A_607 : i32 to index
      %parallel_loop3A_611 = tpu.vector_load %arg7[%parallel_loop3A_609, %parallel_loop3A_610] {strides = array<i32>} : memref<2x4096xi32, #tpu.memory_space<vmem>>, vector<16xi32>,
      %parallel_loop3A_612 = tpu.vector_load_idx %arg8[%parallel_loop3A_611] : memref<100000xf32, #tpu.memory_space<vmem>>[vector<16xi32>], vector<16xf32>,
      %parallel_loop3A_613 = arith.constant 16 : i32
      %parallel_loop3A_614 = arith.muli %parallel_loop3A_605, %parallel_loop3A_613 : i32
      %parallel_loop3A_615 = arith.constant 0 : i32
      %parallel_loop3A_616 = arith.addi %parallel_loop3A_615, %parallel_loop3A_614 : i32
      %parallel_loop3A_617 = arith.index_cast %parallel_loop3A_616 : i32 to index
      %parallel_loop3A_618 = tpu.vector_load %arg9[%parallel_loop3A_617] {strides = array<i32>} : memref<16384xf32, #tpu.memory_space<vmem>>, vector<16xf32>,
      %parallel_loop3A_619 = arith.mulf %parallel_loop3A_618, %parallel_loop3A_612 : vector<16xf32>
      %parallel_loop3A_620 = arith.index_cast %parallel_loop3A_616 : i32 to index
      %parallel_loop3A_621 = tpu.vector_load %arg9[%parallel_loop3A_620] {strides = array<i32>} : memref<16384xf32, #tpu.memory_space<vmem>>, vector<16xf32>,
      tpu.vector_store %arg9[%parallel_loop3A_620], %parallel_loop3A_619 {strides = array<i32>} : memref<16384xf32, #tpu.memory_space<vmem>>, vector<16xf32>,
    } {sc.loop_unroll_factor = 8 : i64, sc.parallel_access}
    %dma_wait3A_73 = arith.constant 1 : i32
    %dma_wait3A_74 = arith.constant 1 : i32
    %dma_wait3A_75 = arith.constant 0 : i32
    %dma_wait3A_76 = tpu.memref_slice %arg7[%dma_wait3A_73, %dma_wait3A_75] : memref<2x4096xi32, #tpu.memory_space<vmem>> -> memref<1x4096xi32, #tpu.memory_space<vmem>>
    %dma_wait3A_77 = tpu.memref_squeeze %dma_wait3A_76 : memref<1x4096xi32, #tpu.memory_space<vmem>> -> memref<4096xi32, #tpu.memory_space<vmem>>
    %dma_wait3A_78 = arith.constant 4096 : i32
    %dma_wait3A_79 = tpu.memref_slice %arg10[%dma_wait3A_78] : memref<16384xi32, #tpu.memory_space<vmem_shared>> -> memref<4096xi32, #tpu.memory_space<vmem_shared>>
    %dma_wait3A_80 = tpu.memref_slice %arg14[%dma_wait3A_74] : memref<2x!tpu.dma_semaphore, #tpu.memory_space<semaphore_mem>> -> memref<1x!tpu.dma_semaphore, #tpu.memory_space<semaphore_mem>>
    %dma_wait3A_81 = tpu.memref_squeeze %dma_wait3A_80 : memref<1x!tpu.dma_semaphore, #tpu.memory_space<semaphore_mem>> -> memref<!tpu.dma_semaphore, #tpu.memory_space<semaphore_mem>>
    %dma_wait3A_82 = arith.constant 0 : i32
    %dma_wait3A_83 = tpu.memref_slice %arg7[%dma_wait3A_73, %dma_wait3A_82] : memref<2x4096xi32, #tpu.memory_space<vmem>> -> memref<1x4096xi32, #tpu.memory_space<vmem>>
    %dma_wait3A_84 = tpu.memref_squeeze %dma_wait3A_83 : memref<1x4096xi32, #tpu.memory_space<vmem>> -> memref<4096xi32, #tpu.memory_space<vmem>>
    %dma_wait3A_85 = arith.constant 4096 : i32
    %dma_wait3A_86 = tpu.memref_slice %arg10[%dma_wait3A_85] : memref<16384xi32, #tpu.memory_space<vmem_shared>> -> memref<4096xi32, #tpu.memory_space<vmem_shared>>
    tpu.wait_dma2 semaphore(%dma_wait3A_81 : memref<!tpu.dma_semaphore, #tpu.memory_space<semaphore_mem>>) src(%dma_wait3A_86 : memref<4096xi32, #tpu.memory_space<vmem_shared>>) dst(%dma_wait3A_84 : memref<4096xi32, #tpu.memory_space<vmem>>)
    %dma_start3A_87 = arith.constant 0 : i32
    %dma_start3A_88 = arith.constant 0 : i32
    %dma_start3A_89 = arith.constant 0 : i32
    %dma_start3A_90 = tpu.memref_slice %arg7[%dma_start3A_87, %dma_start3A_89] : memref<2x4096xi32, #tpu.memory_space<vmem>> -> memref<1x4096xi32, #tpu.memory_space<vmem>>
    %dma_start3A_91 = tpu.memref_squeeze %dma_start3A_90 : memref<1x4096xi32, #tpu.memory_space<vmem>> -> memref<4096xi32, #tpu.memory_space<vmem>>
    %dma_start3A_92 = arith.constant 8192 : i32
    %dma_start3A_93 = tpu.memref_slice %arg10[%dma_start3A_92] : memref<16384xi32, #tpu.memory_space<vmem_shared>> -> memref<4096xi32, #tpu.memory_space<vmem_shared>>
    %dma_start3A_94 = tpu.memref_slice %arg14[%dma_start3A_88] : memref<2x!tpu.dma_semaphore, #tpu.memory_space<semaphore_mem>> -> memref<1x!tpu.dma_semaphore, #tpu.memory_space<semaphore_mem>>
    %dma_start3A_95 = tpu.memref_squeeze %dma_start3A_94 : memref<1x!tpu.dma_semaphore, #tpu.memory_space<semaphore_mem>> -> memref<!tpu.dma_semaphore, #tpu.memory_space<semaphore_mem>>
    %dma_start3A_96 = arith.constant 0 : i32
    %dma_start3A_97 = tpu.memref_slice %arg7[%dma_start3A_87, %dma_start3A_96] : memref<2x4096xi32, #tpu.memory_space<vmem>> -> memref<1x4096xi32, #tpu.memory_space<vmem>>
    %dma_start3A_98 = tpu.memref_squeeze %dma_start3A_97 : memref<1x4096xi32, #tpu.memory_space<vmem>> -> memref<4096xi32, #tpu.memory_space<vmem>>
    %dma_start3A_99 = arith.constant 8192 : i32
    %dma_start3A_100 = tpu.memref_slice %arg10[%dma_start3A_99] : memref<16384xi32, #tpu.memory_space<vmem_shared>> -> memref<4096xi32, #tpu.memory_space<vmem_shared>>
    tpu.enqueue_dma source(%dma_start3A_100 : memref<4096xi32, #tpu.memory_space<vmem_shared>>) target(%dma_start3A_98 : memref<4096xi32, #tpu.memory_space<vmem>>) target_semaphore(%dma_start3A_95 : memref<!tpu.dma_semaphore, #tpu.memory_space<semaphore_mem>>)
    %parallel_loop3A_101 = arith.constant 0 : i32
    %parallel_loop3A_102 = arith.constant 256 : i32
    %parallel_loop3A_103 = arith.constant 1 : i32
    scf.for %parallel_loop3A_605 = %parallel_loop3A_101 to %parallel_loop3A_102 step %parallel_loop3A_103  : i32 {
      %parallel_loop3A_606 = arith.constant 16 : i32
      %parallel_loop3A_607 = arith.muli %parallel_loop3A_605, %parallel_loop3A_606 : i32
      %parallel_loop3A_608 = arith.constant 1 : i32
      %parallel_loop3A_609 = arith.index_cast %parallel_loop3A_608 : i32 to index
      %parallel_loop3A_610 = arith.index_cast %parallel_loop3A_607 : i32 to index
      %parallel_loop3A_611 = tpu.vector_load %arg7[%parallel_loop3A_609, %parallel_loop3A_610] {strides = array<i32>} : memref<2x4096xi32, #tpu.memory_space<vmem>>, vector<16xi32>,
      %parallel_loop3A_612 = tpu.vector_load_idx %arg8[%parallel_loop3A_611] : memref<100000xf32, #tpu.memory_space<vmem>>[vector<16xi32>], vector<16xf32>,
      %parallel_loop3A_613 = arith.constant 16 : i32
      %parallel_loop3A_614 = arith.muli %parallel_loop3A_605, %parallel_loop3A_613 : i32
      %parallel_loop3A_615 = arith.constant 4096 : i32
      %parallel_loop3A_616 = arith.addi %parallel_loop3A_615, %parallel_loop3A_614 : i32
      %parallel_loop3A_617 = arith.index_cast %parallel_loop3A_616 : i32 to index
      %parallel_loop3A_618 = tpu.vector_load %arg9[%parallel_loop3A_617] {strides = array<i32>} : memref<16384xf32, #tpu.memory_space<vmem>>, vector<16xf32>,
      %parallel_loop3A_619 = arith.mulf %parallel_loop3A_618, %parallel_loop3A_612 : vector<16xf32>
      %parallel_loop3A_620 = arith.index_cast %parallel_loop3A_616 : i32 to index
      %parallel_loop3A_621 = tpu.vector_load %arg9[%parallel_loop3A_620] {strides = array<i32>} : memref<16384xf32, #tpu.memory_space<vmem>>, vector<16xf32>,
      tpu.vector_store %arg9[%parallel_loop3A_620], %parallel_loop3A_619 {strides = array<i32>} : memref<16384xf32, #tpu.memory_space<vmem>>, vector<16xf32>,
    } {sc.loop_unroll_factor = 8 : i64, sc.parallel_access}
    %dma_wait3A_104 = arith.constant 0 : i32
    %dma_wait3A_105 = arith.constant 0 : i32
    %dma_wait3A_106 = arith.constant 0 : i32
    %dma_wait3A_107 = tpu.memref_slice %arg7[%dma_wait3A_104, %dma_wait3A_106] : memref<2x4096xi32, #tpu.memory_space<vmem>> -> memref<1x4096xi32, #tpu.memory_space<vmem>>
    %dma_wait3A_108 = tpu.memref_squeeze %dma_wait3A_107 : memref<1x4096xi32, #tpu.memory_space<vmem>> -> memref<4096xi32, #tpu.memory_space<vmem>>
    %dma_wait3A_109 = arith.constant 8192 : i32
    %dma_wait3A_110 = tpu.memref_slice %arg10[%dma_wait3A_109] : memref<16384xi32, #tpu.memory_space<vmem_shared>> -> memref<4096xi32, #tpu.memory_space<vmem_shared>>
    %dma_wait3A_111 = tpu.memref_slice %arg14[%dma_wait3A_105] : memref<2x!tpu.dma_semaphore, #tpu.memory_space<semaphore_mem>> -> memref<1x!tpu.dma_semaphore, #tpu.memory_space<semaphore_mem>>
    %dma_wait3A_112 = tpu.memref_squeeze %dma_wait3A_111 : memref<1x!tpu.dma_semaphore, #tpu.memory_space<semaphore_mem>> -> memref<!tpu.dma_semaphore, #tpu.memory_space<semaphore_mem>>
    %dma_wait3A_113 = arith.constant 0 : i32
    %dma_wait3A_114 = tpu.memref_slice %arg7[%dma_wait3A_104, %dma_wait3A_113] : memref<2x4096xi32, #tpu.memory_space<vmem>> -> memref<1x4096xi32, #tpu.memory_space<vmem>>
    %dma_wait3A_115 = tpu.memref_squeeze %dma_wait3A_114 : memref<1x4096xi32, #tpu.memory_space<vmem>> -> memref<4096xi32, #tpu.memory_space<vmem>>
    %dma_wait3A_116 = arith.constant 8192 : i32
    %dma_wait3A_117 = tpu.memref_slice %arg10[%dma_wait3A_116] : memref<16384xi32, #tpu.memory_space<vmem_shared>> -> memref<4096xi32, #tpu.memory_space<vmem_shared>>
    tpu.wait_dma2 semaphore(%dma_wait3A_112 : memref<!tpu.dma_semaphore, #tpu.memory_space<semaphore_mem>>) src(%dma_wait3A_117 : memref<4096xi32, #tpu.memory_space<vmem_shared>>) dst(%dma_wait3A_115 : memref<4096xi32, #tpu.memory_space<vmem>>)
    %dma_start3A_118 = arith.constant 1 : i32
    %dma_start3A_119 = arith.constant 1 : i32
    %dma_start3A_120 = arith.constant 0 : i32
    %dma_start3A_121 = tpu.memref_slice %arg7[%dma_start3A_118, %dma_start3A_120] : memref<2x4096xi32, #tpu.memory_space<vmem>> -> memref<1x4096xi32, #tpu.memory_space<vmem>>
    %dma_start3A_122 = tpu.memref_squeeze %dma_start3A_121 : memref<1x4096xi32, #tpu.memory_space<vmem>> -> memref<4096xi32, #tpu.memory_space<vmem>>
    %dma_start3A_123 = arith.constant 12288 : i32
    %dma_start3A_124 = tpu.memref_slice %arg10[%dma_start3A_123] : memref<16384xi32, #tpu.memory_space<vmem_shared>> -> memref<4096xi32, #tpu.memory_space<vmem_shared>>
    %dma_start3A_125 = tpu.memref_slice %arg14[%dma_start3A_119] : memref<2x!tpu.dma_semaphore, #tpu.memory_space<semaphore_mem>> -> memref<1x!tpu.dma_semaphore, #tpu.memory_space<semaphore_mem>>
    %dma_start3A_126 = tpu.memref_squeeze %dma_start3A_125 : memref<1x!tpu.dma_semaphore, #tpu.memory_space<semaphore_mem>> -> memref<!tpu.dma_semaphore, #tpu.memory_space<semaphore_mem>>
    %dma_start3A_127 = arith.constant 0 : i32
    %dma_start3A_128 = tpu.memref_slice %arg7[%dma_start3A_118, %dma_start3A_127] : memref<2x4096xi32, #tpu.memory_space<vmem>> -> memref<1x4096xi32, #tpu.memory_space<vmem>>
    %dma_start3A_129 = tpu.memref_squeeze %dma_start3A_128 : memref<1x4096xi32, #tpu.memory_space<vmem>> -> memref<4096xi32, #tpu.memory_space<vmem>>
    %dma_start3A_130 = arith.constant 12288 : i32
    %dma_start3A_131 = tpu.memref_slice %arg10[%dma_start3A_130] : memref<16384xi32, #tpu.memory_space<vmem_shared>> -> memref<4096xi32, #tpu.memory_space<vmem_shared>>
    tpu.enqueue_dma source(%dma_start3A_131 : memref<4096xi32, #tpu.memory_space<vmem_shared>>) target(%dma_start3A_129 : memref<4096xi32, #tpu.memory_space<vmem>>) target_semaphore(%dma_start3A_126 : memref<!tpu.dma_semaphore, #tpu.memory_space<semaphore_mem>>)
    %parallel_loop3A_132 = arith.constant 0 : i32
    %parallel_loop3A_133 = arith.constant 256 : i32
    %parallel_loop3A_134 = arith.constant 1 : i32
    scf.for %parallel_loop3A_605 = %parallel_loop3A_132 to %parallel_loop3A_133 step %parallel_loop3A_134  : i32 {
      %parallel_loop3A_606 = arith.constant 16 : i32
      %parallel_loop3A_607 = arith.muli %parallel_loop3A_605, %parallel_loop3A_606 : i32
      %parallel_loop3A_608 = arith.constant 0 : i32
      %parallel_loop3A_609 = arith.index_cast %parallel_loop3A_608 : i32 to index
      %parallel_loop3A_610 = arith.index_cast %parallel_loop3A_607 : i32 to index
      %parallel_loop3A_611 = tpu.vector_load %arg7[%parallel_loop3A_609, %parallel_loop3A_610] {strides = array<i32>} : memref<2x4096xi32, #tpu.memory_space<vmem>>, vector<16xi32>,
      %parallel_loop3A_612 = tpu.vector_load_idx %arg8[%parallel_loop3A_611] : memref<100000xf32, #tpu.memory_space<vmem>>[vector<16xi32>], vector<16xf32>,
      %parallel_loop3A_613 = arith.constant 16 : i32
      %parallel_loop3A_614 = arith.muli %parallel_loop3A_605, %parallel_loop3A_613 : i32
      %parallel_loop3A_615 = arith.constant 8192 : i32
      %parallel_loop3A_616 = arith.addi %parallel_loop3A_615, %parallel_loop3A_614 : i32
      %parallel_loop3A_617 = arith.index_cast %parallel_loop3A_616 : i32 to index
      %parallel_loop3A_618 = tpu.vector_load %arg9[%parallel_loop3A_617] {strides = array<i32>} : memref<16384xf32, #tpu.memory_space<vmem>>, vector<16xf32>,
      %parallel_loop3A_619 = arith.mulf %parallel_loop3A_618, %parallel_loop3A_612 : vector<16xf32>
      %parallel_loop3A_620 = arith.index_cast %parallel_loop3A_616 : i32 to index
      %parallel_loop3A_621 = tpu.vector_load %arg9[%parallel_loop3A_620] {strides = array<i32>} : memref<16384xf32, #tpu.memory_space<vmem>>, vector<16xf32>,
      tpu.vector_store %arg9[%parallel_loop3A_620], %parallel_loop3A_619 {strides = array<i32>} : memref<16384xf32, #tpu.memory_space<vmem>>, vector<16xf32>,
    } {sc.loop_unroll_factor = 8 : i64, sc.parallel_access}
    %dma_wait3A_135 = arith.constant 1 : i32
    %dma_wait3A_136 = arith.constant 1 : i32
    %dma_wait3A_137 = arith.constant 0 : i32
    %dma_wait3A_138 = tpu.memref_slice %arg7[%dma_wait3A_135, %dma_wait3A_137] : memref<2x4096xi32, #tpu.memory_space<vmem>> -> memref<1x4096xi32, #tpu.memory_space<vmem>>
    %dma_wait3A_139 = tpu.memref_squeeze %dma_wait3A_138 : memref<1x4096xi32, #tpu.memory_space<vmem>> -> memref<4096xi32, #tpu.memory_space<vmem>>
    %dma_wait3A_140 = arith.constant 12288 : i32
    %dma_wait3A_141 = tpu.memref_slice %arg10[%dma_wait3A_140] : memref<16384xi32, #tpu.memory_space<vmem_shared>> -> memref<4096xi32, #tpu.memory_space<vmem_shared>>
    %dma_wait3A_142 = tpu.memref_slice %arg14[%dma_wait3A_136] : memref<2x!tpu.dma_semaphore, #tpu.memory_space<semaphore_mem>> -> memref<1x!tpu.dma_semaphore, #tpu.memory_space<semaphore_mem>>
    %dma_wait3A_143 = tpu.memref_squeeze %dma_wait3A_142 : memref<1x!tpu.dma_semaphore, #tpu.memory_space<semaphore_mem>> -> memref<!tpu.dma_semaphore, #tpu.memory_space<semaphore_mem>>
    %dma_wait3A_144 = arith.constant 0 : i32
    %dma_wait3A_145 = tpu.memref_slice %arg7[%dma_wait3A_135, %dma_wait3A_144] : memref<2x4096xi32, #tpu.memory_space<vmem>> -> memref<1x4096xi32, #tpu.memory_space<vmem>>
    %dma_wait3A_146 = tpu.memref_squeeze %dma_wait3A_145 : memref<1x4096xi32, #tpu.memory_space<vmem>> -> memref<4096xi32, #tpu.memory_space<vmem>>
    %dma_wait3A_147 = arith.constant 12288 : i32
    %dma_wait3A_148 = tpu.memref_slice %arg10[%dma_wait3A_147] : memref<16384xi32, #tpu.memory_space<vmem_shared>> -> memref<4096xi32, #tpu.memory_space<vmem_shared>>
    tpu.wait_dma2 semaphore(%dma_wait3A_143 : memref<!tpu.dma_semaphore, #tpu.memory_space<semaphore_mem>>) src(%dma_wait3A_148 : memref<4096xi32, #tpu.memory_space<vmem_shared>>) dst(%dma_wait3A_146 : memref<4096xi32, #tpu.memory_space<vmem>>)
    %dma_start3A_149 = arith.constant 0 : i32
    %dma_start3A_150 = arith.constant 0 : i32
    %dma_start3A_151 = arith.constant 0 : i32
    %dma_start3A_152 = tpu.memref_slice %arg7[%dma_start3A_149, %dma_start3A_151] : memref<2x4096xi32, #tpu.memory_space<vmem>> -> memref<1x4096xi32, #tpu.memory_space<vmem>>
    %dma_start3A_153 = tpu.memref_squeeze %dma_start3A_152 : memref<1x4096xi32, #tpu.memory_space<vmem>> -> memref<4096xi32, #tpu.memory_space<vmem>>
    %dma_start3A_154 = arith.constant 0 : i32
    %dma_start3A_155 = tpu.memref_slice %arg10[%dma_start3A_154] : memref<16384xi32, #tpu.memory_space<vmem_shared>> -> memref<4096xi32, #tpu.memory_space<vmem_shared>>
    %dma_start3A_156 = tpu.memref_slice %arg14[%dma_start3A_150] : memref<2x!tpu.dma_semaphore, #tpu.memory_space<semaphore_mem>> -> memref<1x!tpu.dma_semaphore, #tpu.memory_space<semaphore_mem>>
    %dma_start3A_157 = tpu.memref_squeeze %dma_start3A_156 : memref<1x!tpu.dma_semaphore, #tpu.memory_space<semaphore_mem>> -> memref<!tpu.dma_semaphore, #tpu.memory_space<semaphore_mem>>
    %dma_start3A_158 = arith.constant 0 : i32
    %dma_start3A_159 = tpu.memref_slice %arg7[%dma_start3A_149, %dma_start3A_158] : memref<2x4096xi32, #tpu.memory_space<vmem>> -> memref<1x4096xi32, #tpu.memory_space<vmem>>
    %dma_start3A_160 = tpu.memref_squeeze %dma_start3A_159 : memref<1x4096xi32, #tpu.memory_space<vmem>> -> memref<4096xi32, #tpu.memory_space<vmem>>
    %dma_start3A_161 = arith.constant 0 : i32
    %dma_start3A_162 = tpu.memref_slice %arg10[%dma_start3A_161] : memref<16384xi32, #tpu.memory_space<vmem_shared>> -> memref<4096xi32, #tpu.memory_space<vmem_shared>>
    tpu.enqueue_dma source(%dma_start3A_162 : memref<4096xi32, #tpu.memory_space<vmem_shared>>) target(%dma_start3A_160 : memref<4096xi32, #tpu.memory_space<vmem>>) target_semaphore(%dma_start3A_157 : memref<!tpu.dma_semaphore, #tpu.memory_space<semaphore_mem>>)
    %parallel_loop3A_163 = arith.constant 0 : i32
    %parallel_loop3A_164 = arith.constant 256 : i32
    %parallel_loop3A_165 = arith.constant 1 : i32
    scf.for %parallel_loop3A_605 = %parallel_loop3A_163 to %parallel_loop3A_164 step %parallel_loop3A_165  : i32 {
      %parallel_loop3A_606 = arith.constant 16 : i32
      %parallel_loop3A_607 = arith.muli %parallel_loop3A_605, %parallel_loop3A_606 : i32
      %parallel_loop3A_608 = arith.constant 1 : i32
      %parallel_loop3A_609 = arith.index_cast %parallel_loop3A_608 : i32 to index
      %parallel_loop3A_610 = arith.index_cast %parallel_loop3A_607 : i32 to index
      %parallel_loop3A_611 = tpu.vector_load %arg7[%parallel_loop3A_609, %parallel_loop3A_610] {strides = array<i32>} : memref<2x4096xi32, #tpu.memory_space<vmem>>, vector<16xi32>,
      %parallel_loop3A_612 = tpu.vector_load_idx %arg8[%parallel_loop3A_611] : memref<100000xf32, #tpu.memory_space<vmem>>[vector<16xi32>], vector<16xf32>,
      %parallel_loop3A_613 = arith.constant 16 : i32
      %parallel_loop3A_614 = arith.muli %parallel_loop3A_605, %parallel_loop3A_613 : i32
      %parallel_loop3A_615 = arith.constant 12288 : i32
      %parallel_loop3A_616 = arith.addi %parallel_loop3A_615, %parallel_loop3A_614 : i32
      %parallel_loop3A_617 = arith.index_cast %parallel_loop3A_616 : i32 to index
      %parallel_loop3A_618 = tpu.vector_load %arg9[%parallel_loop3A_617] {strides = array<i32>} : memref<16384xf32, #tpu.memory_space<vmem>>, vector<16xf32>,
      %parallel_loop3A_619 = arith.mulf %parallel_loop3A_618, %parallel_loop3A_612 : vector<16xf32>
      %parallel_loop3A_620 = arith.index_cast %parallel_loop3A_616 : i32 to index
      %parallel_loop3A_621 = tpu.vector_load %arg9[%parallel_loop3A_620] {strides = array<i32>} : memref<16384xf32, #tpu.memory_space<vmem>>, vector<16xf32>,
      tpu.vector_store %arg9[%parallel_loop3A_620], %parallel_loop3A_619 {strides = array<i32>} : memref<16384xf32, #tpu.memory_space<vmem>>, vector<16xf32>,
    } {sc.loop_unroll_factor = 8 : i64, sc.parallel_access}
    %dma_start3A_166 = arith.constant 0 : i32
    %dma_start3A_167 = tpu.memref_slice %arg5[%add3A_31, %dma_start3A_166] : memref<64x100000xf32, #tpu.memory_space<hbm>> -> memref<1x100000xf32, #tpu.memory_space<hbm>>
    %dma_start3A_168 = tpu.memref_squeeze %dma_start3A_167 : memref<1x100000xf32, #tpu.memory_space<hbm>> -> memref<100000xf32, #tpu.memory_space<hbm>>
    %dma_start3A_169 = arith.constant 0 : i32
    %dma_start3A_170 = tpu.memref_slice %arg5[%add3A_31, %dma_start3A_169] : memref<64x100000xf32, #tpu.memory_space<hbm>> -> memref<1x100000xf32, #tpu.memory_space<hbm>>
    %dma_start3A_171 = tpu.memref_squeeze %dma_start3A_170 : memref<1x100000xf32, #tpu.memory_space<hbm>> -> memref<100000xf32, #tpu.memory_space<hbm>>
    tpu.enqueue_dma source(%dma_start3A_171 : memref<100000xf32, #tpu.memory_space<hbm>>) target(%arg8 : memref<100000xf32, #tpu.memory_space<vmem>>) target_semaphore(%arg11 : memref<!tpu.dma_semaphore, #tpu.memory_space<semaphore_mem>>)
    %dma_wait3A_172 = arith.constant 0 : i32
    %dma_wait3A_173 = tpu.memref_slice %arg5[%add3A_31, %dma_wait3A_172] : memref<64x100000xf32, #tpu.memory_space<hbm>> -> memref<1x100000xf32, #tpu.memory_space<hbm>>
    %dma_wait3A_174 = tpu.memref_squeeze %dma_wait3A_173 : memref<1x100000xf32, #tpu.memory_space<hbm>> -> memref<100000xf32, #tpu.memory_space<hbm>>
    %dma_wait3A_175 = arith.constant 0 : i32
    %dma_wait3A_176 = tpu.memref_slice %arg5[%add3A_31, %dma_wait3A_175] : memref<64x100000xf32, #tpu.memory_space<hbm>> -> memref<1x100000xf32, #tpu.memory_space<hbm>>
    %dma_wait3A_177 = tpu.memref_squeeze %dma_wait3A_176 : memref<1x100000xf32, #tpu.memory_space<hbm>> -> memref<100000xf32, #tpu.memory_space<hbm>>
    tpu.wait_dma2 semaphore(%arg11 : memref<!tpu.dma_semaphore, #tpu.memory_space<semaphore_mem>>) src(%dma_wait3A_177 : memref<100000xf32, #tpu.memory_space<hbm>>) dst(%arg8 : memref<100000xf32, #tpu.memory_space<vmem>>)
    %dma_wait3A_178 = arith.constant 0 : i32
    %dma_wait3A_179 = arith.constant 0 : i32
    %dma_wait3A_180 = arith.constant 0 : i32
    %dma_wait3A_181 = tpu.memref_slice %arg7[%dma_wait3A_178, %dma_wait3A_180] : memref<2x4096xi32, #tpu.memory_space<vmem>> -> memref<1x4096xi32, #tpu.memory_space<vmem>>
    %dma_wait3A_182 = tpu.memref_squeeze %dma_wait3A_181 : memref<1x4096xi32, #tpu.memory_space<vmem>> -> memref<4096xi32, #tpu.memory_space<vmem>>
    %dma_wait3A_183 = arith.constant 0 : i32
    %dma_wait3A_184 = tpu.memref_slice %arg10[%dma_wait3A_183] : memref<16384xi32, #tpu.memory_space<vmem_shared>> -> memref<4096xi32, #tpu.memory_space<vmem_shared>>
    %dma_wait3A_185 = tpu.memref_slice %arg14[%dma_wait3A_179] : memref<2x!tpu.dma_semaphore, #tpu.memory_space<semaphore_mem>> -> memref<1x!tpu.dma_semaphore, #tpu.memory_space<semaphore_mem>>
    %dma_wait3A_186 = tpu.memref_squeeze %dma_wait3A_185 : memref<1x!tpu.dma_semaphore, #tpu.memory_space<semaphore_mem>> -> memref<!tpu.dma_semaphore, #tpu.memory_space<semaphore_mem>>
    %dma_wait3A_187 = arith.constant 0 : i32
    %dma_wait3A_188 = tpu.memref_slice %arg7[%dma_wait3A_178, %dma_wait3A_187] : memref<2x4096xi32, #tpu.memory_space<vmem>> -> memref<1x4096xi32, #tpu.memory_space<vmem>>
    %dma_wait3A_189 = tpu.memref_squeeze %dma_wait3A_188 : memref<1x4096xi32, #tpu.memory_space<vmem>> -> memref<4096xi32, #tpu.memory_space<vmem>>
    %dma_wait3A_190 = arith.constant 0 : i32
    %dma_wait3A_191 = tpu.memref_slice %arg10[%dma_wait3A_190] : memref<16384xi32, #tpu.memory_space<vmem_shared>> -> memref<4096xi32, #tpu.memory_space<vmem_shared>>
    tpu.wait_dma2 semaphore(%dma_wait3A_186 : memref<!tpu.dma_semaphore, #tpu.memory_space<semaphore_mem>>) src(%dma_wait3A_191 : memref<4096xi32, #tpu.memory_space<vmem_shared>>) dst(%dma_wait3A_189 : memref<4096xi32, #tpu.memory_space<vmem>>)
    %dma_start3A_192 = arith.constant 1 : i32
    %dma_start3A_193 = arith.constant 1 : i32
    %dma_start3A_194 = arith.constant 0 : i32
    %dma_start3A_195 = tpu.memref_slice %arg7[%dma_start3A_192, %dma_start3A_194] : memref<2x4096xi32, #tpu.memory_space<vmem>> -> memref<1x4096xi32, #tpu.memory_space<vmem>>
    %dma_start3A_196 = tpu.memref_squeeze %dma_start3A_195 : memref<1x4096xi32, #tpu.memory_space<vmem>> -> memref<4096xi32, #tpu.memory_space<vmem>>
    %dma_start3A_197 = arith.constant 4096 : i32
    %dma_start3A_198 = tpu.memref_slice %arg10[%dma_start3A_197] : memref<16384xi32, #tpu.memory_space<vmem_shared>> -> memref<4096xi32, #tpu.memory_space<vmem_shared>>
    %dma_start3A_199 = tpu.memref_slice %arg14[%dma_start3A_193] : memref<2x!tpu.dma_semaphore, #tpu.memory_space<semaphore_mem>> -> memref<1x!tpu.dma_semaphore, #tpu.memory_space<semaphore_mem>>
    %dma_start3A_200 = tpu.memref_squeeze %dma_start3A_199 : memref<1x!tpu.dma_semaphore, #tpu.memory_space<semaphore_mem>> -> memref<!tpu.dma_semaphore, #tpu.memory_space<semaphore_mem>>
    %dma_start3A_201 = arith.constant 0 : i32
    %dma_start3A_202 = tpu.memref_slice %arg7[%dma_start3A_192, %dma_start3A_201] : memref<2x4096xi32, #tpu.memory_space<vmem>> -> memref<1x4096xi32, #tpu.memory_space<vmem>>
    %dma_start3A_203 = tpu.memref_squeeze %dma_start3A_202 : memref<1x4096xi32, #tpu.memory_space<vmem>> -> memref<4096xi32, #tpu.memory_space<vmem>>
    %dma_start3A_204 = arith.constant 4096 : i32
    %dma_start3A_205 = tpu.memref_slice %arg10[%dma_start3A_204] : memref<16384xi32, #tpu.memory_space<vmem_shared>> -> memref<4096xi32, #tpu.memory_space<vmem_shared>>
    tpu.enqueue_dma source(%dma_start3A_205 : memref<4096xi32, #tpu.memory_space<vmem_shared>>) target(%dma_start3A_203 : memref<4096xi32, #tpu.memory_space<vmem>>) target_semaphore(%dma_start3A_200 : memref<!tpu.dma_semaphore, #tpu.memory_space<semaphore_mem>>)
    %parallel_loop3A_206 = arith.constant 0 : i32
    %parallel_loop3A_207 = arith.constant 256 : i32
    %parallel_loop3A_208 = arith.constant 1 : i32
    scf.for %parallel_loop3A_605 = %parallel_loop3A_206 to %parallel_loop3A_207 step %parallel_loop3A_208  : i32 {
      %parallel_loop3A_606 = arith.constant 16 : i32
      %parallel_loop3A_607 = arith.muli %parallel_loop3A_605, %parallel_loop3A_606 : i32
      %parallel_loop3A_608 = arith.constant 0 : i32
      %parallel_loop3A_609 = arith.index_cast %parallel_loop3A_608 : i32 to index
      %parallel_loop3A_610 = arith.index_cast %parallel_loop3A_607 : i32 to index
      %parallel_loop3A_611 = tpu.vector_load %arg7[%parallel_loop3A_609, %parallel_loop3A_610] {strides = array<i32>} : memref<2x4096xi32, #tpu.memory_space<vmem>>, vector<16xi32>,
      %parallel_loop3A_612 = tpu.vector_load_idx %arg8[%parallel_loop3A_611] : memref<100000xf32, #tpu.memory_space<vmem>>[vector<16xi32>], vector<16xf32>,
      %parallel_loop3A_613 = arith.constant 16 : i32
      %parallel_loop3A_614 = arith.muli %parallel_loop3A_605, %parallel_loop3A_613 : i32
      %parallel_loop3A_615 = arith.constant 0 : i32
      %parallel_loop3A_616 = arith.addi %parallel_loop3A_615, %parallel_loop3A_614 : i32
      %parallel_loop3A_617 = arith.index_cast %parallel_loop3A_616 : i32 to index
      %parallel_loop3A_618 = tpu.vector_load %arg9[%parallel_loop3A_617] {strides = array<i32>} : memref<16384xf32, #tpu.memory_space<vmem>>, vector<16xf32>,
      %parallel_loop3A_619 = arith.addf %parallel_loop3A_618, %parallel_loop3A_612 : vector<16xf32>
      %parallel_loop3A_620 = arith.index_cast %parallel_loop3A_616 : i32 to index
      %parallel_loop3A_621 = tpu.vector_load %arg9[%parallel_loop3A_620] {strides = array<i32>} : memref<16384xf32, #tpu.memory_space<vmem>>, vector<16xf32>,
      tpu.vector_store %arg9[%parallel_loop3A_620], %parallel_loop3A_619 {strides = array<i32>} : memref<16384xf32, #tpu.memory_space<vmem>>, vector<16xf32>,
    } {sc.loop_unroll_factor = 8 : i64, sc.parallel_access}
    %dma_wait3A_209 = arith.constant 1 : i32
    %dma_wait3A_210 = arith.constant 1 : i32
    %dma_wait3A_211 = arith.constant 0 : i32
    %dma_wait3A_212 = tpu.memref_slice %arg7[%dma_wait3A_209, %dma_wait3A_211] : memref<2x4096xi32, #tpu.memory_space<vmem>> -> memref<1x4096xi32, #tpu.memory_space<vmem>>
    %dma_wait3A_213 = tpu.memref_squeeze %dma_wait3A_212 : memref<1x4096xi32, #tpu.memory_space<vmem>> -> memref<4096xi32, #tpu.memory_space<vmem>>
    %dma_wait3A_214 = arith.constant 4096 : i32
    %dma_wait3A_215 = tpu.memref_slice %arg10[%dma_wait3A_214] : memref<16384xi32, #tpu.memory_space<vmem_shared>> -> memref<4096xi32, #tpu.memory_space<vmem_shared>>
    %dma_wait3A_216 = tpu.memref_slice %arg14[%dma_wait3A_210] : memref<2x!tpu.dma_semaphore, #tpu.memory_space<semaphore_mem>> -> memref<1x!tpu.dma_semaphore, #tpu.memory_space<semaphore_mem>>
    %dma_wait3A_217 = tpu.memref_squeeze %dma_wait3A_216 : memref<1x!tpu.dma_semaphore, #tpu.memory_space<semaphore_mem>> -> memref<!tpu.dma_semaphore, #tpu.memory_space<semaphore_mem>>
    %dma_wait3A_218 = arith.constant 0 : i32
    %dma_wait3A_219 = tpu.memref_slice %arg7[%dma_wait3A_209, %dma_wait3A_218] : memref<2x4096xi32, #tpu.memory_space<vmem>> -> memref<1x4096xi32, #tpu.memory_space<vmem>>
    %dma_wait3A_220 = tpu.memref_squeeze %dma_wait3A_219 : memref<1x4096xi32, #tpu.memory_space<vmem>> -> memref<4096xi32, #tpu.memory_space<vmem>>
    %dma_wait3A_221 = arith.constant 4096 : i32
    %dma_wait3A_222 = tpu.memref_slice %arg10[%dma_wait3A_221] : memref<16384xi32, #tpu.memory_space<vmem_shared>> -> memref<4096xi32, #tpu.memory_space<vmem_shared>>
    tpu.wait_dma2 semaphore(%dma_wait3A_217 : memref<!tpu.dma_semaphore, #tpu.memory_space<semaphore_mem>>) src(%dma_wait3A_222 : memref<4096xi32, #tpu.memory_space<vmem_shared>>) dst(%dma_wait3A_220 : memref<4096xi32, #tpu.memory_space<vmem>>)
    %dma_start3A_223 = arith.constant 0 : i32
    %dma_start3A_224 = arith.constant 0 : i32
    %dma_start3A_225 = arith.constant 0 : i32
    %dma_start3A_226 = tpu.memref_slice %arg7[%dma_start3A_223, %dma_start3A_225] : memref<2x4096xi32, #tpu.memory_space<vmem>> -> memref<1x4096xi32, #tpu.memory_space<vmem>>
    %dma_start3A_227 = tpu.memref_squeeze %dma_start3A_226 : memref<1x4096xi32, #tpu.memory_space<vmem>> -> memref<4096xi32, #tpu.memory_space<vmem>>
    %dma_start3A_228 = arith.constant 8192 : i32
    %dma_start3A_229 = tpu.memref_slice %arg10[%dma_start3A_228] : memref<16384xi32, #tpu.memory_space<vmem_shared>> -> memref<4096xi32, #tpu.memory_space<vmem_shared>>
    %dma_start3A_230 = tpu.memref_slice %arg14[%dma_start3A_224] : memref<2x!tpu.dma_semaphore, #tpu.memory_space<semaphore_mem>> -> memref<1x!tpu.dma_semaphore, #tpu.memory_space<semaphore_mem>>
    %dma_start3A_231 = tpu.memref_squeeze %dma_start3A_230 : memref<1x!tpu.dma_semaphore, #tpu.memory_space<semaphore_mem>> -> memref<!tpu.dma_semaphore, #tpu.memory_space<semaphore_mem>>
    %dma_start3A_232 = arith.constant 0 : i32
    %dma_start3A_233 = tpu.memref_slice %arg7[%dma_start3A_223, %dma_start3A_232] : memref<2x4096xi32, #tpu.memory_space<vmem>> -> memref<1x4096xi32, #tpu.memory_space<vmem>>
    %dma_start3A_234 = tpu.memref_squeeze %dma_start3A_233 : memref<1x4096xi32, #tpu.memory_space<vmem>> -> memref<4096xi32, #tpu.memory_space<vmem>>
    %dma_start3A_235 = arith.constant 8192 : i32
    %dma_start3A_236 = tpu.memref_slice %arg10[%dma_start3A_235] : memref<16384xi32, #tpu.memory_space<vmem_shared>> -> memref<4096xi32, #tpu.memory_space<vmem_shared>>
    tpu.enqueue_dma source(%dma_start3A_236 : memref<4096xi32, #tpu.memory_space<vmem_shared>>) target(%dma_start3A_234 : memref<4096xi32, #tpu.memory_space<vmem>>) target_semaphore(%dma_start3A_231 : memref<!tpu.dma_semaphore, #tpu.memory_space<semaphore_mem>>)
    %parallel_loop3A_237 = arith.constant 0 : i32
    %parallel_loop3A_238 = arith.constant 256 : i32
    %parallel_loop3A_239 = arith.constant 1 : i32
    scf.for %parallel_loop3A_605 = %parallel_loop3A_237 to %parallel_loop3A_238 step %parallel_loop3A_239  : i32 {
      %parallel_loop3A_606 = arith.constant 16 : i32
      %parallel_loop3A_607 = arith.muli %parallel_loop3A_605, %parallel_loop3A_606 : i32
      %parallel_loop3A_608 = arith.constant 1 : i32
      %parallel_loop3A_609 = arith.index_cast %parallel_loop3A_608 : i32 to index
      %parallel_loop3A_610 = arith.index_cast %parallel_loop3A_607 : i32 to index
      %parallel_loop3A_611 = tpu.vector_load %arg7[%parallel_loop3A_609, %parallel_loop3A_610] {strides = array<i32>} : memref<2x4096xi32, #tpu.memory_space<vmem>>, vector<16xi32>,
      %parallel_loop3A_612 = tpu.vector_load_idx %arg8[%parallel_loop3A_611] : memref<100000xf32, #tpu.memory_space<vmem>>[vector<16xi32>], vector<16xf32>,
      %parallel_loop3A_613 = arith.constant 16 : i32
      %parallel_loop3A_614 = arith.muli %parallel_loop3A_605, %parallel_loop3A_613 : i32
      %parallel_loop3A_615 = arith.constant 4096 : i32
      %parallel_loop3A_616 = arith.addi %parallel_loop3A_615, %parallel_loop3A_614 : i32
      %parallel_loop3A_617 = arith.index_cast %parallel_loop3A_616 : i32 to index
      %parallel_loop3A_618 = tpu.vector_load %arg9[%parallel_loop3A_617] {strides = array<i32>} : memref<16384xf32, #tpu.memory_space<vmem>>, vector<16xf32>,
      %parallel_loop3A_619 = arith.addf %parallel_loop3A_618, %parallel_loop3A_612 : vector<16xf32>
      %parallel_loop3A_620 = arith.index_cast %parallel_loop3A_616 : i32 to index
      %parallel_loop3A_621 = tpu.vector_load %arg9[%parallel_loop3A_620] {strides = array<i32>} : memref<16384xf32, #tpu.memory_space<vmem>>, vector<16xf32>,
      tpu.vector_store %arg9[%parallel_loop3A_620], %parallel_loop3A_619 {strides = array<i32>} : memref<16384xf32, #tpu.memory_space<vmem>>, vector<16xf32>,
    } {sc.loop_unroll_factor = 8 : i64, sc.parallel_access}
    %dma_wait3A_240 = arith.constant 0 : i32
    %dma_wait3A_241 = arith.constant 0 : i32
    %dma_wait3A_242 = arith.constant 0 : i32
    %dma_wait3A_243 = tpu.memref_slice %arg7[%dma_wait3A_240, %dma_wait3A_242] : memref<2x4096xi32, #tpu.memory_space<vmem>> -> memref<1x4096xi32, #tpu.memory_space<vmem>>
    %dma_wait3A_244 = tpu.memref_squeeze %dma_wait3A_243 : memref<1x4096xi32, #tpu.memory_space<vmem>> -> memref<4096xi32, #tpu.memory_space<vmem>>
    %dma_wait3A_245 = arith.constant 8192 : i32
    %dma_wait3A_246 = tpu.memref_slice %arg10[%dma_wait3A_245] : memref<16384xi32, #tpu.memory_space<vmem_shared>> -> memref<4096xi32, #tpu.memory_space<vmem_shared>>
    %dma_wait3A_247 = tpu.memref_slice %arg14[%dma_wait3A_241] : memref<2x!tpu.dma_semaphore, #tpu.memory_space<semaphore_mem>> -> memref<1x!tpu.dma_semaphore, #tpu.memory_space<semaphore_mem>>
    %dma_wait3A_248 = tpu.memref_squeeze %dma_wait3A_247 : memref<1x!tpu.dma_semaphore, #tpu.memory_space<semaphore_mem>> -> memref<!tpu.dma_semaphore, #tpu.memory_space<semaphore_mem>>
    %dma_wait3A_249 = arith.constant 0 : i32
    %dma_wait3A_250 = tpu.memref_slice %arg7[%dma_wait3A_240, %dma_wait3A_249] : memref<2x4096xi32, #tpu.memory_space<vmem>> -> memref<1x4096xi32, #tpu.memory_space<vmem>>
    %dma_wait3A_251 = tpu.memref_squeeze %dma_wait3A_250 : memref<1x4096xi32, #tpu.memory_space<vmem>> -> memref<4096xi32, #tpu.memory_space<vmem>>
    %dma_wait3A_252 = arith.constant 8192 : i32
    %dma_wait3A_253 = tpu.memref_slice %arg10[%dma_wait3A_252] : memref<16384xi32, #tpu.memory_space<vmem_shared>> -> memref<4096xi32, #tpu.memory_space<vmem_shared>>
    tpu.wait_dma2 semaphore(%dma_wait3A_248 : memref<!tpu.dma_semaphore, #tpu.memory_space<semaphore_mem>>) src(%dma_wait3A_253 : memref<4096xi32, #tpu.memory_space<vmem_shared>>) dst(%dma_wait3A_251 : memref<4096xi32, #tpu.memory_space<vmem>>)
    %dma_start3A_254 = arith.constant 1 : i32
    %dma_start3A_255 = arith.constant 1 : i32
    %dma_start3A_256 = arith.constant 0 : i32
    %dma_start3A_257 = tpu.memref_slice %arg7[%dma_start3A_254, %dma_start3A_256] : memref<2x4096xi32, #tpu.memory_space<vmem>> -> memref<1x4096xi32, #tpu.memory_space<vmem>>
    %dma_start3A_258 = tpu.memref_squeeze %dma_start3A_257 : memref<1x4096xi32, #tpu.memory_space<vmem>> -> memref<4096xi32, #tpu.memory_space<vmem>>
    %dma_start3A_259 = arith.constant 12288 : i32
    %dma_start3A_260 = tpu.memref_slice %arg10[%dma_start3A_259] : memref<16384xi32, #tpu.memory_space<vmem_shared>> -> memref<4096xi32, #tpu.memory_space<vmem_shared>>
    %dma_start3A_261 = tpu.memref_slice %arg14[%dma_start3A_255] : memref<2x!tpu.dma_semaphore, #tpu.memory_space<semaphore_mem>> -> memref<1x!tpu.dma_semaphore, #tpu.memory_space<semaphore_mem>>
    %dma_start3A_262 = tpu.memref_squeeze %dma_start3A_261 : memref<1x!tpu.dma_semaphore, #tpu.memory_space<semaphore_mem>> -> memref<!tpu.dma_semaphore, #tpu.memory_space<semaphore_mem>>
    %dma_start3A_263 = arith.constant 0 : i32
    %dma_start3A_264 = tpu.memref_slice %arg7[%dma_start3A_254, %dma_start3A_263] : memref<2x4096xi32, #tpu.memory_space<vmem>> -> memref<1x4096xi32, #tpu.memory_space<vmem>>
    %dma_start3A_265 = tpu.memref_squeeze %dma_start3A_264 : memref<1x4096xi32, #tpu.memory_space<vmem>> -> memref<4096xi32, #tpu.memory_space<vmem>>
    %dma_start3A_266 = arith.constant 12288 : i32
    %dma_start3A_267 = tpu.memref_slice %arg10[%dma_start3A_266] : memref<16384xi32, #tpu.memory_space<vmem_shared>> -> memref<4096xi32, #tpu.memory_space<vmem_shared>>
    tpu.enqueue_dma source(%dma_start3A_267 : memref<4096xi32, #tpu.memory_space<vmem_shared>>) target(%dma_start3A_265 : memref<4096xi32, #tpu.memory_space<vmem>>) target_semaphore(%dma_start3A_262 : memref<!tpu.dma_semaphore, #tpu.memory_space<semaphore_mem>>)
    %parallel_loop3A_268 = arith.constant 0 : i32
    %parallel_loop3A_269 = arith.constant 256 : i32
    %parallel_loop3A_270 = arith.constant 1 : i32
    scf.for %parallel_loop3A_605 = %parallel_loop3A_268 to %parallel_loop3A_269 step %parallel_loop3A_270  : i32 {
      %parallel_loop3A_606 = arith.constant 16 : i32
      %parallel_loop3A_607 = arith.muli %parallel_loop3A_605, %parallel_loop3A_606 : i32
      %parallel_loop3A_608 = arith.constant 0 : i32
      %parallel_loop3A_609 = arith.index_cast %parallel_loop3A_608 : i32 to index
      %parallel_loop3A_610 = arith.index_cast %parallel_loop3A_607 : i32 to index
      %parallel_loop3A_611 = tpu.vector_load %arg7[%parallel_loop3A_609, %parallel_loop3A_610] {strides = array<i32>} : memref<2x4096xi32, #tpu.memory_space<vmem>>, vector<16xi32>,
      %parallel_loop3A_612 = tpu.vector_load_idx %arg8[%parallel_loop3A_611] : memref<100000xf32, #tpu.memory_space<vmem>>[vector<16xi32>], vector<16xf32>,
      %parallel_loop3A_613 = arith.constant 16 : i32
      %parallel_loop3A_614 = arith.muli %parallel_loop3A_605, %parallel_loop3A_613 : i32
      %parallel_loop3A_615 = arith.constant 8192 : i32
      %parallel_loop3A_616 = arith.addi %parallel_loop3A_615, %parallel_loop3A_614 : i32
      %parallel_loop3A_617 = arith.index_cast %parallel_loop3A_616 : i32 to index
      %parallel_loop3A_618 = tpu.vector_load %arg9[%parallel_loop3A_617] {strides = array<i32>} : memref<16384xf32, #tpu.memory_space<vmem>>, vector<16xf32>,
      %parallel_loop3A_619 = arith.addf %parallel_loop3A_618, %parallel_loop3A_612 : vector<16xf32>
      %parallel_loop3A_620 = arith.index_cast %parallel_loop3A_616 : i32 to index
      %parallel_loop3A_621 = tpu.vector_load %arg9[%parallel_loop3A_620] {strides = array<i32>} : memref<16384xf32, #tpu.memory_space<vmem>>, vector<16xf32>,
      tpu.vector_store %arg9[%parallel_loop3A_620], %parallel_loop3A_619 {strides = array<i32>} : memref<16384xf32, #tpu.memory_space<vmem>>, vector<16xf32>,
    } {sc.loop_unroll_factor = 8 : i64, sc.parallel_access}
    %dma_wait3A_271 = arith.constant 1 : i32
    %dma_wait3A_272 = arith.constant 1 : i32
    %dma_wait3A_273 = arith.constant 0 : i32
    %dma_wait3A_274 = tpu.memref_slice %arg7[%dma_wait3A_271, %dma_wait3A_273] : memref<2x4096xi32, #tpu.memory_space<vmem>> -> memref<1x4096xi32, #tpu.memory_space<vmem>>
    %dma_wait3A_275 = tpu.memref_squeeze %dma_wait3A_274 : memref<1x4096xi32, #tpu.memory_space<vmem>> -> memref<4096xi32, #tpu.memory_space<vmem>>
    %dma_wait3A_276 = arith.constant 12288 : i32
    %dma_wait3A_277 = tpu.memref_slice %arg10[%dma_wait3A_276] : memref<16384xi32, #tpu.memory_space<vmem_shared>> -> memref<4096xi32, #tpu.memory_space<vmem_shared>>
    %dma_wait3A_278 = tpu.memref_slice %arg14[%dma_wait3A_272] : memref<2x!tpu.dma_semaphore, #tpu.memory_space<semaphore_mem>> -> memref<1x!tpu.dma_semaphore, #tpu.memory_space<semaphore_mem>>
    %dma_wait3A_279 = tpu.memref_squeeze %dma_wait3A_278 : memref<1x!tpu.dma_semaphore, #tpu.memory_space<semaphore_mem>> -> memref<!tpu.dma_semaphore, #tpu.memory_space<semaphore_mem>>
    %dma_wait3A_280 = arith.constant 0 : i32
    %dma_wait3A_281 = tpu.memref_slice %arg7[%dma_wait3A_271, %dma_wait3A_280] : memref<2x4096xi32, #tpu.memory_space<vmem>> -> memref<1x4096xi32, #tpu.memory_space<vmem>>
    %dma_wait3A_282 = tpu.memref_squeeze %dma_wait3A_281 : memref<1x4096xi32, #tpu.memory_space<vmem>> -> memref<4096xi32, #tpu.memory_space<vmem>>
    %dma_wait3A_283 = arith.constant 12288 : i32
    %dma_wait3A_284 = tpu.memref_slice %arg10[%dma_wait3A_283] : memref<16384xi32, #tpu.memory_space<vmem_shared>> -> memref<4096xi32, #tpu.memory_space<vmem_shared>>
    tpu.wait_dma2 semaphore(%dma_wait3A_279 : memref<!tpu.dma_semaphore, #tpu.memory_space<semaphore_mem>>) src(%dma_wait3A_284 : memref<4096xi32, #tpu.memory_space<vmem_shared>>) dst(%dma_wait3A_282 : memref<4096xi32, #tpu.memory_space<vmem>>)
    %dma_start3A_285 = arith.constant 0 : i32
    %dma_start3A_286 = arith.constant 0 : i32
    %dma_start3A_287 = arith.constant 0 : i32
    %dma_start3A_288 = tpu.memref_slice %arg7[%dma_start3A_285, %dma_start3A_287] : memref<2x4096xi32, #tpu.memory_space<vmem>> -> memref<1x4096xi32, #tpu.memory_space<vmem>>
    %dma_start3A_289 = tpu.memref_squeeze %dma_start3A_288 : memref<1x4096xi32, #tpu.memory_space<vmem>> -> memref<4096xi32, #tpu.memory_space<vmem>>
    %dma_start3A_290 = arith.constant 0 : i32
    %dma_start3A_291 = tpu.memref_slice %arg10[%dma_start3A_290] : memref<16384xi32, #tpu.memory_space<vmem_shared>> -> memref<4096xi32, #tpu.memory_space<vmem_shared>>
    %dma_start3A_292 = tpu.memref_slice %arg14[%dma_start3A_286] : memref<2x!tpu.dma_semaphore, #tpu.memory_space<semaphore_mem>> -> memref<1x!tpu.dma_semaphore, #tpu.memory_space<semaphore_mem>>
    %dma_start3A_293 = tpu.memref_squeeze %dma_start3A_292 : memref<1x!tpu.dma_semaphore, #tpu.memory_space<semaphore_mem>> -> memref<!tpu.dma_semaphore, #tpu.memory_space<semaphore_mem>>
    %dma_start3A_294 = arith.constant 0 : i32
    %dma_start3A_295 = tpu.memref_slice %arg7[%dma_start3A_285, %dma_start3A_294] : memref<2x4096xi32, #tpu.memory_space<vmem>> -> memref<1x4096xi32, #tpu.memory_space<vmem>>
    %dma_start3A_296 = tpu.memref_squeeze %dma_start3A_295 : memref<1x4096xi32, #tpu.memory_space<vmem>> -> memref<4096xi32, #tpu.memory_space<vmem>>
    %dma_start3A_297 = arith.constant 0 : i32
    %dma_start3A_298 = tpu.memref_slice %arg10[%dma_start3A_297] : memref<16384xi32, #tpu.memory_space<vmem_shared>> -> memref<4096xi32, #tpu.memory_space<vmem_shared>>
    tpu.enqueue_dma source(%dma_start3A_298 : memref<4096xi32, #tpu.memory_space<vmem_shared>>) target(%dma_start3A_296 : memref<4096xi32, #tpu.memory_space<vmem>>) target_semaphore(%dma_start3A_293 : memref<!tpu.dma_semaphore, #tpu.memory_space<semaphore_mem>>)
    %parallel_loop3A_299 = arith.constant 0 : i32
    %parallel_loop3A_300 = arith.constant 256 : i32
    %parallel_loop3A_301 = arith.constant 1 : i32
    scf.for %parallel_loop3A_605 = %parallel_loop3A_299 to %parallel_loop3A_300 step %parallel_loop3A_301  : i32 {
      %parallel_loop3A_606 = arith.constant 16 : i32
      %parallel_loop3A_607 = arith.muli %parallel_loop3A_605, %parallel_loop3A_606 : i32
      %parallel_loop3A_608 = arith.constant 1 : i32
      %parallel_loop3A_609 = arith.index_cast %parallel_loop3A_608 : i32 to index
      %parallel_loop3A_610 = arith.index_cast %parallel_loop3A_607 : i32 to index
      %parallel_loop3A_611 = tpu.vector_load %arg7[%parallel_loop3A_609, %parallel_loop3A_610] {strides = array<i32>} : memref<2x4096xi32, #tpu.memory_space<vmem>>, vector<16xi32>,
      %parallel_loop3A_612 = tpu.vector_load_idx %arg8[%parallel_loop3A_611] : memref<100000xf32, #tpu.memory_space<vmem>>[vector<16xi32>], vector<16xf32>,
      %parallel_loop3A_613 = arith.constant 16 : i32
      %parallel_loop3A_614 = arith.muli %parallel_loop3A_605, %parallel_loop3A_613 : i32
      %parallel_loop3A_615 = arith.constant 12288 : i32
      %parallel_loop3A_616 = arith.addi %parallel_loop3A_615, %parallel_loop3A_614 : i32
      %parallel_loop3A_617 = arith.index_cast %parallel_loop3A_616 : i32 to index
      %parallel_loop3A_618 = tpu.vector_load %arg9[%parallel_loop3A_617] {strides = array<i32>} : memref<16384xf32, #tpu.memory_space<vmem>>, vector<16xf32>,
      %parallel_loop3A_619 = arith.addf %parallel_loop3A_618, %parallel_loop3A_612 : vector<16xf32>
      %parallel_loop3A_620 = arith.index_cast %parallel_loop3A_616 : i32 to index
      %parallel_loop3A_621 = tpu.vector_load %arg9[%parallel_loop3A_620] {strides = array<i32>} : memref<16384xf32, #tpu.memory_space<vmem>>, vector<16xf32>,
      tpu.vector_store %arg9[%parallel_loop3A_620], %parallel_loop3A_619 {strides = array<i32>} : memref<16384xf32, #tpu.memory_space<vmem>>, vector<16xf32>,
    } {sc.loop_unroll_factor = 8 : i64, sc.parallel_access}
    %dma_start3A_302 = arith.constant 0 : i32
    %dma_start3A_303 = tpu.memref_slice %arg6[%add3A_31, %dma_start3A_302] : memref<64x16384xf32, #tpu.memory_space<hbm>> -> memref<1x16384xf32, #tpu.memory_space<hbm>>
    %dma_start3A_304 = tpu.memref_squeeze %dma_start3A_303 : memref<1x16384xf32, #tpu.memory_space<hbm>> -> memref<16384xf32, #tpu.memory_space<hbm>>
    %dma_start3A_305 = arith.constant 0 : i32
    %dma_start3A_306 = tpu.memref_slice %arg6[%add3A_31, %dma_start3A_305] : memref<64x16384xf32, #tpu.memory_space<hbm>> -> memref<1x16384xf32, #tpu.memory_space<hbm>>
    %dma_start3A_307 = tpu.memref_squeeze %dma_start3A_306 : memref<1x16384xf32, #tpu.memory_space<hbm>> -> memref<16384xf32, #tpu.memory_space<hbm>>
    tpu.enqueue_dma source(%arg9 : memref<16384xf32, #tpu.memory_space<vmem>>) target(%dma_start3A_307 : memref<16384xf32, #tpu.memory_space<hbm>>) target_semaphore(%arg13 : memref<!tpu.dma_semaphore, #tpu.memory_space<semaphore_mem>>)
    %add3A_308 = arith.constant 1 : i32
    %add3A_309 = arith.addi %add3A_31, %add3A_308 : i32
    %dma_start3A_310 = arith.constant 0 : i32
    %dma_start3A_311 = tpu.memref_slice %arg4[%add3A_309, %dma_start3A_310] : memref<64x100000xf32, #tpu.memory_space<hbm>> -> memref<1x100000xf32, #tpu.memory_space<hbm>>
    %dma_start3A_312 = tpu.memref_squeeze %dma_start3A_311 : memref<1x100000xf32, #tpu.memory_space<hbm>> -> memref<100000xf32, #tpu.memory_space<hbm>>
    %dma_start3A_313 = arith.constant 0 : i32
    %dma_start3A_314 = tpu.memref_slice %arg4[%add3A_309, %dma_start3A_313] : memref<64x100000xf32, #tpu.memory_space<hbm>> -> memref<1x100000xf32, #tpu.memory_space<hbm>>
    %dma_start3A_315 = tpu.memref_squeeze %dma_start3A_314 : memref<1x100000xf32, #tpu.memory_space<hbm>> -> memref<100000xf32, #tpu.memory_space<hbm>>
    tpu.enqueue_dma source(%dma_start3A_315 : memref<100000xf32, #tpu.memory_space<hbm>>) target(%arg8 : memref<100000xf32, #tpu.memory_space<vmem>>) target_semaphore(%arg11 : memref<!tpu.dma_semaphore, #tpu.memory_space<semaphore_mem>>)
    %dma_wait3A_316 = arith.constant 0 : i32
    %dma_wait3A_317 = tpu.memref_slice %arg6[%add3A_31, %dma_wait3A_316] : memref<64x16384xf32, #tpu.memory_space<hbm>> -> memref<1x16384xf32, #tpu.memory_space<hbm>>
    %dma_wait3A_318 = tpu.memref_squeeze %dma_wait3A_317 : memref<1x16384xf32, #tpu.memory_space<hbm>> -> memref<16384xf32, #tpu.memory_space<hbm>>
    %dma_wait3A_319 = arith.constant 0 : i32
    %dma_wait3A_320 = tpu.memref_slice %arg6[%add3A_31, %dma_wait3A_319] : memref<64x16384xf32, #tpu.memory_space<hbm>> -> memref<1x16384xf32, #tpu.memory_space<hbm>>
    %dma_wait3A_321 = tpu.memref_squeeze %dma_wait3A_320 : memref<1x16384xf32, #tpu.memory_space<hbm>> -> memref<16384xf32, #tpu.memory_space<hbm>>
    tpu.wait_dma2 semaphore(%arg13 : memref<!tpu.dma_semaphore, #tpu.memory_space<semaphore_mem>>) src(%arg9 : memref<16384xf32, #tpu.memory_space<vmem>>) dst(%dma_wait3A_321 : memref<16384xf32, #tpu.memory_space<hbm>>)
    %add3A_322 = arith.constant 1 : i32
    %add3A_323 = arith.addi %add3A_31, %add3A_322 : i32
    %dma_start3A_324 = arith.constant 0 : i32
    %dma_start3A_325 = tpu.memref_slice %arg2[%add3A_323, %dma_start3A_324] : memref<64x16384xf32, #tpu.memory_space<hbm>> -> memref<1x16384xf32, #tpu.memory_space<hbm>>
    %dma_start3A_326 = tpu.memref_squeeze %dma_start3A_325 : memref<1x16384xf32, #tpu.memory_space<hbm>> -> memref<16384xf32, #tpu.memory_space<hbm>>
    %dma_start3A_327 = arith.constant 0 : i32
    %dma_start3A_328 = tpu.memref_slice %arg2[%add3A_323, %dma_start3A_327] : memref<64x16384xf32, #tpu.memory_space<hbm>> -> memref<1x16384xf32, #tpu.memory_space<hbm>>
    %dma_start3A_329 = tpu.memref_squeeze %dma_start3A_328 : memref<1x16384xf32, #tpu.memory_space<hbm>> -> memref<16384xf32, #tpu.memory_space<hbm>>
    tpu.enqueue_dma source(%dma_start3A_329 : memref<16384xf32, #tpu.memory_space<hbm>>) target(%arg9 : memref<16384xf32, #tpu.memory_space<vmem>>) target_semaphore(%arg12 : memref<!tpu.dma_semaphore, #tpu.memory_space<semaphore_mem>>)
    %add3A_330 = arith.constant 1 : i32
    %add3A_331 = arith.addi %mul3A_2, %add3A_330 : i32
    %dma_wait3A_332 = arith.constant 0 : i32
    %dma_wait3A_333 = tpu.memref_slice %arg4[%add3A_331, %dma_wait3A_332] : memref<64x100000xf32, #tpu.memory_space<hbm>> -> memref<1x100000xf32, #tpu.memory_space<hbm>>
    %dma_wait3A_334 = tpu.memref_squeeze %dma_wait3A_333 : memref<1x100000xf32, #tpu.memory_space<hbm>> -> memref<100000xf32, #tpu.memory_space<hbm>>
    %dma_wait3A_335 = arith.constant 0 : i32
    %dma_wait3A_336 = tpu.memref_slice %arg4[%add3A_331, %dma_wait3A_335] : memref<64x100000xf32, #tpu.memory_space<hbm>> -> memref<1x100000xf32, #tpu.memory_space<hbm>>
    %dma_wait3A_337 = tpu.memref_squeeze %dma_wait3A_336 : memref<1x100000xf32, #tpu.memory_space<hbm>> -> memref<100000xf32, #tpu.memory_space<hbm>>
    tpu.wait_dma2 semaphore(%arg11 : memref<!tpu.dma_semaphore, #tpu.memory_space<semaphore_mem>>) src(%dma_wait3A_337 : memref<100000xf32, #tpu.memory_space<hbm>>) dst(%arg8 : memref<100000xf32, #tpu.memory_space<vmem>>)
    %dma_wait3A_338 = arith.constant 0 : i32
    %dma_wait3A_339 = tpu.memref_slice %arg2[%add3A_331, %dma_wait3A_338] : memref<64x16384xf32, #tpu.memory_space<hbm>> -> memref<1x16384xf32, #tpu.memory_space<hbm>>
    %dma_wait3A_340 = tpu.memref_squeeze %dma_wait3A_339 : memref<1x16384xf32, #tpu.memory_space<hbm>> -> memref<16384xf32, #tpu.memory_space<hbm>>
    %dma_wait3A_341 = arith.constant 0 : i32
    %dma_wait3A_342 = tpu.memref_slice %arg2[%add3A_331, %dma_wait3A_341] : memref<64x16384xf32, #tpu.memory_space<hbm>> -> memref<1x16384xf32, #tpu.memory_space<hbm>>
    %dma_wait3A_343 = tpu.memref_squeeze %dma_wait3A_342 : memref<1x16384xf32, #tpu.memory_space<hbm>> -> memref<16384xf32, #tpu.memory_space<hbm>>
    tpu.wait_dma2 semaphore(%arg12 : memref<!tpu.dma_semaphore, #tpu.memory_space<semaphore_mem>>) src(%dma_wait3A_343 : memref<16384xf32, #tpu.memory_space<hbm>>) dst(%arg9 : memref<16384xf32, #tpu.memory_space<vmem>>)
    %dma_wait3A_344 = arith.constant 0 : i32
    %dma_wait3A_345 = arith.constant 0 : i32
    %dma_wait3A_346 = arith.constant 0 : i32
    %dma_wait3A_347 = tpu.memref_slice %arg7[%dma_wait3A_344, %dma_wait3A_346] : memref<2x4096xi32, #tpu.memory_space<vmem>> -> memref<1x4096xi32, #tpu.memory_space<vmem>>
    %dma_wait3A_348 = tpu.memref_squeeze %dma_wait3A_347 : memref<1x4096xi32, #tpu.memory_space<vmem>> -> memref<4096xi32, #tpu.memory_space<vmem>>
    %dma_wait3A_349 = arith.constant 0 : i32
    %dma_wait3A_350 = tpu.memref_slice %arg10[%dma_wait3A_349] : memref<16384xi32, #tpu.memory_space<vmem_shared>> -> memref<4096xi32, #tpu.memory_space<vmem_shared>>
    %dma_wait3A_351 = tpu.memref_slice %arg14[%dma_wait3A_345] : memref<2x!tpu.dma_semaphore, #tpu.memory_space<semaphore_mem>> -> memref<1x!tpu.dma_semaphore, #tpu.memory_space<semaphore_mem>>
    %dma_wait3A_352 = tpu.memref_squeeze %dma_wait3A_351 : memref<1x!tpu.dma_semaphore, #tpu.memory_space<semaphore_mem>> -> memref<!tpu.dma_semaphore, #tpu.memory_space<semaphore_mem>>
    %dma_wait3A_353 = arith.constant 0 : i32
    %dma_wait3A_354 = tpu.memref_slice %arg7[%dma_wait3A_344, %dma_wait3A_353] : memref<2x4096xi32, #tpu.memory_space<vmem>> -> memref<1x4096xi32, #tpu.memory_space<vmem>>
    %dma_wait3A_355 = tpu.memref_squeeze %dma_wait3A_354 : memref<1x4096xi32, #tpu.memory_space<vmem>> -> memref<4096xi32, #tpu.memory_space<vmem>>
    %dma_wait3A_356 = arith.constant 0 : i32
    %dma_wait3A_357 = tpu.memref_slice %arg10[%dma_wait3A_356] : memref<16384xi32, #tpu.memory_space<vmem_shared>> -> memref<4096xi32, #tpu.memory_space<vmem_shared>>
    tpu.wait_dma2 semaphore(%dma_wait3A_352 : memref<!tpu.dma_semaphore, #tpu.memory_space<semaphore_mem>>) src(%dma_wait3A_357 : memref<4096xi32, #tpu.memory_space<vmem_shared>>) dst(%dma_wait3A_355 : memref<4096xi32, #tpu.memory_space<vmem>>)
    %dma_start3A_358 = arith.constant 1 : i32
    %dma_start3A_359 = arith.constant 1 : i32
    %dma_start3A_360 = arith.constant 0 : i32
    %dma_start3A_361 = tpu.memref_slice %arg7[%dma_start3A_358, %dma_start3A_360] : memref<2x4096xi32, #tpu.memory_space<vmem>> -> memref<1x4096xi32, #tpu.memory_space<vmem>>
    %dma_start3A_362 = tpu.memref_squeeze %dma_start3A_361 : memref<1x4096xi32, #tpu.memory_space<vmem>> -> memref<4096xi32, #tpu.memory_space<vmem>>
    %dma_start3A_363 = arith.constant 4096 : i32
    %dma_start3A_364 = tpu.memref_slice %arg10[%dma_start3A_363] : memref<16384xi32, #tpu.memory_space<vmem_shared>> -> memref<4096xi32, #tpu.memory_space<vmem_shared>>
    %dma_start3A_365 = tpu.memref_slice %arg14[%dma_start3A_359] : memref<2x!tpu.dma_semaphore, #tpu.memory_space<semaphore_mem>> -> memref<1x!tpu.dma_semaphore, #tpu.memory_space<semaphore_mem>>
    %dma_start3A_366 = tpu.memref_squeeze %dma_start3A_365 : memref<1x!tpu.dma_semaphore, #tpu.memory_space<semaphore_mem>> -> memref<!tpu.dma_semaphore, #tpu.memory_space<semaphore_mem>>
    %dma_start3A_367 = arith.constant 0 : i32
    %dma_start3A_368 = tpu.memref_slice %arg7[%dma_start3A_358, %dma_start3A_367] : memref<2x4096xi32, #tpu.memory_space<vmem>> -> memref<1x4096xi32, #tpu.memory_space<vmem>>
    %dma_start3A_369 = tpu.memref_squeeze %dma_start3A_368 : memref<1x4096xi32, #tpu.memory_space<vmem>> -> memref<4096xi32, #tpu.memory_space<vmem>>
    %dma_start3A_370 = arith.constant 4096 : i32
    %dma_start3A_371 = tpu.memref_slice %arg10[%dma_start3A_370] : memref<16384xi32, #tpu.memory_space<vmem_shared>> -> memref<4096xi32, #tpu.memory_space<vmem_shared>>
    tpu.enqueue_dma source(%dma_start3A_371 : memref<4096xi32, #tpu.memory_space<vmem_shared>>) target(%dma_start3A_369 : memref<4096xi32, #tpu.memory_space<vmem>>) target_semaphore(%dma_start3A_366 : memref<!tpu.dma_semaphore, #tpu.memory_space<semaphore_mem>>)
    %parallel_loop3A_372 = arith.constant 0 : i32
    %parallel_loop3A_373 = arith.constant 256 : i32
    %parallel_loop3A_374 = arith.constant 1 : i32
    scf.for %parallel_loop3A_605 = %parallel_loop3A_372 to %parallel_loop3A_373 step %parallel_loop3A_374  : i32 {
      %parallel_loop3A_606 = arith.constant 16 : i32
      %parallel_loop3A_607 = arith.muli %parallel_loop3A_605, %parallel_loop3A_606 : i32
      %parallel_loop3A_608 = arith.constant 0 : i32
      %parallel_loop3A_609 = arith.index_cast %parallel_loop3A_608 : i32 to index
      %parallel_loop3A_610 = arith.index_cast %parallel_loop3A_607 : i32 to index
      %parallel_loop3A_611 = tpu.vector_load %arg7[%parallel_loop3A_609, %parallel_loop3A_610] {strides = array<i32>} : memref<2x4096xi32, #tpu.memory_space<vmem>>, vector<16xi32>,
      %parallel_loop3A_612 = tpu.vector_load_idx %arg8[%parallel_loop3A_611] : memref<100000xf32, #tpu.memory_space<vmem>>[vector<16xi32>], vector<16xf32>,
      %parallel_loop3A_613 = arith.constant 16 : i32
      %parallel_loop3A_614 = arith.muli %parallel_loop3A_605, %parallel_loop3A_613 : i32
      %parallel_loop3A_615 = arith.constant 0 : i32
      %parallel_loop3A_616 = arith.addi %parallel_loop3A_615, %parallel_loop3A_614 : i32
      %parallel_loop3A_617 = arith.index_cast %parallel_loop3A_616 : i32 to index
      %parallel_loop3A_618 = tpu.vector_load %arg9[%parallel_loop3A_617] {strides = array<i32>} : memref<16384xf32, #tpu.memory_space<vmem>>, vector<16xf32>,
      %parallel_loop3A_619 = arith.mulf %parallel_loop3A_618, %parallel_loop3A_612 : vector<16xf32>
      %parallel_loop3A_620 = arith.index_cast %parallel_loop3A_616 : i32 to index
      %parallel_loop3A_621 = tpu.vector_load %arg9[%parallel_loop3A_620] {strides = array<i32>} : memref<16384xf32, #tpu.memory_space<vmem>>, vector<16xf32>,
      tpu.vector_store %arg9[%parallel_loop3A_620], %parallel_loop3A_619 {strides = array<i32>} : memref<16384xf32, #tpu.memory_space<vmem>>, vector<16xf32>,
    } {sc.loop_unroll_factor = 8 : i64, sc.parallel_access}
    %dma_wait3A_375 = arith.constant 1 : i32
    %dma_wait3A_376 = arith.constant 1 : i32
    %dma_wait3A_377 = arith.constant 0 : i32
    %dma_wait3A_378 = tpu.memref_slice %arg7[%dma_wait3A_375, %dma_wait3A_377] : memref<2x4096xi32, #tpu.memory_space<vmem>> -> memref<1x4096xi32, #tpu.memory_space<vmem>>
    %dma_wait3A_379 = tpu.memref_squeeze %dma_wait3A_378 : memref<1x4096xi32, #tpu.memory_space<vmem>> -> memref<4096xi32, #tpu.memory_space<vmem>>
    %dma_wait3A_380 = arith.constant 4096 : i32
    %dma_wait3A_381 = tpu.memref_slice %arg10[%dma_wait3A_380] : memref<16384xi32, #tpu.memory_space<vmem_shared>> -> memref<4096xi32, #tpu.memory_space<vmem_shared>>
    %dma_wait3A_382 = tpu.memref_slice %arg14[%dma_wait3A_376] : memref<2x!tpu.dma_semaphore, #tpu.memory_space<semaphore_mem>> -> memref<1x!tpu.dma_semaphore, #tpu.memory_space<semaphore_mem>>
    %dma_wait3A_383 = tpu.memref_squeeze %dma_wait3A_382 : memref<1x!tpu.dma_semaphore, #tpu.memory_space<semaphore_mem>> -> memref<!tpu.dma_semaphore, #tpu.memory_space<semaphore_mem>>
    %dma_wait3A_384 = arith.constant 0 : i32
    %dma_wait3A_385 = tpu.memref_slice %arg7[%dma_wait3A_375, %dma_wait3A_384] : memref<2x4096xi32, #tpu.memory_space<vmem>> -> memref<1x4096xi32, #tpu.memory_space<vmem>>
    %dma_wait3A_386 = tpu.memref_squeeze %dma_wait3A_385 : memref<1x4096xi32, #tpu.memory_space<vmem>> -> memref<4096xi32, #tpu.memory_space<vmem>>
    %dma_wait3A_387 = arith.constant 4096 : i32
    %dma_wait3A_388 = tpu.memref_slice %arg10[%dma_wait3A_387] : memref<16384xi32, #tpu.memory_space<vmem_shared>> -> memref<4096xi32, #tpu.memory_space<vmem_shared>>
    tpu.wait_dma2 semaphore(%dma_wait3A_383 : memref<!tpu.dma_semaphore, #tpu.memory_space<semaphore_mem>>) src(%dma_wait3A_388 : memref<4096xi32, #tpu.memory_space<vmem_shared>>) dst(%dma_wait3A_386 : memref<4096xi32, #tpu.memory_space<vmem>>)
    %dma_start3A_389 = arith.constant 0 : i32
    %dma_start3A_390 = arith.constant 0 : i32
    %dma_start3A_391 = arith.constant 0 : i32
    %dma_start3A_392 = tpu.memref_slice %arg7[%dma_start3A_389, %dma_start3A_391] : memref<2x4096xi32, #tpu.memory_space<vmem>> -> memref<1x4096xi32, #tpu.memory_space<vmem>>
    %dma_start3A_393 = tpu.memref_squeeze %dma_start3A_392 : memref<1x4096xi32, #tpu.memory_space<vmem>> -> memref<4096xi32, #tpu.memory_space<vmem>>
    %dma_start3A_394 = arith.constant 8192 : i32
    %dma_start3A_395 = tpu.memref_slice %arg10[%dma_start3A_394] : memref<16384xi32, #tpu.memory_space<vmem_shared>> -> memref<4096xi32, #tpu.memory_space<vmem_shared>>
    %dma_start3A_396 = tpu.memref_slice %arg14[%dma_start3A_390] : memref<2x!tpu.dma_semaphore, #tpu.memory_space<semaphore_mem>> -> memref<1x!tpu.dma_semaphore, #tpu.memory_space<semaphore_mem>>
    %dma_start3A_397 = tpu.memref_squeeze %dma_start3A_396 : memref<1x!tpu.dma_semaphore, #tpu.memory_space<semaphore_mem>> -> memref<!tpu.dma_semaphore, #tpu.memory_space<semaphore_mem>>
    %dma_start3A_398 = arith.constant 0 : i32
    %dma_start3A_399 = tpu.memref_slice %arg7[%dma_start3A_389, %dma_start3A_398] : memref<2x4096xi32, #tpu.memory_space<vmem>> -> memref<1x4096xi32, #tpu.memory_space<vmem>>
    %dma_start3A_400 = tpu.memref_squeeze %dma_start3A_399 : memref<1x4096xi32, #tpu.memory_space<vmem>> -> memref<4096xi32, #tpu.memory_space<vmem>>
    %dma_start3A_401 = arith.constant 8192 : i32
    %dma_start3A_402 = tpu.memref_slice %arg10[%dma_start3A_401] : memref<16384xi32, #tpu.memory_space<vmem_shared>> -> memref<4096xi32, #tpu.memory_space<vmem_shared>>
    tpu.enqueue_dma source(%dma_start3A_402 : memref<4096xi32, #tpu.memory_space<vmem_shared>>) target(%dma_start3A_400 : memref<4096xi32, #tpu.memory_space<vmem>>) target_semaphore(%dma_start3A_397 : memref<!tpu.dma_semaphore, #tpu.memory_space<semaphore_mem>>)
    %parallel_loop3A_403 = arith.constant 0 : i32
    %parallel_loop3A_404 = arith.constant 256 : i32
    %parallel_loop3A_405 = arith.constant 1 : i32
    scf.for %parallel_loop3A_605 = %parallel_loop3A_403 to %parallel_loop3A_404 step %parallel_loop3A_405  : i32 {
      %parallel_loop3A_606 = arith.constant 16 : i32
      %parallel_loop3A_607 = arith.muli %parallel_loop3A_605, %parallel_loop3A_606 : i32
      %parallel_loop3A_608 = arith.constant 1 : i32
      %parallel_loop3A_609 = arith.index_cast %parallel_loop3A_608 : i32 to index
      %parallel_loop3A_610 = arith.index_cast %parallel_loop3A_607 : i32 to index
      %parallel_loop3A_611 = tpu.vector_load %arg7[%parallel_loop3A_609, %parallel_loop3A_610] {strides = array<i32>} : memref<2x4096xi32, #tpu.memory_space<vmem>>, vector<16xi32>,
      %parallel_loop3A_612 = tpu.vector_load_idx %arg8[%parallel_loop3A_611] : memref<100000xf32, #tpu.memory_space<vmem>>[vector<16xi32>], vector<16xf32>,
      %parallel_loop3A_613 = arith.constant 16 : i32
      %parallel_loop3A_614 = arith.muli %parallel_loop3A_605, %parallel_loop3A_613 : i32
      %parallel_loop3A_615 = arith.constant 4096 : i32
      %parallel_loop3A_616 = arith.addi %parallel_loop3A_615, %parallel_loop3A_614 : i32
      %parallel_loop3A_617 = arith.index_cast %parallel_loop3A_616 : i32 to index
      %parallel_loop3A_618 = tpu.vector_load %arg9[%parallel_loop3A_617] {strides = array<i32>} : memref<16384xf32, #tpu.memory_space<vmem>>, vector<16xf32>,
      %parallel_loop3A_619 = arith.mulf %parallel_loop3A_618, %parallel_loop3A_612 : vector<16xf32>
      %parallel_loop3A_620 = arith.index_cast %parallel_loop3A_616 : i32 to index
      %parallel_loop3A_621 = tpu.vector_load %arg9[%parallel_loop3A_620] {strides = array<i32>} : memref<16384xf32, #tpu.memory_space<vmem>>, vector<16xf32>,
      tpu.vector_store %arg9[%parallel_loop3A_620], %parallel_loop3A_619 {strides = array<i32>} : memref<16384xf32, #tpu.memory_space<vmem>>, vector<16xf32>,
    } {sc.loop_unroll_factor = 8 : i64, sc.parallel_access}
    %dma_wait3A_406 = arith.constant 0 : i32
    %dma_wait3A_407 = arith.constant 0 : i32
    %dma_wait3A_408 = arith.constant 0 : i32
    %dma_wait3A_409 = tpu.memref_slice %arg7[%dma_wait3A_406, %dma_wait3A_408] : memref<2x4096xi32, #tpu.memory_space<vmem>> -> memref<1x4096xi32, #tpu.memory_space<vmem>>
    %dma_wait3A_410 = tpu.memref_squeeze %dma_wait3A_409 : memref<1x4096xi32, #tpu.memory_space<vmem>> -> memref<4096xi32, #tpu.memory_space<vmem>>
    %dma_wait3A_411 = arith.constant 8192 : i32
    %dma_wait3A_412 = tpu.memref_slice %arg10[%dma_wait3A_411] : memref<16384xi32, #tpu.memory_space<vmem_shared>> -> memref<4096xi32, #tpu.memory_space<vmem_shared>>
    %dma_wait3A_413 = tpu.memref_slice %arg14[%dma_wait3A_407] : memref<2x!tpu.dma_semaphore, #tpu.memory_space<semaphore_mem>> -> memref<1x!tpu.dma_semaphore, #tpu.memory_space<semaphore_mem>>
    %dma_wait3A_414 = tpu.memref_squeeze %dma_wait3A_413 : memref<1x!tpu.dma_semaphore, #tpu.memory_space<semaphore_mem>> -> memref<!tpu.dma_semaphore, #tpu.memory_space<semaphore_mem>>
    %dma_wait3A_415 = arith.constant 0 : i32
    %dma_wait3A_416 = tpu.memref_slice %arg7[%dma_wait3A_406, %dma_wait3A_415] : memref<2x4096xi32, #tpu.memory_space<vmem>> -> memref<1x4096xi32, #tpu.memory_space<vmem>>
    %dma_wait3A_417 = tpu.memref_squeeze %dma_wait3A_416 : memref<1x4096xi32, #tpu.memory_space<vmem>> -> memref<4096xi32, #tpu.memory_space<vmem>>
    %dma_wait3A_418 = arith.constant 8192 : i32
    %dma_wait3A_419 = tpu.memref_slice %arg10[%dma_wait3A_418] : memref<16384xi32, #tpu.memory_space<vmem_shared>> -> memref<4096xi32, #tpu.memory_space<vmem_shared>>
    tpu.wait_dma2 semaphore(%dma_wait3A_414 : memref<!tpu.dma_semaphore, #tpu.memory_space<semaphore_mem>>) src(%dma_wait3A_419 : memref<4096xi32, #tpu.memory_space<vmem_shared>>) dst(%dma_wait3A_417 : memref<4096xi32, #tpu.memory_space<vmem>>)
    %dma_start3A_420 = arith.constant 1 : i32
    %dma_start3A_421 = arith.constant 1 : i32
    %dma_start3A_422 = arith.constant 0 : i32
    %dma_start3A_423 = tpu.memref_slice %arg7[%dma_start3A_420, %dma_start3A_422] : memref<2x4096xi32, #tpu.memory_space<vmem>> -> memref<1x4096xi32, #tpu.memory_space<vmem>>
    %dma_start3A_424 = tpu.memref_squeeze %dma_start3A_423 : memref<1x4096xi32, #tpu.memory_space<vmem>> -> memref<4096xi32, #tpu.memory_space<vmem>>
    %dma_start3A_425 = arith.constant 12288 : i32
    %dma_start3A_426 = tpu.memref_slice %arg10[%dma_start3A_425] : memref<16384xi32, #tpu.memory_space<vmem_shared>> -> memref<4096xi32, #tpu.memory_space<vmem_shared>>
    %dma_start3A_427 = tpu.memref_slice %arg14[%dma_start3A_421] : memref<2x!tpu.dma_semaphore, #tpu.memory_space<semaphore_mem>> -> memref<1x!tpu.dma_semaphore, #tpu.memory_space<semaphore_mem>>
    %dma_start3A_428 = tpu.memref_squeeze %dma_start3A_427 : memref<1x!tpu.dma_semaphore, #tpu.memory_space<semaphore_mem>> -> memref<!tpu.dma_semaphore, #tpu.memory_space<semaphore_mem>>
    %dma_start3A_429 = arith.constant 0 : i32
    %dma_start3A_430 = tpu.memref_slice %arg7[%dma_start3A_420, %dma_start3A_429] : memref<2x4096xi32, #tpu.memory_space<vmem>> -> memref<1x4096xi32, #tpu.memory_space<vmem>>
    %dma_start3A_431 = tpu.memref_squeeze %dma_start3A_430 : memref<1x4096xi32, #tpu.memory_space<vmem>> -> memref<4096xi32, #tpu.memory_space<vmem>>
    %dma_start3A_432 = arith.constant 12288 : i32
    %dma_start3A_433 = tpu.memref_slice %arg10[%dma_start3A_432] : memref<16384xi32, #tpu.memory_space<vmem_shared>> -> memref<4096xi32, #tpu.memory_space<vmem_shared>>
    tpu.enqueue_dma source(%dma_start3A_433 : memref<4096xi32, #tpu.memory_space<vmem_shared>>) target(%dma_start3A_431 : memref<4096xi32, #tpu.memory_space<vmem>>) target_semaphore(%dma_start3A_428 : memref<!tpu.dma_semaphore, #tpu.memory_space<semaphore_mem>>)
    %parallel_loop3A_434 = arith.constant 0 : i32
    %parallel_loop3A_435 = arith.constant 256 : i32
    %parallel_loop3A_436 = arith.constant 1 : i32
    scf.for %parallel_loop3A_605 = %parallel_loop3A_434 to %parallel_loop3A_435 step %parallel_loop3A_436  : i32 {
      %parallel_loop3A_606 = arith.constant 16 : i32
      %parallel_loop3A_607 = arith.muli %parallel_loop3A_605, %parallel_loop3A_606 : i32
      %parallel_loop3A_608 = arith.constant 0 : i32
      %parallel_loop3A_609 = arith.index_cast %parallel_loop3A_608 : i32 to index
      %parallel_loop3A_610 = arith.index_cast %parallel_loop3A_607 : i32 to index
      %parallel_loop3A_611 = tpu.vector_load %arg7[%parallel_loop3A_609, %parallel_loop3A_610] {strides = array<i32>} : memref<2x4096xi32, #tpu.memory_space<vmem>>, vector<16xi32>,
      %parallel_loop3A_612 = tpu.vector_load_idx %arg8[%parallel_loop3A_611] : memref<100000xf32, #tpu.memory_space<vmem>>[vector<16xi32>], vector<16xf32>,
      %parallel_loop3A_613 = arith.constant 16 : i32
      %parallel_loop3A_614 = arith.muli %parallel_loop3A_605, %parallel_loop3A_613 : i32
      %parallel_loop3A_615 = arith.constant 8192 : i32
      %parallel_loop3A_616 = arith.addi %parallel_loop3A_615, %parallel_loop3A_614 : i32
      %parallel_loop3A_617 = arith.index_cast %parallel_loop3A_616 : i32 to index
      %parallel_loop3A_618 = tpu.vector_load %arg9[%parallel_loop3A_617] {strides = array<i32>} : memref<16384xf32, #tpu.memory_space<vmem>>, vector<16xf32>,
      %parallel_loop3A_619 = arith.mulf %parallel_loop3A_618, %parallel_loop3A_612 : vector<16xf32>
      %parallel_loop3A_620 = arith.index_cast %parallel_loop3A_616 : i32 to index
      %parallel_loop3A_621 = tpu.vector_load %arg9[%parallel_loop3A_620] {strides = array<i32>} : memref<16384xf32, #tpu.memory_space<vmem>>, vector<16xf32>,
      tpu.vector_store %arg9[%parallel_loop3A_620], %parallel_loop3A_619 {strides = array<i32>} : memref<16384xf32, #tpu.memory_space<vmem>>, vector<16xf32>,
    } {sc.loop_unroll_factor = 8 : i64, sc.parallel_access}
    %dma_wait3A_437 = arith.constant 1 : i32
    %dma_wait3A_438 = arith.constant 1 : i32
    %dma_wait3A_439 = arith.constant 0 : i32
    %dma_wait3A_440 = tpu.memref_slice %arg7[%dma_wait3A_437, %dma_wait3A_439] : memref<2x4096xi32, #tpu.memory_space<vmem>> -> memref<1x4096xi32, #tpu.memory_space<vmem>>
    %dma_wait3A_441 = tpu.memref_squeeze %dma_wait3A_440 : memref<1x4096xi32, #tpu.memory_space<vmem>> -> memref<4096xi32, #tpu.memory_space<vmem>>
    %dma_wait3A_442 = arith.constant 12288 : i32
    %dma_wait3A_443 = tpu.memref_slice %arg10[%dma_wait3A_442] : memref<16384xi32, #tpu.memory_space<vmem_shared>> -> memref<4096xi32, #tpu.memory_space<vmem_shared>>
    %dma_wait3A_444 = tpu.memref_slice %arg14[%dma_wait3A_438] : memref<2x!tpu.dma_semaphore, #tpu.memory_space<semaphore_mem>> -> memref<1x!tpu.dma_semaphore, #tpu.memory_space<semaphore_mem>>
    %dma_wait3A_445 = tpu.memref_squeeze %dma_wait3A_444 : memref<1x!tpu.dma_semaphore, #tpu.memory_space<semaphore_mem>> -> memref<!tpu.dma_semaphore, #tpu.memory_space<semaphore_mem>>
    %dma_wait3A_446 = arith.constant 0 : i32
    %dma_wait3A_447 = tpu.memref_slice %arg7[%dma_wait3A_437, %dma_wait3A_446] : memref<2x4096xi32, #tpu.memory_space<vmem>> -> memref<1x4096xi32, #tpu.memory_space<vmem>>
    %dma_wait3A_448 = tpu.memref_squeeze %dma_wait3A_447 : memref<1x4096xi32, #tpu.memory_space<vmem>> -> memref<4096xi32, #tpu.memory_space<vmem>>
    %dma_wait3A_449 = arith.constant 12288 : i32
    %dma_wait3A_450 = tpu.memref_slice %arg10[%dma_wait3A_449] : memref<16384xi32, #tpu.memory_space<vmem_shared>> -> memref<4096xi32, #tpu.memory_space<vmem_shared>>
    tpu.wait_dma2 semaphore(%dma_wait3A_445 : memref<!tpu.dma_semaphore, #tpu.memory_space<semaphore_mem>>) src(%dma_wait3A_450 : memref<4096xi32, #tpu.memory_space<vmem_shared>>) dst(%dma_wait3A_448 : memref<4096xi32, #tpu.memory_space<vmem>>)
    %dma_start3A_451 = arith.constant 0 : i32
    %dma_start3A_452 = arith.constant 0 : i32
    %dma_start3A_453 = arith.constant 0 : i32
    %dma_start3A_454 = tpu.memref_slice %arg7[%dma_start3A_451, %dma_start3A_453] : memref<2x4096xi32, #tpu.memory_space<vmem>> -> memref<1x4096xi32, #tpu.memory_space<vmem>>
    %dma_start3A_455 = tpu.memref_squeeze %dma_start3A_454 : memref<1x4096xi32, #tpu.memory_space<vmem>> -> memref<4096xi32, #tpu.memory_space<vmem>>
    %dma_start3A_456 = arith.constant 0 : i32
    %dma_start3A_457 = tpu.memref_slice %arg10[%dma_start3A_456] : memref<16384xi32, #tpu.memory_space<vmem_shared>> -> memref<4096xi32, #tpu.memory_space<vmem_shared>>
    %dma_start3A_458 = tpu.memref_slice %arg14[%dma_start3A_452] : memref<2x!tpu.dma_semaphore, #tpu.memory_space<semaphore_mem>> -> memref<1x!tpu.dma_semaphore, #tpu.memory_space<semaphore_mem>>
    %dma_start3A_459 = tpu.memref_squeeze %dma_start3A_458 : memref<1x!tpu.dma_semaphore, #tpu.memory_space<semaphore_mem>> -> memref<!tpu.dma_semaphore, #tpu.memory_space<semaphore_mem>>
    %dma_start3A_460 = arith.constant 0 : i32
    %dma_start3A_461 = tpu.memref_slice %arg7[%dma_start3A_451, %dma_start3A_460] : memref<2x4096xi32, #tpu.memory_space<vmem>> -> memref<1x4096xi32, #tpu.memory_space<vmem>>
    %dma_start3A_462 = tpu.memref_squeeze %dma_start3A_461 : memref<1x4096xi32, #tpu.memory_space<vmem>> -> memref<4096xi32, #tpu.memory_space<vmem>>
    %dma_start3A_463 = arith.constant 0 : i32
    %dma_start3A_464 = tpu.memref_slice %arg10[%dma_start3A_463] : memref<16384xi32, #tpu.memory_space<vmem_shared>> -> memref<4096xi32, #tpu.memory_space<vmem_shared>>
    tpu.enqueue_dma source(%dma_start3A_464 : memref<4096xi32, #tpu.memory_space<vmem_shared>>) target(%dma_start3A_462 : memref<4096xi32, #tpu.memory_space<vmem>>) target_semaphore(%dma_start3A_459 : memref<!tpu.dma_semaphore, #tpu.memory_space<semaphore_mem>>)
    %parallel_loop3A_465 = arith.constant 0 : i32
    %parallel_loop3A_466 = arith.constant 256 : i32
    %parallel_loop3A_467 = arith.constant 1 : i32
    scf.for %parallel_loop3A_605 = %parallel_loop3A_465 to %parallel_loop3A_466 step %parallel_loop3A_467  : i32 {
      %parallel_loop3A_606 = arith.constant 16 : i32
      %parallel_loop3A_607 = arith.muli %parallel_loop3A_605, %parallel_loop3A_606 : i32
      %parallel_loop3A_608 = arith.constant 1 : i32
      %parallel_loop3A_609 = arith.index_cast %parallel_loop3A_608 : i32 to index
      %parallel_loop3A_610 = arith.index_cast %parallel_loop3A_607 : i32 to index
      %parallel_loop3A_611 = tpu.vector_load %arg7[%parallel_loop3A_609, %parallel_loop3A_610] {strides = array<i32>} : memref<2x4096xi32, #tpu.memory_space<vmem>>, vector<16xi32>,
      %parallel_loop3A_612 = tpu.vector_load_idx %arg8[%parallel_loop3A_611] : memref<100000xf32, #tpu.memory_space<vmem>>[vector<16xi32>], vector<16xf32>,
      %parallel_loop3A_613 = arith.constant 16 : i32
      %parallel_loop3A_614 = arith.muli %parallel_loop3A_605, %parallel_loop3A_613 : i32
      %parallel_loop3A_615 = arith.constant 12288 : i32
      %parallel_loop3A_616 = arith.addi %parallel_loop3A_615, %parallel_loop3A_614 : i32
      %parallel_loop3A_617 = arith.index_cast %parallel_loop3A_616 : i32 to index
      %parallel_loop3A_618 = tpu.vector_load %arg9[%parallel_loop3A_617] {strides = array<i32>} : memref<16384xf32, #tpu.memory_space<vmem>>, vector<16xf32>,
      %parallel_loop3A_619 = arith.mulf %parallel_loop3A_618, %parallel_loop3A_612 : vector<16xf32>
      %parallel_loop3A_620 = arith.index_cast %parallel_loop3A_616 : i32 to index
      %parallel_loop3A_621 = tpu.vector_load %arg9[%parallel_loop3A_620] {strides = array<i32>} : memref<16384xf32, #tpu.memory_space<vmem>>, vector<16xf32>,
      tpu.vector_store %arg9[%parallel_loop3A_620], %parallel_loop3A_619 {strides = array<i32>} : memref<16384xf32, #tpu.memory_space<vmem>>, vector<16xf32>,
    } {sc.loop_unroll_factor = 8 : i64, sc.parallel_access}
    %dma_start3A_468 = arith.constant 0 : i32
    %dma_start3A_469 = tpu.memref_slice %arg5[%add3A_331, %dma_start3A_468] : memref<64x100000xf32, #tpu.memory_space<hbm>> -> memref<1x100000xf32, #tpu.memory_space<hbm>>
    %dma_start3A_470 = tpu.memref_squeeze %dma_start3A_469 : memref<1x100000xf32, #tpu.memory_space<hbm>> -> memref<100000xf32, #tpu.memory_space<hbm>>
    %dma_start3A_471 = arith.constant 0 : i32
    %dma_start3A_472 = tpu.memref_slice %arg5[%add3A_331, %dma_start3A_471] : memref<64x100000xf32, #tpu.memory_space<hbm>> -> memref<1x100000xf32, #tpu.memory_space<hbm>>
    %dma_start3A_473 = tpu.memref_squeeze %dma_start3A_472 : memref<1x100000xf32, #tpu.memory_space<hbm>> -> memref<100000xf32, #tpu.memory_space<hbm>>
    tpu.enqueue_dma source(%dma_start3A_473 : memref<100000xf32, #tpu.memory_space<hbm>>) target(%arg8 : memref<100000xf32, #tpu.memory_space<vmem>>) target_semaphore(%arg11 : memref<!tpu.dma_semaphore, #tpu.memory_space<semaphore_mem>>)
    %dma_wait3A_474 = arith.constant 0 : i32
    %dma_wait3A_475 = tpu.memref_slice %arg5[%add3A_331, %dma_wait3A_474] : memref<64x100000xf32, #tpu.memory_space<hbm>> -> memref<1x100000xf32, #tpu.memory_space<hbm>>
    %dma_wait3A_476 = tpu.memref_squeeze %dma_wait3A_475 : memref<1x100000xf32, #tpu.memory_space<hbm>> -> memref<100000xf32, #tpu.memory_space<hbm>>
    %dma_wait3A_477 = arith.constant 0 : i32
    %dma_wait3A_478 = tpu.memref_slice %arg5[%add3A_331, %dma_wait3A_477] : memref<64x100000xf32, #tpu.memory_space<hbm>> -> memref<1x100000xf32, #tpu.memory_space<hbm>>
    %dma_wait3A_479 = tpu.memref_squeeze %dma_wait3A_478 : memref<1x100000xf32, #tpu.memory_space<hbm>> -> memref<100000xf32, #tpu.memory_space<hbm>>
    tpu.wait_dma2 semaphore(%arg11 : memref<!tpu.dma_semaphore, #tpu.memory_space<semaphore_mem>>) src(%dma_wait3A_479 : memref<100000xf32, #tpu.memory_space<hbm>>) dst(%arg8 : memref<100000xf32, #tpu.memory_space<vmem>>)
    %dma_wait3A_480 = arith.constant 0 : i32
    %dma_wait3A_481 = arith.constant 0 : i32
    %dma_wait3A_482 = arith.constant 0 : i32
    %dma_wait3A_483 = tpu.memref_slice %arg7[%dma_wait3A_480, %dma_wait3A_482] : memref<2x4096xi32, #tpu.memory_space<vmem>> -> memref<1x4096xi32, #tpu.memory_space<vmem>>
    %dma_wait3A_484 = tpu.memref_squeeze %dma_wait3A_483 : memref<1x4096xi32, #tpu.memory_space<vmem>> -> memref<4096xi32, #tpu.memory_space<vmem>>
    %dma_wait3A_485 = arith.constant 0 : i32
    %dma_wait3A_486 = tpu.memref_slice %arg10[%dma_wait3A_485] : memref<16384xi32, #tpu.memory_space<vmem_shared>> -> memref<4096xi32, #tpu.memory_space<vmem_shared>>
    %dma_wait3A_487 = tpu.memref_slice %arg14[%dma_wait3A_481] : memref<2x!tpu.dma_semaphore, #tpu.memory_space<semaphore_mem>> -> memref<1x!tpu.dma_semaphore, #tpu.memory_space<semaphore_mem>>
    %dma_wait3A_488 = tpu.memref_squeeze %dma_wait3A_487 : memref<1x!tpu.dma_semaphore, #tpu.memory_space<semaphore_mem>> -> memref<!tpu.dma_semaphore, #tpu.memory_space<semaphore_mem>>
    %dma_wait3A_489 = arith.constant 0 : i32
    %dma_wait3A_490 = tpu.memref_slice %arg7[%dma_wait3A_480, %dma_wait3A_489] : memref<2x4096xi32, #tpu.memory_space<vmem>> -> memref<1x4096xi32, #tpu.memory_space<vmem>>
    %dma_wait3A_491 = tpu.memref_squeeze %dma_wait3A_490 : memref<1x4096xi32, #tpu.memory_space<vmem>> -> memref<4096xi32, #tpu.memory_space<vmem>>
    %dma_wait3A_492 = arith.constant 0 : i32
    %dma_wait3A_493 = tpu.memref_slice %arg10[%dma_wait3A_492] : memref<16384xi32, #tpu.memory_space<vmem_shared>> -> memref<4096xi32, #tpu.memory_space<vmem_shared>>
    tpu.wait_dma2 semaphore(%dma_wait3A_488 : memref<!tpu.dma_semaphore, #tpu.memory_space<semaphore_mem>>) src(%dma_wait3A_493 : memref<4096xi32, #tpu.memory_space<vmem_shared>>) dst(%dma_wait3A_491 : memref<4096xi32, #tpu.memory_space<vmem>>)
    %dma_start3A_494 = arith.constant 1 : i32
    %dma_start3A_495 = arith.constant 1 : i32
    %dma_start3A_496 = arith.constant 0 : i32
    %dma_start3A_497 = tpu.memref_slice %arg7[%dma_start3A_494, %dma_start3A_496] : memref<2x4096xi32, #tpu.memory_space<vmem>> -> memref<1x4096xi32, #tpu.memory_space<vmem>>
    %dma_start3A_498 = tpu.memref_squeeze %dma_start3A_497 : memref<1x4096xi32, #tpu.memory_space<vmem>> -> memref<4096xi32, #tpu.memory_space<vmem>>
    %dma_start3A_499 = arith.constant 4096 : i32
    %dma_start3A_500 = tpu.memref_slice %arg10[%dma_start3A_499] : memref<16384xi32, #tpu.memory_space<vmem_shared>> -> memref<4096xi32, #tpu.memory_space<vmem_shared>>
    %dma_start3A_501 = tpu.memref_slice %arg14[%dma_start3A_495] : memref<2x!tpu.dma_semaphore, #tpu.memory_space<semaphore_mem>> -> memref<1x!tpu.dma_semaphore, #tpu.memory_space<semaphore_mem>>
    %dma_start3A_502 = tpu.memref_squeeze %dma_start3A_501 : memref<1x!tpu.dma_semaphore, #tpu.memory_space<semaphore_mem>> -> memref<!tpu.dma_semaphore, #tpu.memory_space<semaphore_mem>>
    %dma_start3A_503 = arith.constant 0 : i32
    %dma_start3A_504 = tpu.memref_slice %arg7[%dma_start3A_494, %dma_start3A_503] : memref<2x4096xi32, #tpu.memory_space<vmem>> -> memref<1x4096xi32, #tpu.memory_space<vmem>>
    %dma_start3A_505 = tpu.memref_squeeze %dma_start3A_504 : memref<1x4096xi32, #tpu.memory_space<vmem>> -> memref<4096xi32, #tpu.memory_space<vmem>>
    %dma_start3A_506 = arith.constant 4096 : i32
    %dma_start3A_507 = tpu.memref_slice %arg10[%dma_start3A_506] : memref<16384xi32, #tpu.memory_space<vmem_shared>> -> memref<4096xi32, #tpu.memory_space<vmem_shared>>
    tpu.enqueue_dma source(%dma_start3A_507 : memref<4096xi32, #tpu.memory_space<vmem_shared>>) target(%dma_start3A_505 : memref<4096xi32, #tpu.memory_space<vmem>>) target_semaphore(%dma_start3A_502 : memref<!tpu.dma_semaphore, #tpu.memory_space<semaphore_mem>>)
    %parallel_loop3A_508 = arith.constant 0 : i32
    %parallel_loop3A_509 = arith.constant 256 : i32
    %parallel_loop3A_510 = arith.constant 1 : i32
    scf.for %parallel_loop3A_605 = %parallel_loop3A_508 to %parallel_loop3A_509 step %parallel_loop3A_510  : i32 {
      %parallel_loop3A_606 = arith.constant 16 : i32
      %parallel_loop3A_607 = arith.muli %parallel_loop3A_605, %parallel_loop3A_606 : i32
      %parallel_loop3A_608 = arith.constant 0 : i32
      %parallel_loop3A_609 = arith.index_cast %parallel_loop3A_608 : i32 to index
      %parallel_loop3A_610 = arith.index_cast %parallel_loop3A_607 : i32 to index
      %parallel_loop3A_611 = tpu.vector_load %arg7[%parallel_loop3A_609, %parallel_loop3A_610] {strides = array<i32>} : memref<2x4096xi32, #tpu.memory_space<vmem>>, vector<16xi32>,
      %parallel_loop3A_612 = tpu.vector_load_idx %arg8[%parallel_loop3A_611] : memref<100000xf32, #tpu.memory_space<vmem>>[vector<16xi32>], vector<16xf32>,
      %parallel_loop3A_613 = arith.constant 16 : i32
      %parallel_loop3A_614 = arith.muli %parallel_loop3A_605, %parallel_loop3A_613 : i32
      %parallel_loop3A_615 = arith.constant 0 : i32
      %parallel_loop3A_616 = arith.addi %parallel_loop3A_615, %parallel_loop3A_614 : i32
      %parallel_loop3A_617 = arith.index_cast %parallel_loop3A_616 : i32 to index
      %parallel_loop3A_618 = tpu.vector_load %arg9[%parallel_loop3A_617] {strides = array<i32>} : memref<16384xf32, #tpu.memory_space<vmem>>, vector<16xf32>,
      %parallel_loop3A_619 = arith.addf %parallel_loop3A_618, %parallel_loop3A_612 : vector<16xf32>
      %parallel_loop3A_620 = arith.index_cast %parallel_loop3A_616 : i32 to index
      %parallel_loop3A_621 = tpu.vector_load %arg9[%parallel_loop3A_620] {strides = array<i32>} : memref<16384xf32, #tpu.memory_space<vmem>>, vector<16xf32>,
      tpu.vector_store %arg9[%parallel_loop3A_620], %parallel_loop3A_619 {strides = array<i32>} : memref<16384xf32, #tpu.memory_space<vmem>>, vector<16xf32>,
    } {sc.loop_unroll_factor = 8 : i64, sc.parallel_access}
    %dma_wait3A_511 = arith.constant 1 : i32
    %dma_wait3A_512 = arith.constant 1 : i32
    %dma_wait3A_513 = arith.constant 0 : i32
    %dma_wait3A_514 = tpu.memref_slice %arg7[%dma_wait3A_511, %dma_wait3A_513] : memref<2x4096xi32, #tpu.memory_space<vmem>> -> memref<1x4096xi32, #tpu.memory_space<vmem>>
    %dma_wait3A_515 = tpu.memref_squeeze %dma_wait3A_514 : memref<1x4096xi32, #tpu.memory_space<vmem>> -> memref<4096xi32, #tpu.memory_space<vmem>>
    %dma_wait3A_516 = arith.constant 4096 : i32
    %dma_wait3A_517 = tpu.memref_slice %arg10[%dma_wait3A_516] : memref<16384xi32, #tpu.memory_space<vmem_shared>> -> memref<4096xi32, #tpu.memory_space<vmem_shared>>
    %dma_wait3A_518 = tpu.memref_slice %arg14[%dma_wait3A_512] : memref<2x!tpu.dma_semaphore, #tpu.memory_space<semaphore_mem>> -> memref<1x!tpu.dma_semaphore, #tpu.memory_space<semaphore_mem>>
    %dma_wait3A_519 = tpu.memref_squeeze %dma_wait3A_518 : memref<1x!tpu.dma_semaphore, #tpu.memory_space<semaphore_mem>> -> memref<!tpu.dma_semaphore, #tpu.memory_space<semaphore_mem>>
    %dma_wait3A_520 = arith.constant 0 : i32
    %dma_wait3A_521 = tpu.memref_slice %arg7[%dma_wait3A_511, %dma_wait3A_520] : memref<2x4096xi32, #tpu.memory_space<vmem>> -> memref<1x4096xi32, #tpu.memory_space<vmem>>
    %dma_wait3A_522 = tpu.memref_squeeze %dma_wait3A_521 : memref<1x4096xi32, #tpu.memory_space<vmem>> -> memref<4096xi32, #tpu.memory_space<vmem>>
    %dma_wait3A_523 = arith.constant 4096 : i32
    %dma_wait3A_524 = tpu.memref_slice %arg10[%dma_wait3A_523] : memref<16384xi32, #tpu.memory_space<vmem_shared>> -> memref<4096xi32, #tpu.memory_space<vmem_shared>>
    tpu.wait_dma2 semaphore(%dma_wait3A_519 : memref<!tpu.dma_semaphore, #tpu.memory_space<semaphore_mem>>) src(%dma_wait3A_524 : memref<4096xi32, #tpu.memory_space<vmem_shared>>) dst(%dma_wait3A_522 : memref<4096xi32, #tpu.memory_space<vmem>>)
    %dma_start3A_525 = arith.constant 0 : i32
    %dma_start3A_526 = arith.constant 0 : i32
    %dma_start3A_527 = arith.constant 0 : i32
    %dma_start3A_528 = tpu.memref_slice %arg7[%dma_start3A_525, %dma_start3A_527] : memref<2x4096xi32, #tpu.memory_space<vmem>> -> memref<1x4096xi32, #tpu.memory_space<vmem>>
    %dma_start3A_529 = tpu.memref_squeeze %dma_start3A_528 : memref<1x4096xi32, #tpu.memory_space<vmem>> -> memref<4096xi32, #tpu.memory_space<vmem>>
    %dma_start3A_530 = arith.constant 8192 : i32
    %dma_start3A_531 = tpu.memref_slice %arg10[%dma_start3A_530] : memref<16384xi32, #tpu.memory_space<vmem_shared>> -> memref<4096xi32, #tpu.memory_space<vmem_shared>>
    %dma_start3A_532 = tpu.memref_slice %arg14[%dma_start3A_526] : memref<2x!tpu.dma_semaphore, #tpu.memory_space<semaphore_mem>> -> memref<1x!tpu.dma_semaphore, #tpu.memory_space<semaphore_mem>>
    %dma_start3A_533 = tpu.memref_squeeze %dma_start3A_532 : memref<1x!tpu.dma_semaphore, #tpu.memory_space<semaphore_mem>> -> memref<!tpu.dma_semaphore, #tpu.memory_space<semaphore_mem>>
    %dma_start3A_534 = arith.constant 0 : i32
    %dma_start3A_535 = tpu.memref_slice %arg7[%dma_start3A_525, %dma_start3A_534] : memref<2x4096xi32, #tpu.memory_space<vmem>> -> memref<1x4096xi32, #tpu.memory_space<vmem>>
    %dma_start3A_536 = tpu.memref_squeeze %dma_start3A_535 : memref<1x4096xi32, #tpu.memory_space<vmem>> -> memref<4096xi32, #tpu.memory_space<vmem>>
    %dma_start3A_537 = arith.constant 8192 : i32
    %dma_start3A_538 = tpu.memref_slice %arg10[%dma_start3A_537] : memref<16384xi32, #tpu.memory_space<vmem_shared>> -> memref<4096xi32, #tpu.memory_space<vmem_shared>>
    tpu.enqueue_dma source(%dma_start3A_538 : memref<4096xi32, #tpu.memory_space<vmem_shared>>) target(%dma_start3A_536 : memref<4096xi32, #tpu.memory_space<vmem>>) target_semaphore(%dma_start3A_533 : memref<!tpu.dma_semaphore, #tpu.memory_space<semaphore_mem>>)
    %parallel_loop3A_539 = arith.constant 0 : i32
    %parallel_loop3A_540 = arith.constant 256 : i32
    %parallel_loop3A_541 = arith.constant 1 : i32
    scf.for %parallel_loop3A_605 = %parallel_loop3A_539 to %parallel_loop3A_540 step %parallel_loop3A_541  : i32 {
      %parallel_loop3A_606 = arith.constant 16 : i32
      %parallel_loop3A_607 = arith.muli %parallel_loop3A_605, %parallel_loop3A_606 : i32
      %parallel_loop3A_608 = arith.constant 1 : i32
      %parallel_loop3A_609 = arith.index_cast %parallel_loop3A_608 : i32 to index
      %parallel_loop3A_610 = arith.index_cast %parallel_loop3A_607 : i32 to index
      %parallel_loop3A_611 = tpu.vector_load %arg7[%parallel_loop3A_609, %parallel_loop3A_610] {strides = array<i32>} : memref<2x4096xi32, #tpu.memory_space<vmem>>, vector<16xi32>,
      %parallel_loop3A_612 = tpu.vector_load_idx %arg8[%parallel_loop3A_611] : memref<100000xf32, #tpu.memory_space<vmem>>[vector<16xi32>], vector<16xf32>,
      %parallel_loop3A_613 = arith.constant 16 : i32
      %parallel_loop3A_614 = arith.muli %parallel_loop3A_605, %parallel_loop3A_613 : i32
      %parallel_loop3A_615 = arith.constant 4096 : i32
      %parallel_loop3A_616 = arith.addi %parallel_loop3A_615, %parallel_loop3A_614 : i32
      %parallel_loop3A_617 = arith.index_cast %parallel_loop3A_616 : i32 to index
      %parallel_loop3A_618 = tpu.vector_load %arg9[%parallel_loop3A_617] {strides = array<i32>} : memref<16384xf32, #tpu.memory_space<vmem>>, vector<16xf32>,
      %parallel_loop3A_619 = arith.addf %parallel_loop3A_618, %parallel_loop3A_612 : vector<16xf32>
      %parallel_loop3A_620 = arith.index_cast %parallel_loop3A_616 : i32 to index
      %parallel_loop3A_621 = tpu.vector_load %arg9[%parallel_loop3A_620] {strides = array<i32>} : memref<16384xf32, #tpu.memory_space<vmem>>, vector<16xf32>,
      tpu.vector_store %arg9[%parallel_loop3A_620], %parallel_loop3A_619 {strides = array<i32>} : memref<16384xf32, #tpu.memory_space<vmem>>, vector<16xf32>,
    } {sc.loop_unroll_factor = 8 : i64, sc.parallel_access}
    %dma_wait3A_542 = arith.constant 0 : i32
    %dma_wait3A_543 = arith.constant 0 : i32
    %dma_wait3A_544 = arith.constant 0 : i32
    %dma_wait3A_545 = tpu.memref_slice %arg7[%dma_wait3A_542, %dma_wait3A_544] : memref<2x4096xi32, #tpu.memory_space<vmem>> -> memref<1x4096xi32, #tpu.memory_space<vmem>>
    %dma_wait3A_546 = tpu.memref_squeeze %dma_wait3A_545 : memref<1x4096xi32, #tpu.memory_space<vmem>> -> memref<4096xi32, #tpu.memory_space<vmem>>
    %dma_wait3A_547 = arith.constant 8192 : i32
    %dma_wait3A_548 = tpu.memref_slice %arg10[%dma_wait3A_547] : memref<16384xi32, #tpu.memory_space<vmem_shared>> -> memref<4096xi32, #tpu.memory_space<vmem_shared>>
    %dma_wait3A_549 = tpu.memref_slice %arg14[%dma_wait3A_543] : memref<2x!tpu.dma_semaphore, #tpu.memory_space<semaphore_mem>> -> memref<1x!tpu.dma_semaphore, #tpu.memory_space<semaphore_mem>>
    %dma_wait3A_550 = tpu.memref_squeeze %dma_wait3A_549 : memref<1x!tpu.dma_semaphore, #tpu.memory_space<semaphore_mem>> -> memref<!tpu.dma_semaphore, #tpu.memory_space<semaphore_mem>>
    %dma_wait3A_551 = arith.constant 0 : i32
    %dma_wait3A_552 = tpu.memref_slice %arg7[%dma_wait3A_542, %dma_wait3A_551] : memref<2x4096xi32, #tpu.memory_space<vmem>> -> memref<1x4096xi32, #tpu.memory_space<vmem>>
    %dma_wait3A_553 = tpu.memref_squeeze %dma_wait3A_552 : memref<1x4096xi32, #tpu.memory_space<vmem>> -> memref<4096xi32, #tpu.memory_space<vmem>>
    %dma_wait3A_554 = arith.constant 8192 : i32
    %dma_wait3A_555 = tpu.memref_slice %arg10[%dma_wait3A_554] : memref<16384xi32, #tpu.memory_space<vmem_shared>> -> memref<4096xi32, #tpu.memory_space<vmem_shared>>
    tpu.wait_dma2 semaphore(%dma_wait3A_550 : memref<!tpu.dma_semaphore, #tpu.memory_space<semaphore_mem>>) src(%dma_wait3A_555 : memref<4096xi32, #tpu.memory_space<vmem_shared>>) dst(%dma_wait3A_553 : memref<4096xi32, #tpu.memory_space<vmem>>)
    %dma_start3A_556 = arith.constant 1 : i32
    %dma_start3A_557 = arith.constant 1 : i32
    %dma_start3A_558 = arith.constant 0 : i32
    %dma_start3A_559 = tpu.memref_slice %arg7[%dma_start3A_556, %dma_start3A_558] : memref<2x4096xi32, #tpu.memory_space<vmem>> -> memref<1x4096xi32, #tpu.memory_space<vmem>>
    %dma_start3A_560 = tpu.memref_squeeze %dma_start3A_559 : memref<1x4096xi32, #tpu.memory_space<vmem>> -> memref<4096xi32, #tpu.memory_space<vmem>>
    %dma_start3A_561 = arith.constant 12288 : i32
    %dma_start3A_562 = tpu.memref_slice %arg10[%dma_start3A_561] : memref<16384xi32, #tpu.memory_space<vmem_shared>> -> memref<4096xi32, #tpu.memory_space<vmem_shared>>
    %dma_start3A_563 = tpu.memref_slice %arg14[%dma_start3A_557] : memref<2x!tpu.dma_semaphore, #tpu.memory_space<semaphore_mem>> -> memref<1x!tpu.dma_semaphore, #tpu.memory_space<semaphore_mem>>
    %dma_start3A_564 = tpu.memref_squeeze %dma_start3A_563 : memref<1x!tpu.dma_semaphore, #tpu.memory_space<semaphore_mem>> -> memref<!tpu.dma_semaphore, #tpu.memory_space<semaphore_mem>>
    %dma_start3A_565 = arith.constant 0 : i32
    %dma_start3A_566 = tpu.memref_slice %arg7[%dma_start3A_556, %dma_start3A_565] : memref<2x4096xi32, #tpu.memory_space<vmem>> -> memref<1x4096xi32, #tpu.memory_space<vmem>>
    %dma_start3A_567 = tpu.memref_squeeze %dma_start3A_566 : memref<1x4096xi32, #tpu.memory_space<vmem>> -> memref<4096xi32, #tpu.memory_space<vmem>>
    %dma_start3A_568 = arith.constant 12288 : i32
    %dma_start3A_569 = tpu.memref_slice %arg10[%dma_start3A_568] : memref<16384xi32, #tpu.memory_space<vmem_shared>> -> memref<4096xi32, #tpu.memory_space<vmem_shared>>
    tpu.enqueue_dma source(%dma_start3A_569 : memref<4096xi32, #tpu.memory_space<vmem_shared>>) target(%dma_start3A_567 : memref<4096xi32, #tpu.memory_space<vmem>>) target_semaphore(%dma_start3A_564 : memref<!tpu.dma_semaphore, #tpu.memory_space<semaphore_mem>>)
    %parallel_loop3A_570 = arith.constant 0 : i32
    %parallel_loop3A_571 = arith.constant 256 : i32
    %parallel_loop3A_572 = arith.constant 1 : i32
    scf.for %parallel_loop3A_605 = %parallel_loop3A_570 to %parallel_loop3A_571 step %parallel_loop3A_572  : i32 {
      %parallel_loop3A_606 = arith.constant 16 : i32
      %parallel_loop3A_607 = arith.muli %parallel_loop3A_605, %parallel_loop3A_606 : i32
      %parallel_loop3A_608 = arith.constant 0 : i32
      %parallel_loop3A_609 = arith.index_cast %parallel_loop3A_608 : i32 to index
      %parallel_loop3A_610 = arith.index_cast %parallel_loop3A_607 : i32 to index
      %parallel_loop3A_611 = tpu.vector_load %arg7[%parallel_loop3A_609, %parallel_loop3A_610] {strides = array<i32>} : memref<2x4096xi32, #tpu.memory_space<vmem>>, vector<16xi32>,
      %parallel_loop3A_612 = tpu.vector_load_idx %arg8[%parallel_loop3A_611] : memref<100000xf32, #tpu.memory_space<vmem>>[vector<16xi32>], vector<16xf32>,
      %parallel_loop3A_613 = arith.constant 16 : i32
      %parallel_loop3A_614 = arith.muli %parallel_loop3A_605, %parallel_loop3A_613 : i32
      %parallel_loop3A_615 = arith.constant 8192 : i32
      %parallel_loop3A_616 = arith.addi %parallel_loop3A_615, %parallel_loop3A_614 : i32
      %parallel_loop3A_617 = arith.index_cast %parallel_loop3A_616 : i32 to index
      %parallel_loop3A_618 = tpu.vector_load %arg9[%parallel_loop3A_617] {strides = array<i32>} : memref<16384xf32, #tpu.memory_space<vmem>>, vector<16xf32>,
      %parallel_loop3A_619 = arith.addf %parallel_loop3A_618, %parallel_loop3A_612 : vector<16xf32>
      %parallel_loop3A_620 = arith.index_cast %parallel_loop3A_616 : i32 to index
      %parallel_loop3A_621 = tpu.vector_load %arg9[%parallel_loop3A_620] {strides = array<i32>} : memref<16384xf32, #tpu.memory_space<vmem>>, vector<16xf32>,
      tpu.vector_store %arg9[%parallel_loop3A_620], %parallel_loop3A_619 {strides = array<i32>} : memref<16384xf32, #tpu.memory_space<vmem>>, vector<16xf32>,
    } {sc.loop_unroll_factor = 8 : i64, sc.parallel_access}
    %dma_wait3A_573 = arith.constant 1 : i32
    %dma_wait3A_574 = arith.constant 1 : i32
    %dma_wait3A_575 = arith.constant 0 : i32
    %dma_wait3A_576 = tpu.memref_slice %arg7[%dma_wait3A_573, %dma_wait3A_575] : memref<2x4096xi32, #tpu.memory_space<vmem>> -> memref<1x4096xi32, #tpu.memory_space<vmem>>
    %dma_wait3A_577 = tpu.memref_squeeze %dma_wait3A_576 : memref<1x4096xi32, #tpu.memory_space<vmem>> -> memref<4096xi32, #tpu.memory_space<vmem>>
    %dma_wait3A_578 = arith.constant 12288 : i32
    %dma_wait3A_579 = tpu.memref_slice %arg10[%dma_wait3A_578] : memref<16384xi32, #tpu.memory_space<vmem_shared>> -> memref<4096xi32, #tpu.memory_space<vmem_shared>>
    %dma_wait3A_580 = tpu.memref_slice %arg14[%dma_wait3A_574] : memref<2x!tpu.dma_semaphore, #tpu.memory_space<semaphore_mem>> -> memref<1x!tpu.dma_semaphore, #tpu.memory_space<semaphore_mem>>
    %dma_wait3A_581 = tpu.memref_squeeze %dma_wait3A_580 : memref<1x!tpu.dma_semaphore, #tpu.memory_space<semaphore_mem>> -> memref<!tpu.dma_semaphore, #tpu.memory_space<semaphore_mem>>
    %dma_wait3A_582 = arith.constant 0 : i32
    %dma_wait3A_583 = tpu.memref_slice %arg7[%dma_wait3A_573, %dma_wait3A_582] : memref<2x4096xi32, #tpu.memory_space<vmem>> -> memref<1x4096xi32, #tpu.memory_space<vmem>>
    %dma_wait3A_584 = tpu.memref_squeeze %dma_wait3A_583 : memref<1x4096xi32, #tpu.memory_space<vmem>> -> memref<4096xi32, #tpu.memory_space<vmem>>
    %dma_wait3A_585 = arith.constant 12288 : i32
    %dma_wait3A_586 = tpu.memref_slice %arg10[%dma_wait3A_585] : memref<16384xi32, #tpu.memory_space<vmem_shared>> -> memref<4096xi32, #tpu.memory_space<vmem_shared>>
    tpu.wait_dma2 semaphore(%dma_wait3A_581 : memref<!tpu.dma_semaphore, #tpu.memory_space<semaphore_mem>>) src(%dma_wait3A_586 : memref<4096xi32, #tpu.memory_space<vmem_shared>>) dst(%dma_wait3A_584 : memref<4096xi32, #tpu.memory_space<vmem>>)
    %parallel_loop3A_587 = arith.constant 0 : i32
    %parallel_loop3A_588 = arith.constant 256 : i32
    %parallel_loop3A_589 = arith.constant 1 : i32
    scf.for %parallel_loop3A_605 = %parallel_loop3A_587 to %parallel_loop3A_588 step %parallel_loop3A_589  : i32 {
      %parallel_loop3A_606 = arith.constant 16 : i32
      %parallel_loop3A_607 = arith.muli %parallel_loop3A_605, %parallel_loop3A_606 : i32
      %parallel_loop3A_608 = arith.constant 1 : i32
      %parallel_loop3A_609 = arith.index_cast %parallel_loop3A_608 : i32 to index
      %parallel_loop3A_610 = arith.index_cast %parallel_loop3A_607 : i32 to index
      %parallel_loop3A_611 = tpu.vector_load %arg7[%parallel_loop3A_609, %parallel_loop3A_610] {strides = array<i32>} : memref<2x4096xi32, #tpu.memory_space<vmem>>, vector<16xi32>,
      %parallel_loop3A_612 = tpu.vector_load_idx %arg8[%parallel_loop3A_611] : memref<100000xf32, #tpu.memory_space<vmem>>[vector<16xi32>], vector<16xf32>,
      %parallel_loop3A_613 = arith.constant 16 : i32
      %parallel_loop3A_614 = arith.muli %parallel_loop3A_605, %parallel_loop3A_613 : i32
      %parallel_loop3A_615 = arith.constant 12288 : i32
      %parallel_loop3A_616 = arith.addi %parallel_loop3A_615, %parallel_loop3A_614 : i32
      %parallel_loop3A_617 = arith.index_cast %parallel_loop3A_616 : i32 to index
      %parallel_loop3A_618 = tpu.vector_load %arg9[%parallel_loop3A_617] {strides = array<i32>} : memref<16384xf32, #tpu.memory_space<vmem>>, vector<16xf32>,
      %parallel_loop3A_619 = arith.addf %parallel_loop3A_618, %parallel_loop3A_612 : vector<16xf32>
      %parallel_loop3A_620 = arith.index_cast %parallel_loop3A_616 : i32 to index
      %parallel_loop3A_621 = tpu.vector_load %arg9[%parallel_loop3A_620] {strides = array<i32>} : memref<16384xf32, #tpu.memory_space<vmem>>, vector<16xf32>,
      tpu.vector_store %arg9[%parallel_loop3A_620], %parallel_loop3A_619 {strides = array<i32>} : memref<16384xf32, #tpu.memory_space<vmem>>, vector<16xf32>,
    } {sc.loop_unroll_factor = 8 : i64, sc.parallel_access}
    %dma_start3A_590 = arith.constant 0 : i32
    %dma_start3A_591 = tpu.memref_slice %arg6[%add3A_331, %dma_start3A_590] : memref<64x16384xf32, #tpu.memory_space<hbm>> -> memref<1x16384xf32, #tpu.memory_space<hbm>>
    %dma_start3A_592 = tpu.memref_squeeze %dma_start3A_591 : memref<1x16384xf32, #tpu.memory_space<hbm>> -> memref<16384xf32, #tpu.memory_space<hbm>>
    %dma_start3A_593 = arith.constant 0 : i32
    %dma_start3A_594 = tpu.memref_slice %arg6[%add3A_331, %dma_start3A_593] : memref<64x16384xf32, #tpu.memory_space<hbm>> -> memref<1x16384xf32, #tpu.memory_space<hbm>>
    %dma_start3A_595 = tpu.memref_squeeze %dma_start3A_594 : memref<1x16384xf32, #tpu.memory_space<hbm>> -> memref<16384xf32, #tpu.memory_space<hbm>>
    tpu.enqueue_dma source(%arg9 : memref<16384xf32, #tpu.memory_space<vmem>>) target(%dma_start3A_595 : memref<16384xf32, #tpu.memory_space<hbm>>) target_semaphore(%arg13 : memref<!tpu.dma_semaphore, #tpu.memory_space<semaphore_mem>>)
    %add3A_596 = arith.constant 2 : i32
    %add3A_597 = arith.addi %mul3A_2, %add3A_596 : i32
    %sub3A = arith.constant 1 : i32
    %sub3A_598 = arith.subi %add3A_597, %sub3A : i32
    %dma_wait3A_599 = arith.constant 0 : i32
    %dma_wait3A_600 = tpu.memref_slice %arg6[%sub3A_598, %dma_wait3A_599] : memref<64x16384xf32, #tpu.memory_space<hbm>> -> memref<1x16384xf32, #tpu.memory_space<hbm>>
    %dma_wait3A_601 = tpu.memref_squeeze %dma_wait3A_600 : memref<1x16384xf32, #tpu.memory_space<hbm>> -> memref<16384xf32, #tpu.memory_space<hbm>>
    %dma_wait3A_602 = arith.constant 0 : i32
    %dma_wait3A_603 = tpu.memref_slice %arg6[%sub3A_598, %dma_wait3A_602] : memref<64x16384xf32, #tpu.memory_space<hbm>> -> memref<1x16384xf32, #tpu.memory_space<hbm>>
    %dma_wait3A_604 = tpu.memref_squeeze %dma_wait3A_603 : memref<1x16384xf32, #tpu.memory_space<hbm>> -> memref<16384xf32, #tpu.memory_space<hbm>>
    tpu.wait_dma2 semaphore(%arg13 : memref<!tpu.dma_semaphore, #tpu.memory_space<semaphore_mem>>) src(%arg9 : memref<16384xf32, #tpu.memory_space<vmem>>) dst(%dma_wait3A_604 : memref<16384xf32, #tpu.memory_space<hbm>>)
    return
  }
}

</mosaic_0001>

<sc_bundles>
// kernel: _film.3.cloned.1.call-start
scs
__scs_entry_jumppad:
0x0: {  	(pc) =	sbr.rel $0x88, $3  }
0x1: {  	(tag) =	ssettag $0x0;
	lr =	simm.s32 $0x1  }
0x2: {  	[smem:$0x3F9D] =	sst lr;
	_ =	strace $0xD0000000  }
0x3: {  	_ = 	snop  }
0x4: {  	_ = 	snop  }
0x5: {  	_ = 	snop  }
0x6: {  	_ = 	snop  }
0x7: {  	_ = 	snop  }
__scs_overlays_trampoline_lowered:
0x8: {  	[smem:$0x3FAC] =	sst s0  }
0x9: {  	[smem:$0x3FAD] =	sst s1  }
0xa: {  	[smem:$0x3FAE] =	sst s2  }
0xb: {  	[smem:$0x3FAF] =	sst s3  }
0xc: {  	[smem:$0x3FB0] =	sst s4  }
0xd: {  	[smem:$0x3FB1] =	sst s5  }
0xe: {  	[smem:$0x3FB2] =	sst s6  }
0xf: {  	[smem:$0x3FB3] =	sst s7  }
0x10: {  	[smem:$0x3FB4] =	sst s8  }
0x11: {  	[smem:$0x3FB5] =	sst s9;
	s0 =	simm.s32 @!p0 $0x0  }
0x12: {  	s1 =	sld [smem:$0x3F9B];
	s0 =	simm.s32 @p0 $0x1  }
0x13: {  	[smem:$0x3FB6] =	sst s0;
	s0 =	simm.s32 @!p1 $0x0  }
0x14: {  	s2 =	sld [smem:$0x3F9A];
	s0 =	simm.s32 @p1 $0x1  }
0x15: {  	[smem:$0x3FB7] =	sst s0;
	s0 =	simm.s32 @!p2 $0x0  }
0x16: {  	s3 =	sld [smem:$0x3FDB];
	s0 =	simm.s32 @p2 $0x1  }
0x17: {  	s4 =	simm.s32 $0x1BF5;
	[smem:$0x3FB9] =	sst s0  }
0x18: {  	s0 =	sld [smem:$0x3F9C];
	_ =	swait.ge [sflag:s4], $0x0  }
0x19: {  	s7 =	sld [smem:$0x3F9D]  }
0x1a: {  	s8 =	sadd.s32 $0xFFFFE003, lr  }
0x1b: {  	s9 =	sadd.s32 $0xFFFFFEF7, lr;
	s5 =	simm.s32 $0xFFFFFFFF;
	p2 =	slt.u32 s8, $0xFFFFF086  }
0x1c: {  	p1 =	slt.u32 s9, $0xF7A;
	s5 =	simm.s32 @!p2 $0x0  }
0x1d: {  	s5 =	simm.s32 @p1 $0x1;
	p0 =	seq.s32 s7, s2  }
0x1e: {  	s7 =	smul.u32 @!p0 $0xF7A, s2;
	p2 =	seq.s32 @!p0 s5, $0x0  }
0x1f: {  	s9 =	smul.u32 $0xF7A, s1;
	s8 =	simm.s32 @!p0 $0x1BF5;
	p2 =	por !p2, p0  }
0x20: {  	[sflag:s8] =	ssyncset.s32 @!p0 $0xFFFFF086;
	s6 =	sadd.s32 @!p0 s3, s7;
	s7 =	simm.s32 @!p0 $0x108  }
0x21: {  	s3 =	sadd.s32 s3, s9;
	s6 =	sadd.s32 @!p0 $0x88, s6;
	s7 =	simm.s32 @p2 $0x1082  }
0x22: {  	[simem:s7], [sflag:s8] =	dma.local @!p0 [hbm:s6], $0xF7A  }
0x23: {  	s9 =	sor.u32 $0xD0000000, s2;
	s6 =	simm.s32 $0x108;
	_ =	swait.ge @!p0 [sflag:s8], $0x0  }
0x24: {  	s3 =	sadd.s32 $0x88, s3;
	s6 =	simm.s32 @!p1 $0x1082;
	[sflag:s4] =	ssyncset.s32 $0xFFFFF086  }
0x25: {  	[simem:s6], [sflag:s4] =	dma.local [hbm:s3], $0xF7A  }
0x26: {  	[smem:$0x3F9D] =	sst s1;
	(tag) =	ssettag s2;
	_ =	strace s9  }
0x27: {  	s1 =	sld [smem:$0x3FAD]  }
0x28: {  	s2 =	sld [smem:$0x3FAE]  }
0x29: {  	s4 =	sld [smem:$0x3FB0]  }
0x2a: {  	p0 =	seq.s32 s5, $0x0;
	s5 =	sld [smem:$0x3FB1]  }
0x2b: {  	s6 =	sld [smem:$0x3FB2]  }
0x2c: {  	s7 =	sld [smem:$0x3FB3]  }
0x2d: {  	s3 =	simm.s32 $0x108;
	s8 =	sld [smem:$0x3FB4]  }
0x2e: {  	s3 =	simm.s32 @!p0 $0x1082;
	s9 =	sld [smem:$0x3FB5]  }
0x2f: {  	lr =	sadd.s32 s0, s3;
	s0 =	sld [smem:$0x3FAC]  }
0x30: {  	s3 =	sld [smem:$0x3FAF]  }
0x31: {  	[smem:$0x3FB8] =	sst s10  }
0x32: {  	s10 =	sld [smem:$0x3FB6];
	_ =	sdelay $0x3  }
0x33: {  	p0 =	seq.s32 s10, $0x1;
	s10 =	sld [smem:$0x3FB8];
	_ =	sdelay $0x3  }
0x34: {  	[smem:$0x3FB8] =	sst s10  }
0x35: {  	s10 =	sld [smem:$0x3FB7];
	_ =	sdelay $0x3  }
0x36: {  	p1 =	seq.s32 s10, $0x1;
	s10 =	sld [smem:$0x3FB8];
	_ =	sdelay $0x3  }
0x37: {  	[smem:$0x3FB8] =	sst s10  }
0x38: {  	s10 =	sld [smem:$0x3FB9]  }
0x39: {  	_ = 	snop;
	(pc) =	sbr.ind lr, $3  }
0x3a: {  	_ = 	snop  }
0x3b: {  	_ = 	snop  }
0x3c: {  	p2 =	seq.s32 s10, $0x1;
	s10 =	sld [smem:$0x3FB8]  }
0x3d: {  	_ =	shalt  }
0x3e: {  	_ =	shalt  }
0x3f: {  	_ =	shalt  }
0x40: {  	_ =	shalt  }
0x41: {  	_ =	shalt  }
0x42: {  	_ =	shalt  }
0x43: {  	_ =	shalt  }
0x44: {  	_ =	shalt  }
0x45: {  	_ =	shalt  }
0x46: {  	_ =	shalt  }
0x47: {  	_ =	shalt  }
0x48: {  	_ =	shalt  }
0x49: {  	_ =	shalt  }
0x4a: {  	_ =	shalt  }
0x4b: {  	_ =	shalt  }
0x4c: {  	_ =	shalt  }
0x4d: {  	_ =	shalt  }
0x4e: {  	_ =	shalt  }
0x4f: {  	_ =	shalt  }
0x50: {  	_ =	shalt  }
0x51: {  	_ =	shalt  }
0x52: {  	_ =	shalt  }
0x53: {  	_ =	shalt  }
0x54: {  	_ =	shalt  }
0x55: {  	_ =	shalt  }
0x56: {  	_ =	shalt  }
0x57: {  	_ =	shalt  }
0x58: {  	_ =	shalt  }
0x59: {  	_ =	shalt  }
0x5a: {  	_ =	shalt  }
0x5b: {  	_ =	shalt  }
0x5c: {  	_ =	shalt  }
0x5d: {  	_ =	shalt  }
0x5e: {  	_ =	shalt  }
0x5f: {  	_ =	shalt  }
0x60: {  	_ =	shalt  }
0x61: {  	_ =	shalt  }
0x62: {  	_ =	shalt  }
0x63: {  	_ =	shalt  }
0x64: {  	_ =	shalt  }
0x65: {  	_ =	shalt  }
0x66: {  	_ =	shalt  }
0x67: {  	_ =	shalt  }
0x68: {  	_ =	shalt  }
0x69: {  	_ =	shalt  }
0x6a: {  	_ =	shalt  }
0x6b: {  	_ =	shalt  }
0x6c: {  	_ =	shalt  }
0x6d: {  	_ =	shalt  }
0x6e: {  	_ =	shalt  }
0x6f: {  	_ =	shalt  }
0x70: {  	_ =	shalt  }
0x71: {  	_ =	shalt  }
0x72: {  	_ =	shalt  }
0x73: {  	_ =	shalt  }
0x74: {  	_ =	shalt  }
0x75: {  	_ =	shalt  }
0x76: {  	_ =	shalt  }
0x77: {  	_ =	shalt  }
0x78: {  	_ =	shalt  }
0x79: {  	_ =	shalt  }
0x7a: {  	_ =	shalt  }
0x7b: {  	_ =	shalt  }
0x7c: {  	_ =	shalt  }
0x7d: {  	_ =	shalt  }
0x7e: {  	_ =	shalt  }
0x7f: {  	_ =	shalt  }
0x80: {  	_ =	shalt  }
0x81: {  	_ =	shalt  }
0x82: {  	_ =	shalt  }
0x83: {  	_ =	shalt  }
0x84: {  	_ =	shalt  }
0x85: {  	_ =	shalt  }
0x86: {  	_ =	shalt  }
0x87: {  	_ =	shalt  }
.Lfunc_end0:
.L_simem_size_0:
called_computation_lowered:
.L_overlay_start_0:
0x88: {  	s2 =	sld [smem:$0x3FD9]  }
0x89: {  	s3 =	sld [smem:$0x3FFE];
	_ =	sdelay $0x1  }
0x8a: {  	s1 =	srdreg.scid  }
0x8b: {  	s0 =	sand.u32 $0x1, s1  }
0x8c: {  	s18 =	sshll.u32 s0, $0xA;
	s2 =	sadd.s32 s3, s2  }
0x8d: {  	s2 =	sadd.s32 s2, s18  }
0x8e: {  	[smem:$0x3FC4] =	sst s2  }
0x8f: {  	_ = 	snop  }
0x90: {  	s2 =	sld [smem:$0x3FC9]  }
0x91: {  	s19 =	sld [smem:$0x3FC8]  }
0x92: {  	s4 =	sld [smem:$0x3FC7]  }
0x93: {  	s5 =	sld [smem:$0x3FC6]  }
0x94: {  	s6 =	sld [smem:$0x3FD0];
	(tm) =	ssettm $0x1  }
0x95: {  	s7 =	sld [smem:$0x3FFB];
	_ =	sdelay $0x3  }
0x96: {  	_ =	strace s7  }
0x97: {  	s7 =	sld [smem:$0x3FFC];
	_ =	sdelay $0x3  }
0x98: {  	_ =	strace s7  }
0x99: {  	s7 =	sld [smem:$0x3FFD];
	_ =	sdelay $0x3  }
0x9a: {  	_ =	strace s7  }
0x9b: {  	_ =	strace $0x8FFFFFFF  }
0x9c: {  	s20 =	sld [smem:$0x3FDB];
	_ =	sdelay $0x1  }
0x9d: {  	s8 =	simm.s32 $_scs_section_size  }
0x9e: {  	s9 =	simm.s32 $_size__tile_overlayer_lowered;
	s10 =	simm.s32 $_tile_overlayer_lowered  }
0x9f: {  	s23 =	simm.s32 $0x1BFF;
	s22 =	sshll.u32 s10, $0x1;
	s7 =	sadd.s32 s8, s20  }
0xa0: {  	s11 =	simm.s32 $0x0;
	s21 =	sshll.u32 s9, $0x1;
	s9 =	sadd.s32 s22, s7  }
0xa1: {  	[timem:s11], [sflag:s23] =	dma.local [hbm:s9], s21  }
0xa2: {  	_ =	swait.ge [sflag:s23], s21  }
0xa3: {  	s8 =	ssub.s32 $0x0, s21;
	[sflag:s23] =	ssyncset.done $0x0  }
0xa4: {  	[sflag:s23] =	ssyncadd.s32 s8;
	_ =	sdelay $0x1  }
0xa5: {  	s24 =	simm.s32 $0x1B8B  }
0xa6: {  	_ =	swait.ge [sflag:s24], $0x1  }
0xa7: {  	[sflag:s24] =	ssyncset.done $0x0  }
0xa8: {  	s25 =	simm.s32 $0x1B8E;
	[sflag:s24] =	ssyncadd.s32 $0xFFFFFFFF  }
0xa9: {  	s26 =	simm.s32 $execute0_lowered;
	[smem:$0x3FD2] =	sst s25  }
0xaa: {  	s8 =	sshll.u32 s26, $0x1;
	_ =	strace $0x80000046;
	[dreg:$0x1] =	wrdreg $0xFFFFFFFF  }
0xab: {  	s28 =	simm.s32 $_size_execute0_lowered;
	s7 =	sadd.s32 s7, s8;
	[dreg:$0x0] =	wrdreg $0x0  }
0xac: {  	s8 =	sshll.u32 s28, $0x1;
	[dreg:$0x2] =	wrdreg s7  }
0xad: {  	[dreg:$0x3] =	wrdreg s8  }
0xae: {  	[dreg:$0x4] =	wrdreg $0xC0  }
0xaf: {  	_ =	task [dreg:s11], $0x5FFFF  }
0xb0: {  	[dreg:$0x1] =	wrdreg $0xFFFFFFFF  }
0xb1: {  	[dreg:$0x0] =	wrdreg $0x60  }
0xb2: {  	[dreg:$0x2] =	wrdreg s2  }
0xb3: {  	[dreg:$0x3] =	wrdreg s19  }
0xb4: {  	[dreg:$0x4] =	wrdreg s4  }
0xb5: {  	[dreg:$0x5] =	wrdreg s5  }
0xb6: {  	[dreg:$0x6] =	wrdreg s6  }
0xb7: {  	[dreg:$0x7] =	wrdreg $0x1E7000  }
0xb8: {  	[dreg:$0x8] =	wrdreg $0x9  }
0xb9: {  	_ =	task.clear_ibuf [dreg:s11], $0x9FFFF;
	_ =	strace $0x90000046  }
0xba: {  	s29 =	simm.s32 $0x9;
	_ =	strace $0x80000048  }
0xbb: {  	_ =	swait.ge [sflag:s29], $0x1  }
0xbc: {  	[sflag:s29] =	ssyncadd.s32 $0xFFFFFFFF  }
0xbd: {  	_ =	strace $0x90000048  }
0xbe: {  	_ =	sfence  }
0xbf: {  	s30 =	sld [smem:$0x0];
	_ =	sdelay $0x2  }
0xc0: {  	s31 =	sshll.u32 s1, $0xD;
	s1 =	sshrl.u32 s1, $0x2  }
0xc1: {  	s3 =	sand.u32 $0x4000, s31;
	s1 =	sadd.s32 s1, s30  }
0xc2: {  	s0 =	sor.u32 s3, s0;
	s1 =	sshll.u32 s1, $0x11  }
0xc3: {  	s0 =	sor.u32 s1, s0  }
0xc4: {  	s0 =	sadd.s32 $0x8F2B, s0  }
0xc5: {  	[sflag:s0] =	ssyncadd.remote.s32 $0x1  }
0xc6: {  	_ =	sfence.sel $0xFFFF  }
0xc7: {  	[dreg:$0x0] =	wrdreg $0xFFFFFFFF;
	(pc) =	sbr.abs _section_cstart, $3  }
0xc8: {  	[dreg:$0x1] =	wrdreg $0xFFFFFFFF  }
0xc9: {  	_ =	task.clear_ibuf [dreg:s11], $0x2FFFF;
	_ =	strace $0x9FFFFFFF  }
0xca: {  	(tm) =	ssettm $0x7FFFFFFF  }
0xcb: {  	_ =	shalt  }
tec
execute0_lowered:
.L_overlay_start_1:
0x0: {  	(tag) =	ssettag $0x1  }
0x1: {  	s0 =	rddreg [dreg:$0x0]  }
0x2: {  	s1 =	rddreg [dreg:$0x2]  }
0x3: {  	s3 =	rddreg [dreg:$0x3]  }
0x4: {  	s4 =	rddreg [dreg:$0x4]  }
0x5: {  	s2 =	rddreg [dreg:$0x5];
	s5 =	simm.s32 $0x0;
	s6 =	stileid.u32  }
0x6: {  	[smem:$0x7FF] =	sst s5;
	s7 =	sshll.u32 s6, $0x9;
	s18 =	sadd.s32 $0x1000, s2  }
0x7: {  	s19 =	sadd.s32 $0x2000, s2;
	_ =	strace $0x80000047;
	[dreg:$0x9] =	wrdreg s18  }
0x8: {  	s8 =	sshrl.u32 s6, $0x1;
	s20 =	sadd.s32 $0x3000, s2;
	[dreg:$0xa] =	wrdreg s19  }
0x9: {  	p0 =	sne.s32 s6, $0x0;
	s6 =	sadd.s32 $0xE80, s2;
	[dreg:$0xb] =	wrdreg s20  }
0xa: {  	s18 =	sadd.s32 $0x800, s2;
	[smem:$0x79E] =	sst s6  }
0xb: {  	s12 =	srdreg.scid;
	s19 =	sadd.s32 $0x880, s2;
	[smem:$0x791] =	sst s18  }
0xc: {  	s5 =	sand.u32 $0x1, s12;
	s20 =	sadd.s32 $0x900, s2;
	[smem:$0x792] =	sst s19  }
0xd: {  	s9 =	sshll.u32 s5, $0x8;
	s6 =	sadd.s32 $0x1B80, s2;
	[smem:$0x793] =	sst s20  }
0xe: {  	s10 =	smul.u32 $0xC3800, s8;
	s18 =	sadd.s32 $0x1500, s2;
	[smem:$0x7B7] =	sst s6  }
0xf: {  	s7 =	sand.u32 $0x200, s7;
	s19 =	sadd.s32 $0x1580, s2;
	[smem:$0x7AA] =	sst s18  }
0x10: {  	s5 =	ssub.s32 $0x2, s5;
	s20 =	sadd.s32 $0x1600, s2;
	[smem:$0x7AB] =	sst s19  }
0x11: {  	s13 =	sshrl.u32 s5, $0x1;
	s6 =	sadd.s32 $0x2880, s2;
	[smem:$0x7AC] =	sst s20  }
0x12: {  	s5 =	ssub.s32 s5, s13;
	s13 =	sadd.s32 $0x580, s2;
	[smem:$0x7D0] =	sst s6  }
0x13: {  	s8 =	sshll.u32 s8, $0x11;
	s18 =	sadd.s32 $0x2200, s2;
	[dreg:$0x1d] =	wrdreg s13  }
0x14: {  	s7 =	sor.u32 s9, s7;
	s19 =	sadd.s32 $0x2280, s2;
	[smem:$0x7C3] =	sst s18  }
0x15: {  	s11 =	sor.u32 s10, s7;
	s20 =	sadd.s32 $0x2300, s2;
	[smem:$0x7C4] =	sst s19  }
0x16: {  	s12 =	sor.u32 s8, s7;
	s6 =	sadd.s32 $0x3580, s2;
	[smem:$0x7C5] =	sst s20  }
0x17: {  	s7 =	sor.u32 $0x80, s7;
	s26 =	smax.u32 s5, $0x1;
	[smem:$0x7E9] =	sst s6  }
0x18: {  	s21 =	sor.u32 s10, s7;
	s5 =	sadd.s32 $0x200, s2;
	[dreg:$0x12] =	wrdreg s26  }
0x19: {  	s7 =	sor.u32 s8, s7;
	s8 =	sadd.s32 $0x300, s2;
	[dreg:$0x16] =	wrdreg s5  }
0x1a: {  	s10 =	sadd.s32 $0x400, s2;
	[dreg:$0x18] =	wrdreg s8  }
0x1b: {  	s14 =	sshrl.u32 s11, $0x3;
	s11 =	sadd.s32 $0x480, s2;
	[dreg:$0x1a] =	wrdreg s10  }
0x1c: {  	s15 =	sshrl.u32 s12, $0x3;
	s12 =	sadd.s32 $0x500, s2;
	[dreg:$0x1b] =	wrdreg s11  }
0x1d: {  	s13 =	sadd.s32 $0x1280, s2;
	[dreg:$0x1c] =	wrdreg s12  }
0x1e: {  	s18 =	sadd.s32 $0x2E80, s2;
	[smem:$0x7A5] =	sst s13  }
0x1f: {  	s19 =	sadd.s32 $0x2F00, s2;
	[smem:$0x7DC] =	sst s18  }
0x20: {  	s20 =	sadd.s32 $0x2F80, s2;
	[smem:$0x7DD] =	sst s19  }
0x21: {  	s16 =	sadd.s32 s1, s14;
	[smem:$0x7DE] =	sst s20  }
0x22: {  	s17 =	sadd.s32 s0, s15;
	[dreg:$0x7] =	wrdreg s16  }
0x23: {  	s9 =	sadd.s32 s3, s14;
	[dreg:$0x8] =	wrdreg s17  }
0x24: {  	s22 =	sadd.s32 s4, s15;
	[dreg:$0xc] =	wrdreg s9  }
0x25: {  	s14 =	sadd.s32 $0x600, s2;
	[dreg:$0xd] =	wrdreg s22  }
0x26: {  	s15 =	sadd.s32 $0x680, s2;
	[dreg:$0x1e] =	wrdreg s14  }
0x27: {  	s23 =	sshrl.u32 s21, $0x3;
	s21 =	sadd.s32 $0x980, s2;
	[dreg:$0x1f] =	wrdreg s15  }
0x28: {  	s26 =	sadd.s32 $0xC00, s2;
	[smem:$0x794] =	sst s21  }
0x29: {  	s5 =	sadd.s32 $0xE00, s2;
	[smem:$0x799] =	sst s26  }
0x2a: {  	s8 =	sadd.s32 $0xF80, s2;
	[smem:$0x79D] =	sst s5  }
0x2b: {  	s10 =	sadd.s32 $0x1100, s2;
	[smem:$0x7A0] =	sst s8  }
0x2c: {  	s11 =	sadd.s32 $0x1180, s2;
	[smem:$0x7A2] =	sst s10  }
0x2d: {  	s12 =	sadd.s32 $0x1200, s2;
	[smem:$0x7A3] =	sst s11  }
0x2e: {  	s13 =	sadd.s32 $0x1F00, s2;
	[smem:$0x7A4] =	sst s12  }
0x2f: {  	s18 =	sadd.s32 $0x3B80, s2;
	[smem:$0x7BE] =	sst s13  }
0x30: {  	s19 =	sadd.s32 $0x3C00, s2;
	[smem:$0x7F5] =	sst s18  }
0x31: {  	s20 =	sadd.s32 $0x3C80, s2;
	[smem:$0x7F6] =	sst s19  }
0x32: {  	s7 =	sshrl.u32 s7, $0x3;
	s1 =	sadd.s32 s1, s23;
	[smem:$0x7F7] =	sst s20  }
0x33: {  	s0 =	sadd.s32 s0, s7;
	[dreg:$0xe] =	wrdreg s1  }
0x34: {  	s24 =	sadd.s32 s3, s23;
	[dreg:$0xf] =	wrdreg s0  }
0x35: {  	s25 =	sadd.s32 s4, s7;
	[dreg:$0x10] =	wrdreg s24  }
0x36: {  	s3 =	sadd.s32 $0x100, s2;
	[dreg:$0x11] =	wrdreg s25  }
0x37: {  	s4 =	sadd.s32 $0x180, s2;
	[dreg:$0x14] =	wrdreg s3  }
0x38: {  	s7 =	sadd.s32 $0x280, s2;
	[dreg:$0x15] =	wrdreg s4  }
0x39: {  	s9 =	sadd.s32 $0x380, s2;
	[dreg:$0x17] =	wrdreg s7  }
0x3a: {  	s16 =	sadd.s32 $0x700, s2;
	[dreg:$0x19] =	wrdreg s9  }
0x3b: {  	s17 =	sadd.s32 $0x780, s2;
	[smem:$0x78F] =	sst s16  }
0x3c: {  	s22 =	sadd.s32 $0xA00, s2;
	[smem:$0x790] =	sst s17  }
0x3d: {  	s23 =	sadd.s32 $0xA80, s2;
	[smem:$0x795] =	sst s22  }
0x3e: {  	s14 =	sadd.s32 $0x1300, s2;
	[smem:$0x796] =	sst s23  }
0x3f: {  	s15 =	sadd.s32 $0x1380, s2;
	[smem:$0x7A6] =	sst s14  }
0x40: {  	s21 =	sadd.s32 $0x1680, s2;
	[smem:$0x7A7] =	sst s15  }
0x41: {  	s26 =	sadd.s32 $0x1900, s2;
	[smem:$0x7AD] =	sst s21  }
0x42: {  	s5 =	sadd.s32 $0x1B00, s2;
	[smem:$0x7B2] =	sst s26  }
0x43: {  	s8 =	sadd.s32 $0x1C80, s2;
	[smem:$0x7B6] =	sst s5  }
0x44: {  	s10 =	sadd.s32 $0x1D80, s2;
	[smem:$0x7B9] =	sst s8  }
0x45: {  	s11 =	sadd.s32 $0x1E00, s2;
	[smem:$0x7BB] =	sst s10  }
0x46: {  	s12 =	sadd.s32 $0x1E80, s2;
	[smem:$0x7BC] =	sst s11  }
0x47: {  	s13 =	sadd.s32 $0x2C00, s2;
	[smem:$0x7BD] =	sst s12  }
0x48: {  	s1 =	sadd.s32 $0x80, s2;
	[smem:$0x7D7] =	sst s13  }
0x49: {  	s24 =	sadd.s32 $0xB00, s2;
	[dreg:$0x13] =	wrdreg s1  }
0x4a: {  	s25 =	sadd.s32 $0xB80, s2;
	[smem:$0x797] =	sst s24  }
0x4b: {  	s3 =	sadd.s32 $0xD00, s2;
	[smem:$0x798] =	sst s25  }
0x4c: {  	s4 =	sadd.s32 $0xD80, s2;
	[smem:$0x79B] =	sst s3  }
0x4d: {  	s7 =	sadd.s32 $0xF00, s2;
	[smem:$0x79C] =	sst s4  }
0x4e: {  	s9 =	sadd.s32 $0x1080, s2;
	[smem:$0x79F] =	sst s7  }
0x4f: {  	s16 =	sadd.s32 $0x1400, s2;
	[smem:$0x7A1] =	sst s9  }
0x50: {  	s17 =	sadd.s32 $0x1480, s2;
	[smem:$0x7A8] =	sst s16  }
0x51: {  	s22 =	sadd.s32 $0x1700, s2;
	[smem:$0x7A9] =	sst s17  }
0x52: {  	s23 =	sadd.s32 $0x1780, s2;
	[smem:$0x7AE] =	sst s22  }
0x53: {  	s14 =	sadd.s32 $0x1F80, s2;
	[smem:$0x7AF] =	sst s23  }
0x54: {  	s15 =	sadd.s32 $0x2080, s2;
	[smem:$0x7BF] =	sst s14  }
0x55: {  	s21 =	sadd.s32 $0x2380, s2;
	[smem:$0x7C0] =	sst s15  }
0x56: {  	s26 =	sadd.s32 $0x2600, s2;
	[smem:$0x7C6] =	sst s21  }
0x57: {  	s5 =	sadd.s32 $0x2800, s2;
	[smem:$0x7CB] =	sst s26  }
0x58: {  	s8 =	sadd.s32 $0x2980, s2;
	[smem:$0x7CF] =	sst s5  }
0x59: {  	s10 =	sadd.s32 $0x2A80, s2;
	[smem:$0x7D2] =	sst s8  }
0x5a: {  	s11 =	sadd.s32 $0x2B00, s2;
	[smem:$0x7D4] =	sst s10  }
0x5b: {  	s12 =	sadd.s32 $0x2B80, s2;
	[smem:$0x7D5] =	sst s11  }
0x5c: {  	s13 =	sadd.s32 $0x3900, s2;
	[smem:$0x7D6] =	sst s12  }
0x5d: {  	s1 =	sadd.s32 $0xC80, s2;
	[smem:$0x7F0] =	sst s13  }
0x5e: {  	s24 =	sadd.s32 $0x1800, s2;
	[smem:$0x79A] =	sst s1  }
0x5f: {  	s25 =	sadd.s32 $0x1880, s2;
	[smem:$0x7B0] =	sst s24  }
0x60: {  	s3 =	sadd.s32 $0x1A00, s2;
	[smem:$0x7B1] =	sst s25  }
0x61: {  	s4 =	sadd.s32 $0x1A80, s2;
	[smem:$0x7B4] =	sst s3  }
0x62: {  	s7 =	sadd.s32 $0x1C00, s2;
	[smem:$0x7B5] =	sst s4  }
0x63: {  	s9 =	sadd.s32 $0x1D00, s2;
	[smem:$0x7B8] =	sst s7  }
0x64: {  	s16 =	sadd.s32 $0x2100, s2;
	[smem:$0x7BA] =	sst s9  }
0x65: {  	s17 =	sadd.s32 $0x2180, s2;
	[smem:$0x7C1] =	sst s16  }
0x66: {  	s22 =	sadd.s32 $0x2400, s2;
	[smem:$0x7C2] =	sst s17  }
0x67: {  	s23 =	sadd.s32 $0x2480, s2;
	[smem:$0x7C7] =	sst s22  }
0x68: {  	s14 =	sadd.s32 $0x2C80, s2;
	[smem:$0x7C8] =	sst s23  }
0x69: {  	s15 =	sadd.s32 $0x2D00, s2;
	[smem:$0x7D8] =	sst s14  }
0x6a: {  	s21 =	sadd.s32 $0x3080, s2;
	[smem:$0x7D9] =	sst s15  }
0x6b: {  	s26 =	sadd.s32 $0x3300, s2;
	[smem:$0x7DF] =	sst s21  }
0x6c: {  	s5 =	sadd.s32 $0x3500, s2;
	[smem:$0x7E4] =	sst s26  }
0x6d: {  	s8 =	sadd.s32 $0x3680, s2;
	[smem:$0x7E8] =	sst s5  }
0x6e: {  	s10 =	sadd.s32 $0x3780, s2;
	[smem:$0x7EB] =	sst s8  }
0x6f: {  	s11 =	sadd.s32 $0x3800, s2;
	[smem:$0x7ED] =	sst s10  }
0x70: {  	s12 =	sadd.s32 $0x3880, s2;
	[smem:$0x7EE] =	sst s11  }
0x71: {  	s1 =	sadd.s32 $0x1980, s2;
	[smem:$0x7EF] =	sst s12  }
0x72: {  	s24 =	sadd.s32 $0x2500, s2;
	[smem:$0x7B3] =	sst s1  }
0x73: {  	s25 =	sadd.s32 $0x2580, s2;
	[smem:$0x7C9] =	sst s24  }
0x74: {  	s3 =	sadd.s32 $0x2700, s2;
	[smem:$0x7CA] =	sst s25  }
0x75: {  	s4 =	sadd.s32 $0x2780, s2;
	[smem:$0x7CD] =	sst s3  }
0x76: {  	s7 =	sadd.s32 $0x2900, s2;
	[smem:$0x7CE] =	sst s4  }
0x77: {  	s9 =	sadd.s32 $0x2A00, s2;
	[smem:$0x7D1] =	sst s7  }
0x78: {  	s16 =	sadd.s32 $0x2D80, s2;
	[smem:$0x7D3] =	sst s9  }
0x79: {  	s17 =	sadd.s32 $0x2E00, s2;
	[smem:$0x7DA] =	sst s16  }
0x7a: {  	s28 =	simm.s32 $0x1;
	s22 =	sadd.s32 $0x3100, s2;
	[smem:$0x7DB] =	sst s17  }
0x7b: {  	s29 =	simm.s32 $0x1A80;
	s23 =	sadd.s32 $0x3180, s2;
	[smem:$0x7E0] =	sst s22  }
0x7c: {  	s30 =	simm.s32 $0x1B80;
	s14 =	sadd.s32 $0x3980, s2;
	[smem:$0x7E1] =	sst s23  }
0x7d: {  	s31 =	simm.s32 $0x1C80;
	s15 =	sadd.s32 $0x3A00, s2;
	[smem:$0x7F1] =	sst s14  }
0x7e: {  	s6 =	simm.s32 $0x1080;
	s21 =	sadd.s32 $0x3D00, s2;
	[smem:$0x7F2] =	sst s15  }
0x7f: {  	s20 =	simm.s32 $0x80;
	s26 =	sadd.s32 $0x3F80, s2;
	[smem:$0x7F8] =	sst s21  }
0x80: {  	s19 =	simm.s32 $0x4;
	s1 =	sadd.s32 $0x2680, s2;
	[smem:$0x7FD] =	sst s26  }
0x81: {  	s18 =	simm.s32 $0x1980;
	s24 =	sadd.s32 $0x3200, s2;
	[smem:$0x7CC] =	sst s1  }
0x82: {  	s0 =	simm.s32 $0x1D80;
	s25 =	sadd.s32 $0x3280, s2;
	[smem:$0x7E2] =	sst s24  }
0x83: {  	s13 =	simm.s32 $0xC80;
	s3 =	sadd.s32 $0x3400, s2;
	[smem:$0x7E3] =	sst s25  }
0x84: {  	s11 =	simm.s32 $0x1A700;
	s4 =	sadd.s32 $0x3480, s2;
	[smem:$0x7E6] =	sst s3  }
0x85: {  	s8 =	simm.s32 $0x1380;
	s7 =	sadd.s32 $0x3600, s2;
	[smem:$0x7E7] =	sst s4  }
0x86: {  	s5 =	simm.s32 $0x5;
	s9 =	sadd.s32 $0x3700, s2;
	[smem:$0x7EA] =	sst s7  }
0x87: {  	s16 =	sadd.s32 $0x3A80, s2;
	s17 =	sadd.s32 $0x3B00, s2;
	[smem:$0x7EC] =	sst s9  }
0x88: {  	s22 =	sadd.s32 $0x3D80, s2;
	s23 =	sadd.s32 $0x3E00, s2;
	[smem:$0x7F3] =	sst s16  }
0x89: {  	s21 =	simm.s32 $0x400;
	s14 =	simm.s32 $0xD80;
	[smem:$0x7F4] =	sst s17  }
0x8a: {  	s15 =	simm.s32 $0xE80;
	s26 =	simm.s32 $0x1880;
	[smem:$0x7F9] =	sst s22  }
0x8b: {  	s1 =	sadd.s32 $0x3380, s2;
	[smem:$0x7FA] =	sst s23;
	s24 =	sadd.s32 $0x3E80, s2  }
0x8c: {  	s25 =	sadd.s32 $0x3F00, s2;
	s22 =	simm.s32 $0x2000;
	s3 =	simm.s32 $0xF80  }
0x8d: {  	s7 =	simm.s32 $0x1180;
	s23 =	simm.s32 $0x1280;
	[smem:$0x7E5] =	sst s1  }
0x8e: {  	s16 =	simm.s32 $0x1580;
	s17 =	simm.s32 $0x1780;
	[smem:$0x7FB] =	sst s24  }
0x8f: {  	s4 =	simm.s32 $0x1F80;
	s9 =	simm.s32 $0x0;
	[smem:$0x7FC] =	sst s25  }
0x90: {  	s24 =	simm.s32 $0x1480;
	s25 =	simm.s32 $0x1680;
	s1 =	simm.s32 $0x1E80  }
.LBB2_1:
0x91: {  	s10 =	rddreg [dreg:$0x7]  }
0x92: {  	[tilespmem:s22], [sflag:$0x1] =	stream.strided.gather [hbm4b:s10+s20], $0x18700, s21, s20, $0x38;
	[tilespmem:$0x1EB00] =	vst v63  }
0x93: {  	s12 =	rddreg [dreg:$0x8]  }
0x94: {  	[tilespmem:s11], [sflag:$0x2] =	stream.strided.gather [hbm4b:s12+s20], $0x4000, s21, s20, $0x38;
	[tilespmem:$0x1EB00] =	vst v63  }
0x95: {  	s10 =	sshrl.u32 @!p0 s2, $0x3;
	s11 =	simm.s32 @!p0 $0x1C06;
	s12 =	rddreg [dreg:$0x1]  }
0x96: {  	[spmem:s10], [sflag:s11] =	dma.local @!p0 [hbm:s12], $0x800  }
0x97: {  	s10 =	simm.s32 @!p0 $0x6  }
0x98: {  	_ =	swait.ge @!p0 [sflag:s10], $0x800  }
0x99: {  	[sflag:s10] =	ssyncset.done @!p0 $0x0  }
0x9a: {  	[sflag:s10] =	ssyncadd.s32 @!p0 $0xFFFFF800  }
0x9b: {  	s12 =	simm.s32 $0x0;
	[bflag:$0x0] =	sbarrier.arrive $0xFFFF  }
0x9c: {  	[tilespmem:s12], [sflag:$0x4] =	stream.linear.gather [spmem:s2], $0x80, $0x38;
	[tilespmem:$0x1EB00] =	vst v63  }
0x9d: {  	s11 =	rddreg [dreg:$0x13];
	s12 =	simm.s32 $0x100  }
0x9e: {  	[tilespmem:s12], [sflag:$0x4] =	stream.linear.gather [spmem:s11], $0x80, $0x38;
	[tilespmem:$0x1EB00] =	vst v63  }
0x9f: {  	s11 =	rddreg [dreg:$0x14];
	s12 =	simm.s32 $0x200  }
0xa0: {  	[tilespmem:s12], [sflag:$0x4] =	stream.linear.gather [spmem:s11], $0x80, $0x38;
	[tilespmem:$0x1EB00] =	vst v63  }
0xa1: {  	s11 =	rddreg [dreg:$0x15];
	s12 =	simm.s32 $0x300  }
0xa2: {  	[tilespmem:s12], [sflag:$0x4] =	stream.linear.gather [spmem:s11], $0x80, $0x38;
	[tilespmem:$0x1EB00] =	vst v63  }
0xa3: {  	s12 =	rddreg [dreg:$0x16]  }
0xa4: {  	[tilespmem:s21], [sflag:$0x4] =	stream.linear.gather [spmem:s12], $0x80, $0x38;
	[tilespmem:$0x1EB00] =	vst v63  }
0xa5: {  	s11 =	rddreg [dreg:$0x17];
	s12 =	simm.s32 $0x500  }
0xa6: {  	[tilespmem:s12], [sflag:$0x4] =	stream.linear.gather [spmem:s11], $0x80, $0x38;
	[tilespmem:$0x1EB00] =	vst v63  }
0xa7: {  	s11 =	rddreg [dreg:$0x18];
	s12 =	simm.s32 $0x600  }
0xa8: {  	[tilespmem:s12], [sflag:$0x4] =	stream.linear.gather [spmem:s11], $0x80, $0x38;
	[tilespmem:$0x1EB00] =	vst v63  }
0xa9: {  	s11 =	rddreg [dreg:$0x19];
	s12 =	simm.s32 $0x700  }
0xaa: {  	[tilespmem:s12], [sflag:$0x4] =	stream.linear.gather [spmem:s11], $0x80, $0x38;
	[tilespmem:$0x1EB00] =	vst v63  }
0xab: {  	s11 =	rddreg [dreg:$0x1a];
	s12 =	simm.s32 $0x800  }
0xac: {  	[tilespmem:s12], [sflag:$0x4] =	stream.linear.gather [spmem:s11], $0x80, $0x38;
	[tilespmem:$0x1EB00] =	vst v63  }
0xad: {  	s11 =	rddreg [dreg:$0x1b];
	s12 =	simm.s32 $0x900  }
0xae: {  	[tilespmem:s12], [sflag:$0x4] =	stream.linear.gather [spmem:s11], $0x80, $0x38;
	[tilespmem:$0x1EB00] =	vst v63  }
0xaf: {  	s11 =	rddreg [dreg:$0x1c];
	s12 =	simm.s32 $0xA00  }
0xb0: {  	[tilespmem:s12], [sflag:$0x4] =	stream.linear.gather [spmem:s11], $0x80, $0x38;
	[tilespmem:$0x1EB00] =	vst v63  }
0xb1: {  	s11 =	rddreg [dreg:$0x1d];
	s12 =	simm.s32 $0xB00  }
0xb2: {  	[tilespmem:s12], [sflag:$0x4] =	stream.linear.gather [spmem:s11], $0x80, $0x38;
	[tilespmem:$0x1EB00] =	vst v63  }
0xb3: {  	s11 =	rddreg [dreg:$0x1e];
	s12 =	simm.s32 $0xC00  }
0xb4: {  	[tilespmem:s12], [sflag:$0x4] =	stream.linear.gather [spmem:s11], $0x80, $0x38;
	[tilespmem:$0x1EB00] =	vst v63  }
0xb5: {  	s11 =	rddreg [dreg:$0x1f];
	s12 =	simm.s32 $0xD00  }
0xb6: {  	[tilespmem:s12], [sflag:$0x4] =	stream.linear.gather [spmem:s11], $0x80, $0x38;
	[tilespmem:$0x1EB00] =	vst v63  }
0xb7: {  	s11 =	sld [smem:$0x78F];
	_ =	sdelay $0x1  }
0xb8: {  	s12 =	simm.s32 $0xE00  }
0xb9: {  	[tilespmem:s12], [sflag:$0x4] =	stream.linear.gather [spmem:s11], $0x80, $0x38;
	[tilespmem:$0x1EB00] =	vst v63  }
0xba: {  	s11 =	sld [smem:$0x790];
	_ =	sdelay $0x1  }
0xbb: {  	s12 =	simm.s32 $0xF00  }
0xbc: {  	[tilespmem:s12], [sflag:$0x4] =	stream.linear.gather [spmem:s11], $0x80, $0x38;
	[tilespmem:$0x1EB00] =	vst v63  }
0xbd: {  	s11 =	sld [smem:$0x791];
	_ =	sdelay $0x1  }
0xbe: {  	s12 =	simm.s32 $0x1000  }
0xbf: {  	[tilespmem:s12], [sflag:$0x4] =	stream.linear.gather [spmem:s11], $0x80, $0x38;
	[tilespmem:$0x1EB00] =	vst v63  }
0xc0: {  	s11 =	sld [smem:$0x792];
	_ =	sdelay $0x1  }
0xc1: {  	s12 =	simm.s32 $0x1100  }
0xc2: {  	[tilespmem:s12], [sflag:$0x4] =	stream.linear.gather [spmem:s11], $0x80, $0x38;
	[tilespmem:$0x1EB00] =	vst v63  }
0xc3: {  	s11 =	sld [smem:$0x793];
	_ =	sdelay $0x1  }
0xc4: {  	s12 =	simm.s32 $0x1200  }
0xc5: {  	[tilespmem:s12], [sflag:$0x4] =	stream.linear.gather [spmem:s11], $0x80, $0x38;
	[tilespmem:$0x1EB00] =	vst v63  }
0xc6: {  	s11 =	sld [smem:$0x794];
	_ =	sdelay $0x1  }
0xc7: {  	s12 =	simm.s32 $0x1300  }
0xc8: {  	[tilespmem:s12], [sflag:$0x4] =	stream.linear.gather [spmem:s11], $0x80, $0x38;
	[tilespmem:$0x1EB00] =	vst v63  }
0xc9: {  	s11 =	sld [smem:$0x795];
	_ =	sdelay $0x1  }
0xca: {  	s12 =	simm.s32 $0x1400  }
0xcb: {  	[tilespmem:s12], [sflag:$0x4] =	stream.linear.gather [spmem:s11], $0x80, $0x38;
	[tilespmem:$0x1EB00] =	vst v63  }
0xcc: {  	s11 =	sld [smem:$0x796];
	_ =	sdelay $0x1  }
0xcd: {  	s12 =	simm.s32 $0x1500  }
0xce: {  	[tilespmem:s12], [sflag:$0x4] =	stream.linear.gather [spmem:s11], $0x80, $0x38;
	[tilespmem:$0x1EB00] =	vst v63  }
0xcf: {  	s11 =	sld [smem:$0x797];
	_ =	sdelay $0x1  }
0xd0: {  	s12 =	simm.s32 $0x1600  }
0xd1: {  	[tilespmem:s12], [sflag:$0x4] =	stream.linear.gather [spmem:s11], $0x80, $0x38;
	[tilespmem:$0x1EB00] =	vst v63  }
0xd2: {  	s11 =	sld [smem:$0x798];
	_ =	sdelay $0x1  }
0xd3: {  	s12 =	simm.s32 $0x1700  }
0xd4: {  	[tilespmem:s12], [sflag:$0x4] =	stream.linear.gather [spmem:s11], $0x80, $0x38;
	[tilespmem:$0x1EB00] =	vst v63  }
0xd5: {  	s11 =	sld [smem:$0x799];
	_ =	sdelay $0x1  }
0xd6: {  	s12 =	simm.s32 $0x1800  }
0xd7: {  	[tilespmem:s12], [sflag:$0x4] =	stream.linear.gather [spmem:s11], $0x80, $0x38;
	[tilespmem:$0x1EB00] =	vst v63  }
0xd8: {  	s11 =	sld [smem:$0x79A];
	_ =	sdelay $0x1  }
0xd9: {  	s12 =	simm.s32 $0x1900  }
0xda: {  	[tilespmem:s12], [sflag:$0x4] =	stream.linear.gather [spmem:s11], $0x80, $0x38;
	[tilespmem:$0x1EB00] =	vst v63  }
0xdb: {  	s11 =	sld [smem:$0x79B];
	_ =	sdelay $0x1  }
0xdc: {  	s12 =	simm.s32 $0x1A00  }
0xdd: {  	[tilespmem:s12], [sflag:$0x4] =	stream.linear.gather [spmem:s11], $0x80, $0x38;
	[tilespmem:$0x1EB00] =	vst v63  }
0xde: {  	s11 =	sld [smem:$0x79C];
	_ =	sdelay $0x1  }
0xdf: {  	s12 =	simm.s32 $0x1B00  }
0xe0: {  	[tilespmem:s12], [sflag:$0x4] =	stream.linear.gather [spmem:s11], $0x80, $0x38;
	[tilespmem:$0x1EB00] =	vst v63  }
0xe1: {  	s11 =	sld [smem:$0x79D];
	_ =	sdelay $0x1  }
0xe2: {  	s12 =	simm.s32 $0x1C00  }
0xe3: {  	[tilespmem:s12], [sflag:$0x4] =	stream.linear.gather [spmem:s11], $0x80, $0x38;
	[tilespmem:$0x1EB00] =	vst v63  }
0xe4: {  	s11 =	sld [smem:$0x79E];
	_ =	sdelay $0x1  }
0xe5: {  	s12 =	simm.s32 $0x1D00  }
0xe6: {  	[tilespmem:s12], [sflag:$0x4] =	stream.linear.gather [spmem:s11], $0x80, $0x38;
	[tilespmem:$0x1EB00] =	vst v63  }
0xe7: {  	s11 =	sld [smem:$0x79F];
	_ =	sdelay $0x1  }
0xe8: {  	s12 =	simm.s32 $0x1E00  }
0xe9: {  	[tilespmem:s12], [sflag:$0x4] =	stream.linear.gather [spmem:s11], $0x80, $0x38;
	[tilespmem:$0x1EB00] =	vst v63  }
0xea: {  	s11 =	sld [smem:$0x7A0];
	_ =	sdelay $0x1  }
0xeb: {  	s12 =	simm.s32 $0x1F00  }
0xec: {  	[tilespmem:s12], [sflag:$0x4] =	stream.linear.gather [spmem:s11], $0x80, $0x38;
	[tilespmem:$0x1EB00] =	vst v63  }
0xed: {  	_ =	swait.ge [sflag:s28], $0x18700  }
0xee: {  	[sflag:s28] =	ssyncset.done $0x0  }
0xef: {  	s11 =	simm.s32 $0x2;
	[sflag:s28] =	ssyncadd.s32 $0xFFFE7900  }
0xf0: {  	_ =	swait.ge [sflag:s11], $0x4000  }
0xf1: {  	[sflag:s11] =	ssyncset.done $0x0  }
0xf2: {  	[sflag:s11] =	ssyncadd.s32 $0xFFFFC000  }
0xf3: {  	_ =	swait.ge [sflag:s19], $0x1000  }
0xf4: {  	[sflag:s19] =	ssyncset.done $0x0;
	s12 =	rddreg [dreg:$0x9]  }
0xf5: {  	s11 =	sld [smem:$0x7A1];
	[sflag:s19] =	ssyncadd.s32 $0xFFFFF000  }
0xf6: {  	[tilespmem:s20], [sflag:$0x5] =	stream.linear.gather [spmem:s12], $0x80, $0x38;
	[tilespmem:$0x1EB00] =	vst v63  }
0xf7: {  	s12 =	simm.s32 $0x180  }
0xf8: {  	[tilespmem:s12], [sflag:$0x5] =	stream.linear.gather [spmem:s11], $0x80, $0x38;
	[tilespmem:$0x1EB00] =	vst v63  }
0xf9: {  	s11 =	sld [smem:$0x7A2];
	_ =	sdelay $0x1  }
0xfa: {  	s12 =	simm.s32 $0x280  }
0xfb: {  	[tilespmem:s12], [sflag:$0x5] =	stream.linear.gather [spmem:s11], $0x80, $0x38;
	[tilespmem:$0x1EB00] =	vst v63  }
0xfc: {  	s11 =	sld [smem:$0x7A3];
	_ =	sdelay $0x1  }
0xfd: {  	s12 =	simm.s32 $0x380  }
0xfe: {  	[tilespmem:s12], [sflag:$0x5] =	stream.linear.gather [spmem:s11], $0x80, $0x38;
	[tilespmem:$0x1EB00] =	vst v63  }
0xff: {  	s11 =	sld [smem:$0x7A4];
	_ =	sdelay $0x1  }
0x100: {  	s12 =	simm.s32 $0x480  }
0x101: {  	[tilespmem:s12], [sflag:$0x5] =	stream.linear.gather [spmem:s11], $0x80, $0x38;
	[tilespmem:$0x1EB00] =	vst v63  }
0x102: {  	s11 =	sld [smem:$0x7A5];
	_ =	sdelay $0x1  }
0x103: {  	s12 =	simm.s32 $0x580  }
0x104: {  	[tilespmem:s12], [sflag:$0x5] =	stream.linear.gather [spmem:s11], $0x80, $0x38;
	[tilespmem:$0x1EB00] =	vst v63  }
0x105: {  	s11 =	sld [smem:$0x7A6];
	_ =	sdelay $0x1  }
0x106: {  	s12 =	simm.s32 $0x680  }
0x107: {  	[tilespmem:s12], [sflag:$0x5] =	stream.linear.gather [spmem:s11], $0x80, $0x38;
	[tilespmem:$0x1EB00] =	vst v63  }
0x108: {  	s11 =	sld [smem:$0x7A7];
	_ =	sdelay $0x1  }
0x109: {  	s12 =	simm.s32 $0x780  }
0x10a: {  	[tilespmem:s12], [sflag:$0x5] =	stream.linear.gather [spmem:s11], $0x80, $0x38;
	[tilespmem:$0x1EB00] =	vst v63  }
0x10b: {  	s11 =	sld [smem:$0x7A8];
	_ =	sdelay $0x1  }
0x10c: {  	s12 =	simm.s32 $0x880  }
0x10d: {  	[tilespmem:s12], [sflag:$0x5] =	stream.linear.gather [spmem:s11], $0x80, $0x38;
	[tilespmem:$0x1EB00] =	vst v63  }
0x10e: {  	s11 =	sld [smem:$0x7A9];
	_ =	sdelay $0x1  }
0x10f: {  	s12 =	simm.s32 $0x980  }
0x110: {  	[tilespmem:s12], [sflag:$0x5] =	stream.linear.gather [spmem:s11], $0x80, $0x38;
	[tilespmem:$0x1EB00] =	vst v63  }
0x111: {  	s11 =	sld [smem:$0x7AA];
	_ =	sdelay $0x1  }
0x112: {  	s12 =	simm.s32 $0xA80  }
0x113: {  	[tilespmem:s12], [sflag:$0x5] =	stream.linear.gather [spmem:s11], $0x80, $0x38;
	[tilespmem:$0x1EB00] =	vst v63  }
0x114: {  	s11 =	sld [smem:$0x7AB];
	_ =	sdelay $0x1  }
0x115: {  	s12 =	simm.s32 $0xB80  }
0x116: {  	[tilespmem:s12], [sflag:$0x5] =	stream.linear.gather [spmem:s11], $0x80, $0x38;
	[tilespmem:$0x1EB00] =	vst v63  }
0x117: {  	s12 =	sld [smem:$0x7AC];
	_ =	sdelay $0x1  }
0x118: {  	s11 =	sld [smem:$0x7AD]  }
0x119: {  	[tilespmem:s13], [sflag:$0x5] =	stream.linear.gather [spmem:s12], $0x80, $0x38;
	[tilespmem:$0x1EB00] =	vst v63  }
0x11a: {  	s12 =	sld [smem:$0x7AE]  }
0x11b: {  	[tilespmem:s14], [sflag:$0x5] =	stream.linear.gather [spmem:s11], $0x80, $0x38;
	[tilespmem:$0x1EB00] =	vst v63  }
0x11c: {  	s11 =	sld [smem:$0x7AF]  }
0x11d: {  	[tilespmem:s15], [sflag:$0x5] =	stream.linear.gather [spmem:s12], $0x80, $0x38;
	[tilespmem:$0x1EB00] =	vst v63  }
0x11e: {  	s12 =	sld [smem:$0x7B0]  }
0x11f: {  	[tilespmem:s3], [sflag:$0x5] =	stream.linear.gather [spmem:s11], $0x80, $0x38;
	[tilespmem:$0x1EB00] =	vst v63  }
0x120: {  	s11 =	sld [smem:$0x7B1]  }
0x121: {  	[tilespmem:s6], [sflag:$0x5] =	stream.linear.gather [spmem:s12], $0x80, $0x38;
	[tilespmem:$0x1EB00] =	vst v63  }
0x122: {  	s12 =	sld [smem:$0x7B2]  }
0x123: {  	[tilespmem:s7], [sflag:$0x5] =	stream.linear.gather [spmem:s11], $0x80, $0x38;
	[tilespmem:$0x1EB00] =	vst v63  }
0x124: {  	s11 =	sld [smem:$0x7B3]  }
0x125: {  	[tilespmem:s23], [sflag:$0x5] =	stream.linear.gather [spmem:s12], $0x80, $0x38;
	[tilespmem:$0x1EB00] =	vst v63  }
0x126: {  	s12 =	sld [smem:$0x7B4]  }
0x127: {  	[tilespmem:s8], [sflag:$0x5] =	stream.linear.gather [spmem:s11], $0x80, $0x38;
	[tilespmem:$0x1EB00] =	vst v63  }
0x128: {  	s11 =	sld [smem:$0x7B5]  }
0x129: {  	[tilespmem:s24], [sflag:$0x5] =	stream.linear.gather [spmem:s12], $0x80, $0x38;
	[tilespmem:$0x1EB00] =	vst v63  }
0x12a: {  	s12 =	sld [smem:$0x7B6]  }
0x12b: {  	[tilespmem:s16], [sflag:$0x5] =	stream.linear.gather [spmem:s11], $0x80, $0x38;
	[tilespmem:$0x1EB00] =	vst v63  }
0x12c: {  	s11 =	sld [smem:$0x7B7]  }
0x12d: {  	[tilespmem:s25], [sflag:$0x5] =	stream.linear.gather [spmem:s12], $0x80, $0x38;
	[tilespmem:$0x1EB00] =	vst v63  }
0x12e: {  	s12 =	sld [smem:$0x7B8]  }
0x12f: {  	[tilespmem:s17], [sflag:$0x5] =	stream.linear.gather [spmem:s11], $0x80, $0x38;
	[tilespmem:$0x1EB00] =	vst v63  }
0x130: {  	s11 =	sld [smem:$0x7B9]  }
0x131: {  	[tilespmem:s26], [sflag:$0x5] =	stream.linear.gather [spmem:s12], $0x80, $0x38;
	[tilespmem:$0x1EB00] =	vst v63  }
0x132: {  	s12 =	sld [smem:$0x7BA]  }
0x133: {  	[tilespmem:s18], [sflag:$0x5] =	stream.linear.gather [spmem:s11], $0x80, $0x38;
	[tilespmem:$0x1EB00] =	vst v63  }
0x134: {  	s11 =	sld [smem:$0x7BB]  }
0x135: {  	[tilespmem:s29], [sflag:$0x5] =	stream.linear.gather [spmem:s12], $0x80, $0x38;
	[tilespmem:$0x1EB00] =	vst v63  }
0x136: {  	s12 =	sld [smem:$0x7BC]  }
0x137: {  	[tilespmem:s30], [sflag:$0x5] =	stream.linear.gather [spmem:s11], $0x80, $0x38;
	[tilespmem:$0x1EB00] =	vst v63  }
0x138: {  	s11 =	sld [smem:$0x7BD]  }
0x139: {  	[tilespmem:s31], [sflag:$0x5] =	stream.linear.gather [spmem:s12], $0x80, $0x38;
	[tilespmem:$0x1EB00] =	vst v63  }
0x13a: {  	s12 =	sld [smem:$0x7BE]  }
0x13b: {  	[tilespmem:s0], [sflag:$0x5] =	stream.linear.gather [spmem:s11], $0x80, $0x38;
	[tilespmem:$0x1EB00] =	vst v63  }
0x13c: {  	s11 =	sld [smem:$0x7BF]  }
0x13d: {  	[tilespmem:s1], [sflag:$0x5] =	stream.linear.gather [spmem:s12], $0x80, $0x38;
	[tilespmem:$0x1EB00] =	vst v63  }
0x13e: {  	s12 =	simm.s32 $0x40  }
0x13f: {  	[tilespmem:s4], [sflag:$0x5] =	stream.linear.gather [spmem:s11], $0x80, $0x38;
	[tilespmem:$0x1EB00] =	vst v63  }
0x140: {  	v0 =	vld [tilespmem:s12+$0x30]  }
0x141: {  	v1 =	vld [tilespmem:s12+$0xFFFFFFD0]  }
0x142: {  	v2 =	vld [tilespmem:s12+$0xFFFFFFE0]  }
0x143: {  	v3 =	vld [tilespmem:s12+$0xFFFFFFF0]  }
0x144: {  	v5 =	vld [tilespmem:s12+$0x0]  }
0x145: {  	v6 =	vld [tilespmem:s12+$0x10]  }
0x146: {  	v7 =	vld [tilespmem:s12+$0x20]  }
0x147: {  	s10 =	simm.s32 $0x1A740;
	v8 =	vld [tilespmem:s12+$0xFFFFFFC0]  }
0x148: {  	v11 =	vld [tilespmem:s10+$0x30]  }
0x149: {  	v14 =	vld [tilespmem:s10+$0xFFFFFFD0]  }
0x14a: {  	v9 =	vld [tilespmem:s10+$0xFFFFFFE0]  }
0x14b: {  	v10 =	vld.idx.msk [tilespmem:v0+s22+$0x0], $0xffff  }
0x14c: {  	v12 =	vld.idx.msk [tilespmem:v1+s22+$0x0], $0xffff  }
0x14d: {  	v4 =	vld.idx.msk [tilespmem:v2+s22+$0x0], $0xffff  }
0x14e: {  	v3 =	vld.idx.msk [tilespmem:v3+s22+$0x0], $0xffff  }
0x14f: {  	v13 =	vld.idx.msk [tilespmem:v8+s22+$0x0], $0xffff  }
0x150: {  	v1 =	vld.idx.msk [tilespmem:v7+s22+$0x0], $0xffff  }
0x151: {  	v7 =	vld [tilespmem:s10+$0xFFFFFFC0]  }
0x152: {  	v2 =	vld.idx.msk [tilespmem:v5+s22+$0x0], $0xffff  }
0x153: {  	v0 =	vld.idx.msk [tilespmem:v6+s22+$0x0], $0xffff  }
0x154: {  	v8 =	vld [tilespmem:s10+$0xFFFFFFF0]  }
0x155: {  	v6 =	vld [tilespmem:s10+$0x0];
	v10 =	vmul.f32 v11, v10  }
0x156: {  	v5 =	vld [tilespmem:s10+$0x10];
	v11 =	vmul.f32 v7, v13  }
0x157: {  	s11 =	simm.s32 $0x0;
	s12 =	simm.s32 $0x140;
	v7 =	vld [tilespmem:s10+$0x20];
	[tilespmem:s10+$0x30] =	vst v10;
	v10 =	vmul.f32 v14, v12  }
.LBB2_2:
0x158: {  	v12 =	vld [tilespmem:s12+$0x30];
	s11 =	sadd.s32 $0x8, s11;
	[tilespmem:s10+$0xFFFFFFC0] =	vst v11;
	v4 =	vmul.f32 v9, v4  }
0x159: {  	v9 =	vld [tilespmem:s12+$0xFFFFFFD0];
	p1 =	slt.u32 s11, $0xF8;
	[tilespmem:s10+$0xFFFFFFD0] =	vst v10;
	v3 =	vmul.f32 v8, v3  }
0x15a: {  	v8 =	vld [tilespmem:s12+$0xFFFFFFE0];
	[tilespmem:s10+$0xFFFFFFE0] =	vst v4;
	v2 =	vmul.f32 v6, v2  }
0x15b: {  	v6 =	vld [tilespmem:s12+$0xFFFFFFF0];
	[tilespmem:s10+$0xFFFFFFF0] =	vst v3;
	v0 =	vmul.f32 v5, v0  }
0x15c: {  	v5 =	vld [tilespmem:s12+$0x0];
	[tilespmem:s10+$0x0] =	vst v2;
	v1 =	vmul.f32 v7, v1  }
0x15d: {  	v7 =	vld [tilespmem:s12+$0x10];
	[tilespmem:s10+$0x10] =	vst v0  }
0x15e: {  	v10 =	vld [tilespmem:s12+$0x20];
	[tilespmem:s10+$0x20] =	vst v1  }
0x15f: {  	v1 =	vld [tilespmem:s12+$0xFFFFFFC0]  }
0x160: {  	s10 =	sadd.s32 $0x80, s10;
	v11 =	vld.idx.msk [tilespmem:v12+s22+$0x0], $0xffff  }
0x161: {  	v12 =	vld [tilespmem:s10+$0x30]  }
0x162: {  	v13 =	vld.idx.msk [tilespmem:v9+s22+$0x0], $0xffff  }
0x163: {  	v4 =	vld.idx.msk [tilespmem:v8+s22+$0x0], $0xffff  }
0x164: {  	v3 =	vld.idx.msk [tilespmem:v6+s22+$0x0], $0xffff  }
0x165: {  	v2 =	vld.idx.msk [tilespmem:v5+s22+$0x0], $0xffff  }
0x166: {  	v0 =	vld.idx.msk [tilespmem:v7+s22+$0x0], $0xffff;
	v5 =	vmul.f32 v12, v11  }
0x167: {  	v7 =	vld.idx.msk [tilespmem:v1+s22+$0x0], $0xffff  }
0x168: {  	v1 =	vld.idx.msk [tilespmem:v10+s22+$0x0], $0xffff;
	[tilespmem:s10+$0x30] =	vst v5  }
0x169: {  	v5 =	vld [tilespmem:s10+$0xFFFFFFC0]  }
0x16a: {  	v10 =	vld [tilespmem:s10+$0xFFFFFFD0]  }
.Ltmp0:
0x16b: {  	v9 =	vld [tilespmem:s10+$0xFFFFFFE0];
	(pc) =	sbr.rel @p1 .LBB2_2-.Ltmp0, $4  }
0x16c: {  	v8 =	vld [tilespmem:s10+$0xFFFFFFF0]  }
0x16d: {  	v6 =	vld [tilespmem:s10+$0x0]  }
0x16e: {  	v11 =	vmul.f32 v5, v7;
	v5 =	vld [tilespmem:s10+$0x10]  }
0x16f: {  	s12 =	sadd.s32 $0x100, s12;
	v10 =	vmul.f32 v10, v13;
	v7 =	vld [tilespmem:s10+$0x20]  }
0x170: {  	[tilespmem:s10+$0xFFFFFFC0] =	vst v11;
	v4 =	vmul.f32 v9, v4  }
0x171: {  	[tilespmem:s10+$0xFFFFFFD0] =	vst v10;
	v3 =	vmul.f32 v8, v3  }
0x172: {  	[tilespmem:s10+$0xFFFFFFE0] =	vst v4;
	v2 =	vmul.f32 v6, v2  }
0x173: {  	[tilespmem:s10+$0xFFFFFFF0] =	vst v3;
	v0 =	vmul.f32 v5, v0  }
0x174: {  	[tilespmem:s10+$0x0] =	vst v2;
	v1 =	vmul.f32 v7, v1  }
0x175: {  	[tilespmem:s10+$0x10] =	vst v0  }
0x176: {  	[tilespmem:s10+$0x20] =	vst v1  }
0x177: {  	_ =	swait.ge [sflag:s5], $0x1000  }
0x178: {  	[sflag:s5] =	ssyncset.done $0x0  }
0x179: {  	s12 =	simm.s32 $0x0;
	s11 =	rddreg [dreg:$0xa];
	[sflag:s5] =	ssyncadd.s32 $0xFFFFF000  }
0x17a: {  	[tilespmem:s12], [sflag:$0x4] =	stream.linear.gather [spmem:s11], $0x80, $0x38;
	[tilespmem:$0x1EB00] =	vst v63  }
0x17b: {  	s11 =	sld [smem:$0x7C0];
	_ =	sdelay $0x1  }
0x17c: {  	s12 =	simm.s32 $0x100  }
0x17d: {  	[tilespmem:s12], [sflag:$0x4] =	stream.linear.gather [spmem:s11], $0x80, $0x38;
	[tilespmem:$0x1EB00] =	vst v63  }
0x17e: {  	s11 =	sld [smem:$0x7C1];
	_ =	sdelay $0x1  }
0x17f: {  	s12 =	simm.s32 $0x200  }
0x180: {  	[tilespmem:s12], [sflag:$0x4] =	stream.linear.gather [spmem:s11], $0x80, $0x38;
	[tilespmem:$0x1EB00] =	vst v63  }
0x181: {  	s11 =	sld [smem:$0x7C2];
	_ =	sdelay $0x1  }
0x182: {  	s12 =	simm.s32 $0x300  }
0x183: {  	[tilespmem:s12], [sflag:$0x4] =	stream.linear.gather [spmem:s11], $0x80, $0x38;
	[tilespmem:$0x1EB00] =	vst v63  }
0x184: {  	s12 =	sld [smem:$0x7C3];
	_ =	sdelay $0x1  }
0x185: {  	s11 =	sld [smem:$0x7C4]  }
0x186: {  	[tilespmem:s21], [sflag:$0x4] =	stream.linear.gather [spmem:s12], $0x80, $0x38;
	[tilespmem:$0x1EB00] =	vst v63  }
0x187: {  	s12 =	simm.s32 $0x500  }
0x188: {  	[tilespmem:s12], [sflag:$0x4] =	stream.linear.gather [spmem:s11], $0x80, $0x38;
	[tilespmem:$0x1EB00] =	vst v63  }
0x189: {  	s11 =	sld [smem:$0x7C5];
	_ =	sdelay $0x1  }
0x18a: {  	s12 =	simm.s32 $0x600  }
0x18b: {  	[tilespmem:s12], [sflag:$0x4] =	stream.linear.gather [spmem:s11], $0x80, $0x38;
	[tilespmem:$0x1EB00] =	vst v63  }
0x18c: {  	s11 =	sld [smem:$0x7C6];
	_ =	sdelay $0x1  }
0x18d: {  	s12 =	simm.s32 $0x700  }
0x18e: {  	[tilespmem:s12], [sflag:$0x4] =	stream.linear.gather [spmem:s11], $0x80, $0x38;
	[tilespmem:$0x1EB00] =	vst v63  }
0x18f: {  	s11 =	sld [smem:$0x7C7];
	_ =	sdelay $0x1  }
0x190: {  	s12 =	simm.s32 $0x800  }
0x191: {  	[tilespmem:s12], [sflag:$0x4] =	stream.linear.gather [spmem:s11], $0x80, $0x38;
	[tilespmem:$0x1EB00] =	vst v63  }
0x192: {  	s11 =	sld [smem:$0x7C8];
	_ =	sdelay $0x1  }
0x193: {  	s12 =	simm.s32 $0x900  }
0x194: {  	[tilespmem:s12], [sflag:$0x4] =	stream.linear.gather [spmem:s11], $0x80, $0x38;
	[tilespmem:$0x1EB00] =	vst v63  }
0x195: {  	s11 =	sld [smem:$0x7C9];
	_ =	sdelay $0x1  }
0x196: {  	s12 =	simm.s32 $0xA00  }
0x197: {  	[tilespmem:s12], [sflag:$0x4] =	stream.linear.gather [spmem:s11], $0x80, $0x38;
	[tilespmem:$0x1EB00] =	vst v63  }
0x198: {  	s11 =	sld [smem:$0x7CA];
	_ =	sdelay $0x1  }
0x199: {  	s12 =	simm.s32 $0xB00  }
0x19a: {  	[tilespmem:s12], [sflag:$0x4] =	stream.linear.gather [spmem:s11], $0x80, $0x38;
	[tilespmem:$0x1EB00] =	vst v63  }
0x19b: {  	s11 =	sld [smem:$0x7CB];
	_ =	sdelay $0x1  }
0x19c: {  	s12 =	simm.s32 $0xC00  }
0x19d: {  	[tilespmem:s12], [sflag:$0x4] =	stream.linear.gather [spmem:s11], $0x80, $0x38;
	[tilespmem:$0x1EB00] =	vst v63  }
0x19e: {  	s11 =	sld [smem:$0x7CC];
	_ =	sdelay $0x1  }
0x19f: {  	s12 =	simm.s32 $0xD00  }
0x1a0: {  	[tilespmem:s12], [sflag:$0x4] =	stream.linear.gather [spmem:s11], $0x80, $0x38;
	[tilespmem:$0x1EB00] =	vst v63  }
0x1a1: {  	s11 =	sld [smem:$0x7CD];
	_ =	sdelay $0x1  }
0x1a2: {  	s12 =	simm.s32 $0xE00  }
0x1a3: {  	[tilespmem:s12], [sflag:$0x4] =	stream.linear.gather [spmem:s11], $0x80, $0x38;
	[tilespmem:$0x1EB00] =	vst v63  }
0x1a4: {  	s11 =	sld [smem:$0x7CE];
	_ =	sdelay $0x1  }
0x1a5: {  	s12 =	simm.s32 $0xF00  }
0x1a6: {  	[tilespmem:s12], [sflag:$0x4] =	stream.linear.gather [spmem:s11], $0x80, $0x38;
	[tilespmem:$0x1EB00] =	vst v63  }
0x1a7: {  	s11 =	sld [smem:$0x7CF];
	_ =	sdelay $0x1  }
0x1a8: {  	s12 =	simm.s32 $0x1000  }
0x1a9: {  	[tilespmem:s12], [sflag:$0x4] =	stream.linear.gather [spmem:s11], $0x80, $0x38;
	[tilespmem:$0x1EB00] =	vst v63  }
0x1aa: {  	s11 =	sld [smem:$0x7D0];
	_ =	sdelay $0x1  }
0x1ab: {  	s12 =	simm.s32 $0x1100  }
0x1ac: {  	[tilespmem:s12], [sflag:$0x4] =	stream.linear.gather [spmem:s11], $0x80, $0x38;
	[tilespmem:$0x1EB00] =	vst v63  }
0x1ad: {  	s11 =	sld [smem:$0x7D1];
	_ =	sdelay $0x1  }
0x1ae: {  	s12 =	simm.s32 $0x1200  }
0x1af: {  	[tilespmem:s12], [sflag:$0x4] =	stream.linear.gather [spmem:s11], $0x80, $0x38;
	[tilespmem:$0x1EB00] =	vst v63  }
0x1b0: {  	s11 =	sld [smem:$0x7D2];
	_ =	sdelay $0x1  }
0x1b1: {  	s12 =	simm.s32 $0x1300  }
0x1b2: {  	[tilespmem:s12], [sflag:$0x4] =	stream.linear.gather [spmem:s11], $0x80, $0x38;
	[tilespmem:$0x1EB00] =	vst v63  }
0x1b3: {  	s11 =	sld [smem:$0x7D3];
	_ =	sdelay $0x1  }
0x1b4: {  	s12 =	simm.s32 $0x1400  }
0x1b5: {  	[tilespmem:s12], [sflag:$0x4] =	stream.linear.gather [spmem:s11], $0x80, $0x38;
	[tilespmem:$0x1EB00] =	vst v63  }
0x1b6: {  	s11 =	sld [smem:$0x7D4];
	_ =	sdelay $0x1  }
0x1b7: {  	s12 =	simm.s32 $0x1500  }
0x1b8: {  	[tilespmem:s12], [sflag:$0x4] =	stream.linear.gather [spmem:s11], $0x80, $0x38;
	[tilespmem:$0x1EB00] =	vst v63  }
0x1b9: {  	s11 =	sld [smem:$0x7D5];
	_ =	sdelay $0x1  }
0x1ba: {  	s12 =	simm.s32 $0x1600  }
0x1bb: {  	[tilespmem:s12], [sflag:$0x4] =	stream.linear.gather [spmem:s11], $0x80, $0x38;
	[tilespmem:$0x1EB00] =	vst v63  }
0x1bc: {  	s11 =	sld [smem:$0x7D6];
	_ =	sdelay $0x1  }
0x1bd: {  	s12 =	simm.s32 $0x1700  }
0x1be: {  	[tilespmem:s12], [sflag:$0x4] =	stream.linear.gather [spmem:s11], $0x80, $0x38;
	[tilespmem:$0x1EB00] =	vst v63  }
0x1bf: {  	s11 =	sld [smem:$0x7D7];
	_ =	sdelay $0x1  }
0x1c0: {  	s12 =	simm.s32 $0x1800  }
0x1c1: {  	[tilespmem:s12], [sflag:$0x4] =	stream.linear.gather [spmem:s11], $0x80, $0x38;
	[tilespmem:$0x1EB00] =	vst v63  }
0x1c2: {  	s11 =	sld [smem:$0x7D8];
	_ =	sdelay $0x1  }
0x1c3: {  	s12 =	simm.s32 $0x1900  }
0x1c4: {  	[tilespmem:s12], [sflag:$0x4] =	stream.linear.gather [spmem:s11], $0x80, $0x38;
	[tilespmem:$0x1EB00] =	vst v63  }
0x1c5: {  	s11 =	sld [smem:$0x7D9];
	_ =	sdelay $0x1  }
0x1c6: {  	s12 =	simm.s32 $0x1A00  }
0x1c7: {  	[tilespmem:s12], [sflag:$0x4] =	stream.linear.gather [spmem:s11], $0x80, $0x38;
	[tilespmem:$0x1EB00] =	vst v63  }
0x1c8: {  	s11 =	sld [smem:$0x7DA];
	_ =	sdelay $0x1  }
0x1c9: {  	s12 =	simm.s32 $0x1B00  }
0x1ca: {  	[tilespmem:s12], [sflag:$0x4] =	stream.linear.gather [spmem:s11], $0x80, $0x38;
	[tilespmem:$0x1EB00] =	vst v63  }
0x1cb: {  	s11 =	sld [smem:$0x7DB];
	_ =	sdelay $0x1  }
0x1cc: {  	s12 =	simm.s32 $0x1C00  }
0x1cd: {  	[tilespmem:s12], [sflag:$0x4] =	stream.linear.gather [spmem:s11], $0x80, $0x38;
	[tilespmem:$0x1EB00] =	vst v63  }
0x1ce: {  	s11 =	sld [smem:$0x7DC];
	_ =	sdelay $0x1  }
0x1cf: {  	s12 =	simm.s32 $0x1D00  }
0x1d0: {  	[tilespmem:s12], [sflag:$0x4] =	stream.linear.gather [spmem:s11], $0x80, $0x38;
	[tilespmem:$0x1EB00] =	vst v63  }
0x1d1: {  	s11 =	sld [smem:$0x7DD];
	_ =	sdelay $0x1  }
0x1d2: {  	s12 =	simm.s32 $0x1E00  }
0x1d3: {  	[tilespmem:s12], [sflag:$0x4] =	stream.linear.gather [spmem:s11], $0x80, $0x38;
	[tilespmem:$0x1EB00] =	vst v63  }
0x1d4: {  	s11 =	sld [smem:$0x7DE];
	_ =	sdelay $0x1  }
0x1d5: {  	s12 =	simm.s32 $0x1F00  }
0x1d6: {  	[tilespmem:s12], [sflag:$0x4] =	stream.linear.gather [spmem:s11], $0x80, $0x38;
	[tilespmem:$0x1EB00] =	vst v63  }
0x1d7: {  	s12 =	simm.s32 $0xF0  }
0x1d8: {  	v0 =	vld [tilespmem:s12+$0x0]  }
0x1d9: {  	v1 =	vld [tilespmem:s12+$0xFFFFFFA0]  }
0x1da: {  	v2 =	vld [tilespmem:s12+$0xFFFFFFB0]  }
0x1db: {  	v3 =	vld [tilespmem:s12+$0xFFFFFFC0]  }
0x1dc: {  	v5 =	vld [tilespmem:s12+$0xFFFFFFD0]  }
0x1dd: {  	v6 =	vld [tilespmem:s12+$0xFFFFFFE0]  }
0x1de: {  	v7 =	vld [tilespmem:s12+$0xFFFFFFF0]  }
0x1df: {  	s10 =	simm.s32 $0x1B770;
	v8 =	vld [tilespmem:s12+$0xFFFFFF90]  }
0x1e0: {  	v11 =	vld [tilespmem:s10+$0x0]  }
0x1e1: {  	v14 =	vld [tilespmem:s10+$0xFFFFFFA0]  }
0x1e2: {  	v9 =	vld [tilespmem:s10+$0xFFFFFFB0]  }
0x1e3: {  	v10 =	vld.idx.msk [tilespmem:v0+s22+$0x0], $0xffff  }
0x1e4: {  	v12 =	vld.idx.msk [tilespmem:v1+s22+$0x0], $0xffff  }
0x1e5: {  	v4 =	vld.idx.msk [tilespmem:v2+s22+$0x0], $0xffff  }
0x1e6: {  	v3 =	vld.idx.msk [tilespmem:v3+s22+$0x0], $0xffff  }
0x1e7: {  	v13 =	vld.idx.msk [tilespmem:v8+s22+$0x0], $0xffff  }
0x1e8: {  	v1 =	vld.idx.msk [tilespmem:v7+s22+$0x0], $0xffff  }
0x1e9: {  	v7 =	vld [tilespmem:s10+$0xFFFFFF90]  }
0x1ea: {  	v2 =	vld.idx.msk [tilespmem:v5+s22+$0x0], $0xffff  }
0x1eb: {  	v0 =	vld.idx.msk [tilespmem:v6+s22+$0x0], $0xffff  }
0x1ec: {  	v8 =	vld [tilespmem:s10+$0xFFFFFFC0]  }
0x1ed: {  	v6 =	vld [tilespmem:s10+$0xFFFFFFD0];
	v10 =	vmul.f32 v11, v10  }
0x1ee: {  	v5 =	vld [tilespmem:s10+$0xFFFFFFE0];
	v11 =	vmul.f32 v7, v13  }
0x1ef: {  	s11 =	simm.s32 $0x0;
	s12 =	simm.s32 $0x1F0;
	v7 =	vld [tilespmem:s10+$0xFFFFFFF0];
	[tilespmem:s10+$0x0] =	vst v10;
	v10 =	vmul.f32 v14, v12  }
.LBB2_4:
0x1f0: {  	v12 =	vld [tilespmem:s12+$0x0];
	s11 =	sadd.s32 $0x8, s11;
	[tilespmem:s10+$0xFFFFFF90] =	vst v11;
	v4 =	vmul.f32 v9, v4  }
0x1f1: {  	v9 =	vld [tilespmem:s12+$0xFFFFFFA0];
	p1 =	slt.u32 s11, $0xF8;
	[tilespmem:s10+$0xFFFFFFA0] =	vst v10;
	v3 =	vmul.f32 v8, v3  }
0x1f2: {  	v8 =	vld [tilespmem:s12+$0xFFFFFFB0];
	[tilespmem:s10+$0xFFFFFFB0] =	vst v4;
	v2 =	vmul.f32 v6, v2  }
0x1f3: {  	v6 =	vld [tilespmem:s12+$0xFFFFFFC0];
	[tilespmem:s10+$0xFFFFFFC0] =	vst v3;
	v0 =	vmul.f32 v5, v0  }
0x1f4: {  	v5 =	vld [tilespmem:s12+$0xFFFFFFD0];
	[tilespmem:s10+$0xFFFFFFD0] =	vst v2;
	v1 =	vmul.f32 v7, v1  }
0x1f5: {  	v7 =	vld [tilespmem:s12+$0xFFFFFFE0];
	[tilespmem:s10+$0xFFFFFFE0] =	vst v0  }
0x1f6: {  	v10 =	vld [tilespmem:s12+$0xFFFFFFF0];
	[tilespmem:s10+$0xFFFFFFF0] =	vst v1  }
0x1f7: {  	v1 =	vld [tilespmem:s12+$0xFFFFFF90]  }
0x1f8: {  	s10 =	sadd.s32 $0x80, s10;
	v11 =	vld.idx.msk [tilespmem:v12+s22+$0x0], $0xffff  }
0x1f9: {  	v12 =	vld [tilespmem:s10+$0x0]  }
0x1fa: {  	v13 =	vld.idx.msk [tilespmem:v9+s22+$0x0], $0xffff  }
0x1fb: {  	v4 =	vld.idx.msk [tilespmem:v8+s22+$0x0], $0xffff  }
0x1fc: {  	v3 =	vld.idx.msk [tilespmem:v6+s22+$0x0], $0xffff  }
0x1fd: {  	v2 =	vld.idx.msk [tilespmem:v5+s22+$0x0], $0xffff  }
0x1fe: {  	v0 =	vld.idx.msk [tilespmem:v7+s22+$0x0], $0xffff;
	v5 =	vmul.f32 v12, v11  }
0x1ff: {  	v7 =	vld.idx.msk [tilespmem:v1+s22+$0x0], $0xffff  }
0x200: {  	v1 =	vld.idx.msk [tilespmem:v10+s22+$0x0], $0xffff;
	[tilespmem:s10+$0x0] =	vst v5  }
0x201: {  	v5 =	vld [tilespmem:s10+$0xFFFFFF90]  }
0x202: {  	v10 =	vld [tilespmem:s10+$0xFFFFFFA0]  }
.Ltmp1:
0x203: {  	v9 =	vld [tilespmem:s10+$0xFFFFFFB0];
	(pc) =	sbr.rel @p1 .LBB2_4-.Ltmp1, $4  }
0x204: {  	v8 =	vld [tilespmem:s10+$0xFFFFFFC0]  }
0x205: {  	v6 =	vld [tilespmem:s10+$0xFFFFFFD0]  }
0x206: {  	v11 =	vmul.f32 v5, v7;
	v5 =	vld [tilespmem:s10+$0xFFFFFFE0]  }
0x207: {  	s12 =	sadd.s32 $0x100, s12;
	v10 =	vmul.f32 v10, v13;
	v7 =	vld [tilespmem:s10+$0xFFFFFFF0]  }
0x208: {  	[tilespmem:s10+$0xFFFFFF90] =	vst v11;
	v4 =	vmul.f32 v9, v4  }
0x209: {  	[tilespmem:s10+$0xFFFFFFA0] =	vst v10;
	v3 =	vmul.f32 v8, v3  }
0x20a: {  	[tilespmem:s10+$0xFFFFFFB0] =	vst v4;
	v2 =	vmul.f32 v6, v2  }
0x20b: {  	[tilespmem:s10+$0xFFFFFFC0] =	vst v3;
	v0 =	vmul.f32 v5, v0  }
0x20c: {  	[tilespmem:s10+$0xFFFFFFD0] =	vst v2;
	v1 =	vmul.f32 v7, v1  }
0x20d: {  	[tilespmem:s10+$0xFFFFFFE0] =	vst v0  }
0x20e: {  	[tilespmem:s10+$0xFFFFFFF0] =	vst v1  }
0x20f: {  	_ =	swait.ge [sflag:s19], $0x1000  }
0x210: {  	[sflag:s19] =	ssyncset.done $0x0;
	s11 =	rddreg [dreg:$0xb]  }
0x211: {  	s12 =	sld [smem:$0x7DF];
	[sflag:s19] =	ssyncadd.s32 $0xFFFFF000  }
0x212: {  	[tilespmem:s20], [sflag:$0x5] =	stream.linear.gather [spmem:s11], $0x80, $0x38;
	[tilespmem:$0x1EB00] =	vst v63  }
0x213: {  	s11 =	simm.s32 $0x180  }
0x214: {  	[tilespmem:s11], [sflag:$0x5] =	stream.linear.gather [spmem:s12], $0x80, $0x38;
	[tilespmem:$0x1EB00] =	vst v63  }
0x215: {  	s11 =	sld [smem:$0x7E0];
	_ =	sdelay $0x1  }
0x216: {  	s12 =	simm.s32 $0x280  }
0x217: {  	[tilespmem:s12], [sflag:$0x5] =	stream.linear.gather [spmem:s11], $0x80, $0x38;
	[tilespmem:$0x1EB00] =	vst v63  }
0x218: {  	s11 =	sld [smem:$0x7E1];
	_ =	sdelay $0x1  }
0x219: {  	s12 =	simm.s32 $0x380  }
0x21a: {  	[tilespmem:s12], [sflag:$0x5] =	stream.linear.gather [spmem:s11], $0x80, $0x38;
	[tilespmem:$0x1EB00] =	vst v63  }
0x21b: {  	s11 =	sld [smem:$0x7E2];
	_ =	sdelay $0x1  }
0x21c: {  	s12 =	simm.s32 $0x480  }
0x21d: {  	[tilespmem:s12], [sflag:$0x5] =	stream.linear.gather [spmem:s11], $0x80, $0x38;
	[tilespmem:$0x1EB00] =	vst v63  }
0x21e: {  	s11 =	sld [smem:$0x7E3];
	_ =	sdelay $0x1  }
0x21f: {  	s12 =	simm.s32 $0x580  }
0x220: {  	[tilespmem:s12], [sflag:$0x5] =	stream.linear.gather [spmem:s11], $0x80, $0x38;
	[tilespmem:$0x1EB00] =	vst v63  }
0x221: {  	s11 =	sld [smem:$0x7E4];
	_ =	sdelay $0x1  }
0x222: {  	s12 =	simm.s32 $0x680  }
0x223: {  	[tilespmem:s12], [sflag:$0x5] =	stream.linear.gather [spmem:s11], $0x80, $0x38;
	[tilespmem:$0x1EB00] =	vst v63  }
0x224: {  	s11 =	sld [smem:$0x7E5];
	_ =	sdelay $0x1  }
0x225: {  	s12 =	simm.s32 $0x780  }
0x226: {  	[tilespmem:s12], [sflag:$0x5] =	stream.linear.gather [spmem:s11], $0x80, $0x38;
	[tilespmem:$0x1EB00] =	vst v63  }
0x227: {  	s11 =	sld [smem:$0x7E6];
	_ =	sdelay $0x1  }
0x228: {  	s12 =	simm.s32 $0x880  }
0x229: {  	[tilespmem:s12], [sflag:$0x5] =	stream.linear.gather [spmem:s11], $0x80, $0x38;
	[tilespmem:$0x1EB00] =	vst v63  }
0x22a: {  	s11 =	sld [smem:$0x7E7];
	_ =	sdelay $0x1  }
0x22b: {  	s12 =	simm.s32 $0x980  }
0x22c: {  	[tilespmem:s12], [sflag:$0x5] =	stream.linear.gather [spmem:s11], $0x80, $0x38;
	[tilespmem:$0x1EB00] =	vst v63  }
0x22d: {  	s11 =	sld [smem:$0x7E8];
	_ =	sdelay $0x1  }
0x22e: {  	s12 =	simm.s32 $0xA80  }
0x22f: {  	[tilespmem:s12], [sflag:$0x5] =	stream.linear.gather [spmem:s11], $0x80, $0x38;
	[tilespmem:$0x1EB00] =	vst v63  }
0x230: {  	s11 =	sld [smem:$0x7E9];
	_ =	sdelay $0x1  }
0x231: {  	s12 =	simm.s32 $0xB80  }
0x232: {  	[tilespmem:s12], [sflag:$0x5] =	stream.linear.gather [spmem:s11], $0x80, $0x38;
	[tilespmem:$0x1EB00] =	vst v63  }
0x233: {  	s12 =	sld [smem:$0x7EA];
	_ =	sdelay $0x1  }
0x234: {  	s11 =	sld [smem:$0x7EB]  }
0x235: {  	[tilespmem:s13], [sflag:$0x5] =	stream.linear.gather [spmem:s12], $0x80, $0x38;
	[tilespmem:$0x1EB00] =	vst v63  }
0x236: {  	s12 =	sld [smem:$0x7EC]  }
0x237: {  	[tilespmem:s14], [sflag:$0x5] =	stream.linear.gather [spmem:s11], $0x80, $0x38;
	[tilespmem:$0x1EB00] =	vst v63  }
0x238: {  	s11 =	sld [smem:$0x7ED]  }
0x239: {  	[tilespmem:s15], [sflag:$0x5] =	stream.linear.gather [spmem:s12], $0x80, $0x38;
	[tilespmem:$0x1EB00] =	vst v63  }
0x23a: {  	s12 =	sld [smem:$0x7EE]  }
0x23b: {  	[tilespmem:s3], [sflag:$0x5] =	stream.linear.gather [spmem:s11], $0x80, $0x38;
	[tilespmem:$0x1EB00] =	vst v63  }
0x23c: {  	s11 =	sld [smem:$0x7EF]  }
0x23d: {  	[tilespmem:s6], [sflag:$0x5] =	stream.linear.gather [spmem:s12], $0x80, $0x38;
	[tilespmem:$0x1EB00] =	vst v63  }
0x23e: {  	s12 =	sld [smem:$0x7F0]  }
0x23f: {  	[tilespmem:s7], [sflag:$0x5] =	stream.linear.gather [spmem:s11], $0x80, $0x38;
	[tilespmem:$0x1EB00] =	vst v63  }
0x240: {  	s11 =	sld [smem:$0x7F1]  }
0x241: {  	[tilespmem:s23], [sflag:$0x5] =	stream.linear.gather [spmem:s12], $0x80, $0x38;
	[tilespmem:$0x1EB00] =	vst v63  }
0x242: {  	s12 =	sld [smem:$0x7F2]  }
0x243: {  	[tilespmem:s8], [sflag:$0x5] =	stream.linear.gather [spmem:s11], $0x80, $0x38;
	[tilespmem:$0x1EB00] =	vst v63  }
0x244: {  	s11 =	sld [smem:$0x7F3]  }
0x245: {  	[tilespmem:s24], [sflag:$0x5] =	stream.linear.gather [spmem:s12], $0x80, $0x38;
	[tilespmem:$0x1EB00] =	vst v63  }
0x246: {  	s12 =	sld [smem:$0x7F4]  }
0x247: {  	[tilespmem:s16], [sflag:$0x5] =	stream.linear.gather [spmem:s11], $0x80, $0x38;
	[tilespmem:$0x1EB00] =	vst v63  }
0x248: {  	s11 =	sld [smem:$0x7F5]  }
0x249: {  	[tilespmem:s25], [sflag:$0x5] =	stream.linear.gather [spmem:s12], $0x80, $0x38;
	[tilespmem:$0x1EB00] =	vst v63  }
0x24a: {  	s12 =	sld [smem:$0x7F6]  }
0x24b: {  	[tilespmem:s17], [sflag:$0x5] =	stream.linear.gather [spmem:s11], $0x80, $0x38;
	[tilespmem:$0x1EB00] =	vst v63  }
0x24c: {  	s11 =	sld [smem:$0x7F7]  }
0x24d: {  	[tilespmem:s26], [sflag:$0x5] =	stream.linear.gather [spmem:s12], $0x80, $0x38;
	[tilespmem:$0x1EB00] =	vst v63  }
0x24e: {  	s12 =	sld [smem:$0x7F8]  }
0x24f: {  	[tilespmem:s18], [sflag:$0x5] =	stream.linear.gather [spmem:s11], $0x80, $0x38;
	[tilespmem:$0x1EB00] =	vst v63  }
0x250: {  	s11 =	sld [smem:$0x7F9]  }
0x251: {  	[tilespmem:s29], [sflag:$0x5] =	stream.linear.gather [spmem:s12], $0x80, $0x38;
	[tilespmem:$0x1EB00] =	vst v63  }
0x252: {  	s12 =	sld [smem:$0x7FA]  }
0x253: {  	[tilespmem:s30], [sflag:$0x5] =	stream.linear.gather [spmem:s11], $0x80, $0x38;
	[tilespmem:$0x1EB00] =	vst v63  }
0x254: {  	s11 =	sld [smem:$0x7FB]  }
0x255: {  	[tilespmem:s31], [sflag:$0x5] =	stream.linear.gather [spmem:s12], $0x80, $0x38;
	[tilespmem:$0x1EB00] =	vst v63  }
0x256: {  	s12 =	sld [smem:$0x7FC]  }
0x257: {  	[tilespmem:s0], [sflag:$0x5] =	stream.linear.gather [spmem:s11], $0x80, $0x38;
	[tilespmem:$0x1EB00] =	vst v63  }
0x258: {  	s11 =	sld [smem:$0x7FD]  }
0x259: {  	[tilespmem:s1], [sflag:$0x5] =	stream.linear.gather [spmem:s12], $0x80, $0x38;
	[tilespmem:$0x1EB00] =	vst v63  }
0x25a: {  	s12 =	simm.s32 $0x40  }
0x25b: {  	[tilespmem:s4], [sflag:$0x5] =	stream.linear.gather [spmem:s11], $0x80, $0x38;
	[tilespmem:$0x1EB00] =	vst v63  }
0x25c: {  	v0 =	vld [tilespmem:s12+$0x30]  }
0x25d: {  	v1 =	vld [tilespmem:s12+$0xFFFFFFD0]  }
0x25e: {  	v2 =	vld [tilespmem:s12+$0xFFFFFFE0]  }
0x25f: {  	v3 =	vld [tilespmem:s12+$0xFFFFFFF0]  }
0x260: {  	v5 =	vld [tilespmem:s12+$0x0]  }
0x261: {  	v6 =	vld [tilespmem:s12+$0x10]  }
0x262: {  	v7 =	vld [tilespmem:s12+$0x20]  }
0x263: {  	s10 =	simm.s32 $0x1C770;
	v8 =	vld [tilespmem:s12+$0xFFFFFFC0]  }
0x264: {  	v11 =	vld [tilespmem:s10+$0x0]  }
0x265: {  	v14 =	vld [tilespmem:s10+$0xFFFFFFA0]  }
0x266: {  	v9 =	vld [tilespmem:s10+$0xFFFFFFB0]  }
0x267: {  	v10 =	vld.idx.msk [tilespmem:v0+s22+$0x0], $0xffff  }
0x268: {  	v12 =	vld.idx.msk [tilespmem:v1+s22+$0x0], $0xffff  }
0x269: {  	v4 =	vld.idx.msk [tilespmem:v2+s22+$0x0], $0xffff  }
0x26a: {  	v3 =	vld.idx.msk [tilespmem:v3+s22+$0x0], $0xffff  }
0x26b: {  	v13 =	vld.idx.msk [tilespmem:v8+s22+$0x0], $0xffff  }
0x26c: {  	v1 =	vld.idx.msk [tilespmem:v7+s22+$0x0], $0xffff  }
0x26d: {  	v7 =	vld [tilespmem:s10+$0xFFFFFF90]  }
0x26e: {  	v2 =	vld.idx.msk [tilespmem:v5+s22+$0x0], $0xffff  }
0x26f: {  	v0 =	vld.idx.msk [tilespmem:v6+s22+$0x0], $0xffff  }
0x270: {  	v8 =	vld [tilespmem:s10+$0xFFFFFFC0]  }
0x271: {  	v6 =	vld [tilespmem:s10+$0xFFFFFFD0];
	v10 =	vmul.f32 v11, v10  }
0x272: {  	v5 =	vld [tilespmem:s10+$0xFFFFFFE0];
	v11 =	vmul.f32 v7, v13  }
0x273: {  	s11 =	simm.s32 $0x0;
	s12 =	simm.s32 $0x140;
	v7 =	vld [tilespmem:s10+$0xFFFFFFF0];
	[tilespmem:s10+$0x0] =	vst v10;
	v10 =	vmul.f32 v14, v12  }
.LBB2_6:
0x274: {  	v12 =	vld [tilespmem:s12+$0x30];
	s11 =	sadd.s32 $0x8, s11;
	[tilespmem:s10+$0xFFFFFF90] =	vst v11;
	v4 =	vmul.f32 v9, v4  }
0x275: {  	v9 =	vld [tilespmem:s12+$0xFFFFFFD0];
	p1 =	slt.u32 s11, $0xF8;
	[tilespmem:s10+$0xFFFFFFA0] =	vst v10;
	v3 =	vmul.f32 v8, v3  }
0x276: {  	v8 =	vld [tilespmem:s12+$0xFFFFFFE0];
	[tilespmem:s10+$0xFFFFFFB0] =	vst v4;
	v2 =	vmul.f32 v6, v2  }
0x277: {  	v6 =	vld [tilespmem:s12+$0xFFFFFFF0];
	[tilespmem:s10+$0xFFFFFFC0] =	vst v3;
	v0 =	vmul.f32 v5, v0  }
0x278: {  	v5 =	vld [tilespmem:s12+$0x0];
	[tilespmem:s10+$0xFFFFFFD0] =	vst v2;
	v1 =	vmul.f32 v7, v1  }
0x279: {  	v7 =	vld [tilespmem:s12+$0x10];
	[tilespmem:s10+$0xFFFFFFE0] =	vst v0  }
0x27a: {  	v10 =	vld [tilespmem:s12+$0x20];
	[tilespmem:s10+$0xFFFFFFF0] =	vst v1  }
0x27b: {  	v1 =	vld [tilespmem:s12+$0xFFFFFFC0]  }
0x27c: {  	s10 =	sadd.s32 $0x80, s10;
	v11 =	vld.idx.msk [tilespmem:v12+s22+$0x0], $0xffff  }
0x27d: {  	v12 =	vld [tilespmem:s10+$0x0]  }
0x27e: {  	v13 =	vld.idx.msk [tilespmem:v9+s22+$0x0], $0xffff  }
0x27f: {  	v4 =	vld.idx.msk [tilespmem:v8+s22+$0x0], $0xffff  }
0x280: {  	v3 =	vld.idx.msk [tilespmem:v6+s22+$0x0], $0xffff  }
0x281: {  	v2 =	vld.idx.msk [tilespmem:v5+s22+$0x0], $0xffff  }
0x282: {  	v0 =	vld.idx.msk [tilespmem:v7+s22+$0x0], $0xffff;
	v5 =	vmul.f32 v12, v11  }
0x283: {  	v7 =	vld.idx.msk [tilespmem:v1+s22+$0x0], $0xffff  }
0x284: {  	v1 =	vld.idx.msk [tilespmem:v10+s22+$0x0], $0xffff;
	[tilespmem:s10+$0x0] =	vst v5  }
0x285: {  	v5 =	vld [tilespmem:s10+$0xFFFFFF90]  }
0x286: {  	v10 =	vld [tilespmem:s10+$0xFFFFFFA0]  }
.Ltmp2:
0x287: {  	v9 =	vld [tilespmem:s10+$0xFFFFFFB0];
	(pc) =	sbr.rel @p1 .LBB2_6-.Ltmp2, $4  }
0x288: {  	v8 =	vld [tilespmem:s10+$0xFFFFFFC0]  }
0x289: {  	v6 =	vld [tilespmem:s10+$0xFFFFFFD0]  }
0x28a: {  	v11 =	vmul.f32 v5, v7;
	v5 =	vld [tilespmem:s10+$0xFFFFFFE0]  }
0x28b: {  	s12 =	sadd.s32 $0x100, s12;
	v10 =	vmul.f32 v10, v13;
	v7 =	vld [tilespmem:s10+$0xFFFFFFF0]  }
0x28c: {  	[tilespmem:s10+$0xFFFFFF90] =	vst v11;
	v4 =	vmul.f32 v9, v4  }
0x28d: {  	[tilespmem:s10+$0xFFFFFFA0] =	vst v10;
	v3 =	vmul.f32 v8, v3  }
0x28e: {  	[tilespmem:s10+$0xFFFFFFB0] =	vst v4;
	v2 =	vmul.f32 v6, v2  }
0x28f: {  	[tilespmem:s10+$0xFFFFFFC0] =	vst v3;
	v0 =	vmul.f32 v5, v0  }
0x290: {  	[tilespmem:s10+$0xFFFFFFD0] =	vst v2;
	v1 =	vmul.f32 v7, v1  }
0x291: {  	[tilespmem:s10+$0xFFFFFFE0] =	vst v0  }
0x292: {  	[tilespmem:s10+$0xFFFFFFF0] =	vst v1  }
0x293: {  	_ =	swait.ge [sflag:s5], $0x1000  }
0x294: {  	[sflag:s5] =	ssyncset.done $0x0  }
0x295: {  	s11 =	simm.s32 $0x0;
	[sflag:s5] =	ssyncadd.s32 $0xFFFFF000  }
0x296: {  	[tilespmem:s11], [sflag:$0x4] =	stream.linear.gather [spmem:s2], $0x80, $0x38;
	[tilespmem:$0x1EB00] =	vst v63  }
0x297: {  	s12 =	rddreg [dreg:$0x13];
	s11 =	simm.s32 $0x100  }
0x298: {  	[tilespmem:s11], [sflag:$0x4] =	stream.linear.gather [spmem:s12], $0x80, $0x38;
	[tilespmem:$0x1EB00] =	vst v63  }
0x299: {  	s11 =	rddreg [dreg:$0x14];
	s12 =	simm.s32 $0x200  }
0x29a: {  	[tilespmem:s12], [sflag:$0x4] =	stream.linear.gather [spmem:s11], $0x80, $0x38;
	[tilespmem:$0x1EB00] =	vst v63  }
0x29b: {  	s11 =	rddreg [dreg:$0x15];
	s12 =	simm.s32 $0x300  }
0x29c: {  	[tilespmem:s12], [sflag:$0x4] =	stream.linear.gather [spmem:s11], $0x80, $0x38;
	[tilespmem:$0x1EB00] =	vst v63  }
0x29d: {  	s12 =	rddreg [dreg:$0x16]  }
0x29e: {  	[tilespmem:s21], [sflag:$0x4] =	stream.linear.gather [spmem:s12], $0x80, $0x38;
	[tilespmem:$0x1EB00] =	vst v63  }
0x29f: {  	s11 =	rddreg [dreg:$0x17];
	s12 =	simm.s32 $0x500  }
0x2a0: {  	[tilespmem:s12], [sflag:$0x4] =	stream.linear.gather [spmem:s11], $0x80, $0x38;
	[tilespmem:$0x1EB00] =	vst v63  }
0x2a1: {  	s11 =	rddreg [dreg:$0x18];
	s12 =	simm.s32 $0x600  }
0x2a2: {  	[tilespmem:s12], [sflag:$0x4] =	stream.linear.gather [spmem:s11], $0x80, $0x38;
	[tilespmem:$0x1EB00] =	vst v63  }
0x2a3: {  	s11 =	rddreg [dreg:$0x19];
	s12 =	simm.s32 $0x700  }
0x2a4: {  	[tilespmem:s12], [sflag:$0x4] =	stream.linear.gather [spmem:s11], $0x80, $0x38;
	[tilespmem:$0x1EB00] =	vst v63  }
0x2a5: {  	s11 =	rddreg [dreg:$0x1a];
	s12 =	simm.s32 $0x800  }
0x2a6: {  	[tilespmem:s12], [sflag:$0x4] =	stream.linear.gather [spmem:s11], $0x80, $0x38;
	[tilespmem:$0x1EB00] =	vst v63  }
0x2a7: {  	s11 =	rddreg [dreg:$0x1b];
	s12 =	simm.s32 $0x900  }
0x2a8: {  	[tilespmem:s12], [sflag:$0x4] =	stream.linear.gather [spmem:s11], $0x80, $0x38;
	[tilespmem:$0x1EB00] =	vst v63  }
0x2a9: {  	s11 =	rddreg [dreg:$0x1c];
	s12 =	simm.s32 $0xA00  }
0x2aa: {  	[tilespmem:s12], [sflag:$0x4] =	stream.linear.gather [spmem:s11], $0x80, $0x38;
	[tilespmem:$0x1EB00] =	vst v63  }
0x2ab: {  	s11 =	rddreg [dreg:$0x1d];
	s12 =	simm.s32 $0xB00  }
0x2ac: {  	[tilespmem:s12], [sflag:$0x4] =	stream.linear.gather [spmem:s11], $0x80, $0x38;
	[tilespmem:$0x1EB00] =	vst v63  }
0x2ad: {  	s11 =	rddreg [dreg:$0x1e];
	s12 =	simm.s32 $0xC00  }
0x2ae: {  	[tilespmem:s12], [sflag:$0x4] =	stream.linear.gather [spmem:s11], $0x80, $0x38;
	[tilespmem:$0x1EB00] =	vst v63  }
0x2af: {  	s11 =	rddreg [dreg:$0x1f];
	s12 =	simm.s32 $0xD00  }
0x2b0: {  	[tilespmem:s12], [sflag:$0x4] =	stream.linear.gather [spmem:s11], $0x80, $0x38;
	[tilespmem:$0x1EB00] =	vst v63  }
0x2b1: {  	s11 =	sld [smem:$0x78F];
	_ =	sdelay $0x1  }
0x2b2: {  	s12 =	simm.s32 $0xE00  }
0x2b3: {  	[tilespmem:s12], [sflag:$0x4] =	stream.linear.gather [spmem:s11], $0x80, $0x38;
	[tilespmem:$0x1EB00] =	vst v63  }
0x2b4: {  	s11 =	sld [smem:$0x790];
	_ =	sdelay $0x1  }
0x2b5: {  	s12 =	simm.s32 $0xF00  }
0x2b6: {  	[tilespmem:s12], [sflag:$0x4] =	stream.linear.gather [spmem:s11], $0x80, $0x38;
	[tilespmem:$0x1EB00] =	vst v63  }
0x2b7: {  	s11 =	sld [smem:$0x791];
	_ =	sdelay $0x1  }
0x2b8: {  	s12 =	simm.s32 $0x1000  }
0x2b9: {  	[tilespmem:s12], [sflag:$0x4] =	stream.linear.gather [spmem:s11], $0x80, $0x38;
	[tilespmem:$0x1EB00] =	vst v63  }
0x2ba: {  	s11 =	sld [smem:$0x792];
	_ =	sdelay $0x1  }
0x2bb: {  	s12 =	simm.s32 $0x1100  }
0x2bc: {  	[tilespmem:s12], [sflag:$0x4] =	stream.linear.gather [spmem:s11], $0x80, $0x38;
	[tilespmem:$0x1EB00] =	vst v63  }
0x2bd: {  	s11 =	sld [smem:$0x793];
	_ =	sdelay $0x1  }
0x2be: {  	s12 =	simm.s32 $0x1200  }
0x2bf: {  	[tilespmem:s12], [sflag:$0x4] =	stream.linear.gather [spmem:s11], $0x80, $0x38;
	[tilespmem:$0x1EB00] =	vst v63  }
0x2c0: {  	s11 =	sld [smem:$0x794];
	_ =	sdelay $0x1  }
0x2c1: {  	s12 =	simm.s32 $0x1300  }
0x2c2: {  	[tilespmem:s12], [sflag:$0x4] =	stream.linear.gather [spmem:s11], $0x80, $0x38;
	[tilespmem:$0x1EB00] =	vst v63  }
0x2c3: {  	s11 =	sld [smem:$0x795];
	_ =	sdelay $0x1  }
0x2c4: {  	s12 =	simm.s32 $0x1400  }
0x2c5: {  	[tilespmem:s12], [sflag:$0x4] =	stream.linear.gather [spmem:s11], $0x80, $0x38;
	[tilespmem:$0x1EB00] =	vst v63  }
0x2c6: {  	s11 =	sld [smem:$0x796];
	_ =	sdelay $0x1  }
0x2c7: {  	s12 =	simm.s32 $0x1500  }
0x2c8: {  	[tilespmem:s12], [sflag:$0x4] =	stream.linear.gather [spmem:s11], $0x80, $0x38;
	[tilespmem:$0x1EB00] =	vst v63  }
0x2c9: {  	s11 =	sld [smem:$0x797];
	_ =	sdelay $0x1  }
0x2ca: {  	s12 =	simm.s32 $0x1600  }
0x2cb: {  	[tilespmem:s12], [sflag:$0x4] =	stream.linear.gather [spmem:s11], $0x80, $0x38;
	[tilespmem:$0x1EB00] =	vst v63  }
0x2cc: {  	s11 =	sld [smem:$0x798];
	_ =	sdelay $0x1  }
0x2cd: {  	s12 =	simm.s32 $0x1700  }
0x2ce: {  	[tilespmem:s12], [sflag:$0x4] =	stream.linear.gather [spmem:s11], $0x80, $0x38;
	[tilespmem:$0x1EB00] =	vst v63  }
0x2cf: {  	s11 =	sld [smem:$0x799];
	_ =	sdelay $0x1  }
0x2d0: {  	s12 =	simm.s32 $0x1800  }
0x2d1: {  	[tilespmem:s12], [sflag:$0x4] =	stream.linear.gather [spmem:s11], $0x80, $0x38;
	[tilespmem:$0x1EB00] =	vst v63  }
0x2d2: {  	s11 =	sld [smem:$0x79A];
	_ =	sdelay $0x1  }
0x2d3: {  	s12 =	simm.s32 $0x1900  }
0x2d4: {  	[tilespmem:s12], [sflag:$0x4] =	stream.linear.gather [spmem:s11], $0x80, $0x38;
	[tilespmem:$0x1EB00] =	vst v63  }
0x2d5: {  	s11 =	sld [smem:$0x79B];
	_ =	sdelay $0x1  }
0x2d6: {  	s12 =	simm.s32 $0x1A00  }
0x2d7: {  	[tilespmem:s12], [sflag:$0x4] =	stream.linear.gather [spmem:s11], $0x80, $0x38;
	[tilespmem:$0x1EB00] =	vst v63  }
0x2d8: {  	s11 =	sld [smem:$0x79C];
	_ =	sdelay $0x1  }
0x2d9: {  	s12 =	simm.s32 $0x1B00  }
0x2da: {  	[tilespmem:s12], [sflag:$0x4] =	stream.linear.gather [spmem:s11], $0x80, $0x38;
	[tilespmem:$0x1EB00] =	vst v63  }
0x2db: {  	s11 =	sld [smem:$0x79D];
	_ =	sdelay $0x1  }
0x2dc: {  	s12 =	simm.s32 $0x1C00  }
0x2dd: {  	[tilespmem:s12], [sflag:$0x4] =	stream.linear.gather [spmem:s11], $0x80, $0x38;
	[tilespmem:$0x1EB00] =	vst v63  }
0x2de: {  	s11 =	sld [smem:$0x79E];
	_ =	sdelay $0x1  }
0x2df: {  	s12 =	simm.s32 $0x1D00  }
0x2e0: {  	[tilespmem:s12], [sflag:$0x4] =	stream.linear.gather [spmem:s11], $0x80, $0x38;
	[tilespmem:$0x1EB00] =	vst v63  }
0x2e1: {  	s11 =	sld [smem:$0x79F];
	_ =	sdelay $0x1  }
0x2e2: {  	s12 =	simm.s32 $0x1E00  }
0x2e3: {  	[tilespmem:s12], [sflag:$0x4] =	stream.linear.gather [spmem:s11], $0x80, $0x38;
	[tilespmem:$0x1EB00] =	vst v63  }
0x2e4: {  	s11 =	sld [smem:$0x7A0];
	_ =	sdelay $0x1  }
0x2e5: {  	s12 =	simm.s32 $0x1F00  }
0x2e6: {  	[tilespmem:s12], [sflag:$0x4] =	stream.linear.gather [spmem:s11], $0x80, $0x38;
	[tilespmem:$0x1EB00] =	vst v63  }
0x2e7: {  	s12 =	simm.s32 $0xF0  }
0x2e8: {  	v0 =	vld [tilespmem:s12+$0x0]  }
0x2e9: {  	v1 =	vld [tilespmem:s12+$0xFFFFFFA0]  }
0x2ea: {  	v2 =	vld [tilespmem:s12+$0xFFFFFFB0]  }
0x2eb: {  	v3 =	vld [tilespmem:s12+$0xFFFFFFC0]  }
0x2ec: {  	v5 =	vld [tilespmem:s12+$0xFFFFFFD0]  }
0x2ed: {  	v6 =	vld [tilespmem:s12+$0xFFFFFFE0]  }
0x2ee: {  	v7 =	vld [tilespmem:s12+$0xFFFFFFF0]  }
0x2ef: {  	s10 =	simm.s32 $0x1D770;
	v8 =	vld [tilespmem:s12+$0xFFFFFF90]  }
0x2f0: {  	v11 =	vld [tilespmem:s10+$0x0]  }
0x2f1: {  	v14 =	vld [tilespmem:s10+$0xFFFFFFA0]  }
0x2f2: {  	v9 =	vld [tilespmem:s10+$0xFFFFFFB0]  }
0x2f3: {  	v10 =	vld.idx.msk [tilespmem:v0+s22+$0x0], $0xffff  }
0x2f4: {  	v12 =	vld.idx.msk [tilespmem:v1+s22+$0x0], $0xffff  }
0x2f5: {  	v4 =	vld.idx.msk [tilespmem:v2+s22+$0x0], $0xffff  }
0x2f6: {  	v3 =	vld.idx.msk [tilespmem:v3+s22+$0x0], $0xffff  }
0x2f7: {  	v13 =	vld.idx.msk [tilespmem:v8+s22+$0x0], $0xffff  }
0x2f8: {  	v1 =	vld.idx.msk [tilespmem:v7+s22+$0x0], $0xffff  }
0x2f9: {  	v7 =	vld [tilespmem:s10+$0xFFFFFF90]  }
0x2fa: {  	v2 =	vld.idx.msk [tilespmem:v5+s22+$0x0], $0xffff  }
0x2fb: {  	v0 =	vld.idx.msk [tilespmem:v6+s22+$0x0], $0xffff  }
0x2fc: {  	v8 =	vld [tilespmem:s10+$0xFFFFFFC0]  }
0x2fd: {  	v6 =	vld [tilespmem:s10+$0xFFFFFFD0];
	v10 =	vmul.f32 v11, v10  }
0x2fe: {  	v5 =	vld [tilespmem:s10+$0xFFFFFFE0];
	v11 =	vmul.f32 v7, v13  }
0x2ff: {  	s11 =	simm.s32 $0x0;
	s12 =	simm.s32 $0x1F0;
	v7 =	vld [tilespmem:s10+$0xFFFFFFF0];
	[tilespmem:s10+$0x0] =	vst v10;
	v10 =	vmul.f32 v14, v12  }
.LBB2_8:
0x300: {  	v12 =	vld [tilespmem:s12+$0x0];
	s11 =	sadd.s32 $0x8, s11;
	[tilespmem:s10+$0xFFFFFF90] =	vst v11;
	v4 =	vmul.f32 v9, v4  }
0x301: {  	v9 =	vld [tilespmem:s12+$0xFFFFFFA0];
	p1 =	slt.u32 s11, $0xF8;
	[tilespmem:s10+$0xFFFFFFA0] =	vst v10;
	v3 =	vmul.f32 v8, v3  }
0x302: {  	v8 =	vld [tilespmem:s12+$0xFFFFFFB0];
	[tilespmem:s10+$0xFFFFFFB0] =	vst v4;
	v2 =	vmul.f32 v6, v2  }
0x303: {  	v6 =	vld [tilespmem:s12+$0xFFFFFFC0];
	[tilespmem:s10+$0xFFFFFFC0] =	vst v3;
	v0 =	vmul.f32 v5, v0  }
0x304: {  	v5 =	vld [tilespmem:s12+$0xFFFFFFD0];
	[tilespmem:s10+$0xFFFFFFD0] =	vst v2;
	v1 =	vmul.f32 v7, v1  }
0x305: {  	v7 =	vld [tilespmem:s12+$0xFFFFFFE0];
	[tilespmem:s10+$0xFFFFFFE0] =	vst v0  }
0x306: {  	v10 =	vld [tilespmem:s12+$0xFFFFFFF0];
	[tilespmem:s10+$0xFFFFFFF0] =	vst v1  }
0x307: {  	v1 =	vld [tilespmem:s12+$0xFFFFFF90]  }
0x308: {  	s10 =	sadd.s32 $0x80, s10;
	v11 =	vld.idx.msk [tilespmem:v12+s22+$0x0], $0xffff  }
0x309: {  	v12 =	vld [tilespmem:s10+$0x0]  }
0x30a: {  	v13 =	vld.idx.msk [tilespmem:v9+s22+$0x0], $0xffff  }
0x30b: {  	v4 =	vld.idx.msk [tilespmem:v8+s22+$0x0], $0xffff  }
0x30c: {  	v3 =	vld.idx.msk [tilespmem:v6+s22+$0x0], $0xffff  }
0x30d: {  	v2 =	vld.idx.msk [tilespmem:v5+s22+$0x0], $0xffff  }
0x30e: {  	v0 =	vld.idx.msk [tilespmem:v7+s22+$0x0], $0xffff;
	v5 =	vmul.f32 v12, v11  }
0x30f: {  	v7 =	vld.idx.msk [tilespmem:v1+s22+$0x0], $0xffff  }
0x310: {  	v1 =	vld.idx.msk [tilespmem:v10+s22+$0x0], $0xffff;
	[tilespmem:s10+$0x0] =	vst v5  }
0x311: {  	v5 =	vld [tilespmem:s10+$0xFFFFFF90]  }
0x312: {  	v10 =	vld [tilespmem:s10+$0xFFFFFFA0]  }
.Ltmp3:
0x313: {  	v9 =	vld [tilespmem:s10+$0xFFFFFFB0];
	(pc) =	sbr.rel @p1 .LBB2_8-.Ltmp3, $4  }
0x314: {  	v8 =	vld [tilespmem:s10+$0xFFFFFFC0]  }
0x315: {  	v6 =	vld [tilespmem:s10+$0xFFFFFFD0]  }
0x316: {  	v11 =	vmul.f32 v5, v7;
	v5 =	vld [tilespmem:s10+$0xFFFFFFE0]  }
0x317: {  	s12 =	sadd.s32 $0x100, s12;
	v10 =	vmul.f32 v10, v13;
	v7 =	vld [tilespmem:s10+$0xFFFFFFF0]  }
0x318: {  	[tilespmem:s10+$0xFFFFFF90] =	vst v11;
	v4 =	vmul.f32 v9, v4  }
0x319: {  	[tilespmem:s10+$0xFFFFFFA0] =	vst v10;
	v3 =	vmul.f32 v8, v3  }
0x31a: {  	[tilespmem:s10+$0xFFFFFFB0] =	vst v4;
	v2 =	vmul.f32 v6, v2  }
0x31b: {  	[tilespmem:s10+$0xFFFFFFC0] =	vst v3;
	v0 =	vmul.f32 v5, v0  }
0x31c: {  	[tilespmem:s10+$0xFFFFFFD0] =	vst v2;
	v1 =	vmul.f32 v7, v1  }
0x31d: {  	[tilespmem:s10+$0xFFFFFFE0] =	vst v0  }
0x31e: {  	[tilespmem:s10+$0xFFFFFFF0] =	vst v1  }
0x31f: {  	s10 =	rddreg [dreg:$0xc]  }
0x320: {  	[tilespmem:s22], [sflag:$0x1] =	stream.strided.gather [hbm4b:s10+s20], $0x18700, s21, s20, $0x38;
	[tilespmem:$0x1EB00] =	vst v63  }
0x321: {  	_ =	swait.ge [sflag:s28], $0x18700  }
0x322: {  	[sflag:s28] =	ssyncset.done $0x0  }
0x323: {  	[sflag:s28] =	ssyncadd.s32 $0xFFFE7900  }
0x324: {  	_ =	swait.ge [sflag:s19], $0x1000  }
0x325: {  	[sflag:s19] =	ssyncset.done $0x0;
	s11 =	rddreg [dreg:$0x9]  }
0x326: {  	s12 =	sld [smem:$0x7A1];
	[sflag:s19] =	ssyncadd.s32 $0xFFFFF000  }
0x327: {  	[tilespmem:s20], [sflag:$0x5] =	stream.linear.gather [spmem:s11], $0x80, $0x38;
	[tilespmem:$0x1EB00] =	vst v63  }
0x328: {  	s11 =	simm.s32 $0x180  }
0x329: {  	[tilespmem:s11], [sflag:$0x5] =	stream.linear.gather [spmem:s12], $0x80, $0x38;
	[tilespmem:$0x1EB00] =	vst v63  }
0x32a: {  	s11 =	sld [smem:$0x7A2];
	_ =	sdelay $0x1  }
0x32b: {  	s12 =	simm.s32 $0x280  }
0x32c: {  	[tilespmem:s12], [sflag:$0x5] =	stream.linear.gather [spmem:s11], $0x80, $0x38;
	[tilespmem:$0x1EB00] =	vst v63  }
0x32d: {  	s11 =	sld [smem:$0x7A3];
	_ =	sdelay $0x1  }
0x32e: {  	s12 =	simm.s32 $0x380  }
0x32f: {  	[tilespmem:s12], [sflag:$0x5] =	stream.linear.gather [spmem:s11], $0x80, $0x38;
	[tilespmem:$0x1EB00] =	vst v63  }
0x330: {  	s11 =	sld [smem:$0x7A4];
	_ =	sdelay $0x1  }
0x331: {  	s12 =	simm.s32 $0x480  }
0x332: {  	[tilespmem:s12], [sflag:$0x5] =	stream.linear.gather [spmem:s11], $0x80, $0x38;
	[tilespmem:$0x1EB00] =	vst v63  }
0x333: {  	s11 =	sld [smem:$0x7A5];
	_ =	sdelay $0x1  }
0x334: {  	s12 =	simm.s32 $0x580  }
0x335: {  	[tilespmem:s12], [sflag:$0x5] =	stream.linear.gather [spmem:s11], $0x80, $0x38;
	[tilespmem:$0x1EB00] =	vst v63  }
0x336: {  	s11 =	sld [smem:$0x7A6];
	_ =	sdelay $0x1  }
0x337: {  	s12 =	simm.s32 $0x680  }
0x338: {  	[tilespmem:s12], [sflag:$0x5] =	stream.linear.gather [spmem:s11], $0x80, $0x38;
	[tilespmem:$0x1EB00] =	vst v63  }
0x339: {  	s11 =	sld [smem:$0x7A7];
	_ =	sdelay $0x1  }
0x33a: {  	s12 =	simm.s32 $0x780  }
0x33b: {  	[tilespmem:s12], [sflag:$0x5] =	stream.linear.gather [spmem:s11], $0x80, $0x38;
	[tilespmem:$0x1EB00] =	vst v63  }
0x33c: {  	s11 =	sld [smem:$0x7A8];
	_ =	sdelay $0x1  }
0x33d: {  	s12 =	simm.s32 $0x880  }
0x33e: {  	[tilespmem:s12], [sflag:$0x5] =	stream.linear.gather [spmem:s11], $0x80, $0x38;
	[tilespmem:$0x1EB00] =	vst v63  }
0x33f: {  	s11 =	sld [smem:$0x7A9];
	_ =	sdelay $0x1  }
0x340: {  	s12 =	simm.s32 $0x980  }
0x341: {  	[tilespmem:s12], [sflag:$0x5] =	stream.linear.gather [spmem:s11], $0x80, $0x38;
	[tilespmem:$0x1EB00] =	vst v63  }
0x342: {  	s11 =	sld [smem:$0x7AA];
	_ =	sdelay $0x1  }
0x343: {  	s12 =	simm.s32 $0xA80  }
0x344: {  	[tilespmem:s12], [sflag:$0x5] =	stream.linear.gather [spmem:s11], $0x80, $0x38;
	[tilespmem:$0x1EB00] =	vst v63  }
0x345: {  	s11 =	sld [smem:$0x7AB];
	_ =	sdelay $0x1  }
0x346: {  	s12 =	simm.s32 $0xB80  }
0x347: {  	[tilespmem:s12], [sflag:$0x5] =	stream.linear.gather [spmem:s11], $0x80, $0x38;
	[tilespmem:$0x1EB00] =	vst v63  }
0x348: {  	s12 =	sld [smem:$0x7AC];
	_ =	sdelay $0x1  }
0x349: {  	s11 =	sld [smem:$0x7AD]  }
0x34a: {  	[tilespmem:s13], [sflag:$0x5] =	stream.linear.gather [spmem:s12], $0x80, $0x38;
	[tilespmem:$0x1EB00] =	vst v63  }
0x34b: {  	s12 =	sld [smem:$0x7AE]  }
0x34c: {  	[tilespmem:s14], [sflag:$0x5] =	stream.linear.gather [spmem:s11], $0x80, $0x38;
	[tilespmem:$0x1EB00] =	vst v63  }
0x34d: {  	s11 =	sld [smem:$0x7AF]  }
0x34e: {  	[tilespmem:s15], [sflag:$0x5] =	stream.linear.gather [spmem:s12], $0x80, $0x38;
	[tilespmem:$0x1EB00] =	vst v63  }
0x34f: {  	s12 =	sld [smem:$0x7B0]  }
0x350: {  	[tilespmem:s3], [sflag:$0x5] =	stream.linear.gather [spmem:s11], $0x80, $0x38;
	[tilespmem:$0x1EB00] =	vst v63  }
0x351: {  	s11 =	sld [smem:$0x7B1]  }
0x352: {  	[tilespmem:s6], [sflag:$0x5] =	stream.linear.gather [spmem:s12], $0x80, $0x38;
	[tilespmem:$0x1EB00] =	vst v63  }
0x353: {  	s12 =	sld [smem:$0x7B2]  }
0x354: {  	[tilespmem:s7], [sflag:$0x5] =	stream.linear.gather [spmem:s11], $0x80, $0x38;
	[tilespmem:$0x1EB00] =	vst v63  }
0x355: {  	s11 =	sld [smem:$0x7B3]  }
0x356: {  	[tilespmem:s23], [sflag:$0x5] =	stream.linear.gather [spmem:s12], $0x80, $0x38;
	[tilespmem:$0x1EB00] =	vst v63  }
0x357: {  	s12 =	sld [smem:$0x7B4]  }
0x358: {  	[tilespmem:s8], [sflag:$0x5] =	stream.linear.gather [spmem:s11], $0x80, $0x38;
	[tilespmem:$0x1EB00] =	vst v63  }
0x359: {  	s11 =	sld [smem:$0x7B5]  }
0x35a: {  	[tilespmem:s24], [sflag:$0x5] =	stream.linear.gather [spmem:s12], $0x80, $0x38;
	[tilespmem:$0x1EB00] =	vst v63  }
0x35b: {  	s12 =	sld [smem:$0x7B6]  }
0x35c: {  	[tilespmem:s16], [sflag:$0x5] =	stream.linear.gather [spmem:s11], $0x80, $0x38;
	[tilespmem:$0x1EB00] =	vst v63  }
0x35d: {  	s11 =	sld [smem:$0x7B7]  }
0x35e: {  	[tilespmem:s25], [sflag:$0x5] =	stream.linear.gather [spmem:s12], $0x80, $0x38;
	[tilespmem:$0x1EB00] =	vst v63  }
0x35f: {  	s12 =	sld [smem:$0x7B8]  }
0x360: {  	[tilespmem:s17], [sflag:$0x5] =	stream.linear.gather [spmem:s11], $0x80, $0x38;
	[tilespmem:$0x1EB00] =	vst v63  }
0x361: {  	s11 =	sld [smem:$0x7B9]  }
0x362: {  	[tilespmem:s26], [sflag:$0x5] =	stream.linear.gather [spmem:s12], $0x80, $0x38;
	[tilespmem:$0x1EB00] =	vst v63  }
0x363: {  	s12 =	sld [smem:$0x7BA]  }
0x364: {  	[tilespmem:s18], [sflag:$0x5] =	stream.linear.gather [spmem:s11], $0x80, $0x38;
	[tilespmem:$0x1EB00] =	vst v63  }
0x365: {  	s11 =	sld [smem:$0x7BB]  }
0x366: {  	[tilespmem:s29], [sflag:$0x5] =	stream.linear.gather [spmem:s12], $0x80, $0x38;
	[tilespmem:$0x1EB00] =	vst v63  }
0x367: {  	s12 =	sld [smem:$0x7BC]  }
0x368: {  	[tilespmem:s30], [sflag:$0x5] =	stream.linear.gather [spmem:s11], $0x80, $0x38;
	[tilespmem:$0x1EB00] =	vst v63  }
0x369: {  	s11 =	sld [smem:$0x7BD]  }
0x36a: {  	[tilespmem:s31], [sflag:$0x5] =	stream.linear.gather [spmem:s12], $0x80, $0x38;
	[tilespmem:$0x1EB00] =	vst v63  }
0x36b: {  	s12 =	sld [smem:$0x7BE]  }
0x36c: {  	[tilespmem:s0], [sflag:$0x5] =	stream.linear.gather [spmem:s11], $0x80, $0x38;
	[tilespmem:$0x1EB00] =	vst v63  }
0x36d: {  	s11 =	sld [smem:$0x7BF]  }
0x36e: {  	[tilespmem:s1], [sflag:$0x5] =	stream.linear.gather [spmem:s12], $0x80, $0x38;
	[tilespmem:$0x1EB00] =	vst v63  }
0x36f: {  	s12 =	simm.s32 $0x40  }
0x370: {  	[tilespmem:s4], [sflag:$0x5] =	stream.linear.gather [spmem:s11], $0x80, $0x38;
	[tilespmem:$0x1EB00] =	vst v63  }
0x371: {  	v0 =	vld [tilespmem:s12+$0x30]  }
0x372: {  	v1 =	vld [tilespmem:s12+$0xFFFFFFD0]  }
0x373: {  	v2 =	vld [tilespmem:s12+$0xFFFFFFE0]  }
0x374: {  	v3 =	vld [tilespmem:s12+$0xFFFFFFF0]  }
0x375: {  	v5 =	vld [tilespmem:s12+$0x0]  }
0x376: {  	v6 =	vld [tilespmem:s12+$0x10]  }
0x377: {  	v7 =	vld [tilespmem:s12+$0x20]  }
0x378: {  	s10 =	simm.s32 $0x1A740;
	v8 =	vld [tilespmem:s12+$0xFFFFFFC0]  }
0x379: {  	v11 =	vld [tilespmem:s10+$0x30]  }
0x37a: {  	v14 =	vld [tilespmem:s10+$0xFFFFFFD0]  }
0x37b: {  	v9 =	vld [tilespmem:s10+$0xFFFFFFE0]  }
0x37c: {  	v10 =	vld.idx.msk [tilespmem:v0+s22+$0x0], $0xffff  }
0x37d: {  	v12 =	vld.idx.msk [tilespmem:v1+s22+$0x0], $0xffff  }
0x37e: {  	v4 =	vld.idx.msk [tilespmem:v2+s22+$0x0], $0xffff  }
0x37f: {  	v3 =	vld.idx.msk [tilespmem:v3+s22+$0x0], $0xffff  }
0x380: {  	v13 =	vld.idx.msk [tilespmem:v8+s22+$0x0], $0xffff  }
0x381: {  	v1 =	vld.idx.msk [tilespmem:v7+s22+$0x0], $0xffff  }
0x382: {  	v7 =	vld [tilespmem:s10+$0xFFFFFFC0]  }
0x383: {  	v2 =	vld.idx.msk [tilespmem:v5+s22+$0x0], $0xffff  }
0x384: {  	v0 =	vld.idx.msk [tilespmem:v6+s22+$0x0], $0xffff  }
0x385: {  	v8 =	vld [tilespmem:s10+$0xFFFFFFF0]  }
0x386: {  	v6 =	vld [tilespmem:s10+$0x0];
	v10 =	vadd.f32 v11, v10  }
0x387: {  	v5 =	vld [tilespmem:s10+$0x10];
	v11 =	vadd.f32 v7, v13  }
0x388: {  	s11 =	simm.s32 $0x0;
	s12 =	simm.s32 $0x140;
	v7 =	vld [tilespmem:s10+$0x20];
	[tilespmem:s10+$0x30] =	vst v10;
	v10 =	vadd.f32 v14, v12  }
.LBB2_10:
0x389: {  	v12 =	vld [tilespmem:s12+$0x30];
	s11 =	sadd.s32 $0x8, s11;
	[tilespmem:s10+$0xFFFFFFC0] =	vst v11;
	v4 =	vadd.f32 v9, v4  }
0x38a: {  	v9 =	vld [tilespmem:s12+$0xFFFFFFD0];
	p1 =	slt.u32 s11, $0xF8;
	[tilespmem:s10+$0xFFFFFFD0] =	vst v10;
	v3 =	vadd.f32 v8, v3  }
0x38b: {  	v8 =	vld [tilespmem:s12+$0xFFFFFFE0];
	[tilespmem:s10+$0xFFFFFFE0] =	vst v4;
	v2 =	vadd.f32 v6, v2  }
0x38c: {  	v6 =	vld [tilespmem:s12+$0xFFFFFFF0];
	[tilespmem:s10+$0xFFFFFFF0] =	vst v3;
	v0 =	vadd.f32 v5, v0  }
0x38d: {  	v5 =	vld [tilespmem:s12+$0x0];
	[tilespmem:s10+$0x0] =	vst v2;
	v1 =	vadd.f32 v7, v1  }
0x38e: {  	v7 =	vld [tilespmem:s12+$0x10];
	[tilespmem:s10+$0x10] =	vst v0  }
0x38f: {  	v10 =	vld [tilespmem:s12+$0x20];
	[tilespmem:s10+$0x20] =	vst v1  }
0x390: {  	v1 =	vld [tilespmem:s12+$0xFFFFFFC0]  }
0x391: {  	s10 =	sadd.s32 $0x80, s10;
	v11 =	vld.idx.msk [tilespmem:v12+s22+$0x0], $0xffff  }
0x392: {  	v12 =	vld [tilespmem:s10+$0x30]  }
0x393: {  	v13 =	vld.idx.msk [tilespmem:v9+s22+$0x0], $0xffff  }
0x394: {  	v4 =	vld.idx.msk [tilespmem:v8+s22+$0x0], $0xffff  }
0x395: {  	v3 =	vld.idx.msk [tilespmem:v6+s22+$0x0], $0xffff  }
0x396: {  	v2 =	vld.idx.msk [tilespmem:v5+s22+$0x0], $0xffff  }
0x397: {  	v0 =	vld.idx.msk [tilespmem:v7+s22+$0x0], $0xffff;
	v5 =	vadd.f32 v12, v11  }
0x398: {  	v7 =	vld.idx.msk [tilespmem:v1+s22+$0x0], $0xffff  }
0x399: {  	v1 =	vld.idx.msk [tilespmem:v10+s22+$0x0], $0xffff;
	[tilespmem:s10+$0x30] =	vst v5  }
0x39a: {  	v5 =	vld [tilespmem:s10+$0xFFFFFFC0]  }
0x39b: {  	v10 =	vld [tilespmem:s10+$0xFFFFFFD0]  }
.Ltmp4:
0x39c: {  	v9 =	vld [tilespmem:s10+$0xFFFFFFE0];
	(pc) =	sbr.rel @p1 .LBB2_10-.Ltmp4, $4  }
0x39d: {  	v8 =	vld [tilespmem:s10+$0xFFFFFFF0]  }
0x39e: {  	v6 =	vld [tilespmem:s10+$0x0]  }
0x39f: {  	v11 =	vadd.f32 v5, v7;
	v5 =	vld [tilespmem:s10+$0x10]  }
0x3a0: {  	s12 =	sadd.s32 $0x100, s12;
	v10 =	vadd.f32 v10, v13;
	v7 =	vld [tilespmem:s10+$0x20]  }
0x3a1: {  	[tilespmem:s10+$0xFFFFFFC0] =	vst v11;
	v4 =	vadd.f32 v9, v4  }
0x3a2: {  	[tilespmem:s10+$0xFFFFFFD0] =	vst v10;
	v3 =	vadd.f32 v8, v3  }
0x3a3: {  	[tilespmem:s10+$0xFFFFFFE0] =	vst v4;
	v2 =	vadd.f32 v6, v2  }
0x3a4: {  	[tilespmem:s10+$0xFFFFFFF0] =	vst v3;
	v0 =	vadd.f32 v5, v0  }
0x3a5: {  	[tilespmem:s10+$0x0] =	vst v2;
	v1 =	vadd.f32 v7, v1  }
0x3a6: {  	[tilespmem:s10+$0x10] =	vst v0  }
0x3a7: {  	[tilespmem:s10+$0x20] =	vst v1  }
0x3a8: {  	_ =	swait.ge [sflag:s5], $0x1000  }
0x3a9: {  	[sflag:s5] =	ssyncset.done $0x0  }
0x3aa: {  	s12 =	simm.s32 $0x0;
	s11 =	rddreg [dreg:$0xa];
	[sflag:s5] =	ssyncadd.s32 $0xFFFFF000  }
0x3ab: {  	[tilespmem:s12], [sflag:$0x4] =	stream.linear.gather [spmem:s11], $0x80, $0x38;
	[tilespmem:$0x1EB00] =	vst v63  }
0x3ac: {  	s11 =	sld [smem:$0x7C0];
	_ =	sdelay $0x1  }
0x3ad: {  	s12 =	simm.s32 $0x100  }
0x3ae: {  	[tilespmem:s12], [sflag:$0x4] =	stream.linear.gather [spmem:s11], $0x80, $0x38;
	[tilespmem:$0x1EB00] =	vst v63  }
0x3af: {  	s11 =	sld [smem:$0x7C1];
	_ =	sdelay $0x1  }
0x3b0: {  	s12 =	simm.s32 $0x200  }
0x3b1: {  	[tilespmem:s12], [sflag:$0x4] =	stream.linear.gather [spmem:s11], $0x80, $0x38;
	[tilespmem:$0x1EB00] =	vst v63  }
0x3b2: {  	s11 =	sld [smem:$0x7C2];
	_ =	sdelay $0x1  }
0x3b3: {  	s12 =	simm.s32 $0x300  }
0x3b4: {  	[tilespmem:s12], [sflag:$0x4] =	stream.linear.gather [spmem:s11], $0x80, $0x38;
	[tilespmem:$0x1EB00] =	vst v63  }
0x3b5: {  	s12 =	sld [smem:$0x7C3];
	_ =	sdelay $0x1  }
0x3b6: {  	s11 =	sld [smem:$0x7C4]  }
0x3b7: {  	[tilespmem:s21], [sflag:$0x4] =	stream.linear.gather [spmem:s12], $0x80, $0x38;
	[tilespmem:$0x1EB00] =	vst v63  }
0x3b8: {  	s12 =	simm.s32 $0x500  }
0x3b9: {  	[tilespmem:s12], [sflag:$0x4] =	stream.linear.gather [spmem:s11], $0x80, $0x38;
	[tilespmem:$0x1EB00] =	vst v63  }
0x3ba: {  	s11 =	sld [smem:$0x7C5];
	_ =	sdelay $0x1  }
0x3bb: {  	s12 =	simm.s32 $0x600  }
0x3bc: {  	[tilespmem:s12], [sflag:$0x4] =	stream.linear.gather [spmem:s11], $0x80, $0x38;
	[tilespmem:$0x1EB00] =	vst v63  }
0x3bd: {  	s11 =	sld [smem:$0x7C6];
	_ =	sdelay $0x1  }
0x3be: {  	s12 =	simm.s32 $0x700  }
0x3bf: {  	[tilespmem:s12], [sflag:$0x4] =	stream.linear.gather [spmem:s11], $0x80, $0x38;
	[tilespmem:$0x1EB00] =	vst v63  }
0x3c0: {  	s11 =	sld [smem:$0x7C7];
	_ =	sdelay $0x1  }
0x3c1: {  	s12 =	simm.s32 $0x800  }
0x3c2: {  	[tilespmem:s12], [sflag:$0x4] =	stream.linear.gather [spmem:s11], $0x80, $0x38;
	[tilespmem:$0x1EB00] =	vst v63  }
0x3c3: {  	s11 =	sld [smem:$0x7C8];
	_ =	sdelay $0x1  }
0x3c4: {  	s12 =	simm.s32 $0x900  }
0x3c5: {  	[tilespmem:s12], [sflag:$0x4] =	stream.linear.gather [spmem:s11], $0x80, $0x38;
	[tilespmem:$0x1EB00] =	vst v63  }
0x3c6: {  	s11 =	sld [smem:$0x7C9];
	_ =	sdelay $0x1  }
0x3c7: {  	s12 =	simm.s32 $0xA00  }
0x3c8: {  	[tilespmem:s12], [sflag:$0x4] =	stream.linear.gather [spmem:s11], $0x80, $0x38;
	[tilespmem:$0x1EB00] =	vst v63  }
0x3c9: {  	s11 =	sld [smem:$0x7CA];
	_ =	sdelay $0x1  }
0x3ca: {  	s12 =	simm.s32 $0xB00  }
0x3cb: {  	[tilespmem:s12], [sflag:$0x4] =	stream.linear.gather [spmem:s11], $0x80, $0x38;
	[tilespmem:$0x1EB00] =	vst v63  }
0x3cc: {  	s11 =	sld [smem:$0x7CB];
	_ =	sdelay $0x1  }
0x3cd: {  	s12 =	simm.s32 $0xC00  }
0x3ce: {  	[tilespmem:s12], [sflag:$0x4] =	stream.linear.gather [spmem:s11], $0x80, $0x38;
	[tilespmem:$0x1EB00] =	vst v63  }
0x3cf: {  	s11 =	sld [smem:$0x7CC];
	_ =	sdelay $0x1  }
0x3d0: {  	s12 =	simm.s32 $0xD00  }
0x3d1: {  	[tilespmem:s12], [sflag:$0x4] =	stream.linear.gather [spmem:s11], $0x80, $0x38;
	[tilespmem:$0x1EB00] =	vst v63  }
0x3d2: {  	s11 =	sld [smem:$0x7CD];
	_ =	sdelay $0x1  }
0x3d3: {  	s12 =	simm.s32 $0xE00  }
0x3d4: {  	[tilespmem:s12], [sflag:$0x4] =	stream.linear.gather [spmem:s11], $0x80, $0x38;
	[tilespmem:$0x1EB00] =	vst v63  }
0x3d5: {  	s11 =	sld [smem:$0x7CE];
	_ =	sdelay $0x1  }
0x3d6: {  	s12 =	simm.s32 $0xF00  }
0x3d7: {  	[tilespmem:s12], [sflag:$0x4] =	stream.linear.gather [spmem:s11], $0x80, $0x38;
	[tilespmem:$0x1EB00] =	vst v63  }
0x3d8: {  	s11 =	sld [smem:$0x7CF];
	_ =	sdelay $0x1  }
0x3d9: {  	s12 =	simm.s32 $0x1000  }
0x3da: {  	[tilespmem:s12], [sflag:$0x4] =	stream.linear.gather [spmem:s11], $0x80, $0x38;
	[tilespmem:$0x1EB00] =	vst v63  }
0x3db: {  	s11 =	sld [smem:$0x7D0];
	_ =	sdelay $0x1  }
0x3dc: {  	s12 =	simm.s32 $0x1100  }
0x3dd: {  	[tilespmem:s12], [sflag:$0x4] =	stream.linear.gather [spmem:s11], $0x80, $0x38;
	[tilespmem:$0x1EB00] =	vst v63  }
0x3de: {  	s11 =	sld [smem:$0x7D1];
	_ =	sdelay $0x1  }
0x3df: {  	s12 =	simm.s32 $0x1200  }
0x3e0: {  	[tilespmem:s12], [sflag:$0x4] =	stream.linear.gather [spmem:s11], $0x80, $0x38;
	[tilespmem:$0x1EB00] =	vst v63  }
0x3e1: {  	s11 =	sld [smem:$0x7D2];
	_ =	sdelay $0x1  }
0x3e2: {  	s12 =	simm.s32 $0x1300  }
0x3e3: {  	[tilespmem:s12], [sflag:$0x4] =	stream.linear.gather [spmem:s11], $0x80, $0x38;
	[tilespmem:$0x1EB00] =	vst v63  }
0x3e4: {  	s11 =	sld [smem:$0x7D3];
	_ =	sdelay $0x1  }
0x3e5: {  	s12 =	simm.s32 $0x1400  }
0x3e6: {  	[tilespmem:s12], [sflag:$0x4] =	stream.linear.gather [spmem:s11], $0x80, $0x38;
	[tilespmem:$0x1EB00] =	vst v63  }
0x3e7: {  	s11 =	sld [smem:$0x7D4];
	_ =	sdelay $0x1  }
0x3e8: {  	s12 =	simm.s32 $0x1500  }
0x3e9: {  	[tilespmem:s12], [sflag:$0x4] =	stream.linear.gather [spmem:s11], $0x80, $0x38;
	[tilespmem:$0x1EB00] =	vst v63  }
0x3ea: {  	s11 =	sld [smem:$0x7D5];
	_ =	sdelay $0x1  }
0x3eb: {  	s12 =	simm.s32 $0x1600  }
0x3ec: {  	[tilespmem:s12], [sflag:$0x4] =	stream.linear.gather [spmem:s11], $0x80, $0x38;
	[tilespmem:$0x1EB00] =	vst v63  }
0x3ed: {  	s11 =	sld [smem:$0x7D6];
	_ =	sdelay $0x1  }
0x3ee: {  	s12 =	simm.s32 $0x1700  }
0x3ef: {  	[tilespmem:s12], [sflag:$0x4] =	stream.linear.gather [spmem:s11], $0x80, $0x38;
	[tilespmem:$0x1EB00] =	vst v63  }
0x3f0: {  	s11 =	sld [smem:$0x7D7];
	_ =	sdelay $0x1  }
0x3f1: {  	s12 =	simm.s32 $0x1800  }
0x3f2: {  	[tilespmem:s12], [sflag:$0x4] =	stream.linear.gather [spmem:s11], $0x80, $0x38;
	[tilespmem:$0x1EB00] =	vst v63  }
0x3f3: {  	s11 =	sld [smem:$0x7D8];
	_ =	sdelay $0x1  }
0x3f4: {  	s12 =	simm.s32 $0x1900  }
0x3f5: {  	[tilespmem:s12], [sflag:$0x4] =	stream.linear.gather [spmem:s11], $0x80, $0x38;
	[tilespmem:$0x1EB00] =	vst v63  }
0x3f6: {  	s11 =	sld [smem:$0x7D9];
	_ =	sdelay $0x1  }
0x3f7: {  	s12 =	simm.s32 $0x1A00  }
0x3f8: {  	[tilespmem:s12], [sflag:$0x4] =	stream.linear.gather [spmem:s11], $0x80, $0x38;
	[tilespmem:$0x1EB00] =	vst v63  }
0x3f9: {  	s11 =	sld [smem:$0x7DA];
	_ =	sdelay $0x1  }
0x3fa: {  	s12 =	simm.s32 $0x1B00  }
0x3fb: {  	[tilespmem:s12], [sflag:$0x4] =	stream.linear.gather [spmem:s11], $0x80, $0x38;
	[tilespmem:$0x1EB00] =	vst v63  }
0x3fc: {  	s11 =	sld [smem:$0x7DB];
	_ =	sdelay $0x1  }
0x3fd: {  	s12 =	simm.s32 $0x1C00  }
0x3fe: {  	[tilespmem:s12], [sflag:$0x4] =	stream.linear.gather [spmem:s11], $0x80, $0x38;
	[tilespmem:$0x1EB00] =	vst v63  }
0x3ff: {  	s11 =	sld [smem:$0x7DC];
	_ =	sdelay $0x1  }
0x400: {  	s12 =	simm.s32 $0x1D00  }
0x401: {  	[tilespmem:s12], [sflag:$0x4] =	stream.linear.gather [spmem:s11], $0x80, $0x38;
	[tilespmem:$0x1EB00] =	vst v63  }
0x402: {  	s11 =	sld [smem:$0x7DD];
	_ =	sdelay $0x1  }
0x403: {  	s12 =	simm.s32 $0x1E00  }
0x404: {  	[tilespmem:s12], [sflag:$0x4] =	stream.linear.gather [spmem:s11], $0x80, $0x38;
	[tilespmem:$0x1EB00] =	vst v63  }
0x405: {  	s11 =	sld [smem:$0x7DE];
	_ =	sdelay $0x1  }
0x406: {  	s12 =	simm.s32 $0x1F00  }
0x407: {  	[tilespmem:s12], [sflag:$0x4] =	stream.linear.gather [spmem:s11], $0x80, $0x38;
	[tilespmem:$0x1EB00] =	vst v63  }
0x408: {  	s12 =	simm.s32 $0xF0  }
0x409: {  	v0 =	vld [tilespmem:s12+$0x0]  }
0x40a: {  	v1 =	vld [tilespmem:s12+$0xFFFFFFA0]  }
0x40b: {  	v2 =	vld [tilespmem:s12+$0xFFFFFFB0]  }
0x40c: {  	v3 =	vld [tilespmem:s12+$0xFFFFFFC0]  }
0x40d: {  	v5 =	vld [tilespmem:s12+$0xFFFFFFD0]  }
0x40e: {  	v6 =	vld [tilespmem:s12+$0xFFFFFFE0]  }
0x40f: {  	v7 =	vld [tilespmem:s12+$0xFFFFFFF0]  }
0x410: {  	s10 =	simm.s32 $0x1B770;
	v8 =	vld [tilespmem:s12+$0xFFFFFF90]  }
0x411: {  	v11 =	vld [tilespmem:s10+$0x0]  }
0x412: {  	v14 =	vld [tilespmem:s10+$0xFFFFFFA0]  }
0x413: {  	v9 =	vld [tilespmem:s10+$0xFFFFFFB0]  }
0x414: {  	v10 =	vld.idx.msk [tilespmem:v0+s22+$0x0], $0xffff  }
0x415: {  	v12 =	vld.idx.msk [tilespmem:v1+s22+$0x0], $0xffff  }
0x416: {  	v4 =	vld.idx.msk [tilespmem:v2+s22+$0x0], $0xffff  }
0x417: {  	v3 =	vld.idx.msk [tilespmem:v3+s22+$0x0], $0xffff  }
0x418: {  	v13 =	vld.idx.msk [tilespmem:v8+s22+$0x0], $0xffff  }
0x419: {  	v1 =	vld.idx.msk [tilespmem:v7+s22+$0x0], $0xffff  }
0x41a: {  	v7 =	vld [tilespmem:s10+$0xFFFFFF90]  }
0x41b: {  	v2 =	vld.idx.msk [tilespmem:v5+s22+$0x0], $0xffff  }
0x41c: {  	v0 =	vld.idx.msk [tilespmem:v6+s22+$0x0], $0xffff  }
0x41d: {  	v8 =	vld [tilespmem:s10+$0xFFFFFFC0]  }
0x41e: {  	v6 =	vld [tilespmem:s10+$0xFFFFFFD0];
	v10 =	vadd.f32 v11, v10  }
0x41f: {  	v5 =	vld [tilespmem:s10+$0xFFFFFFE0];
	v11 =	vadd.f32 v7, v13  }
0x420: {  	s11 =	simm.s32 $0x0;
	s12 =	simm.s32 $0x1F0;
	v7 =	vld [tilespmem:s10+$0xFFFFFFF0];
	[tilespmem:s10+$0x0] =	vst v10;
	v10 =	vadd.f32 v14, v12  }
.LBB2_12:
0x421: {  	v12 =	vld [tilespmem:s12+$0x0];
	s11 =	sadd.s32 $0x8, s11;
	[tilespmem:s10+$0xFFFFFF90] =	vst v11;
	v4 =	vadd.f32 v9, v4  }
0x422: {  	v9 =	vld [tilespmem:s12+$0xFFFFFFA0];
	p1 =	slt.u32 s11, $0xF8;
	[tilespmem:s10+$0xFFFFFFA0] =	vst v10;
	v3 =	vadd.f32 v8, v3  }
0x423: {  	v8 =	vld [tilespmem:s12+$0xFFFFFFB0];
	[tilespmem:s10+$0xFFFFFFB0] =	vst v4;
	v2 =	vadd.f32 v6, v2  }
0x424: {  	v6 =	vld [tilespmem:s12+$0xFFFFFFC0];
	[tilespmem:s10+$0xFFFFFFC0] =	vst v3;
	v0 =	vadd.f32 v5, v0  }
0x425: {  	v5 =	vld [tilespmem:s12+$0xFFFFFFD0];
	[tilespmem:s10+$0xFFFFFFD0] =	vst v2;
	v1 =	vadd.f32 v7, v1  }
0x426: {  	v7 =	vld [tilespmem:s12+$0xFFFFFFE0];
	[tilespmem:s10+$0xFFFFFFE0] =	vst v0  }
0x427: {  	v10 =	vld [tilespmem:s12+$0xFFFFFFF0];
	[tilespmem:s10+$0xFFFFFFF0] =	vst v1  }
0x428: {  	v1 =	vld [tilespmem:s12+$0xFFFFFF90]  }
0x429: {  	s10 =	sadd.s32 $0x80, s10;
	v11 =	vld.idx.msk [tilespmem:v12+s22+$0x0], $0xffff  }
0x42a: {  	v12 =	vld [tilespmem:s10+$0x0]  }
0x42b: {  	v13 =	vld.idx.msk [tilespmem:v9+s22+$0x0], $0xffff  }
0x42c: {  	v4 =	vld.idx.msk [tilespmem:v8+s22+$0x0], $0xffff  }
0x42d: {  	v3 =	vld.idx.msk [tilespmem:v6+s22+$0x0], $0xffff  }
0x42e: {  	v2 =	vld.idx.msk [tilespmem:v5+s22+$0x0], $0xffff  }
0x42f: {  	v0 =	vld.idx.msk [tilespmem:v7+s22+$0x0], $0xffff;
	v5 =	vadd.f32 v12, v11  }
0x430: {  	v7 =	vld.idx.msk [tilespmem:v1+s22+$0x0], $0xffff  }
0x431: {  	v1 =	vld.idx.msk [tilespmem:v10+s22+$0x0], $0xffff;
	[tilespmem:s10+$0x0] =	vst v5  }
0x432: {  	v5 =	vld [tilespmem:s10+$0xFFFFFF90]  }
0x433: {  	v10 =	vld [tilespmem:s10+$0xFFFFFFA0]  }
.Ltmp5:
0x434: {  	v9 =	vld [tilespmem:s10+$0xFFFFFFB0];
	(pc) =	sbr.rel @p1 .LBB2_12-.Ltmp5, $4  }
0x435: {  	v8 =	vld [tilespmem:s10+$0xFFFFFFC0]  }
0x436: {  	v6 =	vld [tilespmem:s10+$0xFFFFFFD0]  }
0x437: {  	v11 =	vadd.f32 v5, v7;
	v5 =	vld [tilespmem:s10+$0xFFFFFFE0]  }
0x438: {  	s12 =	sadd.s32 $0x100, s12;
	v10 =	vadd.f32 v10, v13;
	v7 =	vld [tilespmem:s10+$0xFFFFFFF0]  }
0x439: {  	[tilespmem:s10+$0xFFFFFF90] =	vst v11;
	v4 =	vadd.f32 v9, v4  }
0x43a: {  	[tilespmem:s10+$0xFFFFFFA0] =	vst v10;
	v3 =	vadd.f32 v8, v3  }
0x43b: {  	[tilespmem:s10+$0xFFFFFFB0] =	vst v4;
	v2 =	vadd.f32 v6, v2  }
0x43c: {  	[tilespmem:s10+$0xFFFFFFC0] =	vst v3;
	v0 =	vadd.f32 v5, v0  }
0x43d: {  	[tilespmem:s10+$0xFFFFFFD0] =	vst v2;
	v1 =	vadd.f32 v7, v1  }
0x43e: {  	[tilespmem:s10+$0xFFFFFFE0] =	vst v0  }
0x43f: {  	[tilespmem:s10+$0xFFFFFFF0] =	vst v1  }
0x440: {  	_ =	swait.ge [sflag:s19], $0x1000  }
0x441: {  	[sflag:s19] =	ssyncset.done $0x0;
	s11 =	rddreg [dreg:$0xb]  }
0x442: {  	s12 =	sld [smem:$0x7DF];
	[sflag:s19] =	ssyncadd.s32 $0xFFFFF000  }
0x443: {  	[tilespmem:s20], [sflag:$0x5] =	stream.linear.gather [spmem:s11], $0x80, $0x38;
	[tilespmem:$0x1EB00] =	vst v63  }
0x444: {  	s11 =	simm.s32 $0x180  }
0x445: {  	[tilespmem:s11], [sflag:$0x5] =	stream.linear.gather [spmem:s12], $0x80, $0x38;
	[tilespmem:$0x1EB00] =	vst v63  }
0x446: {  	s11 =	sld [smem:$0x7E0];
	_ =	sdelay $0x1  }
0x447: {  	s12 =	simm.s32 $0x280  }
0x448: {  	[tilespmem:s12], [sflag:$0x5] =	stream.linear.gather [spmem:s11], $0x80, $0x38;
	[tilespmem:$0x1EB00] =	vst v63  }
0x449: {  	s11 =	sld [smem:$0x7E1];
	_ =	sdelay $0x1  }
0x44a: {  	s12 =	simm.s32 $0x380  }
0x44b: {  	[tilespmem:s12], [sflag:$0x5] =	stream.linear.gather [spmem:s11], $0x80, $0x38;
	[tilespmem:$0x1EB00] =	vst v63  }
0x44c: {  	s11 =	sld [smem:$0x7E2];
	_ =	sdelay $0x1  }
0x44d: {  	s12 =	simm.s32 $0x480  }
0x44e: {  	[tilespmem:s12], [sflag:$0x5] =	stream.linear.gather [spmem:s11], $0x80, $0x38;
	[tilespmem:$0x1EB00] =	vst v63  }
0x44f: {  	s11 =	sld [smem:$0x7E3];
	_ =	sdelay $0x1  }
0x450: {  	s12 =	simm.s32 $0x580  }
0x451: {  	[tilespmem:s12], [sflag:$0x5] =	stream.linear.gather [spmem:s11], $0x80, $0x38;
	[tilespmem:$0x1EB00] =	vst v63  }
0x452: {  	s11 =	sld [smem:$0x7E4];
	_ =	sdelay $0x1  }
0x453: {  	s12 =	simm.s32 $0x680  }
0x454: {  	[tilespmem:s12], [sflag:$0x5] =	stream.linear.gather [spmem:s11], $0x80, $0x38;
	[tilespmem:$0x1EB00] =	vst v63  }
0x455: {  	s11 =	sld [smem:$0x7E5];
	_ =	sdelay $0x1  }
0x456: {  	s12 =	simm.s32 $0x780  }
0x457: {  	[tilespmem:s12], [sflag:$0x5] =	stream.linear.gather [spmem:s11], $0x80, $0x38;
	[tilespmem:$0x1EB00] =	vst v63  }
0x458: {  	s11 =	sld [smem:$0x7E6];
	_ =	sdelay $0x1  }
0x459: {  	s12 =	simm.s32 $0x880  }
0x45a: {  	[tilespmem:s12], [sflag:$0x5] =	stream.linear.gather [spmem:s11], $0x80, $0x38;
	[tilespmem:$0x1EB00] =	vst v63  }
0x45b: {  	s11 =	sld [smem:$0x7E7];
	_ =	sdelay $0x1  }
0x45c: {  	s12 =	simm.s32 $0x980  }
0x45d: {  	[tilespmem:s12], [sflag:$0x5] =	stream.linear.gather [spmem:s11], $0x80, $0x38;
	[tilespmem:$0x1EB00] =	vst v63  }
0x45e: {  	s11 =	sld [smem:$0x7E8];
	_ =	sdelay $0x1  }
0x45f: {  	s12 =	simm.s32 $0xA80  }
0x460: {  	[tilespmem:s12], [sflag:$0x5] =	stream.linear.gather [spmem:s11], $0x80, $0x38;
	[tilespmem:$0x1EB00] =	vst v63  }
0x461: {  	s11 =	sld [smem:$0x7E9];
	_ =	sdelay $0x1  }
0x462: {  	s12 =	simm.s32 $0xB80  }
0x463: {  	[tilespmem:s12], [sflag:$0x5] =	stream.linear.gather [spmem:s11], $0x80, $0x38;
	[tilespmem:$0x1EB00] =	vst v63  }
0x464: {  	s12 =	sld [smem:$0x7EA];
	_ =	sdelay $0x1  }
0x465: {  	s11 =	sld [smem:$0x7EB]  }
0x466: {  	[tilespmem:s13], [sflag:$0x5] =	stream.linear.gather [spmem:s12], $0x80, $0x38;
	[tilespmem:$0x1EB00] =	vst v63  }
0x467: {  	s12 =	sld [smem:$0x7EC]  }
0x468: {  	[tilespmem:s14], [sflag:$0x5] =	stream.linear.gather [spmem:s11], $0x80, $0x38;
	[tilespmem:$0x1EB00] =	vst v63  }
0x469: {  	s11 =	sld [smem:$0x7ED]  }
0x46a: {  	[tilespmem:s15], [sflag:$0x5] =	stream.linear.gather [spmem:s12], $0x80, $0x38;
	[tilespmem:$0x1EB00] =	vst v63  }
0x46b: {  	s12 =	sld [smem:$0x7EE]  }
0x46c: {  	[tilespmem:s3], [sflag:$0x5] =	stream.linear.gather [spmem:s11], $0x80, $0x38;
	[tilespmem:$0x1EB00] =	vst v63  }
0x46d: {  	s11 =	sld [smem:$0x7EF]  }
0x46e: {  	[tilespmem:s6], [sflag:$0x5] =	stream.linear.gather [spmem:s12], $0x80, $0x38;
	[tilespmem:$0x1EB00] =	vst v63  }
0x46f: {  	s12 =	sld [smem:$0x7F0]  }
0x470: {  	[tilespmem:s7], [sflag:$0x5] =	stream.linear.gather [spmem:s11], $0x80, $0x38;
	[tilespmem:$0x1EB00] =	vst v63  }
0x471: {  	s11 =	sld [smem:$0x7F1]  }
0x472: {  	[tilespmem:s23], [sflag:$0x5] =	stream.linear.gather [spmem:s12], $0x80, $0x38;
	[tilespmem:$0x1EB00] =	vst v63  }
0x473: {  	s12 =	sld [smem:$0x7F2]  }
0x474: {  	[tilespmem:s8], [sflag:$0x5] =	stream.linear.gather [spmem:s11], $0x80, $0x38;
	[tilespmem:$0x1EB00] =	vst v63  }
0x475: {  	s11 =	sld [smem:$0x7F3]  }
0x476: {  	[tilespmem:s24], [sflag:$0x5] =	stream.linear.gather [spmem:s12], $0x80, $0x38;
	[tilespmem:$0x1EB00] =	vst v63  }
0x477: {  	s12 =	sld [smem:$0x7F4]  }
0x478: {  	[tilespmem:s16], [sflag:$0x5] =	stream.linear.gather [spmem:s11], $0x80, $0x38;
	[tilespmem:$0x1EB00] =	vst v63  }
0x479: {  	s11 =	sld [smem:$0x7F5]  }
0x47a: {  	[tilespmem:s25], [sflag:$0x5] =	stream.linear.gather [spmem:s12], $0x80, $0x38;
	[tilespmem:$0x1EB00] =	vst v63  }
0x47b: {  	s12 =	sld [smem:$0x7F6]  }
0x47c: {  	[tilespmem:s17], [sflag:$0x5] =	stream.linear.gather [spmem:s11], $0x80, $0x38;
	[tilespmem:$0x1EB00] =	vst v63  }
0x47d: {  	s11 =	sld [smem:$0x7F7]  }
0x47e: {  	[tilespmem:s26], [sflag:$0x5] =	stream.linear.gather [spmem:s12], $0x80, $0x38;
	[tilespmem:$0x1EB00] =	vst v63  }
0x47f: {  	s12 =	sld [smem:$0x7F8]  }
0x480: {  	[tilespmem:s18], [sflag:$0x5] =	stream.linear.gather [spmem:s11], $0x80, $0x38;
	[tilespmem:$0x1EB00] =	vst v63  }
0x481: {  	s11 =	sld [smem:$0x7F9]  }
0x482: {  	[tilespmem:s29], [sflag:$0x5] =	stream.linear.gather [spmem:s12], $0x80, $0x38;
	[tilespmem:$0x1EB00] =	vst v63  }
0x483: {  	s12 =	sld [smem:$0x7FA]  }
0x484: {  	[tilespmem:s30], [sflag:$0x5] =	stream.linear.gather [spmem:s11], $0x80, $0x38;
	[tilespmem:$0x1EB00] =	vst v63  }
0x485: {  	s11 =	sld [smem:$0x7FB]  }
0x486: {  	[tilespmem:s31], [sflag:$0x5] =	stream.linear.gather [spmem:s12], $0x80, $0x38;
	[tilespmem:$0x1EB00] =	vst v63  }
0x487: {  	s12 =	sld [smem:$0x7FC]  }
0x488: {  	[tilespmem:s0], [sflag:$0x5] =	stream.linear.gather [spmem:s11], $0x80, $0x38;
	[tilespmem:$0x1EB00] =	vst v63  }
0x489: {  	s11 =	sld [smem:$0x7FD]  }
0x48a: {  	[tilespmem:s1], [sflag:$0x5] =	stream.linear.gather [spmem:s12], $0x80, $0x38;
	[tilespmem:$0x1EB00] =	vst v63  }
0x48b: {  	s12 =	simm.s32 $0x40  }
0x48c: {  	[tilespmem:s4], [sflag:$0x5] =	stream.linear.gather [spmem:s11], $0x80, $0x38;
	[tilespmem:$0x1EB00] =	vst v63  }
0x48d: {  	v0 =	vld [tilespmem:s12+$0x30]  }
0x48e: {  	v1 =	vld [tilespmem:s12+$0xFFFFFFD0]  }
0x48f: {  	v2 =	vld [tilespmem:s12+$0xFFFFFFE0]  }
0x490: {  	v3 =	vld [tilespmem:s12+$0xFFFFFFF0]  }
0x491: {  	v5 =	vld [tilespmem:s12+$0x0]  }
0x492: {  	v6 =	vld [tilespmem:s12+$0x10]  }
0x493: {  	v7 =	vld [tilespmem:s12+$0x20]  }
0x494: {  	s10 =	simm.s32 $0x1C770;
	v8 =	vld [tilespmem:s12+$0xFFFFFFC0]  }
0x495: {  	v11 =	vld [tilespmem:s10+$0x0]  }
0x496: {  	v14 =	vld [tilespmem:s10+$0xFFFFFFA0]  }
0x497: {  	v9 =	vld [tilespmem:s10+$0xFFFFFFB0]  }
0x498: {  	v10 =	vld.idx.msk [tilespmem:v0+s22+$0x0], $0xffff  }
0x499: {  	v12 =	vld.idx.msk [tilespmem:v1+s22+$0x0], $0xffff  }
0x49a: {  	v4 =	vld.idx.msk [tilespmem:v2+s22+$0x0], $0xffff  }
0x49b: {  	v3 =	vld.idx.msk [tilespmem:v3+s22+$0x0], $0xffff  }
0x49c: {  	v13 =	vld.idx.msk [tilespmem:v8+s22+$0x0], $0xffff  }
0x49d: {  	v1 =	vld.idx.msk [tilespmem:v7+s22+$0x0], $0xffff  }
0x49e: {  	v7 =	vld [tilespmem:s10+$0xFFFFFF90]  }
0x49f: {  	v2 =	vld.idx.msk [tilespmem:v5+s22+$0x0], $0xffff  }
0x4a0: {  	v0 =	vld.idx.msk [tilespmem:v6+s22+$0x0], $0xffff  }
0x4a1: {  	v8 =	vld [tilespmem:s10+$0xFFFFFFC0]  }
0x4a2: {  	v6 =	vld [tilespmem:s10+$0xFFFFFFD0];
	v10 =	vadd.f32 v11, v10  }
0x4a3: {  	v5 =	vld [tilespmem:s10+$0xFFFFFFE0];
	v11 =	vadd.f32 v7, v13  }
0x4a4: {  	s11 =	simm.s32 $0x0;
	s12 =	simm.s32 $0x140;
	v7 =	vld [tilespmem:s10+$0xFFFFFFF0];
	[tilespmem:s10+$0x0] =	vst v10;
	v10 =	vadd.f32 v14, v12  }
.LBB2_14:
0x4a5: {  	v12 =	vld [tilespmem:s12+$0x30];
	s11 =	sadd.s32 $0x8, s11;
	[tilespmem:s10+$0xFFFFFF90] =	vst v11;
	v4 =	vadd.f32 v9, v4  }
0x4a6: {  	v9 =	vld [tilespmem:s12+$0xFFFFFFD0];
	p1 =	slt.u32 s11, $0xF8;
	[tilespmem:s10+$0xFFFFFFA0] =	vst v10;
	v3 =	vadd.f32 v8, v3  }
0x4a7: {  	v8 =	vld [tilespmem:s12+$0xFFFFFFE0];
	[tilespmem:s10+$0xFFFFFFB0] =	vst v4;
	v2 =	vadd.f32 v6, v2  }
0x4a8: {  	v6 =	vld [tilespmem:s12+$0xFFFFFFF0];
	[tilespmem:s10+$0xFFFFFFC0] =	vst v3;
	v0 =	vadd.f32 v5, v0  }
0x4a9: {  	v5 =	vld [tilespmem:s12+$0x0];
	[tilespmem:s10+$0xFFFFFFD0] =	vst v2;
	v1 =	vadd.f32 v7, v1  }
0x4aa: {  	v7 =	vld [tilespmem:s12+$0x10];
	[tilespmem:s10+$0xFFFFFFE0] =	vst v0  }
0x4ab: {  	v10 =	vld [tilespmem:s12+$0x20];
	[tilespmem:s10+$0xFFFFFFF0] =	vst v1  }
0x4ac: {  	v1 =	vld [tilespmem:s12+$0xFFFFFFC0]  }
0x4ad: {  	s10 =	sadd.s32 $0x80, s10;
	v11 =	vld.idx.msk [tilespmem:v12+s22+$0x0], $0xffff  }
0x4ae: {  	v12 =	vld [tilespmem:s10+$0x0]  }
0x4af: {  	v13 =	vld.idx.msk [tilespmem:v9+s22+$0x0], $0xffff  }
0x4b0: {  	v4 =	vld.idx.msk [tilespmem:v8+s22+$0x0], $0xffff  }
0x4b1: {  	v3 =	vld.idx.msk [tilespmem:v6+s22+$0x0], $0xffff  }
0x4b2: {  	v2 =	vld.idx.msk [tilespmem:v5+s22+$0x0], $0xffff  }
0x4b3: {  	v0 =	vld.idx.msk [tilespmem:v7+s22+$0x0], $0xffff;
	v5 =	vadd.f32 v12, v11  }
0x4b4: {  	v7 =	vld.idx.msk [tilespmem:v1+s22+$0x0], $0xffff  }
0x4b5: {  	v1 =	vld.idx.msk [tilespmem:v10+s22+$0x0], $0xffff;
	[tilespmem:s10+$0x0] =	vst v5  }
0x4b6: {  	v5 =	vld [tilespmem:s10+$0xFFFFFF90]  }
0x4b7: {  	v10 =	vld [tilespmem:s10+$0xFFFFFFA0]  }
.Ltmp6:
0x4b8: {  	v9 =	vld [tilespmem:s10+$0xFFFFFFB0];
	(pc) =	sbr.rel @p1 .LBB2_14-.Ltmp6, $4  }
0x4b9: {  	v8 =	vld [tilespmem:s10+$0xFFFFFFC0]  }
0x4ba: {  	v6 =	vld [tilespmem:s10+$0xFFFFFFD0]  }
0x4bb: {  	v11 =	vadd.f32 v5, v7;
	v5 =	vld [tilespmem:s10+$0xFFFFFFE0]  }
0x4bc: {  	s12 =	sadd.s32 $0x100, s12;
	v10 =	vadd.f32 v10, v13;
	v7 =	vld [tilespmem:s10+$0xFFFFFFF0]  }
0x4bd: {  	[tilespmem:s10+$0xFFFFFF90] =	vst v11;
	v4 =	vadd.f32 v9, v4  }
0x4be: {  	[tilespmem:s10+$0xFFFFFFA0] =	vst v10;
	v3 =	vadd.f32 v8, v3  }
0x4bf: {  	[tilespmem:s10+$0xFFFFFFB0] =	vst v4;
	v2 =	vadd.f32 v6, v2  }
0x4c0: {  	[tilespmem:s10+$0xFFFFFFC0] =	vst v3;
	v0 =	vadd.f32 v5, v0  }
0x4c1: {  	[tilespmem:s10+$0xFFFFFFD0] =	vst v2;
	v1 =	vadd.f32 v7, v1  }
0x4c2: {  	[tilespmem:s10+$0xFFFFFFE0] =	vst v0  }
0x4c3: {  	[tilespmem:s10+$0xFFFFFFF0] =	vst v1  }
0x4c4: {  	_ =	swait.ge [sflag:s5], $0x1000  }
0x4c5: {  	[sflag:s5] =	ssyncset.done $0x0  }
0x4c6: {  	s11 =	simm.s32 $0x0;
	[sflag:s5] =	ssyncadd.s32 $0xFFFFF000  }
0x4c7: {  	[tilespmem:s11], [sflag:$0x4] =	stream.linear.gather [spmem:s2], $0x80, $0x38;
	[tilespmem:$0x1EB00] =	vst v63  }
0x4c8: {  	s12 =	rddreg [dreg:$0x13];
	s11 =	simm.s32 $0x100  }
0x4c9: {  	[tilespmem:s11], [sflag:$0x4] =	stream.linear.gather [spmem:s12], $0x80, $0x38;
	[tilespmem:$0x1EB00] =	vst v63  }
0x4ca: {  	s11 =	rddreg [dreg:$0x14];
	s12 =	simm.s32 $0x200  }
0x4cb: {  	[tilespmem:s12], [sflag:$0x4] =	stream.linear.gather [spmem:s11], $0x80, $0x38;
	[tilespmem:$0x1EB00] =	vst v63  }
0x4cc: {  	s11 =	rddreg [dreg:$0x15];
	s12 =	simm.s32 $0x300  }
0x4cd: {  	[tilespmem:s12], [sflag:$0x4] =	stream.linear.gather [spmem:s11], $0x80, $0x38;
	[tilespmem:$0x1EB00] =	vst v63  }
0x4ce: {  	s12 =	rddreg [dreg:$0x16]  }
0x4cf: {  	[tilespmem:s21], [sflag:$0x4] =	stream.linear.gather [spmem:s12], $0x80, $0x38;
	[tilespmem:$0x1EB00] =	vst v63  }
0x4d0: {  	s11 =	rddreg [dreg:$0x17];
	s12 =	simm.s32 $0x500  }
0x4d1: {  	[tilespmem:s12], [sflag:$0x4] =	stream.linear.gather [spmem:s11], $0x80, $0x38;
	[tilespmem:$0x1EB00] =	vst v63  }
0x4d2: {  	s11 =	rddreg [dreg:$0x18];
	s12 =	simm.s32 $0x600  }
0x4d3: {  	[tilespmem:s12], [sflag:$0x4] =	stream.linear.gather [spmem:s11], $0x80, $0x38;
	[tilespmem:$0x1EB00] =	vst v63  }
0x4d4: {  	s11 =	rddreg [dreg:$0x19];
	s12 =	simm.s32 $0x700  }
0x4d5: {  	[tilespmem:s12], [sflag:$0x4] =	stream.linear.gather [spmem:s11], $0x80, $0x38;
	[tilespmem:$0x1EB00] =	vst v63  }
0x4d6: {  	s11 =	rddreg [dreg:$0x1a];
	s12 =	simm.s32 $0x800  }
0x4d7: {  	[tilespmem:s12], [sflag:$0x4] =	stream.linear.gather [spmem:s11], $0x80, $0x38;
	[tilespmem:$0x1EB00] =	vst v63  }
0x4d8: {  	s11 =	rddreg [dreg:$0x1b];
	s12 =	simm.s32 $0x900  }
0x4d9: {  	[tilespmem:s12], [sflag:$0x4] =	stream.linear.gather [spmem:s11], $0x80, $0x38;
	[tilespmem:$0x1EB00] =	vst v63  }
0x4da: {  	s11 =	rddreg [dreg:$0x1c];
	s12 =	simm.s32 $0xA00  }
0x4db: {  	[tilespmem:s12], [sflag:$0x4] =	stream.linear.gather [spmem:s11], $0x80, $0x38;
	[tilespmem:$0x1EB00] =	vst v63  }
0x4dc: {  	s11 =	rddreg [dreg:$0x1d];
	s12 =	simm.s32 $0xB00  }
0x4dd: {  	[tilespmem:s12], [sflag:$0x4] =	stream.linear.gather [spmem:s11], $0x80, $0x38;
	[tilespmem:$0x1EB00] =	vst v63  }
0x4de: {  	s11 =	rddreg [dreg:$0x1e];
	s12 =	simm.s32 $0xC00  }
0x4df: {  	[tilespmem:s12], [sflag:$0x4] =	stream.linear.gather [spmem:s11], $0x80, $0x38;
	[tilespmem:$0x1EB00] =	vst v63  }
0x4e0: {  	s11 =	rddreg [dreg:$0x1f];
	s12 =	simm.s32 $0xD00  }
0x4e1: {  	[tilespmem:s12], [sflag:$0x4] =	stream.linear.gather [spmem:s11], $0x80, $0x38;
	[tilespmem:$0x1EB00] =	vst v63  }
0x4e2: {  	s11 =	sld [smem:$0x78F];
	_ =	sdelay $0x1  }
0x4e3: {  	s12 =	simm.s32 $0xE00  }
0x4e4: {  	[tilespmem:s12], [sflag:$0x4] =	stream.linear.gather [spmem:s11], $0x80, $0x38;
	[tilespmem:$0x1EB00] =	vst v63  }
0x4e5: {  	s11 =	sld [smem:$0x790];
	_ =	sdelay $0x1  }
0x4e6: {  	s12 =	simm.s32 $0xF00  }
0x4e7: {  	[tilespmem:s12], [sflag:$0x4] =	stream.linear.gather [spmem:s11], $0x80, $0x38;
	[tilespmem:$0x1EB00] =	vst v63  }
0x4e8: {  	s11 =	sld [smem:$0x791];
	_ =	sdelay $0x1  }
0x4e9: {  	s12 =	simm.s32 $0x1000  }
0x4ea: {  	[tilespmem:s12], [sflag:$0x4] =	stream.linear.gather [spmem:s11], $0x80, $0x38;
	[tilespmem:$0x1EB00] =	vst v63  }
0x4eb: {  	s11 =	sld [smem:$0x792];
	_ =	sdelay $0x1  }
0x4ec: {  	s12 =	simm.s32 $0x1100  }
0x4ed: {  	[tilespmem:s12], [sflag:$0x4] =	stream.linear.gather [spmem:s11], $0x80, $0x38;
	[tilespmem:$0x1EB00] =	vst v63  }
0x4ee: {  	s11 =	sld [smem:$0x793];
	_ =	sdelay $0x1  }
0x4ef: {  	s12 =	simm.s32 $0x1200  }
0x4f0: {  	[tilespmem:s12], [sflag:$0x4] =	stream.linear.gather [spmem:s11], $0x80, $0x38;
	[tilespmem:$0x1EB00] =	vst v63  }
0x4f1: {  	s11 =	sld [smem:$0x794];
	_ =	sdelay $0x1  }
0x4f2: {  	s12 =	simm.s32 $0x1300  }
0x4f3: {  	[tilespmem:s12], [sflag:$0x4] =	stream.linear.gather [spmem:s11], $0x80, $0x38;
	[tilespmem:$0x1EB00] =	vst v63  }
0x4f4: {  	s11 =	sld [smem:$0x795];
	_ =	sdelay $0x1  }
0x4f5: {  	s12 =	simm.s32 $0x1400  }
0x4f6: {  	[tilespmem:s12], [sflag:$0x4] =	stream.linear.gather [spmem:s11], $0x80, $0x38;
	[tilespmem:$0x1EB00] =	vst v63  }
0x4f7: {  	s11 =	sld [smem:$0x796];
	_ =	sdelay $0x1  }
0x4f8: {  	s12 =	simm.s32 $0x1500  }
0x4f9: {  	[tilespmem:s12], [sflag:$0x4] =	stream.linear.gather [spmem:s11], $0x80, $0x38;
	[tilespmem:$0x1EB00] =	vst v63  }
0x4fa: {  	s11 =	sld [smem:$0x797];
	_ =	sdelay $0x1  }
0x4fb: {  	s12 =	simm.s32 $0x1600  }
0x4fc: {  	[tilespmem:s12], [sflag:$0x4] =	stream.linear.gather [spmem:s11], $0x80, $0x38;
	[tilespmem:$0x1EB00] =	vst v63  }
0x4fd: {  	s11 =	sld [smem:$0x798];
	_ =	sdelay $0x1  }
0x4fe: {  	s12 =	simm.s32 $0x1700  }
0x4ff: {  	[tilespmem:s12], [sflag:$0x4] =	stream.linear.gather [spmem:s11], $0x80, $0x38;
	[tilespmem:$0x1EB00] =	vst v63  }
0x500: {  	s11 =	sld [smem:$0x799];
	_ =	sdelay $0x1  }
0x501: {  	s12 =	simm.s32 $0x1800  }
0x502: {  	[tilespmem:s12], [sflag:$0x4] =	stream.linear.gather [spmem:s11], $0x80, $0x38;
	[tilespmem:$0x1EB00] =	vst v63  }
0x503: {  	s11 =	sld [smem:$0x79A];
	_ =	sdelay $0x1  }
0x504: {  	s12 =	simm.s32 $0x1900  }
0x505: {  	[tilespmem:s12], [sflag:$0x4] =	stream.linear.gather [spmem:s11], $0x80, $0x38;
	[tilespmem:$0x1EB00] =	vst v63  }
0x506: {  	s11 =	sld [smem:$0x79B];
	_ =	sdelay $0x1  }
0x507: {  	s12 =	simm.s32 $0x1A00  }
0x508: {  	[tilespmem:s12], [sflag:$0x4] =	stream.linear.gather [spmem:s11], $0x80, $0x38;
	[tilespmem:$0x1EB00] =	vst v63  }
0x509: {  	s11 =	sld [smem:$0x79C];
	_ =	sdelay $0x1  }
0x50a: {  	s12 =	simm.s32 $0x1B00  }
0x50b: {  	[tilespmem:s12], [sflag:$0x4] =	stream.linear.gather [spmem:s11], $0x80, $0x38;
	[tilespmem:$0x1EB00] =	vst v63  }
0x50c: {  	s11 =	sld [smem:$0x79D];
	_ =	sdelay $0x1  }
0x50d: {  	s12 =	simm.s32 $0x1C00  }
0x50e: {  	[tilespmem:s12], [sflag:$0x4] =	stream.linear.gather [spmem:s11], $0x80, $0x38;
	[tilespmem:$0x1EB00] =	vst v63  }
0x50f: {  	s11 =	sld [smem:$0x79E];
	_ =	sdelay $0x1  }
0x510: {  	s12 =	simm.s32 $0x1D00  }
0x511: {  	[tilespmem:s12], [sflag:$0x4] =	stream.linear.gather [spmem:s11], $0x80, $0x38;
	[tilespmem:$0x1EB00] =	vst v63  }
0x512: {  	s11 =	sld [smem:$0x79F];
	_ =	sdelay $0x1  }
0x513: {  	s12 =	simm.s32 $0x1E00  }
0x514: {  	[tilespmem:s12], [sflag:$0x4] =	stream.linear.gather [spmem:s11], $0x80, $0x38;
	[tilespmem:$0x1EB00] =	vst v63  }
0x515: {  	s11 =	sld [smem:$0x7A0];
	_ =	sdelay $0x1  }
0x516: {  	s12 =	simm.s32 $0x1F00  }
0x517: {  	[tilespmem:s12], [sflag:$0x4] =	stream.linear.gather [spmem:s11], $0x80, $0x38;
	[tilespmem:$0x1EB00] =	vst v63  }
0x518: {  	s12 =	simm.s32 $0xF0  }
0x519: {  	v0 =	vld [tilespmem:s12+$0x0]  }
0x51a: {  	v1 =	vld [tilespmem:s12+$0xFFFFFFA0]  }
0x51b: {  	v2 =	vld [tilespmem:s12+$0xFFFFFFB0]  }
0x51c: {  	v3 =	vld [tilespmem:s12+$0xFFFFFFC0]  }
0x51d: {  	v5 =	vld [tilespmem:s12+$0xFFFFFFD0]  }
0x51e: {  	v6 =	vld [tilespmem:s12+$0xFFFFFFE0]  }
0x51f: {  	v7 =	vld [tilespmem:s12+$0xFFFFFFF0]  }
0x520: {  	s10 =	simm.s32 $0x1D770;
	v8 =	vld [tilespmem:s12+$0xFFFFFF90]  }
0x521: {  	v11 =	vld [tilespmem:s10+$0x0]  }
0x522: {  	v14 =	vld [tilespmem:s10+$0xFFFFFFA0]  }
0x523: {  	v9 =	vld [tilespmem:s10+$0xFFFFFFB0]  }
0x524: {  	v10 =	vld.idx.msk [tilespmem:v0+s22+$0x0], $0xffff  }
0x525: {  	v12 =	vld.idx.msk [tilespmem:v1+s22+$0x0], $0xffff  }
0x526: {  	v4 =	vld.idx.msk [tilespmem:v2+s22+$0x0], $0xffff  }
0x527: {  	v3 =	vld.idx.msk [tilespmem:v3+s22+$0x0], $0xffff  }
0x528: {  	v13 =	vld.idx.msk [tilespmem:v8+s22+$0x0], $0xffff  }
0x529: {  	v1 =	vld.idx.msk [tilespmem:v7+s22+$0x0], $0xffff  }
0x52a: {  	v7 =	vld [tilespmem:s10+$0xFFFFFF90]  }
0x52b: {  	v2 =	vld.idx.msk [tilespmem:v5+s22+$0x0], $0xffff  }
0x52c: {  	v0 =	vld.idx.msk [tilespmem:v6+s22+$0x0], $0xffff  }
0x52d: {  	v8 =	vld [tilespmem:s10+$0xFFFFFFC0]  }
0x52e: {  	v6 =	vld [tilespmem:s10+$0xFFFFFFD0];
	v10 =	vadd.f32 v11, v10  }
0x52f: {  	v5 =	vld [tilespmem:s10+$0xFFFFFFE0];
	v11 =	vadd.f32 v7, v13  }
0x530: {  	s11 =	simm.s32 $0x0;
	s12 =	simm.s32 $0x1F0;
	v7 =	vld [tilespmem:s10+$0xFFFFFFF0];
	[tilespmem:s10+$0x0] =	vst v10;
	v10 =	vadd.f32 v14, v12  }
.LBB2_16:
0x531: {  	v12 =	vld [tilespmem:s12+$0x0];
	s11 =	sadd.s32 $0x8, s11;
	[tilespmem:s10+$0xFFFFFF90] =	vst v11;
	v4 =	vadd.f32 v9, v4  }
0x532: {  	v9 =	vld [tilespmem:s12+$0xFFFFFFA0];
	p1 =	slt.u32 s11, $0xF8;
	[tilespmem:s10+$0xFFFFFFA0] =	vst v10;
	v3 =	vadd.f32 v8, v3  }
0x533: {  	v8 =	vld [tilespmem:s12+$0xFFFFFFB0];
	[tilespmem:s10+$0xFFFFFFB0] =	vst v4;
	v2 =	vadd.f32 v6, v2  }
0x534: {  	v6 =	vld [tilespmem:s12+$0xFFFFFFC0];
	[tilespmem:s10+$0xFFFFFFC0] =	vst v3;
	v0 =	vadd.f32 v5, v0  }
0x535: {  	v5 =	vld [tilespmem:s12+$0xFFFFFFD0];
	[tilespmem:s10+$0xFFFFFFD0] =	vst v2;
	v1 =	vadd.f32 v7, v1  }
0x536: {  	v7 =	vld [tilespmem:s12+$0xFFFFFFE0];
	[tilespmem:s10+$0xFFFFFFE0] =	vst v0  }
0x537: {  	v10 =	vld [tilespmem:s12+$0xFFFFFFF0];
	[tilespmem:s10+$0xFFFFFFF0] =	vst v1  }
0x538: {  	v1 =	vld [tilespmem:s12+$0xFFFFFF90]  }
0x539: {  	s10 =	sadd.s32 $0x80, s10;
	v11 =	vld.idx.msk [tilespmem:v12+s22+$0x0], $0xffff  }
0x53a: {  	v12 =	vld [tilespmem:s10+$0x0]  }
0x53b: {  	v13 =	vld.idx.msk [tilespmem:v9+s22+$0x0], $0xffff  }
0x53c: {  	v4 =	vld.idx.msk [tilespmem:v8+s22+$0x0], $0xffff  }
0x53d: {  	v3 =	vld.idx.msk [tilespmem:v6+s22+$0x0], $0xffff  }
0x53e: {  	v2 =	vld.idx.msk [tilespmem:v5+s22+$0x0], $0xffff  }
0x53f: {  	v0 =	vld.idx.msk [tilespmem:v7+s22+$0x0], $0xffff;
	v5 =	vadd.f32 v12, v11  }
0x540: {  	v7 =	vld.idx.msk [tilespmem:v1+s22+$0x0], $0xffff  }
0x541: {  	v1 =	vld.idx.msk [tilespmem:v10+s22+$0x0], $0xffff;
	[tilespmem:s10+$0x0] =	vst v5  }
0x542: {  	v5 =	vld [tilespmem:s10+$0xFFFFFF90]  }
0x543: {  	v10 =	vld [tilespmem:s10+$0xFFFFFFA0]  }
.Ltmp7:
0x544: {  	v9 =	vld [tilespmem:s10+$0xFFFFFFB0];
	(pc) =	sbr.rel @p1 .LBB2_16-.Ltmp7, $4  }
0x545: {  	v8 =	vld [tilespmem:s10+$0xFFFFFFC0]  }
0x546: {  	v6 =	vld [tilespmem:s10+$0xFFFFFFD0]  }
0x547: {  	v11 =	vadd.f32 v5, v7;
	v5 =	vld [tilespmem:s10+$0xFFFFFFE0]  }
0x548: {  	s12 =	sadd.s32 $0x100, s12;
	v10 =	vadd.f32 v10, v13;
	v7 =	vld [tilespmem:s10+$0xFFFFFFF0]  }
0x549: {  	[tilespmem:s10+$0xFFFFFF90] =	vst v11;
	v4 =	vadd.f32 v9, v4  }
0x54a: {  	[tilespmem:s10+$0xFFFFFFA0] =	vst v10;
	v3 =	vadd.f32 v8, v3  }
0x54b: {  	[tilespmem:s10+$0xFFFFFFB0] =	vst v4;
	v2 =	vadd.f32 v6, v2  }
0x54c: {  	[tilespmem:s10+$0xFFFFFFC0] =	vst v3;
	v0 =	vadd.f32 v5, v0  }
0x54d: {  	[tilespmem:s10+$0xFFFFFFD0] =	vst v2;
	v1 =	vadd.f32 v7, v1  }
0x54e: {  	[tilespmem:s10+$0xFFFFFFE0] =	vst v0  }
0x54f: {  	[tilespmem:s10+$0xFFFFFFF0] =	vst v1  }
0x550: {  	s11 =	simm.s32 $0x1A700;
	s10 =	rddreg [dreg:$0xd]  }
0x551: {  	[hbm4b:s10+s20] =	stream.strided.scatter [tilespmem:s11], [sflag:$0x3], $0x4000, s21, s20, $0x38;
	[tilespmem:$0x1EB00] =	vst v63  }
0x552: {  	s12 =	rddreg [dreg:$0xe]  }
0x553: {  	[tilespmem:s22], [sflag:$0x1] =	stream.strided.gather [hbm4b:s12+s20], $0x18700, s21, s20, $0x38;
	[tilespmem:$0x1EB00] =	vst v63  }
0x554: {  	s12 =	simm.s32 $0x3  }
0x555: {  	_ =	swait.ge [sflag:s12], $0x4000  }
0x556: {  	[sflag:s12] =	ssyncset.done $0x0  }
0x557: {  	[sflag:s12] =	ssyncadd.s32 $0xFFFFC000;
	s12 =	rddreg [dreg:$0xf]  }
0x558: {  	[tilespmem:s11], [sflag:$0x2] =	stream.strided.gather [hbm4b:s12+s20], $0x4000, s21, s20, $0x38;
	[tilespmem:$0x1EB00] =	vst v63  }
0x559: {  	_ =	swait.ge [sflag:s28], $0x18700  }
0x55a: {  	[sflag:s28] =	ssyncset.done $0x0  }
0x55b: {  	s11 =	simm.s32 $0x2;
	[sflag:s28] =	ssyncadd.s32 $0xFFFE7900  }
0x55c: {  	_ =	swait.ge [sflag:s11], $0x4000  }
0x55d: {  	[sflag:s11] =	ssyncset.done $0x0  }
0x55e: {  	[sflag:s11] =	ssyncadd.s32 $0xFFFFC000  }
0x55f: {  	_ =	swait.ge [sflag:s19], $0x1000  }
0x560: {  	[sflag:s19] =	ssyncset.done $0x0;
	s12 =	rddreg [dreg:$0x9]  }
0x561: {  	s11 =	sld [smem:$0x7A1];
	[sflag:s19] =	ssyncadd.s32 $0xFFFFF000  }
0x562: {  	[tilespmem:s20], [sflag:$0x5] =	stream.linear.gather [spmem:s12], $0x80, $0x38;
	[tilespmem:$0x1EB00] =	vst v63  }
0x563: {  	s12 =	simm.s32 $0x180  }
0x564: {  	[tilespmem:s12], [sflag:$0x5] =	stream.linear.gather [spmem:s11], $0x80, $0x38;
	[tilespmem:$0x1EB00] =	vst v63  }
0x565: {  	s11 =	sld [smem:$0x7A2];
	_ =	sdelay $0x1  }
0x566: {  	s12 =	simm.s32 $0x280  }
0x567: {  	[tilespmem:s12], [sflag:$0x5] =	stream.linear.gather [spmem:s11], $0x80, $0x38;
	[tilespmem:$0x1EB00] =	vst v63  }
0x568: {  	s11 =	sld [smem:$0x7A3];
	_ =	sdelay $0x1  }
0x569: {  	s12 =	simm.s32 $0x380  }
0x56a: {  	[tilespmem:s12], [sflag:$0x5] =	stream.linear.gather [spmem:s11], $0x80, $0x38;
	[tilespmem:$0x1EB00] =	vst v63  }
0x56b: {  	s11 =	sld [smem:$0x7A4];
	_ =	sdelay $0x1  }
0x56c: {  	s12 =	simm.s32 $0x480  }
0x56d: {  	[tilespmem:s12], [sflag:$0x5] =	stream.linear.gather [spmem:s11], $0x80, $0x38;
	[tilespmem:$0x1EB00] =	vst v63  }
0x56e: {  	s11 =	sld [smem:$0x7A5];
	_ =	sdelay $0x1  }
0x56f: {  	s12 =	simm.s32 $0x580  }
0x570: {  	[tilespmem:s12], [sflag:$0x5] =	stream.linear.gather [spmem:s11], $0x80, $0x38;
	[tilespmem:$0x1EB00] =	vst v63  }
0x571: {  	s11 =	sld [smem:$0x7A6];
	_ =	sdelay $0x1  }
0x572: {  	s12 =	simm.s32 $0x680  }
0x573: {  	[tilespmem:s12], [sflag:$0x5] =	stream.linear.gather [spmem:s11], $0x80, $0x38;
	[tilespmem:$0x1EB00] =	vst v63  }
0x574: {  	s11 =	sld [smem:$0x7A7];
	_ =	sdelay $0x1  }
0x575: {  	s12 =	simm.s32 $0x780  }
0x576: {  	[tilespmem:s12], [sflag:$0x5] =	stream.linear.gather [spmem:s11], $0x80, $0x38;
	[tilespmem:$0x1EB00] =	vst v63  }
0x577: {  	s11 =	sld [smem:$0x7A8];
	_ =	sdelay $0x1  }
0x578: {  	s12 =	simm.s32 $0x880  }
0x579: {  	[tilespmem:s12], [sflag:$0x5] =	stream.linear.gather [spmem:s11], $0x80, $0x38;
	[tilespmem:$0x1EB00] =	vst v63  }
0x57a: {  	s11 =	sld [smem:$0x7A9];
	_ =	sdelay $0x1  }
0x57b: {  	s12 =	simm.s32 $0x980  }
0x57c: {  	[tilespmem:s12], [sflag:$0x5] =	stream.linear.gather [spmem:s11], $0x80, $0x38;
	[tilespmem:$0x1EB00] =	vst v63  }
0x57d: {  	s11 =	sld [smem:$0x7AA];
	_ =	sdelay $0x1  }
0x57e: {  	s12 =	simm.s32 $0xA80  }
0x57f: {  	[tilespmem:s12], [sflag:$0x5] =	stream.linear.gather [spmem:s11], $0x80, $0x38;
	[tilespmem:$0x1EB00] =	vst v63  }
0x580: {  	s11 =	sld [smem:$0x7AB];
	_ =	sdelay $0x1  }
0x581: {  	s12 =	simm.s32 $0xB80  }
0x582: {  	[tilespmem:s12], [sflag:$0x5] =	stream.linear.gather [spmem:s11], $0x80, $0x38;
	[tilespmem:$0x1EB00] =	vst v63  }
0x583: {  	s12 =	sld [smem:$0x7AC];
	_ =	sdelay $0x1  }
0x584: {  	s11 =	sld [smem:$0x7AD]  }
0x585: {  	[tilespmem:s13], [sflag:$0x5] =	stream.linear.gather [spmem:s12], $0x80, $0x38;
	[tilespmem:$0x1EB00] =	vst v63  }
0x586: {  	s12 =	sld [smem:$0x7AE]  }
0x587: {  	[tilespmem:s14], [sflag:$0x5] =	stream.linear.gather [spmem:s11], $0x80, $0x38;
	[tilespmem:$0x1EB00] =	vst v63  }
0x588: {  	s11 =	sld [smem:$0x7AF]  }
0x589: {  	[tilespmem:s15], [sflag:$0x5] =	stream.linear.gather [spmem:s12], $0x80, $0x38;
	[tilespmem:$0x1EB00] =	vst v63  }
0x58a: {  	s12 =	sld [smem:$0x7B0]  }
0x58b: {  	[tilespmem:s3], [sflag:$0x5] =	stream.linear.gather [spmem:s11], $0x80, $0x38;
	[tilespmem:$0x1EB00] =	vst v63  }
0x58c: {  	s11 =	sld [smem:$0x7B1]  }
0x58d: {  	[tilespmem:s6], [sflag:$0x5] =	stream.linear.gather [spmem:s12], $0x80, $0x38;
	[tilespmem:$0x1EB00] =	vst v63  }
0x58e: {  	s12 =	sld [smem:$0x7B2]  }
0x58f: {  	[tilespmem:s7], [sflag:$0x5] =	stream.linear.gather [spmem:s11], $0x80, $0x38;
	[tilespmem:$0x1EB00] =	vst v63  }
0x590: {  	s11 =	sld [smem:$0x7B3]  }
0x591: {  	[tilespmem:s23], [sflag:$0x5] =	stream.linear.gather [spmem:s12], $0x80, $0x38;
	[tilespmem:$0x1EB00] =	vst v63  }
0x592: {  	s12 =	sld [smem:$0x7B4]  }
0x593: {  	[tilespmem:s8], [sflag:$0x5] =	stream.linear.gather [spmem:s11], $0x80, $0x38;
	[tilespmem:$0x1EB00] =	vst v63  }
0x594: {  	s11 =	sld [smem:$0x7B5]  }
0x595: {  	[tilespmem:s24], [sflag:$0x5] =	stream.linear.gather [spmem:s12], $0x80, $0x38;
	[tilespmem:$0x1EB00] =	vst v63  }
0x596: {  	s12 =	sld [smem:$0x7B6]  }
0x597: {  	[tilespmem:s16], [sflag:$0x5] =	stream.linear.gather [spmem:s11], $0x80, $0x38;
	[tilespmem:$0x1EB00] =	vst v63  }
0x598: {  	s11 =	sld [smem:$0x7B7]  }
0x599: {  	[tilespmem:s25], [sflag:$0x5] =	stream.linear.gather [spmem:s12], $0x80, $0x38;
	[tilespmem:$0x1EB00] =	vst v63  }
0x59a: {  	s12 =	sld [smem:$0x7B8]  }
0x59b: {  	[tilespmem:s17], [sflag:$0x5] =	stream.linear.gather [spmem:s11], $0x80, $0x38;
	[tilespmem:$0x1EB00] =	vst v63  }
0x59c: {  	s11 =	sld [smem:$0x7B9]  }
0x59d: {  	[tilespmem:s26], [sflag:$0x5] =	stream.linear.gather [spmem:s12], $0x80, $0x38;
	[tilespmem:$0x1EB00] =	vst v63  }
0x59e: {  	s12 =	sld [smem:$0x7BA]  }
0x59f: {  	[tilespmem:s18], [sflag:$0x5] =	stream.linear.gather [spmem:s11], $0x80, $0x38;
	[tilespmem:$0x1EB00] =	vst v63  }
0x5a0: {  	s11 =	sld [smem:$0x7BB]  }
0x5a1: {  	[tilespmem:s29], [sflag:$0x5] =	stream.linear.gather [spmem:s12], $0x80, $0x38;
	[tilespmem:$0x1EB00] =	vst v63  }
0x5a2: {  	s12 =	sld [smem:$0x7BC]  }
0x5a3: {  	[tilespmem:s30], [sflag:$0x5] =	stream.linear.gather [spmem:s11], $0x80, $0x38;
	[tilespmem:$0x1EB00] =	vst v63  }
0x5a4: {  	s11 =	sld [smem:$0x7BD]  }
0x5a5: {  	[tilespmem:s31], [sflag:$0x5] =	stream.linear.gather [spmem:s12], $0x80, $0x38;
	[tilespmem:$0x1EB00] =	vst v63  }
0x5a6: {  	s12 =	sld [smem:$0x7BE]  }
0x5a7: {  	[tilespmem:s0], [sflag:$0x5] =	stream.linear.gather [spmem:s11], $0x80, $0x38;
	[tilespmem:$0x1EB00] =	vst v63  }
0x5a8: {  	s11 =	sld [smem:$0x7BF]  }
0x5a9: {  	[tilespmem:s1], [sflag:$0x5] =	stream.linear.gather [spmem:s12], $0x80, $0x38;
	[tilespmem:$0x1EB00] =	vst v63  }
0x5aa: {  	s12 =	simm.s32 $0x40  }
0x5ab: {  	[tilespmem:s4], [sflag:$0x5] =	stream.linear.gather [spmem:s11], $0x80, $0x38;
	[tilespmem:$0x1EB00] =	vst v63  }
0x5ac: {  	v0 =	vld [tilespmem:s12+$0x30]  }
0x5ad: {  	v1 =	vld [tilespmem:s12+$0xFFFFFFD0]  }
0x5ae: {  	v2 =	vld [tilespmem:s12+$0xFFFFFFE0]  }
0x5af: {  	v3 =	vld [tilespmem:s12+$0xFFFFFFF0]  }
0x5b0: {  	v5 =	vld [tilespmem:s12+$0x0]  }
0x5b1: {  	v6 =	vld [tilespmem:s12+$0x10]  }
0x5b2: {  	v7 =	vld [tilespmem:s12+$0x20]  }
0x5b3: {  	s10 =	simm.s32 $0x1A740;
	v8 =	vld [tilespmem:s12+$0xFFFFFFC0]  }
0x5b4: {  	v11 =	vld [tilespmem:s10+$0x30]  }
0x5b5: {  	v14 =	vld [tilespmem:s10+$0xFFFFFFD0]  }
0x5b6: {  	v9 =	vld [tilespmem:s10+$0xFFFFFFE0]  }
0x5b7: {  	v10 =	vld.idx.msk [tilespmem:v0+s22+$0x0], $0xffff  }
0x5b8: {  	v12 =	vld.idx.msk [tilespmem:v1+s22+$0x0], $0xffff  }
0x5b9: {  	v4 =	vld.idx.msk [tilespmem:v2+s22+$0x0], $0xffff  }
0x5ba: {  	v3 =	vld.idx.msk [tilespmem:v3+s22+$0x0], $0xffff  }
0x5bb: {  	v13 =	vld.idx.msk [tilespmem:v8+s22+$0x0], $0xffff  }
0x5bc: {  	v1 =	vld.idx.msk [tilespmem:v7+s22+$0x0], $0xffff  }
0x5bd: {  	v7 =	vld [tilespmem:s10+$0xFFFFFFC0]  }
0x5be: {  	v2 =	vld.idx.msk [tilespmem:v5+s22+$0x0], $0xffff  }
0x5bf: {  	v0 =	vld.idx.msk [tilespmem:v6+s22+$0x0], $0xffff  }
0x5c0: {  	v8 =	vld [tilespmem:s10+$0xFFFFFFF0]  }
0x5c1: {  	v6 =	vld [tilespmem:s10+$0x0];
	v10 =	vmul.f32 v11, v10  }
0x5c2: {  	v5 =	vld [tilespmem:s10+$0x10];
	v11 =	vmul.f32 v7, v13  }
0x5c3: {  	s11 =	simm.s32 $0x0;
	s12 =	simm.s32 $0x140;
	v7 =	vld [tilespmem:s10+$0x20];
	[tilespmem:s10+$0x30] =	vst v10;
	v10 =	vmul.f32 v14, v12  }
.LBB2_18:
0x5c4: {  	v12 =	vld [tilespmem:s12+$0x30];
	s11 =	sadd.s32 $0x8, s11;
	[tilespmem:s10+$0xFFFFFFC0] =	vst v11;
	v4 =	vmul.f32 v9, v4  }
0x5c5: {  	v9 =	vld [tilespmem:s12+$0xFFFFFFD0];
	p1 =	slt.u32 s11, $0xF8;
	[tilespmem:s10+$0xFFFFFFD0] =	vst v10;
	v3 =	vmul.f32 v8, v3  }
0x5c6: {  	v8 =	vld [tilespmem:s12+$0xFFFFFFE0];
	[tilespmem:s10+$0xFFFFFFE0] =	vst v4;
	v2 =	vmul.f32 v6, v2  }
0x5c7: {  	v6 =	vld [tilespmem:s12+$0xFFFFFFF0];
	[tilespmem:s10+$0xFFFFFFF0] =	vst v3;
	v0 =	vmul.f32 v5, v0  }
0x5c8: {  	v5 =	vld [tilespmem:s12+$0x0];
	[tilespmem:s10+$0x0] =	vst v2;
	v1 =	vmul.f32 v7, v1  }
0x5c9: {  	v7 =	vld [tilespmem:s12+$0x10];
	[tilespmem:s10+$0x10] =	vst v0  }
0x5ca: {  	v10 =	vld [tilespmem:s12+$0x20];
	[tilespmem:s10+$0x20] =	vst v1  }
0x5cb: {  	v1 =	vld [tilespmem:s12+$0xFFFFFFC0]  }
0x5cc: {  	s10 =	sadd.s32 $0x80, s10;
	v11 =	vld.idx.msk [tilespmem:v12+s22+$0x0], $0xffff  }
0x5cd: {  	v12 =	vld [tilespmem:s10+$0x30]  }
0x5ce: {  	v13 =	vld.idx.msk [tilespmem:v9+s22+$0x0], $0xffff  }
0x5cf: {  	v4 =	vld.idx.msk [tilespmem:v8+s22+$0x0], $0xffff  }
0x5d0: {  	v3 =	vld.idx.msk [tilespmem:v6+s22+$0x0], $0xffff  }
0x5d1: {  	v2 =	vld.idx.msk [tilespmem:v5+s22+$0x0], $0xffff  }
0x5d2: {  	v0 =	vld.idx.msk [tilespmem:v7+s22+$0x0], $0xffff;
	v5 =	vmul.f32 v12, v11  }
0x5d3: {  	v7 =	vld.idx.msk [tilespmem:v1+s22+$0x0], $0xffff  }
0x5d4: {  	v1 =	vld.idx.msk [tilespmem:v10+s22+$0x0], $0xffff;
	[tilespmem:s10+$0x30] =	vst v5  }
0x5d5: {  	v5 =	vld [tilespmem:s10+$0xFFFFFFC0]  }
0x5d6: {  	v10 =	vld [tilespmem:s10+$0xFFFFFFD0]  }
.Ltmp8:
0x5d7: {  	v9 =	vld [tilespmem:s10+$0xFFFFFFE0];
	(pc) =	sbr.rel @p1 .LBB2_18-.Ltmp8, $4  }
0x5d8: {  	v8 =	vld [tilespmem:s10+$0xFFFFFFF0]  }
0x5d9: {  	v6 =	vld [tilespmem:s10+$0x0]  }
0x5da: {  	v11 =	vmul.f32 v5, v7;
	v5 =	vld [tilespmem:s10+$0x10]  }
0x5db: {  	s12 =	sadd.s32 $0x100, s12;
	v10 =	vmul.f32 v10, v13;
	v7 =	vld [tilespmem:s10+$0x20]  }
0x5dc: {  	[tilespmem:s10+$0xFFFFFFC0] =	vst v11;
	v4 =	vmul.f32 v9, v4  }
0x5dd: {  	[tilespmem:s10+$0xFFFFFFD0] =	vst v10;
	v3 =	vmul.f32 v8, v3  }
0x5de: {  	[tilespmem:s10+$0xFFFFFFE0] =	vst v4;
	v2 =	vmul.f32 v6, v2  }
0x5df: {  	[tilespmem:s10+$0xFFFFFFF0] =	vst v3;
	v0 =	vmul.f32 v5, v0  }
0x5e0: {  	[tilespmem:s10+$0x0] =	vst v2;
	v1 =	vmul.f32 v7, v1  }
0x5e1: {  	[tilespmem:s10+$0x10] =	vst v0  }
0x5e2: {  	[tilespmem:s10+$0x20] =	vst v1  }
0x5e3: {  	_ =	swait.ge [sflag:s5], $0x1000  }
0x5e4: {  	[sflag:s5] =	ssyncset.done $0x0  }
0x5e5: {  	s12 =	simm.s32 $0x0;
	s11 =	rddreg [dreg:$0xa];
	[sflag:s5] =	ssyncadd.s32 $0xFFFFF000  }
0x5e6: {  	[tilespmem:s12], [sflag:$0x4] =	stream.linear.gather [spmem:s11], $0x80, $0x38;
	[tilespmem:$0x1EB00] =	vst v63  }
0x5e7: {  	s11 =	sld [smem:$0x7C0];
	_ =	sdelay $0x1  }
0x5e8: {  	s12 =	simm.s32 $0x100  }
0x5e9: {  	[tilespmem:s12], [sflag:$0x4] =	stream.linear.gather [spmem:s11], $0x80, $0x38;
	[tilespmem:$0x1EB00] =	vst v63  }
0x5ea: {  	s11 =	sld [smem:$0x7C1];
	_ =	sdelay $0x1  }
0x5eb: {  	s12 =	simm.s32 $0x200  }
0x5ec: {  	[tilespmem:s12], [sflag:$0x4] =	stream.linear.gather [spmem:s11], $0x80, $0x38;
	[tilespmem:$0x1EB00] =	vst v63  }
0x5ed: {  	s11 =	sld [smem:$0x7C2];
	_ =	sdelay $0x1  }
0x5ee: {  	s12 =	simm.s32 $0x300  }
0x5ef: {  	[tilespmem:s12], [sflag:$0x4] =	stream.linear.gather [spmem:s11], $0x80, $0x38;
	[tilespmem:$0x1EB00] =	vst v63  }
0x5f0: {  	s12 =	sld [smem:$0x7C3];
	_ =	sdelay $0x1  }
0x5f1: {  	s11 =	sld [smem:$0x7C4]  }
0x5f2: {  	[tilespmem:s21], [sflag:$0x4] =	stream.linear.gather [spmem:s12], $0x80, $0x38;
	[tilespmem:$0x1EB00] =	vst v63  }
0x5f3: {  	s12 =	simm.s32 $0x500  }
0x5f4: {  	[tilespmem:s12], [sflag:$0x4] =	stream.linear.gather [spmem:s11], $0x80, $0x38;
	[tilespmem:$0x1EB00] =	vst v63  }
0x5f5: {  	s11 =	sld [smem:$0x7C5];
	_ =	sdelay $0x1  }
0x5f6: {  	s12 =	simm.s32 $0x600  }
0x5f7: {  	[tilespmem:s12], [sflag:$0x4] =	stream.linear.gather [spmem:s11], $0x80, $0x38;
	[tilespmem:$0x1EB00] =	vst v63  }
0x5f8: {  	s11 =	sld [smem:$0x7C6];
	_ =	sdelay $0x1  }
0x5f9: {  	s12 =	simm.s32 $0x700  }
0x5fa: {  	[tilespmem:s12], [sflag:$0x4] =	stream.linear.gather [spmem:s11], $0x80, $0x38;
	[tilespmem:$0x1EB00] =	vst v63  }
0x5fb: {  	s11 =	sld [smem:$0x7C7];
	_ =	sdelay $0x1  }
0x5fc: {  	s12 =	simm.s32 $0x800  }
0x5fd: {  	[tilespmem:s12], [sflag:$0x4] =	stream.linear.gather [spmem:s11], $0x80, $0x38;
	[tilespmem:$0x1EB00] =	vst v63  }
0x5fe: {  	s11 =	sld [smem:$0x7C8];
	_ =	sdelay $0x1  }
0x5ff: {  	s12 =	simm.s32 $0x900  }
0x600: {  	[tilespmem:s12], [sflag:$0x4] =	stream.linear.gather [spmem:s11], $0x80, $0x38;
	[tilespmem:$0x1EB00] =	vst v63  }
0x601: {  	s11 =	sld [smem:$0x7C9];
	_ =	sdelay $0x1  }
0x602: {  	s12 =	simm.s32 $0xA00  }
0x603: {  	[tilespmem:s12], [sflag:$0x4] =	stream.linear.gather [spmem:s11], $0x80, $0x38;
	[tilespmem:$0x1EB00] =	vst v63  }
0x604: {  	s11 =	sld [smem:$0x7CA];
	_ =	sdelay $0x1  }
0x605: {  	s12 =	simm.s32 $0xB00  }
0x606: {  	[tilespmem:s12], [sflag:$0x4] =	stream.linear.gather [spmem:s11], $0x80, $0x38;
	[tilespmem:$0x1EB00] =	vst v63  }
0x607: {  	s11 =	sld [smem:$0x7CB];
	_ =	sdelay $0x1  }
0x608: {  	s12 =	simm.s32 $0xC00  }
0x609: {  	[tilespmem:s12], [sflag:$0x4] =	stream.linear.gather [spmem:s11], $0x80, $0x38;
	[tilespmem:$0x1EB00] =	vst v63  }
0x60a: {  	s11 =	sld [smem:$0x7CC];
	_ =	sdelay $0x1  }
0x60b: {  	s12 =	simm.s32 $0xD00  }
0x60c: {  	[tilespmem:s12], [sflag:$0x4] =	stream.linear.gather [spmem:s11], $0x80, $0x38;
	[tilespmem:$0x1EB00] =	vst v63  }
0x60d: {  	s11 =	sld [smem:$0x7CD];
	_ =	sdelay $0x1  }
0x60e: {  	s12 =	simm.s32 $0xE00  }
0x60f: {  	[tilespmem:s12], [sflag:$0x4] =	stream.linear.gather [spmem:s11], $0x80, $0x38;
	[tilespmem:$0x1EB00] =	vst v63  }
0x610: {  	s11 =	sld [smem:$0x7CE];
	_ =	sdelay $0x1  }
0x611: {  	s12 =	simm.s32 $0xF00  }
0x612: {  	[tilespmem:s12], [sflag:$0x4] =	stream.linear.gather [spmem:s11], $0x80, $0x38;
	[tilespmem:$0x1EB00] =	vst v63  }
0x613: {  	s11 =	sld [smem:$0x7CF];
	_ =	sdelay $0x1  }
0x614: {  	s12 =	simm.s32 $0x1000  }
0x615: {  	[tilespmem:s12], [sflag:$0x4] =	stream.linear.gather [spmem:s11], $0x80, $0x38;
	[tilespmem:$0x1EB00] =	vst v63  }
0x616: {  	s11 =	sld [smem:$0x7D0];
	_ =	sdelay $0x1  }
0x617: {  	s12 =	simm.s32 $0x1100  }
0x618: {  	[tilespmem:s12], [sflag:$0x4] =	stream.linear.gather [spmem:s11], $0x80, $0x38;
	[tilespmem:$0x1EB00] =	vst v63  }
0x619: {  	s11 =	sld [smem:$0x7D1];
	_ =	sdelay $0x1  }
0x61a: {  	s12 =	simm.s32 $0x1200  }
0x61b: {  	[tilespmem:s12], [sflag:$0x4] =	stream.linear.gather [spmem:s11], $0x80, $0x38;
	[tilespmem:$0x1EB00] =	vst v63  }
0x61c: {  	s11 =	sld [smem:$0x7D2];
	_ =	sdelay $0x1  }
0x61d: {  	s12 =	simm.s32 $0x1300  }
0x61e: {  	[tilespmem:s12], [sflag:$0x4] =	stream.linear.gather [spmem:s11], $0x80, $0x38;
	[tilespmem:$0x1EB00] =	vst v63  }
0x61f: {  	s11 =	sld [smem:$0x7D3];
	_ =	sdelay $0x1  }
0x620: {  	s12 =	simm.s32 $0x1400  }
0x621: {  	[tilespmem:s12], [sflag:$0x4] =	stream.linear.gather [spmem:s11], $0x80, $0x38;
	[tilespmem:$0x1EB00] =	vst v63  }
0x622: {  	s11 =	sld [smem:$0x7D4];
	_ =	sdelay $0x1  }
0x623: {  	s12 =	simm.s32 $0x1500  }
0x624: {  	[tilespmem:s12], [sflag:$0x4] =	stream.linear.gather [spmem:s11], $0x80, $0x38;
	[tilespmem:$0x1EB00] =	vst v63  }
0x625: {  	s11 =	sld [smem:$0x7D5];
	_ =	sdelay $0x1  }
0x626: {  	s12 =	simm.s32 $0x1600  }
0x627: {  	[tilespmem:s12], [sflag:$0x4] =	stream.linear.gather [spmem:s11], $0x80, $0x38;
	[tilespmem:$0x1EB00] =	vst v63  }
0x628: {  	s11 =	sld [smem:$0x7D6];
	_ =	sdelay $0x1  }
0x629: {  	s12 =	simm.s32 $0x1700  }
0x62a: {  	[tilespmem:s12], [sflag:$0x4] =	stream.linear.gather [spmem:s11], $0x80, $0x38;
	[tilespmem:$0x1EB00] =	vst v63  }
0x62b: {  	s11 =	sld [smem:$0x7D7];
	_ =	sdelay $0x1  }
0x62c: {  	s12 =	simm.s32 $0x1800  }
0x62d: {  	[tilespmem:s12], [sflag:$0x4] =	stream.linear.gather [spmem:s11], $0x80, $0x38;
	[tilespmem:$0x1EB00] =	vst v63  }
0x62e: {  	s11 =	sld [smem:$0x7D8];
	_ =	sdelay $0x1  }
0x62f: {  	s12 =	simm.s32 $0x1900  }
0x630: {  	[tilespmem:s12], [sflag:$0x4] =	stream.linear.gather [spmem:s11], $0x80, $0x38;
	[tilespmem:$0x1EB00] =	vst v63  }
0x631: {  	s11 =	sld [smem:$0x7D9];
	_ =	sdelay $0x1  }
0x632: {  	s12 =	simm.s32 $0x1A00  }
0x633: {  	[tilespmem:s12], [sflag:$0x4] =	stream.linear.gather [spmem:s11], $0x80, $0x38;
	[tilespmem:$0x1EB00] =	vst v63  }
0x634: {  	s11 =	sld [smem:$0x7DA];
	_ =	sdelay $0x1  }
0x635: {  	s12 =	simm.s32 $0x1B00  }
0x636: {  	[tilespmem:s12], [sflag:$0x4] =	stream.linear.gather [spmem:s11], $0x80, $0x38;
	[tilespmem:$0x1EB00] =	vst v63  }
0x637: {  	s11 =	sld [smem:$0x7DB];
	_ =	sdelay $0x1  }
0x638: {  	s12 =	simm.s32 $0x1C00  }
0x639: {  	[tilespmem:s12], [sflag:$0x4] =	stream.linear.gather [spmem:s11], $0x80, $0x38;
	[tilespmem:$0x1EB00] =	vst v63  }
0x63a: {  	s11 =	sld [smem:$0x7DC];
	_ =	sdelay $0x1  }
0x63b: {  	s12 =	simm.s32 $0x1D00  }
0x63c: {  	[tilespmem:s12], [sflag:$0x4] =	stream.linear.gather [spmem:s11], $0x80, $0x38;
	[tilespmem:$0x1EB00] =	vst v63  }
0x63d: {  	s11 =	sld [smem:$0x7DD];
	_ =	sdelay $0x1  }
0x63e: {  	s12 =	simm.s32 $0x1E00  }
0x63f: {  	[tilespmem:s12], [sflag:$0x4] =	stream.linear.gather [spmem:s11], $0x80, $0x38;
	[tilespmem:$0x1EB00] =	vst v63  }
0x640: {  	s11 =	sld [smem:$0x7DE];
	_ =	sdelay $0x1  }
0x641: {  	s12 =	simm.s32 $0x1F00  }
0x642: {  	[tilespmem:s12], [sflag:$0x4] =	stream.linear.gather [spmem:s11], $0x80, $0x38;
	[tilespmem:$0x1EB00] =	vst v63  }
0x643: {  	s12 =	simm.s32 $0xF0  }
0x644: {  	v0 =	vld [tilespmem:s12+$0x0]  }
0x645: {  	v1 =	vld [tilespmem:s12+$0xFFFFFFA0]  }
0x646: {  	v2 =	vld [tilespmem:s12+$0xFFFFFFB0]  }
0x647: {  	v3 =	vld [tilespmem:s12+$0xFFFFFFC0]  }
0x648: {  	v5 =	vld [tilespmem:s12+$0xFFFFFFD0]  }
0x649: {  	v6 =	vld [tilespmem:s12+$0xFFFFFFE0]  }
0x64a: {  	v7 =	vld [tilespmem:s12+$0xFFFFFFF0]  }
0x64b: {  	s10 =	simm.s32 $0x1B770;
	v8 =	vld [tilespmem:s12+$0xFFFFFF90]  }
0x64c: {  	v11 =	vld [tilespmem:s10+$0x0]  }
0x64d: {  	v14 =	vld [tilespmem:s10+$0xFFFFFFA0]  }
0x64e: {  	v9 =	vld [tilespmem:s10+$0xFFFFFFB0]  }
0x64f: {  	v10 =	vld.idx.msk [tilespmem:v0+s22+$0x0], $0xffff  }
0x650: {  	v12 =	vld.idx.msk [tilespmem:v1+s22+$0x0], $0xffff  }
0x651: {  	v4 =	vld.idx.msk [tilespmem:v2+s22+$0x0], $0xffff  }
0x652: {  	v3 =	vld.idx.msk [tilespmem:v3+s22+$0x0], $0xffff  }
0x653: {  	v13 =	vld.idx.msk [tilespmem:v8+s22+$0x0], $0xffff  }
0x654: {  	v1 =	vld.idx.msk [tilespmem:v7+s22+$0x0], $0xffff  }
0x655: {  	v7 =	vld [tilespmem:s10+$0xFFFFFF90]  }
0x656: {  	v2 =	vld.idx.msk [tilespmem:v5+s22+$0x0], $0xffff  }
0x657: {  	v0 =	vld.idx.msk [tilespmem:v6+s22+$0x0], $0xffff  }
0x658: {  	v8 =	vld [tilespmem:s10+$0xFFFFFFC0]  }
0x659: {  	v6 =	vld [tilespmem:s10+$0xFFFFFFD0];
	v10 =	vmul.f32 v11, v10  }
0x65a: {  	v5 =	vld [tilespmem:s10+$0xFFFFFFE0];
	v11 =	vmul.f32 v7, v13  }
0x65b: {  	s11 =	simm.s32 $0x0;
	s12 =	simm.s32 $0x1F0;
	v7 =	vld [tilespmem:s10+$0xFFFFFFF0];
	[tilespmem:s10+$0x0] =	vst v10;
	v10 =	vmul.f32 v14, v12  }
.LBB2_20:
0x65c: {  	v12 =	vld [tilespmem:s12+$0x0];
	s11 =	sadd.s32 $0x8, s11;
	[tilespmem:s10+$0xFFFFFF90] =	vst v11;
	v4 =	vmul.f32 v9, v4  }
0x65d: {  	v9 =	vld [tilespmem:s12+$0xFFFFFFA0];
	p1 =	slt.u32 s11, $0xF8;
	[tilespmem:s10+$0xFFFFFFA0] =	vst v10;
	v3 =	vmul.f32 v8, v3  }
0x65e: {  	v8 =	vld [tilespmem:s12+$0xFFFFFFB0];
	[tilespmem:s10+$0xFFFFFFB0] =	vst v4;
	v2 =	vmul.f32 v6, v2  }
0x65f: {  	v6 =	vld [tilespmem:s12+$0xFFFFFFC0];
	[tilespmem:s10+$0xFFFFFFC0] =	vst v3;
	v0 =	vmul.f32 v5, v0  }
0x660: {  	v5 =	vld [tilespmem:s12+$0xFFFFFFD0];
	[tilespmem:s10+$0xFFFFFFD0] =	vst v2;
	v1 =	vmul.f32 v7, v1  }
0x661: {  	v7 =	vld [tilespmem:s12+$0xFFFFFFE0];
	[tilespmem:s10+$0xFFFFFFE0] =	vst v0  }
0x662: {  	v10 =	vld [tilespmem:s12+$0xFFFFFFF0];
	[tilespmem:s10+$0xFFFFFFF0] =	vst v1  }
0x663: {  	v1 =	vld [tilespmem:s12+$0xFFFFFF90]  }
0x664: {  	s10 =	sadd.s32 $0x80, s10;
	v11 =	vld.idx.msk [tilespmem:v12+s22+$0x0], $0xffff  }
0x665: {  	v12 =	vld [tilespmem:s10+$0x0]  }
0x666: {  	v13 =	vld.idx.msk [tilespmem:v9+s22+$0x0], $0xffff  }
0x667: {  	v4 =	vld.idx.msk [tilespmem:v8+s22+$0x0], $0xffff  }
0x668: {  	v3 =	vld.idx.msk [tilespmem:v6+s22+$0x0], $0xffff  }
0x669: {  	v2 =	vld.idx.msk [tilespmem:v5+s22+$0x0], $0xffff  }
0x66a: {  	v0 =	vld.idx.msk [tilespmem:v7+s22+$0x0], $0xffff;
	v5 =	vmul.f32 v12, v11  }
0x66b: {  	v7 =	vld.idx.msk [tilespmem:v1+s22+$0x0], $0xffff  }
0x66c: {  	v1 =	vld.idx.msk [tilespmem:v10+s22+$0x0], $0xffff;
	[tilespmem:s10+$0x0] =	vst v5  }
0x66d: {  	v5 =	vld [tilespmem:s10+$0xFFFFFF90]  }
0x66e: {  	v10 =	vld [tilespmem:s10+$0xFFFFFFA0]  }
.Ltmp9:
0x66f: {  	v9 =	vld [tilespmem:s10+$0xFFFFFFB0];
	(pc) =	sbr.rel @p1 .LBB2_20-.Ltmp9, $4  }
0x670: {  	v8 =	vld [tilespmem:s10+$0xFFFFFFC0]  }
0x671: {  	v6 =	vld [tilespmem:s10+$0xFFFFFFD0]  }
0x672: {  	v11 =	vmul.f32 v5, v7;
	v5 =	vld [tilespmem:s10+$0xFFFFFFE0]  }
0x673: {  	s12 =	sadd.s32 $0x100, s12;
	v10 =	vmul.f32 v10, v13;
	v7 =	vld [tilespmem:s10+$0xFFFFFFF0]  }
0x674: {  	[tilespmem:s10+$0xFFFFFF90] =	vst v11;
	v4 =	vmul.f32 v9, v4  }
0x675: {  	[tilespmem:s10+$0xFFFFFFA0] =	vst v10;
	v3 =	vmul.f32 v8, v3  }
0x676: {  	[tilespmem:s10+$0xFFFFFFB0] =	vst v4;
	v2 =	vmul.f32 v6, v2  }
0x677: {  	[tilespmem:s10+$0xFFFFFFC0] =	vst v3;
	v0 =	vmul.f32 v5, v0  }
0x678: {  	[tilespmem:s10+$0xFFFFFFD0] =	vst v2;
	v1 =	vmul.f32 v7, v1  }
0x679: {  	[tilespmem:s10+$0xFFFFFFE0] =	vst v0  }
0x67a: {  	[tilespmem:s10+$0xFFFFFFF0] =	vst v1  }
0x67b: {  	_ =	swait.ge [sflag:s19], $0x1000  }
0x67c: {  	[sflag:s19] =	ssyncset.done $0x0;
	s11 =	rddreg [dreg:$0xb]  }
0x67d: {  	s12 =	sld [smem:$0x7DF];
	[sflag:s19] =	ssyncadd.s32 $0xFFFFF000  }
0x67e: {  	[tilespmem:s20], [sflag:$0x5] =	stream.linear.gather [spmem:s11], $0x80, $0x38;
	[tilespmem:$0x1EB00] =	vst v63  }
0x67f: {  	s11 =	simm.s32 $0x180  }
0x680: {  	[tilespmem:s11], [sflag:$0x5] =	stream.linear.gather [spmem:s12], $0x80, $0x38;
	[tilespmem:$0x1EB00] =	vst v63  }
0x681: {  	s11 =	sld [smem:$0x7E0];
	_ =	sdelay $0x1  }
0x682: {  	s12 =	simm.s32 $0x280  }
0x683: {  	[tilespmem:s12], [sflag:$0x5] =	stream.linear.gather [spmem:s11], $0x80, $0x38;
	[tilespmem:$0x1EB00] =	vst v63  }
0x684: {  	s11 =	sld [smem:$0x7E1];
	_ =	sdelay $0x1  }
0x685: {  	s12 =	simm.s32 $0x380  }
0x686: {  	[tilespmem:s12], [sflag:$0x5] =	stream.linear.gather [spmem:s11], $0x80, $0x38;
	[tilespmem:$0x1EB00] =	vst v63  }
0x687: {  	s11 =	sld [smem:$0x7E2];
	_ =	sdelay $0x1  }
0x688: {  	s12 =	simm.s32 $0x480  }
0x689: {  	[tilespmem:s12], [sflag:$0x5] =	stream.linear.gather [spmem:s11], $0x80, $0x38;
	[tilespmem:$0x1EB00] =	vst v63  }
0x68a: {  	s11 =	sld [smem:$0x7E3];
	_ =	sdelay $0x1  }
0x68b: {  	s12 =	simm.s32 $0x580  }
0x68c: {  	[tilespmem:s12], [sflag:$0x5] =	stream.linear.gather [spmem:s11], $0x80, $0x38;
	[tilespmem:$0x1EB00] =	vst v63  }
0x68d: {  	s11 =	sld [smem:$0x7E4];
	_ =	sdelay $0x1  }
0x68e: {  	s12 =	simm.s32 $0x680  }
0x68f: {  	[tilespmem:s12], [sflag:$0x5] =	stream.linear.gather [spmem:s11], $0x80, $0x38;
	[tilespmem:$0x1EB00] =	vst v63  }
0x690: {  	s11 =	sld [smem:$0x7E5];
	_ =	sdelay $0x1  }
0x691: {  	s12 =	simm.s32 $0x780  }
0x692: {  	[tilespmem:s12], [sflag:$0x5] =	stream.linear.gather [spmem:s11], $0x80, $0x38;
	[tilespmem:$0x1EB00] =	vst v63  }
0x693: {  	s11 =	sld [smem:$0x7E6];
	_ =	sdelay $0x1  }
0x694: {  	s12 =	simm.s32 $0x880  }
0x695: {  	[tilespmem:s12], [sflag:$0x5] =	stream.linear.gather [spmem:s11], $0x80, $0x38;
	[tilespmem:$0x1EB00] =	vst v63  }
0x696: {  	s11 =	sld [smem:$0x7E7];
	_ =	sdelay $0x1  }
0x697: {  	s12 =	simm.s32 $0x980  }
0x698: {  	[tilespmem:s12], [sflag:$0x5] =	stream.linear.gather [spmem:s11], $0x80, $0x38;
	[tilespmem:$0x1EB00] =	vst v63  }
0x699: {  	s11 =	sld [smem:$0x7E8];
	_ =	sdelay $0x1  }
0x69a: {  	s12 =	simm.s32 $0xA80  }
0x69b: {  	[tilespmem:s12], [sflag:$0x5] =	stream.linear.gather [spmem:s11], $0x80, $0x38;
	[tilespmem:$0x1EB00] =	vst v63  }
0x69c: {  	s11 =	sld [smem:$0x7E9];
	_ =	sdelay $0x1  }
0x69d: {  	s12 =	simm.s32 $0xB80  }
0x69e: {  	[tilespmem:s12], [sflag:$0x5] =	stream.linear.gather [spmem:s11], $0x80, $0x38;
	[tilespmem:$0x1EB00] =	vst v63  }
0x69f: {  	s12 =	sld [smem:$0x7EA];
	_ =	sdelay $0x1  }
0x6a0: {  	s11 =	sld [smem:$0x7EB]  }
0x6a1: {  	[tilespmem:s13], [sflag:$0x5] =	stream.linear.gather [spmem:s12], $0x80, $0x38;
	[tilespmem:$0x1EB00] =	vst v63  }
0x6a2: {  	s12 =	sld [smem:$0x7EC]  }
0x6a3: {  	[tilespmem:s14], [sflag:$0x5] =	stream.linear.gather [spmem:s11], $0x80, $0x38;
	[tilespmem:$0x1EB00] =	vst v63  }
0x6a4: {  	s11 =	sld [smem:$0x7ED]  }
0x6a5: {  	[tilespmem:s15], [sflag:$0x5] =	stream.linear.gather [spmem:s12], $0x80, $0x38;
	[tilespmem:$0x1EB00] =	vst v63  }
0x6a6: {  	s12 =	sld [smem:$0x7EE]  }
0x6a7: {  	[tilespmem:s3], [sflag:$0x5] =	stream.linear.gather [spmem:s11], $0x80, $0x38;
	[tilespmem:$0x1EB00] =	vst v63  }
0x6a8: {  	s11 =	sld [smem:$0x7EF]  }
0x6a9: {  	[tilespmem:s6], [sflag:$0x5] =	stream.linear.gather [spmem:s12], $0x80, $0x38;
	[tilespmem:$0x1EB00] =	vst v63  }
0x6aa: {  	s12 =	sld [smem:$0x7F0]  }
0x6ab: {  	[tilespmem:s7], [sflag:$0x5] =	stream.linear.gather [spmem:s11], $0x80, $0x38;
	[tilespmem:$0x1EB00] =	vst v63  }
0x6ac: {  	s11 =	sld [smem:$0x7F1]  }
0x6ad: {  	[tilespmem:s23], [sflag:$0x5] =	stream.linear.gather [spmem:s12], $0x80, $0x38;
	[tilespmem:$0x1EB00] =	vst v63  }
0x6ae: {  	s12 =	sld [smem:$0x7F2]  }
0x6af: {  	[tilespmem:s8], [sflag:$0x5] =	stream.linear.gather [spmem:s11], $0x80, $0x38;
	[tilespmem:$0x1EB00] =	vst v63  }
0x6b0: {  	s11 =	sld [smem:$0x7F3]  }
0x6b1: {  	[tilespmem:s24], [sflag:$0x5] =	stream.linear.gather [spmem:s12], $0x80, $0x38;
	[tilespmem:$0x1EB00] =	vst v63  }
0x6b2: {  	s12 =	sld [smem:$0x7F4]  }
0x6b3: {  	[tilespmem:s16], [sflag:$0x5] =	stream.linear.gather [spmem:s11], $0x80, $0x38;
	[tilespmem:$0x1EB00] =	vst v63  }
0x6b4: {  	s11 =	sld [smem:$0x7F5]  }
0x6b5: {  	[tilespmem:s25], [sflag:$0x5] =	stream.linear.gather [spmem:s12], $0x80, $0x38;
	[tilespmem:$0x1EB00] =	vst v63  }
0x6b6: {  	s12 =	sld [smem:$0x7F6]  }
0x6b7: {  	[tilespmem:s17], [sflag:$0x5] =	stream.linear.gather [spmem:s11], $0x80, $0x38;
	[tilespmem:$0x1EB00] =	vst v63  }
0x6b8: {  	s11 =	sld [smem:$0x7F7]  }
0x6b9: {  	[tilespmem:s26], [sflag:$0x5] =	stream.linear.gather [spmem:s12], $0x80, $0x38;
	[tilespmem:$0x1EB00] =	vst v63  }
0x6ba: {  	s12 =	sld [smem:$0x7F8]  }
0x6bb: {  	[tilespmem:s18], [sflag:$0x5] =	stream.linear.gather [spmem:s11], $0x80, $0x38;
	[tilespmem:$0x1EB00] =	vst v63  }
0x6bc: {  	s11 =	sld [smem:$0x7F9]  }
0x6bd: {  	[tilespmem:s29], [sflag:$0x5] =	stream.linear.gather [spmem:s12], $0x80, $0x38;
	[tilespmem:$0x1EB00] =	vst v63  }
0x6be: {  	s12 =	sld [smem:$0x7FA]  }
0x6bf: {  	[tilespmem:s30], [sflag:$0x5] =	stream.linear.gather [spmem:s11], $0x80, $0x38;
	[tilespmem:$0x1EB00] =	vst v63  }
0x6c0: {  	s11 =	sld [smem:$0x7FB]  }
0x6c1: {  	[tilespmem:s31], [sflag:$0x5] =	stream.linear.gather [spmem:s12], $0x80, $0x38;
	[tilespmem:$0x1EB00] =	vst v63  }
0x6c2: {  	s12 =	sld [smem:$0x7FC]  }
0x6c3: {  	[tilespmem:s0], [sflag:$0x5] =	stream.linear.gather [spmem:s11], $0x80, $0x38;
	[tilespmem:$0x1EB00] =	vst v63  }
0x6c4: {  	s11 =	sld [smem:$0x7FD]  }
0x6c5: {  	[tilespmem:s1], [sflag:$0x5] =	stream.linear.gather [spmem:s12], $0x80, $0x38;
	[tilespmem:$0x1EB00] =	vst v63  }
0x6c6: {  	s12 =	simm.s32 $0x40  }
0x6c7: {  	[tilespmem:s4], [sflag:$0x5] =	stream.linear.gather [spmem:s11], $0x80, $0x38;
	[tilespmem:$0x1EB00] =	vst v63  }
0x6c8: {  	v0 =	vld [tilespmem:s12+$0x30]  }
0x6c9: {  	v1 =	vld [tilespmem:s12+$0xFFFFFFD0]  }
0x6ca: {  	v2 =	vld [tilespmem:s12+$0xFFFFFFE0]  }
0x6cb: {  	v3 =	vld [tilespmem:s12+$0xFFFFFFF0]  }
0x6cc: {  	v5 =	vld [tilespmem:s12+$0x0]  }
0x6cd: {  	v6 =	vld [tilespmem:s12+$0x10]  }
0x6ce: {  	v7 =	vld [tilespmem:s12+$0x20]  }
0x6cf: {  	s10 =	simm.s32 $0x1C770;
	v8 =	vld [tilespmem:s12+$0xFFFFFFC0]  }
0x6d0: {  	v11 =	vld [tilespmem:s10+$0x0]  }
0x6d1: {  	v14 =	vld [tilespmem:s10+$0xFFFFFFA0]  }
0x6d2: {  	v9 =	vld [tilespmem:s10+$0xFFFFFFB0]  }
0x6d3: {  	v10 =	vld.idx.msk [tilespmem:v0+s22+$0x0], $0xffff  }
0x6d4: {  	v12 =	vld.idx.msk [tilespmem:v1+s22+$0x0], $0xffff  }
0x6d5: {  	v4 =	vld.idx.msk [tilespmem:v2+s22+$0x0], $0xffff  }
0x6d6: {  	v3 =	vld.idx.msk [tilespmem:v3+s22+$0x0], $0xffff  }
0x6d7: {  	v13 =	vld.idx.msk [tilespmem:v8+s22+$0x0], $0xffff  }
0x6d8: {  	v1 =	vld.idx.msk [tilespmem:v7+s22+$0x0], $0xffff  }
0x6d9: {  	v7 =	vld [tilespmem:s10+$0xFFFFFF90]  }
0x6da: {  	v2 =	vld.idx.msk [tilespmem:v5+s22+$0x0], $0xffff  }
0x6db: {  	v0 =	vld.idx.msk [tilespmem:v6+s22+$0x0], $0xffff  }
0x6dc: {  	v8 =	vld [tilespmem:s10+$0xFFFFFFC0]  }
0x6dd: {  	v6 =	vld [tilespmem:s10+$0xFFFFFFD0];
	v10 =	vmul.f32 v11, v10  }
0x6de: {  	v5 =	vld [tilespmem:s10+$0xFFFFFFE0];
	v11 =	vmul.f32 v7, v13  }
0x6df: {  	s11 =	simm.s32 $0x0;
	s12 =	simm.s32 $0x140;
	v7 =	vld [tilespmem:s10+$0xFFFFFFF0];
	[tilespmem:s10+$0x0] =	vst v10;
	v10 =	vmul.f32 v14, v12  }
.LBB2_22:
0x6e0: {  	v12 =	vld [tilespmem:s12+$0x30];
	s11 =	sadd.s32 $0x8, s11;
	[tilespmem:s10+$0xFFFFFF90] =	vst v11;
	v4 =	vmul.f32 v9, v4  }
0x6e1: {  	v9 =	vld [tilespmem:s12+$0xFFFFFFD0];
	p1 =	slt.u32 s11, $0xF8;
	[tilespmem:s10+$0xFFFFFFA0] =	vst v10;
	v3 =	vmul.f32 v8, v3  }
0x6e2: {  	v8 =	vld [tilespmem:s12+$0xFFFFFFE0];
	[tilespmem:s10+$0xFFFFFFB0] =	vst v4;
	v2 =	vmul.f32 v6, v2  }
0x6e3: {  	v6 =	vld [tilespmem:s12+$0xFFFFFFF0];
	[tilespmem:s10+$0xFFFFFFC0] =	vst v3;
	v0 =	vmul.f32 v5, v0  }
0x6e4: {  	v5 =	vld [tilespmem:s12+$0x0];
	[tilespmem:s10+$0xFFFFFFD0] =	vst v2;
	v1 =	vmul.f32 v7, v1  }
0x6e5: {  	v7 =	vld [tilespmem:s12+$0x10];
	[tilespmem:s10+$0xFFFFFFE0] =	vst v0  }
0x6e6: {  	v10 =	vld [tilespmem:s12+$0x20];
	[tilespmem:s10+$0xFFFFFFF0] =	vst v1  }
0x6e7: {  	v1 =	vld [tilespmem:s12+$0xFFFFFFC0]  }
0x6e8: {  	s10 =	sadd.s32 $0x80, s10;
	v11 =	vld.idx.msk [tilespmem:v12+s22+$0x0], $0xffff  }
0x6e9: {  	v12 =	vld [tilespmem:s10+$0x0]  }
0x6ea: {  	v13 =	vld.idx.msk [tilespmem:v9+s22+$0x0], $0xffff  }
0x6eb: {  	v4 =	vld.idx.msk [tilespmem:v8+s22+$0x0], $0xffff  }
0x6ec: {  	v3 =	vld.idx.msk [tilespmem:v6+s22+$0x0], $0xffff  }
0x6ed: {  	v2 =	vld.idx.msk [tilespmem:v5+s22+$0x0], $0xffff  }
0x6ee: {  	v0 =	vld.idx.msk [tilespmem:v7+s22+$0x0], $0xffff;
	v5 =	vmul.f32 v12, v11  }
0x6ef: {  	v7 =	vld.idx.msk [tilespmem:v1+s22+$0x0], $0xffff  }
0x6f0: {  	v1 =	vld.idx.msk [tilespmem:v10+s22+$0x0], $0xffff;
	[tilespmem:s10+$0x0] =	vst v5  }
0x6f1: {  	v5 =	vld [tilespmem:s10+$0xFFFFFF90]  }
0x6f2: {  	v10 =	vld [tilespmem:s10+$0xFFFFFFA0]  }
.Ltmp10:
0x6f3: {  	v9 =	vld [tilespmem:s10+$0xFFFFFFB0];
	(pc) =	sbr.rel @p1 .LBB2_22-.Ltmp10, $4  }
0x6f4: {  	v8 =	vld [tilespmem:s10+$0xFFFFFFC0]  }
0x6f5: {  	v6 =	vld [tilespmem:s10+$0xFFFFFFD0]  }
0x6f6: {  	v11 =	vmul.f32 v5, v7;
	v5 =	vld [tilespmem:s10+$0xFFFFFFE0]  }
0x6f7: {  	s12 =	sadd.s32 $0x100, s12;
	v10 =	vmul.f32 v10, v13;
	v7 =	vld [tilespmem:s10+$0xFFFFFFF0]  }
0x6f8: {  	[tilespmem:s10+$0xFFFFFF90] =	vst v11;
	v4 =	vmul.f32 v9, v4  }
0x6f9: {  	[tilespmem:s10+$0xFFFFFFA0] =	vst v10;
	v3 =	vmul.f32 v8, v3  }
0x6fa: {  	[tilespmem:s10+$0xFFFFFFB0] =	vst v4;
	v2 =	vmul.f32 v6, v2  }
0x6fb: {  	[tilespmem:s10+$0xFFFFFFC0] =	vst v3;
	v0 =	vmul.f32 v5, v0  }
0x6fc: {  	[tilespmem:s10+$0xFFFFFFD0] =	vst v2;
	v1 =	vmul.f32 v7, v1  }
0x6fd: {  	[tilespmem:s10+$0xFFFFFFE0] =	vst v0  }
0x6fe: {  	[tilespmem:s10+$0xFFFFFFF0] =	vst v1  }
0x6ff: {  	_ =	swait.ge [sflag:s5], $0x1000  }
0x700: {  	[sflag:s5] =	ssyncset.done $0x0  }
0x701: {  	s11 =	simm.s32 $0x0;
	[sflag:s5] =	ssyncadd.s32 $0xFFFFF000  }
0x702: {  	[tilespmem:s11], [sflag:$0x4] =	stream.linear.gather [spmem:s2], $0x80, $0x38;
	[tilespmem:$0x1EB00] =	vst v63  }
0x703: {  	s12 =	rddreg [dreg:$0x13];
	s11 =	simm.s32 $0x100  }
0x704: {  	[tilespmem:s11], [sflag:$0x4] =	stream.linear.gather [spmem:s12], $0x80, $0x38;
	[tilespmem:$0x1EB00] =	vst v63  }
0x705: {  	s11 =	rddreg [dreg:$0x14];
	s12 =	simm.s32 $0x200  }
0x706: {  	[tilespmem:s12], [sflag:$0x4] =	stream.linear.gather [spmem:s11], $0x80, $0x38;
	[tilespmem:$0x1EB00] =	vst v63  }
0x707: {  	s11 =	rddreg [dreg:$0x15];
	s12 =	simm.s32 $0x300  }
0x708: {  	[tilespmem:s12], [sflag:$0x4] =	stream.linear.gather [spmem:s11], $0x80, $0x38;
	[tilespmem:$0x1EB00] =	vst v63  }
0x709: {  	s12 =	rddreg [dreg:$0x16]  }
0x70a: {  	[tilespmem:s21], [sflag:$0x4] =	stream.linear.gather [spmem:s12], $0x80, $0x38;
	[tilespmem:$0x1EB00] =	vst v63  }
0x70b: {  	s11 =	rddreg [dreg:$0x17];
	s12 =	simm.s32 $0x500  }
0x70c: {  	[tilespmem:s12], [sflag:$0x4] =	stream.linear.gather [spmem:s11], $0x80, $0x38;
	[tilespmem:$0x1EB00] =	vst v63  }
0x70d: {  	s11 =	rddreg [dreg:$0x18];
	s12 =	simm.s32 $0x600  }
0x70e: {  	[tilespmem:s12], [sflag:$0x4] =	stream.linear.gather [spmem:s11], $0x80, $0x38;
	[tilespmem:$0x1EB00] =	vst v63  }
0x70f: {  	s11 =	rddreg [dreg:$0x19];
	s12 =	simm.s32 $0x700  }
0x710: {  	[tilespmem:s12], [sflag:$0x4] =	stream.linear.gather [spmem:s11], $0x80, $0x38;
	[tilespmem:$0x1EB00] =	vst v63  }
0x711: {  	s11 =	rddreg [dreg:$0x1a];
	s12 =	simm.s32 $0x800  }
0x712: {  	[tilespmem:s12], [sflag:$0x4] =	stream.linear.gather [spmem:s11], $0x80, $0x38;
	[tilespmem:$0x1EB00] =	vst v63  }
0x713: {  	s11 =	rddreg [dreg:$0x1b];
	s12 =	simm.s32 $0x900  }
0x714: {  	[tilespmem:s12], [sflag:$0x4] =	stream.linear.gather [spmem:s11], $0x80, $0x38;
	[tilespmem:$0x1EB00] =	vst v63  }
0x715: {  	s11 =	rddreg [dreg:$0x1c];
	s12 =	simm.s32 $0xA00  }
0x716: {  	[tilespmem:s12], [sflag:$0x4] =	stream.linear.gather [spmem:s11], $0x80, $0x38;
	[tilespmem:$0x1EB00] =	vst v63  }
0x717: {  	s11 =	rddreg [dreg:$0x1d];
	s12 =	simm.s32 $0xB00  }
0x718: {  	[tilespmem:s12], [sflag:$0x4] =	stream.linear.gather [spmem:s11], $0x80, $0x38;
	[tilespmem:$0x1EB00] =	vst v63  }
0x719: {  	s11 =	rddreg [dreg:$0x1e];
	s12 =	simm.s32 $0xC00  }
0x71a: {  	[tilespmem:s12], [sflag:$0x4] =	stream.linear.gather [spmem:s11], $0x80, $0x38;
	[tilespmem:$0x1EB00] =	vst v63  }
0x71b: {  	s11 =	rddreg [dreg:$0x1f];
	s12 =	simm.s32 $0xD00  }
0x71c: {  	[tilespmem:s12], [sflag:$0x4] =	stream.linear.gather [spmem:s11], $0x80, $0x38;
	[tilespmem:$0x1EB00] =	vst v63  }
0x71d: {  	s11 =	sld [smem:$0x78F];
	_ =	sdelay $0x1  }
0x71e: {  	s12 =	simm.s32 $0xE00  }
0x71f: {  	[tilespmem:s12], [sflag:$0x4] =	stream.linear.gather [spmem:s11], $0x80, $0x38;
	[tilespmem:$0x1EB00] =	vst v63  }
0x720: {  	s11 =	sld [smem:$0x790];
	_ =	sdelay $0x1  }
0x721: {  	s12 =	simm.s32 $0xF00  }
0x722: {  	[tilespmem:s12], [sflag:$0x4] =	stream.linear.gather [spmem:s11], $0x80, $0x38;
	[tilespmem:$0x1EB00] =	vst v63  }
0x723: {  	s11 =	sld [smem:$0x791];
	_ =	sdelay $0x1  }
0x724: {  	s12 =	simm.s32 $0x1000  }
0x725: {  	[tilespmem:s12], [sflag:$0x4] =	stream.linear.gather [spmem:s11], $0x80, $0x38;
	[tilespmem:$0x1EB00] =	vst v63  }
0x726: {  	s11 =	sld [smem:$0x792];
	_ =	sdelay $0x1  }
0x727: {  	s12 =	simm.s32 $0x1100  }
0x728: {  	[tilespmem:s12], [sflag:$0x4] =	stream.linear.gather [spmem:s11], $0x80, $0x38;
	[tilespmem:$0x1EB00] =	vst v63  }
0x729: {  	s11 =	sld [smem:$0x793];
	_ =	sdelay $0x1  }
0x72a: {  	s12 =	simm.s32 $0x1200  }
0x72b: {  	[tilespmem:s12], [sflag:$0x4] =	stream.linear.gather [spmem:s11], $0x80, $0x38;
	[tilespmem:$0x1EB00] =	vst v63  }
0x72c: {  	s11 =	sld [smem:$0x794];
	_ =	sdelay $0x1  }
0x72d: {  	s12 =	simm.s32 $0x1300  }
0x72e: {  	[tilespmem:s12], [sflag:$0x4] =	stream.linear.gather [spmem:s11], $0x80, $0x38;
	[tilespmem:$0x1EB00] =	vst v63  }
0x72f: {  	s11 =	sld [smem:$0x795];
	_ =	sdelay $0x1  }
0x730: {  	s12 =	simm.s32 $0x1400  }
0x731: {  	[tilespmem:s12], [sflag:$0x4] =	stream.linear.gather [spmem:s11], $0x80, $0x38;
	[tilespmem:$0x1EB00] =	vst v63  }
0x732: {  	s11 =	sld [smem:$0x796];
	_ =	sdelay $0x1  }
0x733: {  	s12 =	simm.s32 $0x1500  }
0x734: {  	[tilespmem:s12], [sflag:$0x4] =	stream.linear.gather [spmem:s11], $0x80, $0x38;
	[tilespmem:$0x1EB00] =	vst v63  }
0x735: {  	s11 =	sld [smem:$0x797];
	_ =	sdelay $0x1  }
0x736: {  	s12 =	simm.s32 $0x1600  }
0x737: {  	[tilespmem:s12], [sflag:$0x4] =	stream.linear.gather [spmem:s11], $0x80, $0x38;
	[tilespmem:$0x1EB00] =	vst v63  }
0x738: {  	s11 =	sld [smem:$0x798];
	_ =	sdelay $0x1  }
0x739: {  	s12 =	simm.s32 $0x1700  }
0x73a: {  	[tilespmem:s12], [sflag:$0x4] =	stream.linear.gather [spmem:s11], $0x80, $0x38;
	[tilespmem:$0x1EB00] =	vst v63  }
0x73b: {  	s11 =	sld [smem:$0x799];
	_ =	sdelay $0x1  }
0x73c: {  	s12 =	simm.s32 $0x1800  }
0x73d: {  	[tilespmem:s12], [sflag:$0x4] =	stream.linear.gather [spmem:s11], $0x80, $0x38;
	[tilespmem:$0x1EB00] =	vst v63  }
0x73e: {  	s11 =	sld [smem:$0x79A];
	_ =	sdelay $0x1  }
0x73f: {  	s12 =	simm.s32 $0x1900  }
0x740: {  	[tilespmem:s12], [sflag:$0x4] =	stream.linear.gather [spmem:s11], $0x80, $0x38;
	[tilespmem:$0x1EB00] =	vst v63  }
0x741: {  	s11 =	sld [smem:$0x79B];
	_ =	sdelay $0x1  }
0x742: {  	s12 =	simm.s32 $0x1A00  }
0x743: {  	[tilespmem:s12], [sflag:$0x4] =	stream.linear.gather [spmem:s11], $0x80, $0x38;
	[tilespmem:$0x1EB00] =	vst v63  }
0x744: {  	s11 =	sld [smem:$0x79C];
	_ =	sdelay $0x1  }
0x745: {  	s12 =	simm.s32 $0x1B00  }
0x746: {  	[tilespmem:s12], [sflag:$0x4] =	stream.linear.gather [spmem:s11], $0x80, $0x38;
	[tilespmem:$0x1EB00] =	vst v63  }
0x747: {  	s11 =	sld [smem:$0x79D];
	_ =	sdelay $0x1  }
0x748: {  	s12 =	simm.s32 $0x1C00  }
0x749: {  	[tilespmem:s12], [sflag:$0x4] =	stream.linear.gather [spmem:s11], $0x80, $0x38;
	[tilespmem:$0x1EB00] =	vst v63  }
0x74a: {  	s11 =	sld [smem:$0x79E];
	_ =	sdelay $0x1  }
0x74b: {  	s12 =	simm.s32 $0x1D00  }
0x74c: {  	[tilespmem:s12], [sflag:$0x4] =	stream.linear.gather [spmem:s11], $0x80, $0x38;
	[tilespmem:$0x1EB00] =	vst v63  }
0x74d: {  	s11 =	sld [smem:$0x79F];
	_ =	sdelay $0x1  }
0x74e: {  	s12 =	simm.s32 $0x1E00  }
0x74f: {  	[tilespmem:s12], [sflag:$0x4] =	stream.linear.gather [spmem:s11], $0x80, $0x38;
	[tilespmem:$0x1EB00] =	vst v63  }
0x750: {  	s11 =	sld [smem:$0x7A0];
	_ =	sdelay $0x1  }
0x751: {  	s12 =	simm.s32 $0x1F00  }
0x752: {  	[tilespmem:s12], [sflag:$0x4] =	stream.linear.gather [spmem:s11], $0x80, $0x38;
	[tilespmem:$0x1EB00] =	vst v63  }
0x753: {  	s12 =	simm.s32 $0xF0  }
0x754: {  	v0 =	vld [tilespmem:s12+$0x0]  }
0x755: {  	v1 =	vld [tilespmem:s12+$0xFFFFFFA0]  }
0x756: {  	v2 =	vld [tilespmem:s12+$0xFFFFFFB0]  }
0x757: {  	v3 =	vld [tilespmem:s12+$0xFFFFFFC0]  }
0x758: {  	v5 =	vld [tilespmem:s12+$0xFFFFFFD0]  }
0x759: {  	v6 =	vld [tilespmem:s12+$0xFFFFFFE0]  }
0x75a: {  	v7 =	vld [tilespmem:s12+$0xFFFFFFF0]  }
0x75b: {  	s10 =	simm.s32 $0x1D770;
	v8 =	vld [tilespmem:s12+$0xFFFFFF90]  }
0x75c: {  	v11 =	vld [tilespmem:s10+$0x0]  }
0x75d: {  	v14 =	vld [tilespmem:s10+$0xFFFFFFA0]  }
0x75e: {  	v9 =	vld [tilespmem:s10+$0xFFFFFFB0]  }
0x75f: {  	v10 =	vld.idx.msk [tilespmem:v0+s22+$0x0], $0xffff  }
0x760: {  	v12 =	vld.idx.msk [tilespmem:v1+s22+$0x0], $0xffff  }
0x761: {  	v4 =	vld.idx.msk [tilespmem:v2+s22+$0x0], $0xffff  }
0x762: {  	v3 =	vld.idx.msk [tilespmem:v3+s22+$0x0], $0xffff  }
0x763: {  	v13 =	vld.idx.msk [tilespmem:v8+s22+$0x0], $0xffff  }
0x764: {  	v1 =	vld.idx.msk [tilespmem:v7+s22+$0x0], $0xffff  }
0x765: {  	v7 =	vld [tilespmem:s10+$0xFFFFFF90]  }
0x766: {  	v2 =	vld.idx.msk [tilespmem:v5+s22+$0x0], $0xffff  }
0x767: {  	v0 =	vld.idx.msk [tilespmem:v6+s22+$0x0], $0xffff  }
0x768: {  	v8 =	vld [tilespmem:s10+$0xFFFFFFC0]  }
0x769: {  	v6 =	vld [tilespmem:s10+$0xFFFFFFD0];
	v10 =	vmul.f32 v11, v10  }
0x76a: {  	v5 =	vld [tilespmem:s10+$0xFFFFFFE0];
	v11 =	vmul.f32 v7, v13  }
0x76b: {  	s11 =	simm.s32 $0x0;
	s12 =	simm.s32 $0x1F0;
	v7 =	vld [tilespmem:s10+$0xFFFFFFF0];
	[tilespmem:s10+$0x0] =	vst v10;
	v10 =	vmul.f32 v14, v12  }
.LBB2_24:
0x76c: {  	v12 =	vld [tilespmem:s12+$0x0];
	s11 =	sadd.s32 $0x8, s11;
	[tilespmem:s10+$0xFFFFFF90] =	vst v11;
	v4 =	vmul.f32 v9, v4  }
0x76d: {  	v9 =	vld [tilespmem:s12+$0xFFFFFFA0];
	p1 =	slt.u32 s11, $0xF8;
	[tilespmem:s10+$0xFFFFFFA0] =	vst v10;
	v3 =	vmul.f32 v8, v3  }
0x76e: {  	v8 =	vld [tilespmem:s12+$0xFFFFFFB0];
	[tilespmem:s10+$0xFFFFFFB0] =	vst v4;
	v2 =	vmul.f32 v6, v2  }
0x76f: {  	v6 =	vld [tilespmem:s12+$0xFFFFFFC0];
	[tilespmem:s10+$0xFFFFFFC0] =	vst v3;
	v0 =	vmul.f32 v5, v0  }
0x770: {  	v5 =	vld [tilespmem:s12+$0xFFFFFFD0];
	[tilespmem:s10+$0xFFFFFFD0] =	vst v2;
	v1 =	vmul.f32 v7, v1  }
0x771: {  	v7 =	vld [tilespmem:s12+$0xFFFFFFE0];
	[tilespmem:s10+$0xFFFFFFE0] =	vst v0  }
0x772: {  	v10 =	vld [tilespmem:s12+$0xFFFFFFF0];
	[tilespmem:s10+$0xFFFFFFF0] =	vst v1  }
0x773: {  	v1 =	vld [tilespmem:s12+$0xFFFFFF90]  }
0x774: {  	s10 =	sadd.s32 $0x80, s10;
	v11 =	vld.idx.msk [tilespmem:v12+s22+$0x0], $0xffff  }
0x775: {  	v12 =	vld [tilespmem:s10+$0x0]  }
0x776: {  	v13 =	vld.idx.msk [tilespmem:v9+s22+$0x0], $0xffff  }
0x777: {  	v4 =	vld.idx.msk [tilespmem:v8+s22+$0x0], $0xffff  }
0x778: {  	v3 =	vld.idx.msk [tilespmem:v6+s22+$0x0], $0xffff  }
0x779: {  	v2 =	vld.idx.msk [tilespmem:v5+s22+$0x0], $0xffff  }
0x77a: {  	v0 =	vld.idx.msk [tilespmem:v7+s22+$0x0], $0xffff;
	v5 =	vmul.f32 v12, v11  }
0x77b: {  	v7 =	vld.idx.msk [tilespmem:v1+s22+$0x0], $0xffff  }
0x77c: {  	v1 =	vld.idx.msk [tilespmem:v10+s22+$0x0], $0xffff;
	[tilespmem:s10+$0x0] =	vst v5  }
0x77d: {  	v5 =	vld [tilespmem:s10+$0xFFFFFF90]  }
0x77e: {  	v10 =	vld [tilespmem:s10+$0xFFFFFFA0]  }
.Ltmp11:
0x77f: {  	v9 =	vld [tilespmem:s10+$0xFFFFFFB0];
	(pc) =	sbr.rel @p1 .LBB2_24-.Ltmp11, $4  }
0x780: {  	v8 =	vld [tilespmem:s10+$0xFFFFFFC0]  }
0x781: {  	v6 =	vld [tilespmem:s10+$0xFFFFFFD0]  }
0x782: {  	v11 =	vmul.f32 v5, v7;
	v5 =	vld [tilespmem:s10+$0xFFFFFFE0]  }
0x783: {  	s12 =	sadd.s32 $0x100, s12;
	v10 =	vmul.f32 v10, v13;
	v7 =	vld [tilespmem:s10+$0xFFFFFFF0]  }
0x784: {  	[tilespmem:s10+$0xFFFFFF90] =	vst v11;
	v4 =	vmul.f32 v9, v4  }
0x785: {  	[tilespmem:s10+$0xFFFFFFA0] =	vst v10;
	v3 =	vmul.f32 v8, v3  }
0x786: {  	[tilespmem:s10+$0xFFFFFFB0] =	vst v4;
	v2 =	vmul.f32 v6, v2  }
0x787: {  	[tilespmem:s10+$0xFFFFFFC0] =	vst v3;
	v0 =	vmul.f32 v5, v0  }
0x788: {  	[tilespmem:s10+$0xFFFFFFD0] =	vst v2;
	v1 =	vmul.f32 v7, v1  }
0x789: {  	[tilespmem:s10+$0xFFFFFFE0] =	vst v0  }
0x78a: {  	[tilespmem:s10+$0xFFFFFFF0] =	vst v1  }
0x78b: {  	s10 =	rddreg [dreg:$0x10]  }
0x78c: {  	[tilespmem:s22], [sflag:$0x1] =	stream.strided.gather [hbm4b:s10+s20], $0x18700, s21, s20, $0x38;
	[tilespmem:$0x1EB00] =	vst v63  }
0x78d: {  	_ =	swait.ge [sflag:s28], $0x18700  }
0x78e: {  	[sflag:s28] =	ssyncset.done $0x0  }
0x78f: {  	[sflag:s28] =	ssyncadd.s32 $0xFFFE7900  }
0x790: {  	_ =	swait.ge [sflag:s19], $0x1000  }
0x791: {  	[sflag:s19] =	ssyncset.done $0x0;
	s11 =	rddreg [dreg:$0x9]  }
0x792: {  	s12 =	sld [smem:$0x7A1];
	[sflag:s19] =	ssyncadd.s32 $0xFFFFF000  }
0x793: {  	[tilespmem:s20], [sflag:$0x5] =	stream.linear.gather [spmem:s11], $0x80, $0x38;
	[tilespmem:$0x1EB00] =	vst v63  }
0x794: {  	s11 =	simm.s32 $0x180  }
0x795: {  	[tilespmem:s11], [sflag:$0x5] =	stream.linear.gather [spmem:s12], $0x80, $0x38;
	[tilespmem:$0x1EB00] =	vst v63  }
0x796: {  	s11 =	sld [smem:$0x7A2];
	_ =	sdelay $0x1  }
0x797: {  	s12 =	simm.s32 $0x280  }
0x798: {  	[tilespmem:s12], [sflag:$0x5] =	stream.linear.gather [spmem:s11], $0x80, $0x38;
	[tilespmem:$0x1EB00] =	vst v63  }
0x799: {  	s11 =	sld [smem:$0x7A3];
	_ =	sdelay $0x1  }
0x79a: {  	s12 =	simm.s32 $0x380  }
0x79b: {  	[tilespmem:s12], [sflag:$0x5] =	stream.linear.gather [spmem:s11], $0x80, $0x38;
	[tilespmem:$0x1EB00] =	vst v63  }
0x79c: {  	s11 =	sld [smem:$0x7A4];
	_ =	sdelay $0x1  }
0x79d: {  	s12 =	simm.s32 $0x480  }
0x79e: {  	[tilespmem:s12], [sflag:$0x5] =	stream.linear.gather [spmem:s11], $0x80, $0x38;
	[tilespmem:$0x1EB00] =	vst v63  }
0x79f: {  	s11 =	sld [smem:$0x7A5];
	_ =	sdelay $0x1  }
0x7a0: {  	s12 =	simm.s32 $0x580  }
0x7a1: {  	[tilespmem:s12], [sflag:$0x5] =	stream.linear.gather [spmem:s11], $0x80, $0x38;
	[tilespmem:$0x1EB00] =	vst v63  }
0x7a2: {  	s11 =	sld [smem:$0x7A6];
	_ =	sdelay $0x1  }
0x7a3: {  	s12 =	simm.s32 $0x680  }
0x7a4: {  	[tilespmem:s12], [sflag:$0x5] =	stream.linear.gather [spmem:s11], $0x80, $0x38;
	[tilespmem:$0x1EB00] =	vst v63  }
0x7a5: {  	s11 =	sld [smem:$0x7A7];
	_ =	sdelay $0x1  }
0x7a6: {  	s12 =	simm.s32 $0x780  }
0x7a7: {  	[tilespmem:s12], [sflag:$0x5] =	stream.linear.gather [spmem:s11], $0x80, $0x38;
	[tilespmem:$0x1EB00] =	vst v63  }
0x7a8: {  	s11 =	sld [smem:$0x7A8];
	_ =	sdelay $0x1  }
0x7a9: {  	s12 =	simm.s32 $0x880  }
0x7aa: {  	[tilespmem:s12], [sflag:$0x5] =	stream.linear.gather [spmem:s11], $0x80, $0x38;
	[tilespmem:$0x1EB00] =	vst v63  }
0x7ab: {  	s11 =	sld [smem:$0x7A9];
	_ =	sdelay $0x1  }
0x7ac: {  	s12 =	simm.s32 $0x980  }
0x7ad: {  	[tilespmem:s12], [sflag:$0x5] =	stream.linear.gather [spmem:s11], $0x80, $0x38;
	[tilespmem:$0x1EB00] =	vst v63  }
0x7ae: {  	s11 =	sld [smem:$0x7AA];
	_ =	sdelay $0x1  }
0x7af: {  	s12 =	simm.s32 $0xA80  }
0x7b0: {  	[tilespmem:s12], [sflag:$0x5] =	stream.linear.gather [spmem:s11], $0x80, $0x38;
	[tilespmem:$0x1EB00] =	vst v63  }
0x7b1: {  	s11 =	sld [smem:$0x7AB];
	_ =	sdelay $0x1  }
0x7b2: {  	s12 =	simm.s32 $0xB80  }
0x7b3: {  	[tilespmem:s12], [sflag:$0x5] =	stream.linear.gather [spmem:s11], $0x80, $0x38;
	[tilespmem:$0x1EB00] =	vst v63  }
0x7b4: {  	s12 =	sld [smem:$0x7AC];
	_ =	sdelay $0x1  }
0x7b5: {  	s11 =	sld [smem:$0x7AD]  }
0x7b6: {  	[tilespmem:s13], [sflag:$0x5] =	stream.linear.gather [spmem:s12], $0x80, $0x38;
	[tilespmem:$0x1EB00] =	vst v63  }
0x7b7: {  	s12 =	sld [smem:$0x7AE]  }
0x7b8: {  	[tilespmem:s14], [sflag:$0x5] =	stream.linear.gather [spmem:s11], $0x80, $0x38;
	[tilespmem:$0x1EB00] =	vst v63  }
0x7b9: {  	s11 =	sld [smem:$0x7AF]  }
0x7ba: {  	[tilespmem:s15], [sflag:$0x5] =	stream.linear.gather [spmem:s12], $0x80, $0x38;
	[tilespmem:$0x1EB00] =	vst v63  }
0x7bb: {  	s12 =	sld [smem:$0x7B0]  }
0x7bc: {  	[tilespmem:s3], [sflag:$0x5] =	stream.linear.gather [spmem:s11], $0x80, $0x38;
	[tilespmem:$0x1EB00] =	vst v63  }
0x7bd: {  	s11 =	sld [smem:$0x7B1]  }
0x7be: {  	[tilespmem:s6], [sflag:$0x5] =	stream.linear.gather [spmem:s12], $0x80, $0x38;
	[tilespmem:$0x1EB00] =	vst v63  }
0x7bf: {  	s12 =	sld [smem:$0x7B2]  }
0x7c0: {  	[tilespmem:s7], [sflag:$0x5] =	stream.linear.gather [spmem:s11], $0x80, $0x38;
	[tilespmem:$0x1EB00] =	vst v63  }
0x7c1: {  	s11 =	sld [smem:$0x7B3]  }
0x7c2: {  	[tilespmem:s23], [sflag:$0x5] =	stream.linear.gather [spmem:s12], $0x80, $0x38;
	[tilespmem:$0x1EB00] =	vst v63  }
0x7c3: {  	s12 =	sld [smem:$0x7B4]  }
0x7c4: {  	[tilespmem:s8], [sflag:$0x5] =	stream.linear.gather [spmem:s11], $0x80, $0x38;
	[tilespmem:$0x1EB00] =	vst v63  }
0x7c5: {  	s11 =	sld [smem:$0x7B5]  }
0x7c6: {  	[tilespmem:s24], [sflag:$0x5] =	stream.linear.gather [spmem:s12], $0x80, $0x38;
	[tilespmem:$0x1EB00] =	vst v63  }
0x7c7: {  	s12 =	sld [smem:$0x7B6]  }
0x7c8: {  	[tilespmem:s16], [sflag:$0x5] =	stream.linear.gather [spmem:s11], $0x80, $0x38;
	[tilespmem:$0x1EB00] =	vst v63  }
0x7c9: {  	s11 =	sld [smem:$0x7B7]  }
0x7ca: {  	[tilespmem:s25], [sflag:$0x5] =	stream.linear.gather [spmem:s12], $0x80, $0x38;
	[tilespmem:$0x1EB00] =	vst v63  }
0x7cb: {  	s12 =	sld [smem:$0x7B8]  }
0x7cc: {  	[tilespmem:s17], [sflag:$0x5] =	stream.linear.gather [spmem:s11], $0x80, $0x38;
	[tilespmem:$0x1EB00] =	vst v63  }
0x7cd: {  	s11 =	sld [smem:$0x7B9]  }
0x7ce: {  	[tilespmem:s26], [sflag:$0x5] =	stream.linear.gather [spmem:s12], $0x80, $0x38;
	[tilespmem:$0x1EB00] =	vst v63  }
0x7cf: {  	s12 =	sld [smem:$0x7BA]  }
0x7d0: {  	[tilespmem:s18], [sflag:$0x5] =	stream.linear.gather [spmem:s11], $0x80, $0x38;
	[tilespmem:$0x1EB00] =	vst v63  }
0x7d1: {  	s11 =	sld [smem:$0x7BB]  }
0x7d2: {  	[tilespmem:s29], [sflag:$0x5] =	stream.linear.gather [spmem:s12], $0x80, $0x38;
	[tilespmem:$0x1EB00] =	vst v63  }
0x7d3: {  	s12 =	sld [smem:$0x7BC]  }
0x7d4: {  	[tilespmem:s30], [sflag:$0x5] =	stream.linear.gather [spmem:s11], $0x80, $0x38;
	[tilespmem:$0x1EB00] =	vst v63  }
0x7d5: {  	s11 =	sld [smem:$0x7BD]  }
0x7d6: {  	[tilespmem:s31], [sflag:$0x5] =	stream.linear.gather [spmem:s12], $0x80, $0x38;
	[tilespmem:$0x1EB00] =	vst v63  }
0x7d7: {  	s12 =	sld [smem:$0x7BE]  }
0x7d8: {  	[tilespmem:s0], [sflag:$0x5] =	stream.linear.gather [spmem:s11], $0x80, $0x38;
	[tilespmem:$0x1EB00] =	vst v63  }
0x7d9: {  	s11 =	sld [smem:$0x7BF]  }
0x7da: {  	[tilespmem:s1], [sflag:$0x5] =	stream.linear.gather [spmem:s12], $0x80, $0x38;
	[tilespmem:$0x1EB00] =	vst v63  }
0x7db: {  	s12 =	simm.s32 $0x40  }
0x7dc: {  	[tilespmem:s4], [sflag:$0x5] =	stream.linear.gather [spmem:s11], $0x80, $0x38;
	[tilespmem:$0x1EB00] =	vst v63  }
0x7dd: {  	v0 =	vld [tilespmem:s12+$0x30]  }
0x7de: {  	v1 =	vld [tilespmem:s12+$0xFFFFFFD0]  }
0x7df: {  	v2 =	vld [tilespmem:s12+$0xFFFFFFE0]  }
0x7e0: {  	v3 =	vld [tilespmem:s12+$0xFFFFFFF0]  }
0x7e1: {  	v5 =	vld [tilespmem:s12+$0x0]  }
0x7e2: {  	v6 =	vld [tilespmem:s12+$0x10]  }
0x7e3: {  	v7 =	vld [tilespmem:s12+$0x20]  }
0x7e4: {  	s10 =	simm.s32 $0x1A740;
	v8 =	vld [tilespmem:s12+$0xFFFFFFC0]  }
0x7e5: {  	v11 =	vld [tilespmem:s10+$0x30]  }
0x7e6: {  	v14 =	vld [tilespmem:s10+$0xFFFFFFD0]  }
0x7e7: {  	v9 =	vld [tilespmem:s10+$0xFFFFFFE0]  }
0x7e8: {  	v10 =	vld.idx.msk [tilespmem:v0+s22+$0x0], $0xffff  }
0x7e9: {  	v12 =	vld.idx.msk [tilespmem:v1+s22+$0x0], $0xffff  }
0x7ea: {  	v4 =	vld.idx.msk [tilespmem:v2+s22+$0x0], $0xffff  }
0x7eb: {  	v3 =	vld.idx.msk [tilespmem:v3+s22+$0x0], $0xffff  }
0x7ec: {  	v13 =	vld.idx.msk [tilespmem:v8+s22+$0x0], $0xffff  }
0x7ed: {  	v1 =	vld.idx.msk [tilespmem:v7+s22+$0x0], $0xffff  }
0x7ee: {  	v7 =	vld [tilespmem:s10+$0xFFFFFFC0]  }
0x7ef: {  	v2 =	vld.idx.msk [tilespmem:v5+s22+$0x0], $0xffff  }
0x7f0: {  	v0 =	vld.idx.msk [tilespmem:v6+s22+$0x0], $0xffff  }
0x7f1: {  	v8 =	vld [tilespmem:s10+$0xFFFFFFF0]  }
0x7f2: {  	v6 =	vld [tilespmem:s10+$0x0];
	v10 =	vadd.f32 v11, v10  }
0x7f3: {  	v5 =	vld [tilespmem:s10+$0x10];
	v11 =	vadd.f32 v7, v13  }
0x7f4: {  	s11 =	simm.s32 $0x0;
	s12 =	simm.s32 $0x140;
	v7 =	vld [tilespmem:s10+$0x20];
	[tilespmem:s10+$0x30] =	vst v10;
	v10 =	vadd.f32 v14, v12  }
.LBB2_26:
0x7f5: {  	v12 =	vld [tilespmem:s12+$0x30];
	s11 =	sadd.s32 $0x8, s11;
	[tilespmem:s10+$0xFFFFFFC0] =	vst v11;
	v4 =	vadd.f32 v9, v4  }
0x7f6: {  	v9 =	vld [tilespmem:s12+$0xFFFFFFD0];
	p1 =	slt.u32 s11, $0xF8;
	[tilespmem:s10+$0xFFFFFFD0] =	vst v10;
	v3 =	vadd.f32 v8, v3  }
0x7f7: {  	v8 =	vld [tilespmem:s12+$0xFFFFFFE0];
	[tilespmem:s10+$0xFFFFFFE0] =	vst v4;
	v2 =	vadd.f32 v6, v2  }
0x7f8: {  	v6 =	vld [tilespmem:s12+$0xFFFFFFF0];
	[tilespmem:s10+$0xFFFFFFF0] =	vst v3;
	v0 =	vadd.f32 v5, v0  }
0x7f9: {  	v5 =	vld [tilespmem:s12+$0x0];
	[tilespmem:s10+$0x0] =	vst v2;
	v1 =	vadd.f32 v7, v1  }
0x7fa: {  	v7 =	vld [tilespmem:s12+$0x10];
	[tilespmem:s10+$0x10] =	vst v0  }
0x7fb: {  	v10 =	vld [tilespmem:s12+$0x20];
	[tilespmem:s10+$0x20] =	vst v1  }
0x7fc: {  	v1 =	vld [tilespmem:s12+$0xFFFFFFC0]  }
0x7fd: {  	s10 =	sadd.s32 $0x80, s10;
	v11 =	vld.idx.msk [tilespmem:v12+s22+$0x0], $0xffff  }
0x7fe: {  	v12 =	vld [tilespmem:s10+$0x30]  }
0x7ff: {  	v13 =	vld.idx.msk [tilespmem:v9+s22+$0x0], $0xffff  }
0x800: {  	v4 =	vld.idx.msk [tilespmem:v8+s22+$0x0], $0xffff  }
0x801: {  	v3 =	vld.idx.msk [tilespmem:v6+s22+$0x0], $0xffff  }
0x802: {  	v2 =	vld.idx.msk [tilespmem:v5+s22+$0x0], $0xffff  }
0x803: {  	v0 =	vld.idx.msk [tilespmem:v7+s22+$0x0], $0xffff;
	v5 =	vadd.f32 v12, v11  }
0x804: {  	v7 =	vld.idx.msk [tilespmem:v1+s22+$0x0], $0xffff  }
0x805: {  	v1 =	vld.idx.msk [tilespmem:v10+s22+$0x0], $0xffff;
	[tilespmem:s10+$0x30] =	vst v5  }
0x806: {  	v5 =	vld [tilespmem:s10+$0xFFFFFFC0]  }
0x807: {  	v10 =	vld [tilespmem:s10+$0xFFFFFFD0]  }
.Ltmp12:
0x808: {  	v9 =	vld [tilespmem:s10+$0xFFFFFFE0];
	(pc) =	sbr.rel @p1 .LBB2_26-.Ltmp12, $4  }
0x809: {  	v8 =	vld [tilespmem:s10+$0xFFFFFFF0]  }
0x80a: {  	v6 =	vld [tilespmem:s10+$0x0]  }
0x80b: {  	v11 =	vadd.f32 v5, v7;
	v5 =	vld [tilespmem:s10+$0x10]  }
0x80c: {  	s12 =	sadd.s32 $0x100, s12;
	v10 =	vadd.f32 v10, v13;
	v7 =	vld [tilespmem:s10+$0x20]  }
0x80d: {  	[tilespmem:s10+$0xFFFFFFC0] =	vst v11;
	v4 =	vadd.f32 v9, v4  }
0x80e: {  	[tilespmem:s10+$0xFFFFFFD0] =	vst v10;
	v3 =	vadd.f32 v8, v3  }
0x80f: {  	[tilespmem:s10+$0xFFFFFFE0] =	vst v4;
	v2 =	vadd.f32 v6, v2  }
0x810: {  	[tilespmem:s10+$0xFFFFFFF0] =	vst v3;
	v0 =	vadd.f32 v5, v0  }
0x811: {  	[tilespmem:s10+$0x0] =	vst v2;
	v1 =	vadd.f32 v7, v1  }
0x812: {  	[tilespmem:s10+$0x10] =	vst v0  }
0x813: {  	[tilespmem:s10+$0x20] =	vst v1  }
0x814: {  	_ =	swait.ge [sflag:s5], $0x1000  }
0x815: {  	[sflag:s5] =	ssyncset.done $0x0  }
0x816: {  	s12 =	simm.s32 $0x0;
	s11 =	rddreg [dreg:$0xa];
	[sflag:s5] =	ssyncadd.s32 $0xFFFFF000  }
0x817: {  	[tilespmem:s12], [sflag:$0x4] =	stream.linear.gather [spmem:s11], $0x80, $0x38;
	[tilespmem:$0x1EB00] =	vst v63  }
0x818: {  	s11 =	sld [smem:$0x7C0];
	_ =	sdelay $0x1  }
0x819: {  	s12 =	simm.s32 $0x100  }
0x81a: {  	[tilespmem:s12], [sflag:$0x4] =	stream.linear.gather [spmem:s11], $0x80, $0x38;
	[tilespmem:$0x1EB00] =	vst v63  }
0x81b: {  	s11 =	sld [smem:$0x7C1];
	_ =	sdelay $0x1  }
0x81c: {  	s12 =	simm.s32 $0x200  }
0x81d: {  	[tilespmem:s12], [sflag:$0x4] =	stream.linear.gather [spmem:s11], $0x80, $0x38;
	[tilespmem:$0x1EB00] =	vst v63  }
0x81e: {  	s11 =	sld [smem:$0x7C2];
	_ =	sdelay $0x1  }
0x81f: {  	s12 =	simm.s32 $0x300  }
0x820: {  	[tilespmem:s12], [sflag:$0x4] =	stream.linear.gather [spmem:s11], $0x80, $0x38;
	[tilespmem:$0x1EB00] =	vst v63  }
0x821: {  	s12 =	sld [smem:$0x7C3];
	_ =	sdelay $0x1  }
0x822: {  	s11 =	sld [smem:$0x7C4]  }
0x823: {  	[tilespmem:s21], [sflag:$0x4] =	stream.linear.gather [spmem:s12], $0x80, $0x38;
	[tilespmem:$0x1EB00] =	vst v63  }
0x824: {  	s12 =	simm.s32 $0x500  }
0x825: {  	[tilespmem:s12], [sflag:$0x4] =	stream.linear.gather [spmem:s11], $0x80, $0x38;
	[tilespmem:$0x1EB00] =	vst v63  }
0x826: {  	s11 =	sld [smem:$0x7C5];
	_ =	sdelay $0x1  }
0x827: {  	s12 =	simm.s32 $0x600  }
0x828: {  	[tilespmem:s12], [sflag:$0x4] =	stream.linear.gather [spmem:s11], $0x80, $0x38;
	[tilespmem:$0x1EB00] =	vst v63  }
0x829: {  	s11 =	sld [smem:$0x7C6];
	_ =	sdelay $0x1  }
0x82a: {  	s12 =	simm.s32 $0x700  }
0x82b: {  	[tilespmem:s12], [sflag:$0x4] =	stream.linear.gather [spmem:s11], $0x80, $0x38;
	[tilespmem:$0x1EB00] =	vst v63  }
0x82c: {  	s11 =	sld [smem:$0x7C7];
	_ =	sdelay $0x1  }
0x82d: {  	s12 =	simm.s32 $0x800  }
0x82e: {  	[tilespmem:s12], [sflag:$0x4] =	stream.linear.gather [spmem:s11], $0x80, $0x38;
	[tilespmem:$0x1EB00] =	vst v63  }
0x82f: {  	s11 =	sld [smem:$0x7C8];
	_ =	sdelay $0x1  }
0x830: {  	s12 =	simm.s32 $0x900  }
0x831: {  	[tilespmem:s12], [sflag:$0x4] =	stream.linear.gather [spmem:s11], $0x80, $0x38;
	[tilespmem:$0x1EB00] =	vst v63  }
0x832: {  	s11 =	sld [smem:$0x7C9];
	_ =	sdelay $0x1  }
0x833: {  	s12 =	simm.s32 $0xA00  }
0x834: {  	[tilespmem:s12], [sflag:$0x4] =	stream.linear.gather [spmem:s11], $0x80, $0x38;
	[tilespmem:$0x1EB00] =	vst v63  }
0x835: {  	s11 =	sld [smem:$0x7CA];
	_ =	sdelay $0x1  }
0x836: {  	s12 =	simm.s32 $0xB00  }
0x837: {  	[tilespmem:s12], [sflag:$0x4] =	stream.linear.gather [spmem:s11], $0x80, $0x38;
	[tilespmem:$0x1EB00] =	vst v63  }
0x838: {  	s11 =	sld [smem:$0x7CB];
	_ =	sdelay $0x1  }
0x839: {  	s12 =	simm.s32 $0xC00  }
0x83a: {  	[tilespmem:s12], [sflag:$0x4] =	stream.linear.gather [spmem:s11], $0x80, $0x38;
	[tilespmem:$0x1EB00] =	vst v63  }
0x83b: {  	s11 =	sld [smem:$0x7CC];
	_ =	sdelay $0x1  }
0x83c: {  	s12 =	simm.s32 $0xD00  }
0x83d: {  	[tilespmem:s12], [sflag:$0x4] =	stream.linear.gather [spmem:s11], $0x80, $0x38;
	[tilespmem:$0x1EB00] =	vst v63  }
0x83e: {  	s11 =	sld [smem:$0x7CD];
	_ =	sdelay $0x1  }
0x83f: {  	s12 =	simm.s32 $0xE00  }
0x840: {  	[tilespmem:s12], [sflag:$0x4] =	stream.linear.gather [spmem:s11], $0x80, $0x38;
	[tilespmem:$0x1EB00] =	vst v63  }
0x841: {  	s11 =	sld [smem:$0x7CE];
	_ =	sdelay $0x1  }
0x842: {  	s12 =	simm.s32 $0xF00  }
0x843: {  	[tilespmem:s12], [sflag:$0x4] =	stream.linear.gather [spmem:s11], $0x80, $0x38;
	[tilespmem:$0x1EB00] =	vst v63  }
0x844: {  	s11 =	sld [smem:$0x7CF];
	_ =	sdelay $0x1  }
0x845: {  	s12 =	simm.s32 $0x1000  }
0x846: {  	[tilespmem:s12], [sflag:$0x4] =	stream.linear.gather [spmem:s11], $0x80, $0x38;
	[tilespmem:$0x1EB00] =	vst v63  }
0x847: {  	s11 =	sld [smem:$0x7D0];
	_ =	sdelay $0x1  }
0x848: {  	s12 =	simm.s32 $0x1100  }
0x849: {  	[tilespmem:s12], [sflag:$0x4] =	stream.linear.gather [spmem:s11], $0x80, $0x38;
	[tilespmem:$0x1EB00] =	vst v63  }
0x84a: {  	s11 =	sld [smem:$0x7D1];
	_ =	sdelay $0x1  }
0x84b: {  	s12 =	simm.s32 $0x1200  }
0x84c: {  	[tilespmem:s12], [sflag:$0x4] =	stream.linear.gather [spmem:s11], $0x80, $0x38;
	[tilespmem:$0x1EB00] =	vst v63  }
0x84d: {  	s11 =	sld [smem:$0x7D2];
	_ =	sdelay $0x1  }
0x84e: {  	s12 =	simm.s32 $0x1300  }
0x84f: {  	[tilespmem:s12], [sflag:$0x4] =	stream.linear.gather [spmem:s11], $0x80, $0x38;
	[tilespmem:$0x1EB00] =	vst v63  }
0x850: {  	s11 =	sld [smem:$0x7D3];
	_ =	sdelay $0x1  }
0x851: {  	s12 =	simm.s32 $0x1400  }
0x852: {  	[tilespmem:s12], [sflag:$0x4] =	stream.linear.gather [spmem:s11], $0x80, $0x38;
	[tilespmem:$0x1EB00] =	vst v63  }
0x853: {  	s11 =	sld [smem:$0x7D4];
	_ =	sdelay $0x1  }
0x854: {  	s12 =	simm.s32 $0x1500  }
0x855: {  	[tilespmem:s12], [sflag:$0x4] =	stream.linear.gather [spmem:s11], $0x80, $0x38;
	[tilespmem:$0x1EB00] =	vst v63  }
0x856: {  	s11 =	sld [smem:$0x7D5];
	_ =	sdelay $0x1  }
0x857: {  	s12 =	simm.s32 $0x1600  }
0x858: {  	[tilespmem:s12], [sflag:$0x4] =	stream.linear.gather [spmem:s11], $0x80, $0x38;
	[tilespmem:$0x1EB00] =	vst v63  }
0x859: {  	s11 =	sld [smem:$0x7D6];
	_ =	sdelay $0x1  }
0x85a: {  	s12 =	simm.s32 $0x1700  }
0x85b: {  	[tilespmem:s12], [sflag:$0x4] =	stream.linear.gather [spmem:s11], $0x80, $0x38;
	[tilespmem:$0x1EB00] =	vst v63  }
0x85c: {  	s11 =	sld [smem:$0x7D7];
	_ =	sdelay $0x1  }
0x85d: {  	s12 =	simm.s32 $0x1800  }
0x85e: {  	[tilespmem:s12], [sflag:$0x4] =	stream.linear.gather [spmem:s11], $0x80, $0x38;
	[tilespmem:$0x1EB00] =	vst v63  }
0x85f: {  	s11 =	sld [smem:$0x7D8];
	_ =	sdelay $0x1  }
0x860: {  	s12 =	simm.s32 $0x1900  }
0x861: {  	[tilespmem:s12], [sflag:$0x4] =	stream.linear.gather [spmem:s11], $0x80, $0x38;
	[tilespmem:$0x1EB00] =	vst v63  }
0x862: {  	s11 =	sld [smem:$0x7D9];
	_ =	sdelay $0x1  }
0x863: {  	s12 =	simm.s32 $0x1A00  }
0x864: {  	[tilespmem:s12], [sflag:$0x4] =	stream.linear.gather [spmem:s11], $0x80, $0x38;
	[tilespmem:$0x1EB00] =	vst v63  }
0x865: {  	s11 =	sld [smem:$0x7DA];
	_ =	sdelay $0x1  }
0x866: {  	s12 =	simm.s32 $0x1B00  }
0x867: {  	[tilespmem:s12], [sflag:$0x4] =	stream.linear.gather [spmem:s11], $0x80, $0x38;
	[tilespmem:$0x1EB00] =	vst v63  }
0x868: {  	s11 =	sld [smem:$0x7DB];
	_ =	sdelay $0x1  }
0x869: {  	s12 =	simm.s32 $0x1C00  }
0x86a: {  	[tilespmem:s12], [sflag:$0x4] =	stream.linear.gather [spmem:s11], $0x80, $0x38;
	[tilespmem:$0x1EB00] =	vst v63  }
0x86b: {  	s11 =	sld [smem:$0x7DC];
	_ =	sdelay $0x1  }
0x86c: {  	s12 =	simm.s32 $0x1D00  }
0x86d: {  	[tilespmem:s12], [sflag:$0x4] =	stream.linear.gather [spmem:s11], $0x80, $0x38;
	[tilespmem:$0x1EB00] =	vst v63  }
0x86e: {  	s11 =	sld [smem:$0x7DD];
	_ =	sdelay $0x1  }
0x86f: {  	s12 =	simm.s32 $0x1E00  }
0x870: {  	[tilespmem:s12], [sflag:$0x4] =	stream.linear.gather [spmem:s11], $0x80, $0x38;
	[tilespmem:$0x1EB00] =	vst v63  }
0x871: {  	s11 =	sld [smem:$0x7DE];
	_ =	sdelay $0x1  }
0x872: {  	s12 =	simm.s32 $0x1F00  }
0x873: {  	[tilespmem:s12], [sflag:$0x4] =	stream.linear.gather [spmem:s11], $0x80, $0x38;
	[tilespmem:$0x1EB00] =	vst v63  }
0x874: {  	s12 =	simm.s32 $0xF0  }
0x875: {  	v0 =	vld [tilespmem:s12+$0x0]  }
0x876: {  	v1 =	vld [tilespmem:s12+$0xFFFFFFA0]  }
0x877: {  	v2 =	vld [tilespmem:s12+$0xFFFFFFB0]  }
0x878: {  	v3 =	vld [tilespmem:s12+$0xFFFFFFC0]  }
0x879: {  	v5 =	vld [tilespmem:s12+$0xFFFFFFD0]  }
0x87a: {  	v6 =	vld [tilespmem:s12+$0xFFFFFFE0]  }
0x87b: {  	v7 =	vld [tilespmem:s12+$0xFFFFFFF0]  }
0x87c: {  	s10 =	simm.s32 $0x1B770;
	v8 =	vld [tilespmem:s12+$0xFFFFFF90]  }
0x87d: {  	v11 =	vld [tilespmem:s10+$0x0]  }
0x87e: {  	v14 =	vld [tilespmem:s10+$0xFFFFFFA0]  }
0x87f: {  	v9 =	vld [tilespmem:s10+$0xFFFFFFB0]  }
0x880: {  	v10 =	vld.idx.msk [tilespmem:v0+s22+$0x0], $0xffff  }
0x881: {  	v12 =	vld.idx.msk [tilespmem:v1+s22+$0x0], $0xffff  }
0x882: {  	v4 =	vld.idx.msk [tilespmem:v2+s22+$0x0], $0xffff  }
0x883: {  	v3 =	vld.idx.msk [tilespmem:v3+s22+$0x0], $0xffff  }
0x884: {  	v13 =	vld.idx.msk [tilespmem:v8+s22+$0x0], $0xffff  }
0x885: {  	v1 =	vld.idx.msk [tilespmem:v7+s22+$0x0], $0xffff  }
0x886: {  	v7 =	vld [tilespmem:s10+$0xFFFFFF90]  }
0x887: {  	v2 =	vld.idx.msk [tilespmem:v5+s22+$0x0], $0xffff  }
0x888: {  	v0 =	vld.idx.msk [tilespmem:v6+s22+$0x0], $0xffff  }
0x889: {  	v8 =	vld [tilespmem:s10+$0xFFFFFFC0]  }
0x88a: {  	v6 =	vld [tilespmem:s10+$0xFFFFFFD0];
	v10 =	vadd.f32 v11, v10  }
0x88b: {  	v5 =	vld [tilespmem:s10+$0xFFFFFFE0];
	v11 =	vadd.f32 v7, v13  }
0x88c: {  	s11 =	simm.s32 $0x0;
	s12 =	simm.s32 $0x1F0;
	v7 =	vld [tilespmem:s10+$0xFFFFFFF0];
	[tilespmem:s10+$0x0] =	vst v10;
	v10 =	vadd.f32 v14, v12  }
.LBB2_28:
0x88d: {  	v12 =	vld [tilespmem:s12+$0x0];
	s11 =	sadd.s32 $0x8, s11;
	[tilespmem:s10+$0xFFFFFF90] =	vst v11;
	v4 =	vadd.f32 v9, v4  }
0x88e: {  	v9 =	vld [tilespmem:s12+$0xFFFFFFA0];
	p1 =	slt.u32 s11, $0xF8;
	[tilespmem:s10+$0xFFFFFFA0] =	vst v10;
	v3 =	vadd.f32 v8, v3  }
0x88f: {  	v8 =	vld [tilespmem:s12+$0xFFFFFFB0];
	[tilespmem:s10+$0xFFFFFFB0] =	vst v4;
	v2 =	vadd.f32 v6, v2  }
0x890: {  	v6 =	vld [tilespmem:s12+$0xFFFFFFC0];
	[tilespmem:s10+$0xFFFFFFC0] =	vst v3;
	v0 =	vadd.f32 v5, v0  }
0x891: {  	v5 =	vld [tilespmem:s12+$0xFFFFFFD0];
	[tilespmem:s10+$0xFFFFFFD0] =	vst v2;
	v1 =	vadd.f32 v7, v1  }
0x892: {  	v7 =	vld [tilespmem:s12+$0xFFFFFFE0];
	[tilespmem:s10+$0xFFFFFFE0] =	vst v0  }
0x893: {  	v10 =	vld [tilespmem:s12+$0xFFFFFFF0];
	[tilespmem:s10+$0xFFFFFFF0] =	vst v1  }
0x894: {  	v1 =	vld [tilespmem:s12+$0xFFFFFF90]  }
0x895: {  	s10 =	sadd.s32 $0x80, s10;
	v11 =	vld.idx.msk [tilespmem:v12+s22+$0x0], $0xffff  }
0x896: {  	v12 =	vld [tilespmem:s10+$0x0]  }
0x897: {  	v13 =	vld.idx.msk [tilespmem:v9+s22+$0x0], $0xffff  }
0x898: {  	v4 =	vld.idx.msk [tilespmem:v8+s22+$0x0], $0xffff  }
0x899: {  	v3 =	vld.idx.msk [tilespmem:v6+s22+$0x0], $0xffff  }
0x89a: {  	v2 =	vld.idx.msk [tilespmem:v5+s22+$0x0], $0xffff  }
0x89b: {  	v0 =	vld.idx.msk [tilespmem:v7+s22+$0x0], $0xffff;
	v5 =	vadd.f32 v12, v11  }
0x89c: {  	v7 =	vld.idx.msk [tilespmem:v1+s22+$0x0], $0xffff  }
0x89d: {  	v1 =	vld.idx.msk [tilespmem:v10+s22+$0x0], $0xffff;
	[tilespmem:s10+$0x0] =	vst v5  }
0x89e: {  	v5 =	vld [tilespmem:s10+$0xFFFFFF90]  }
0x89f: {  	v10 =	vld [tilespmem:s10+$0xFFFFFFA0]  }
.Ltmp13:
0x8a0: {  	v9 =	vld [tilespmem:s10+$0xFFFFFFB0];
	(pc) =	sbr.rel @p1 .LBB2_28-.Ltmp13, $4  }
0x8a1: {  	v8 =	vld [tilespmem:s10+$0xFFFFFFC0]  }
0x8a2: {  	v6 =	vld [tilespmem:s10+$0xFFFFFFD0]  }
0x8a3: {  	v11 =	vadd.f32 v5, v7;
	v5 =	vld [tilespmem:s10+$0xFFFFFFE0]  }
0x8a4: {  	s12 =	sadd.s32 $0x100, s12;
	v10 =	vadd.f32 v10, v13;
	v7 =	vld [tilespmem:s10+$0xFFFFFFF0]  }
0x8a5: {  	[tilespmem:s10+$0xFFFFFF90] =	vst v11;
	v4 =	vadd.f32 v9, v4  }
0x8a6: {  	[tilespmem:s10+$0xFFFFFFA0] =	vst v10;
	v3 =	vadd.f32 v8, v3  }
0x8a7: {  	[tilespmem:s10+$0xFFFFFFB0] =	vst v4;
	v2 =	vadd.f32 v6, v2  }
0x8a8: {  	[tilespmem:s10+$0xFFFFFFC0] =	vst v3;
	v0 =	vadd.f32 v5, v0  }
0x8a9: {  	[tilespmem:s10+$0xFFFFFFD0] =	vst v2;
	v1 =	vadd.f32 v7, v1  }
0x8aa: {  	[tilespmem:s10+$0xFFFFFFE0] =	vst v0  }
0x8ab: {  	[tilespmem:s10+$0xFFFFFFF0] =	vst v1  }
0x8ac: {  	_ =	swait.ge [sflag:s19], $0x1000  }
0x8ad: {  	[sflag:s19] =	ssyncset.done $0x0;
	s11 =	rddreg [dreg:$0xb]  }
0x8ae: {  	s12 =	sld [smem:$0x7DF];
	[sflag:s19] =	ssyncadd.s32 $0xFFFFF000  }
0x8af: {  	[tilespmem:s20], [sflag:$0x5] =	stream.linear.gather [spmem:s11], $0x80, $0x38;
	[tilespmem:$0x1EB00] =	vst v63  }
0x8b0: {  	s11 =	simm.s32 $0x180  }
0x8b1: {  	[tilespmem:s11], [sflag:$0x5] =	stream.linear.gather [spmem:s12], $0x80, $0x38;
	[tilespmem:$0x1EB00] =	vst v63  }
0x8b2: {  	s11 =	sld [smem:$0x7E0];
	_ =	sdelay $0x1  }
0x8b3: {  	s12 =	simm.s32 $0x280  }
0x8b4: {  	[tilespmem:s12], [sflag:$0x5] =	stream.linear.gather [spmem:s11], $0x80, $0x38;
	[tilespmem:$0x1EB00] =	vst v63  }
0x8b5: {  	s11 =	sld [smem:$0x7E1];
	_ =	sdelay $0x1  }
0x8b6: {  	s12 =	simm.s32 $0x380  }
0x8b7: {  	[tilespmem:s12], [sflag:$0x5] =	stream.linear.gather [spmem:s11], $0x80, $0x38;
	[tilespmem:$0x1EB00] =	vst v63  }
0x8b8: {  	s11 =	sld [smem:$0x7E2];
	_ =	sdelay $0x1  }
0x8b9: {  	s12 =	simm.s32 $0x480  }
0x8ba: {  	[tilespmem:s12], [sflag:$0x5] =	stream.linear.gather [spmem:s11], $0x80, $0x38;
	[tilespmem:$0x1EB00] =	vst v63  }
0x8bb: {  	s11 =	sld [smem:$0x7E3];
	_ =	sdelay $0x1  }
0x8bc: {  	s12 =	simm.s32 $0x580  }
0x8bd: {  	[tilespmem:s12], [sflag:$0x5] =	stream.linear.gather [spmem:s11], $0x80, $0x38;
	[tilespmem:$0x1EB00] =	vst v63  }
0x8be: {  	s11 =	sld [smem:$0x7E4];
	_ =	sdelay $0x1  }
0x8bf: {  	s12 =	simm.s32 $0x680  }
0x8c0: {  	[tilespmem:s12], [sflag:$0x5] =	stream.linear.gather [spmem:s11], $0x80, $0x38;
	[tilespmem:$0x1EB00] =	vst v63  }
0x8c1: {  	s11 =	sld [smem:$0x7E5];
	_ =	sdelay $0x1  }
0x8c2: {  	s12 =	simm.s32 $0x780  }
0x8c3: {  	[tilespmem:s12], [sflag:$0x5] =	stream.linear.gather [spmem:s11], $0x80, $0x38;
	[tilespmem:$0x1EB00] =	vst v63  }
0x8c4: {  	s11 =	sld [smem:$0x7E6];
	_ =	sdelay $0x1  }
0x8c5: {  	s12 =	simm.s32 $0x880  }
0x8c6: {  	[tilespmem:s12], [sflag:$0x5] =	stream.linear.gather [spmem:s11], $0x80, $0x38;
	[tilespmem:$0x1EB00] =	vst v63  }
0x8c7: {  	s11 =	sld [smem:$0x7E7];
	_ =	sdelay $0x1  }
0x8c8: {  	s12 =	simm.s32 $0x980  }
0x8c9: {  	[tilespmem:s12], [sflag:$0x5] =	stream.linear.gather [spmem:s11], $0x80, $0x38;
	[tilespmem:$0x1EB00] =	vst v63  }
0x8ca: {  	s11 =	sld [smem:$0x7E8];
	_ =	sdelay $0x1  }
0x8cb: {  	s12 =	simm.s32 $0xA80  }
0x8cc: {  	[tilespmem:s12], [sflag:$0x5] =	stream.linear.gather [spmem:s11], $0x80, $0x38;
	[tilespmem:$0x1EB00] =	vst v63  }
0x8cd: {  	s11 =	sld [smem:$0x7E9];
	_ =	sdelay $0x1  }
0x8ce: {  	s12 =	simm.s32 $0xB80  }
0x8cf: {  	[tilespmem:s12], [sflag:$0x5] =	stream.linear.gather [spmem:s11], $0x80, $0x38;
	[tilespmem:$0x1EB00] =	vst v63  }
0x8d0: {  	s12 =	sld [smem:$0x7EA];
	_ =	sdelay $0x1  }
0x8d1: {  	s11 =	sld [smem:$0x7EB]  }
0x8d2: {  	[tilespmem:s13], [sflag:$0x5] =	stream.linear.gather [spmem:s12], $0x80, $0x38;
	[tilespmem:$0x1EB00] =	vst v63  }
0x8d3: {  	s12 =	sld [smem:$0x7EC]  }
0x8d4: {  	[tilespmem:s14], [sflag:$0x5] =	stream.linear.gather [spmem:s11], $0x80, $0x38;
	[tilespmem:$0x1EB00] =	vst v63  }
0x8d5: {  	s11 =	sld [smem:$0x7ED]  }
0x8d6: {  	[tilespmem:s15], [sflag:$0x5] =	stream.linear.gather [spmem:s12], $0x80, $0x38;
	[tilespmem:$0x1EB00] =	vst v63  }
0x8d7: {  	s12 =	sld [smem:$0x7EE]  }
0x8d8: {  	[tilespmem:s3], [sflag:$0x5] =	stream.linear.gather [spmem:s11], $0x80, $0x38;
	[tilespmem:$0x1EB00] =	vst v63  }
0x8d9: {  	s11 =	sld [smem:$0x7EF]  }
0x8da: {  	[tilespmem:s6], [sflag:$0x5] =	stream.linear.gather [spmem:s12], $0x80, $0x38;
	[tilespmem:$0x1EB00] =	vst v63  }
0x8db: {  	s12 =	sld [smem:$0x7F0]  }
0x8dc: {  	[tilespmem:s7], [sflag:$0x5] =	stream.linear.gather [spmem:s11], $0x80, $0x38;
	[tilespmem:$0x1EB00] =	vst v63  }
0x8dd: {  	s11 =	sld [smem:$0x7F1]  }
0x8de: {  	[tilespmem:s23], [sflag:$0x5] =	stream.linear.gather [spmem:s12], $0x80, $0x38;
	[tilespmem:$0x1EB00] =	vst v63  }
0x8df: {  	s12 =	sld [smem:$0x7F2]  }
0x8e0: {  	[tilespmem:s8], [sflag:$0x5] =	stream.linear.gather [spmem:s11], $0x80, $0x38;
	[tilespmem:$0x1EB00] =	vst v63  }
0x8e1: {  	s11 =	sld [smem:$0x7F3]  }
0x8e2: {  	[tilespmem:s24], [sflag:$0x5] =	stream.linear.gather [spmem:s12], $0x80, $0x38;
	[tilespmem:$0x1EB00] =	vst v63  }
0x8e3: {  	s12 =	sld [smem:$0x7F4]  }
0x8e4: {  	[tilespmem:s16], [sflag:$0x5] =	stream.linear.gather [spmem:s11], $0x80, $0x38;
	[tilespmem:$0x1EB00] =	vst v63  }
0x8e5: {  	s11 =	sld [smem:$0x7F5]  }
0x8e6: {  	[tilespmem:s25], [sflag:$0x5] =	stream.linear.gather [spmem:s12], $0x80, $0x38;
	[tilespmem:$0x1EB00] =	vst v63  }
0x8e7: {  	s12 =	sld [smem:$0x7F6]  }
0x8e8: {  	[tilespmem:s17], [sflag:$0x5] =	stream.linear.gather [spmem:s11], $0x80, $0x38;
	[tilespmem:$0x1EB00] =	vst v63  }
0x8e9: {  	s11 =	sld [smem:$0x7F7]  }
0x8ea: {  	[tilespmem:s26], [sflag:$0x5] =	stream.linear.gather [spmem:s12], $0x80, $0x38;
	[tilespmem:$0x1EB00] =	vst v63  }
0x8eb: {  	s12 =	sld [smem:$0x7F8]  }
0x8ec: {  	[tilespmem:s18], [sflag:$0x5] =	stream.linear.gather [spmem:s11], $0x80, $0x38;
	[tilespmem:$0x1EB00] =	vst v63  }
0x8ed: {  	s11 =	sld [smem:$0x7F9]  }
0x8ee: {  	[tilespmem:s29], [sflag:$0x5] =	stream.linear.gather [spmem:s12], $0x80, $0x38;
	[tilespmem:$0x1EB00] =	vst v63  }
0x8ef: {  	s12 =	sld [smem:$0x7FA]  }
0x8f0: {  	[tilespmem:s30], [sflag:$0x5] =	stream.linear.gather [spmem:s11], $0x80, $0x38;
	[tilespmem:$0x1EB00] =	vst v63  }
0x8f1: {  	s11 =	sld [smem:$0x7FB]  }
0x8f2: {  	[tilespmem:s31], [sflag:$0x5] =	stream.linear.gather [spmem:s12], $0x80, $0x38;
	[tilespmem:$0x1EB00] =	vst v63  }
0x8f3: {  	s12 =	sld [smem:$0x7FC]  }
0x8f4: {  	[tilespmem:s0], [sflag:$0x5] =	stream.linear.gather [spmem:s11], $0x80, $0x38;
	[tilespmem:$0x1EB00] =	vst v63  }
0x8f5: {  	s11 =	sld [smem:$0x7FD]  }
0x8f6: {  	[tilespmem:s1], [sflag:$0x5] =	stream.linear.gather [spmem:s12], $0x80, $0x38;
	[tilespmem:$0x1EB00] =	vst v63  }
0x8f7: {  	s12 =	simm.s32 $0x40  }
0x8f8: {  	[tilespmem:s4], [sflag:$0x5] =	stream.linear.gather [spmem:s11], $0x80, $0x38;
	[tilespmem:$0x1EB00] =	vst v63  }
0x8f9: {  	v0 =	vld [tilespmem:s12+$0x30]  }
0x8fa: {  	v1 =	vld [tilespmem:s12+$0xFFFFFFD0]  }
0x8fb: {  	v2 =	vld [tilespmem:s12+$0xFFFFFFE0]  }
0x8fc: {  	v3 =	vld [tilespmem:s12+$0xFFFFFFF0]  }
0x8fd: {  	v5 =	vld [tilespmem:s12+$0x0]  }
0x8fe: {  	v6 =	vld [tilespmem:s12+$0x10]  }
0x8ff: {  	v7 =	vld [tilespmem:s12+$0x20]  }
0x900: {  	s10 =	simm.s32 $0x1C770;
	v8 =	vld [tilespmem:s12+$0xFFFFFFC0]  }
0x901: {  	v11 =	vld [tilespmem:s10+$0x0]  }
0x902: {  	v14 =	vld [tilespmem:s10+$0xFFFFFFA0]  }
0x903: {  	v9 =	vld [tilespmem:s10+$0xFFFFFFB0]  }
0x904: {  	v10 =	vld.idx.msk [tilespmem:v0+s22+$0x0], $0xffff  }
0x905: {  	v12 =	vld.idx.msk [tilespmem:v1+s22+$0x0], $0xffff  }
0x906: {  	v4 =	vld.idx.msk [tilespmem:v2+s22+$0x0], $0xffff  }
0x907: {  	v3 =	vld.idx.msk [tilespmem:v3+s22+$0x0], $0xffff  }
0x908: {  	v13 =	vld.idx.msk [tilespmem:v8+s22+$0x0], $0xffff  }
0x909: {  	v1 =	vld.idx.msk [tilespmem:v7+s22+$0x0], $0xffff  }
0x90a: {  	v7 =	vld [tilespmem:s10+$0xFFFFFF90]  }
0x90b: {  	v2 =	vld.idx.msk [tilespmem:v5+s22+$0x0], $0xffff  }
0x90c: {  	v0 =	vld.idx.msk [tilespmem:v6+s22+$0x0], $0xffff  }
0x90d: {  	v8 =	vld [tilespmem:s10+$0xFFFFFFC0]  }
0x90e: {  	v6 =	vld [tilespmem:s10+$0xFFFFFFD0];
	v10 =	vadd.f32 v11, v10  }
0x90f: {  	v5 =	vld [tilespmem:s10+$0xFFFFFFE0];
	v11 =	vadd.f32 v7, v13  }
0x910: {  	s11 =	simm.s32 $0x0;
	s12 =	simm.s32 $0x140;
	v7 =	vld [tilespmem:s10+$0xFFFFFFF0];
	[tilespmem:s10+$0x0] =	vst v10;
	v10 =	vadd.f32 v14, v12  }
.LBB2_30:
0x911: {  	v12 =	vld [tilespmem:s12+$0x30];
	s11 =	sadd.s32 $0x8, s11;
	[tilespmem:s10+$0xFFFFFF90] =	vst v11;
	v4 =	vadd.f32 v9, v4  }
0x912: {  	v9 =	vld [tilespmem:s12+$0xFFFFFFD0];
	p1 =	slt.u32 s11, $0xF8;
	[tilespmem:s10+$0xFFFFFFA0] =	vst v10;
	v3 =	vadd.f32 v8, v3  }
0x913: {  	v8 =	vld [tilespmem:s12+$0xFFFFFFE0];
	[tilespmem:s10+$0xFFFFFFB0] =	vst v4;
	v2 =	vadd.f32 v6, v2  }
0x914: {  	v6 =	vld [tilespmem:s12+$0xFFFFFFF0];
	[tilespmem:s10+$0xFFFFFFC0] =	vst v3;
	v0 =	vadd.f32 v5, v0  }
0x915: {  	v5 =	vld [tilespmem:s12+$0x0];
	[tilespmem:s10+$0xFFFFFFD0] =	vst v2;
	v1 =	vadd.f32 v7, v1  }
0x916: {  	v7 =	vld [tilespmem:s12+$0x10];
	[tilespmem:s10+$0xFFFFFFE0] =	vst v0  }
0x917: {  	v10 =	vld [tilespmem:s12+$0x20];
	[tilespmem:s10+$0xFFFFFFF0] =	vst v1  }
0x918: {  	v1 =	vld [tilespmem:s12+$0xFFFFFFC0]  }
0x919: {  	s10 =	sadd.s32 $0x80, s10;
	v11 =	vld.idx.msk [tilespmem:v12+s22+$0x0], $0xffff  }
0x91a: {  	v12 =	vld [tilespmem:s10+$0x0]  }
0x91b: {  	v13 =	vld.idx.msk [tilespmem:v9+s22+$0x0], $0xffff  }
0x91c: {  	v4 =	vld.idx.msk [tilespmem:v8+s22+$0x0], $0xffff  }
0x91d: {  	v3 =	vld.idx.msk [tilespmem:v6+s22+$0x0], $0xffff  }
0x91e: {  	v2 =	vld.idx.msk [tilespmem:v5+s22+$0x0], $0xffff  }
0x91f: {  	v0 =	vld.idx.msk [tilespmem:v7+s22+$0x0], $0xffff;
	v5 =	vadd.f32 v12, v11  }
0x920: {  	v7 =	vld.idx.msk [tilespmem:v1+s22+$0x0], $0xffff  }
0x921: {  	v1 =	vld.idx.msk [tilespmem:v10+s22+$0x0], $0xffff;
	[tilespmem:s10+$0x0] =	vst v5  }
0x922: {  	v5 =	vld [tilespmem:s10+$0xFFFFFF90]  }
0x923: {  	v10 =	vld [tilespmem:s10+$0xFFFFFFA0]  }
.Ltmp14:
0x924: {  	v9 =	vld [tilespmem:s10+$0xFFFFFFB0];
	(pc) =	sbr.rel @p1 .LBB2_30-.Ltmp14, $4  }
0x925: {  	v8 =	vld [tilespmem:s10+$0xFFFFFFC0]  }
0x926: {  	v6 =	vld [tilespmem:s10+$0xFFFFFFD0]  }
0x927: {  	v11 =	vadd.f32 v5, v7;
	v5 =	vld [tilespmem:s10+$0xFFFFFFE0]  }
0x928: {  	s12 =	sadd.s32 $0x100, s12;
	v10 =	vadd.f32 v10, v13;
	v7 =	vld [tilespmem:s10+$0xFFFFFFF0]  }
0x929: {  	[tilespmem:s10+$0xFFFFFF90] =	vst v11;
	v4 =	vadd.f32 v9, v4  }
0x92a: {  	[tilespmem:s10+$0xFFFFFFA0] =	vst v10;
	v3 =	vadd.f32 v8, v3  }
0x92b: {  	[tilespmem:s10+$0xFFFFFFB0] =	vst v4;
	v2 =	vadd.f32 v6, v2  }
0x92c: {  	[tilespmem:s10+$0xFFFFFFC0] =	vst v3;
	v0 =	vadd.f32 v5, v0  }
0x92d: {  	[tilespmem:s10+$0xFFFFFFD0] =	vst v2;
	v1 =	vadd.f32 v7, v1  }
0x92e: {  	[tilespmem:s10+$0xFFFFFFE0] =	vst v0  }
0x92f: {  	[tilespmem:s10+$0xFFFFFFF0] =	vst v1  }
0x930: {  	_ =	swait.ge [sflag:s5], $0x1000  }
0x931: {  	[sflag:s5] =	ssyncset.done $0x0  }
0x932: {  	s12 =	simm.s32 $0xF0;
	[sflag:s5] =	ssyncadd.s32 $0xFFFFF000  }
0x933: {  	v0 =	vld [tilespmem:s12+$0x0]  }
0x934: {  	v1 =	vld [tilespmem:s12+$0xFFFFFFA0]  }
0x935: {  	v2 =	vld [tilespmem:s12+$0xFFFFFFB0]  }
0x936: {  	v3 =	vld [tilespmem:s12+$0xFFFFFFC0]  }
0x937: {  	v5 =	vld [tilespmem:s12+$0xFFFFFFD0]  }
0x938: {  	v6 =	vld [tilespmem:s12+$0xFFFFFFE0]  }
0x939: {  	v7 =	vld [tilespmem:s12+$0xFFFFFFF0]  }
0x93a: {  	s10 =	simm.s32 $0x1D770;
	v8 =	vld [tilespmem:s12+$0xFFFFFF90]  }
0x93b: {  	v11 =	vld [tilespmem:s10+$0x0]  }
0x93c: {  	v14 =	vld [tilespmem:s10+$0xFFFFFFA0]  }
0x93d: {  	v9 =	vld [tilespmem:s10+$0xFFFFFFB0]  }
0x93e: {  	v10 =	vld.idx.msk [tilespmem:v0+s22+$0x0], $0xffff  }
0x93f: {  	v12 =	vld.idx.msk [tilespmem:v1+s22+$0x0], $0xffff  }
0x940: {  	v4 =	vld.idx.msk [tilespmem:v2+s22+$0x0], $0xffff  }
0x941: {  	v3 =	vld.idx.msk [tilespmem:v3+s22+$0x0], $0xffff  }
0x942: {  	v13 =	vld.idx.msk [tilespmem:v8+s22+$0x0], $0xffff  }
0x943: {  	v1 =	vld.idx.msk [tilespmem:v7+s22+$0x0], $0xffff  }
0x944: {  	v7 =	vld [tilespmem:s10+$0xFFFFFF90]  }
0x945: {  	v2 =	vld.idx.msk [tilespmem:v5+s22+$0x0], $0xffff  }
0x946: {  	v0 =	vld.idx.msk [tilespmem:v6+s22+$0x0], $0xffff  }
0x947: {  	v8 =	vld [tilespmem:s10+$0xFFFFFFC0]  }
0x948: {  	v6 =	vld [tilespmem:s10+$0xFFFFFFD0];
	v10 =	vadd.f32 v11, v10  }
0x949: {  	v5 =	vld [tilespmem:s10+$0xFFFFFFE0];
	v11 =	vadd.f32 v7, v13  }
0x94a: {  	s11 =	simm.s32 $0x0;
	s12 =	simm.s32 $0x1F0;
	v7 =	vld [tilespmem:s10+$0xFFFFFFF0];
	[tilespmem:s10+$0x0] =	vst v10;
	v10 =	vadd.f32 v14, v12  }
.LBB2_32:
0x94b: {  	v12 =	vld [tilespmem:s12+$0x0];
	s11 =	sadd.s32 $0x8, s11;
	[tilespmem:s10+$0xFFFFFF90] =	vst v11;
	v4 =	vadd.f32 v9, v4  }
0x94c: {  	v9 =	vld [tilespmem:s12+$0xFFFFFFA0];
	p1 =	slt.u32 s11, $0xF8;
	[tilespmem:s10+$0xFFFFFFA0] =	vst v10;
	v3 =	vadd.f32 v8, v3  }
0x94d: {  	v8 =	vld [tilespmem:s12+$0xFFFFFFB0];
	[tilespmem:s10+$0xFFFFFFB0] =	vst v4;
	v2 =	vadd.f32 v6, v2  }
0x94e: {  	v6 =	vld [tilespmem:s12+$0xFFFFFFC0];
	[tilespmem:s10+$0xFFFFFFC0] =	vst v3;
	v0 =	vadd.f32 v5, v0  }
0x94f: {  	v5 =	vld [tilespmem:s12+$0xFFFFFFD0];
	[tilespmem:s10+$0xFFFFFFD0] =	vst v2;
	v1 =	vadd.f32 v7, v1  }
0x950: {  	v7 =	vld [tilespmem:s12+$0xFFFFFFE0];
	[tilespmem:s10+$0xFFFFFFE0] =	vst v0  }
0x951: {  	v10 =	vld [tilespmem:s12+$0xFFFFFFF0];
	[tilespmem:s10+$0xFFFFFFF0] =	vst v1  }
0x952: {  	v1 =	vld [tilespmem:s12+$0xFFFFFF90]  }
0x953: {  	s10 =	sadd.s32 $0x80, s10;
	v11 =	vld.idx.msk [tilespmem:v12+s22+$0x0], $0xffff  }
0x954: {  	v12 =	vld [tilespmem:s10+$0x0]  }
0x955: {  	v13 =	vld.idx.msk [tilespmem:v9+s22+$0x0], $0xffff  }
0x956: {  	v4 =	vld.idx.msk [tilespmem:v8+s22+$0x0], $0xffff  }
0x957: {  	v3 =	vld.idx.msk [tilespmem:v6+s22+$0x0], $0xffff  }
0x958: {  	v2 =	vld.idx.msk [tilespmem:v5+s22+$0x0], $0xffff  }
0x959: {  	v0 =	vld.idx.msk [tilespmem:v7+s22+$0x0], $0xffff;
	v5 =	vadd.f32 v12, v11  }
0x95a: {  	v7 =	vld.idx.msk [tilespmem:v1+s22+$0x0], $0xffff  }
0x95b: {  	v1 =	vld.idx.msk [tilespmem:v10+s22+$0x0], $0xffff;
	[tilespmem:s10+$0x0] =	vst v5  }
0x95c: {  	v5 =	vld [tilespmem:s10+$0xFFFFFF90]  }
0x95d: {  	v10 =	vld [tilespmem:s10+$0xFFFFFFA0]  }
.Ltmp15:
0x95e: {  	v9 =	vld [tilespmem:s10+$0xFFFFFFB0];
	(pc) =	sbr.rel @p1 .LBB2_32-.Ltmp15, $4  }
0x95f: {  	v8 =	vld [tilespmem:s10+$0xFFFFFFC0]  }
0x960: {  	v6 =	vld [tilespmem:s10+$0xFFFFFFD0]  }
0x961: {  	v11 =	vadd.f32 v5, v7;
	v5 =	vld [tilespmem:s10+$0xFFFFFFE0]  }
0x962: {  	s12 =	sadd.s32 $0x100, s12;
	v10 =	vadd.f32 v10, v13;
	v7 =	vld [tilespmem:s10+$0xFFFFFFF0]  }
0x963: {  	[tilespmem:s10+$0xFFFFFF90] =	vst v11;
	v4 =	vadd.f32 v9, v4  }
0x964: {  	[tilespmem:s10+$0xFFFFFFA0] =	vst v10;
	v3 =	vadd.f32 v8, v3  }
0x965: {  	[tilespmem:s10+$0xFFFFFFB0] =	vst v4;
	v2 =	vadd.f32 v6, v2  }
0x966: {  	[tilespmem:s10+$0xFFFFFFC0] =	vst v3;
	v0 =	vadd.f32 v5, v0  }
0x967: {  	[tilespmem:s10+$0xFFFFFFD0] =	vst v2;
	v1 =	vadd.f32 v7, v1  }
0x968: {  	[tilespmem:s10+$0xFFFFFFE0] =	vst v0  }
0x969: {  	[tilespmem:s10+$0xFFFFFFF0] =	vst v1  }
0x96a: {  	s11 =	simm.s32 $0x1A700;
	s12 =	simm.s32 $0x3;
	s10 =	rddreg [dreg:$0x11]  }
0x96b: {  	[hbm4b:s10+s20] =	stream.strided.scatter [tilespmem:s11], [sflag:$0x3], $0x4000, s21, s20, $0x38;
	[tilespmem:$0x1EB00] =	vst v63  }
0x96c: {  	_ =	swait.ge [sflag:s12], $0x4000  }
0x96d: {  	s9 =	sadd.s32 $0x1, s9;
	s10 =	rddreg [dreg:$0x12]  }
0x96e: {  	p1 =	sne.s32 s9, s10  }
.Ltmp16:
0x96f: {  	_ = 	snop;
	(pc) =	sbr.rel @p1 .LBB2_1-.Ltmp16, $3  }
0x970: {  	_ =	sdelay $0x1  }
0x971: {  	[sflag:s12] =	ssyncset.done $0x0  }
0x972: {  	[sflag:s12] =	ssyncadd.s32 $0xFFFFC000  }
0x973: {  	_ =	sfence.sel $0x180000  }
0x974: {  	[bflag:$0x0] =	sbarrier.arrive $0xFFFF  }
0x975: {  	_ =	strace $0x90000047  }
0x976: {  	[bflag:$0x2] =	sbarrier.arrive $0xFFFF  }
0x977: {  	s0 =	rddreg [dreg:$0x6]  }
0x978: {  	s0 =	sadd.s32 @!p0 $0x100000, s0  }
0x979: {  	[sflag:s0] =	ssyncadd.tile.s32 @!p0 $0x1;
	_ =	shalt  }
.Lfunc_end2:
_tile_overlayer_lowered:
.L_overlay_start_2:
0x97a: {  	(tag) =	ssettag $0x2  }
0x97b: {  	s0 =	rddreg [dreg:$0x0];
	s2 =	stileid.u32  }
0x97c: {  	s1 =	rddreg [dreg:$0x1];
	p0 =	sne.s32 s2, $0x0  }
0x97d: {  	s3 =	rddreg [dreg:$0x2];
	[bflag:$0x3] =	sbarrier.arrive $0xFFFF;
	s2 =	simm.s32 @!p0 $0x1C06  }
0x97e: {  	[timem:s3], [sflag:s2] =	dma.local @!p0 [hbm:s0], s1  }
0x97f: {  	s0 =	simm.s32 @!p0 $0x6  }
0x980: {  	_ =	swait.ge @!p0 [sflag:s0], s1  }
0x981: {  	s1 =	ssub.s32 @!p0 $0x0, s1;
	[sflag:s0] =	ssyncset.done @!p0 $0x0  }
0x982: {  	[sflag:s0] =	ssyncadd.s32 @!p0 s1  }
0x983: {  	[bflag:$0x3] =	sbarrier.arrive $0xFFFF  }
0x984: {  	_ =	shalt  }

</sc_bundles>
